<compile_context>
chip_gen: v7x
topology: tpu7x:2x2x1
jax: 0.10.2.dev20260603
libtpu: 0.0.44.dev20260713+nightly
codegen_flags: <defaults>
</compile_context>

<pallas_src>
import functools

import jax
import jax.numpy as jnp
from jax import lax
from jax.experimental import pallas as pl
from jax.experimental.pallas import tpu as pltpu
from jax.experimental.pallas import tpu_sc as plsc

N = 4096
G = 64
F = 64
NBR = 64
K = 12
NCONV = 3
LATENT = 128
E = N * K
BIG = 1e12
INF = 1e30
VALID_T = 1e5

R = 128
CCH = 256
BN = 1024
EPS_BN = 1e-5

_SC_NC, _SC_NS = 2, 16
_SC_NW = _SC_NC * _SC_NS


def _sc_gather(table, idx, out_w=None):
    V, D = table.shape
    B = idx.shape[0]
    out_w = D if out_w is None else out_w
    bpw = B // _SC_NW
    ch = min(bpw, 384)
    rounds = bpw // ch
    mesh = plsc.VectorSubcoreMesh(
        core_axis_name="c", subcore_axis_name="s",
        num_cores=_SC_NC, num_subcores=_SC_NS)

    @functools.partial(
        pl.kernel, mesh=mesh,
        out_type=jax.ShapeDtypeStruct((B, out_w), table.dtype),
        scratch_types=[
            pltpu.VMEM((ch,), jnp.int32),
            pltpu.VMEM((ch,), jnp.int32),
            pltpu.VMEM((ch, D), table.dtype),
            pltpu.VMEM((ch, D), table.dtype),
            pltpu.SemaphoreType.DMA,
            pltpu.SemaphoreType.DMA,
        ])
    def gk(table_hbm, idx_hbm, out_hbm, idx0, idx1, rows0, rows1,
           sem0, sem1):
        wid = lax.axis_index("s") * _SC_NC + lax.axis_index("c")
        base = wid * bpw
        idx_b = [idx0, idx1]
        row_b = [rows0, rows1]
        sem_b = [sem0, sem1]
        pltpu.sync_copy(idx_hbm.at[pl.ds(base, ch)], idx0)
        descs = [pltpu.async_copy(table_hbm.at[idx0], rows0, sem0), None]
        for r in range(rounds):
            cur = r % 2
            nxt = (r + 1) % 2
            if r + 1 < rounds:
                pltpu.sync_copy(
                    idx_hbm.at[pl.ds(base + (r + 1) * ch, ch)], idx_b[nxt])
                descs[nxt] = pltpu.async_copy(
                    table_hbm.at[idx_b[nxt]], row_b[nxt], sem_b[nxt])
            descs[cur].wait()
            src = row_b[cur] if out_w == D else row_b[cur].at[:, pl.ds(0, out_w)]
            pltpu.sync_copy(src, out_hbm.at[pl.ds(base + r * ch, ch)])

    return gk(table, idx)


def _cart_kernel(fracsT_ref, batchT_ref, bcol_ref, lat_ref, ltri_ref,
                 out_ref, rs_ref, re_ref):
    bt = batchT_ref[...]
    lat = lat_ref[...]
    oh = (lax.broadcasted_iota(jnp.int32, (G, 1), 0) == bt
          ).astype(jnp.float32)
    acc = jnp.dot(lat, oh, precision=lax.Precision.HIGHEST,
                  preferred_element_type=jnp.float32)
    f0 = fracsT_ref[0:1, :]
    f1 = fracsT_ref[1:2, :]
    f2 = fracsT_ref[2:3, :]
    rows = []
    for d in range(3):
        rows.append(f0 * acc[d:d + 1, :] + f1 * acc[3 + d:4 + d, :]
                    + f2 * acc[6 + d:7 + d, :])
    si = lax.broadcasted_iota(jnp.int32, (8, N), 0)
    out = jnp.where(si == 0, rows[0],
                    jnp.where(si == 1, rows[1],
                              jnp.where(si == 2, rows[2], 0.0)))
    out_ref[...] = out
    bcol = bcol_ref[...]
    ohT = (bcol == lax.broadcasted_iota(jnp.int32, (1, G), 1)
           ).astype(jnp.float32)
    ones = jnp.ones((N, 1), jnp.float32)
    hi = lax.Precision.HIGHEST
    cnt_col = jnp.dot(oh, ones, precision=hi,
                      preferred_element_type=jnp.float32)
    seg_s = jnp.dot(ltri_ref[...], cnt_col, precision=hi,
                    preferred_element_type=jnp.float32)
    seg_e = seg_s + cnt_col
    rs = jnp.dot(ohT, seg_s, precision=hi,
                 preferred_element_type=jnp.float32)
    re = jnp.dot(ohT, seg_e, precision=hi,
                 preferred_element_type=jnp.float32)
    rs_ref[...] = rs.astype(jnp.int32)
    re_ref[...] = re.astype(jnp.int32)


def _topk_kernel(rs_p, re_p, cartT_ref, batchT_ref, cartn_ref, bcol_ref,
                 rs_ref, re_ref, idx_ref, dist_ref):
    pid = pl.program_id(0)
    r0 = pid * R
    lo = rs_p[r0]
    hi = re_p[r0 + R - 1]
    c_lo = lo // CCH
    c_hi = (hi + CCH - 1) // CCH

    xr0 = cartT_ref[0:1, pl.ds(r0, R)]
    xr1 = cartT_ref[1:2, pl.ds(r0, R)]
    xr2 = cartT_ref[2:3, pl.ds(r0, R)]
    brow = batchT_ref[:, pl.ds(r0, R)]
    rowid = r0 + lax.broadcasted_iota(jnp.int32, (1, R), 1)
    CS = 16

    def chunk_body(c, carry):
        cv, ci = carry
        cb = c * CCH
        bc = bcol_ref[pl.ds(cb, CCH), :]
        colid = cb + lax.broadcasted_iota(jnp.int32, (CCH, 1), 0)
        d0 = cartn_ref[pl.ds(cb, CCH), 0:1] - xr0
        d1 = cartn_ref[pl.ds(cb, CCH), 1:2] - xr1
        d2 = cartn_ref[pl.ds(cb, CCH), 2:3] - xr2
        dist = d0 * d0 + d1 * d1 + d2 * d2
        ok = (bc == brow) & (colid != rowid)
        dist = jnp.where(ok, dist, BIG)
        idxf = jnp.broadcast_to(colid.astype(jnp.float32), (CCH, R))
        av = jnp.concatenate([cv, dist], axis=0)
        ai = jnp.concatenate([ci, idxf], axis=0)
        sub = lax.broadcasted_iota(jnp.int32, (CS, R), 0)
        nv = jnp.full((CS, R), INF, jnp.float32)
        ni = jnp.full((CS, R), 1e9, jnp.float32)
        for t in range(K):
            m = jnp.min(av, axis=0, keepdims=True)
            ismin = av == m
            sel = jnp.min(jnp.where(ismin, ai, 1e9), axis=0, keepdims=True)
            hit = ismin & (ai == sel)
            nv = jnp.where(sub == t, m, nv)
            ni = jnp.where(sub == t, sel, ni)
            av = jnp.where(hit, INF, av)
        return nv, ni

    cv0 = jnp.full((CS, R), INF, jnp.float32)
    ci0 = jnp.full((CS, R), 1e9, jnp.float32)
    cv, ci = lax.fori_loop(c_lo, c_hi, chunk_body, (cv0, ci0))

    s = rs_ref[0:1, pl.ds(r0, R)]
    e = re_ref[0:1, pl.ds(r0, R)]
    cnt = e - s - 1
    tl = lax.broadcasted_iota(jnp.int32, (CS, R), 0)
    j = tl - cnt
    fill = jnp.where(j < s, j,
                     jnp.where(j == s, rowid, e + (j - s) - 1))
    use_fill = tl >= cnt
    fidx = jnp.where(use_fill, fill.astype(jnp.float32), ci)
    fval = jnp.where(use_fill, jnp.float32(BIG), cv)
    idx_ref[...] = fidx
    dist_ref[...] = jnp.sqrt(fval + 1e-8)


def _convA_kernel(asrc_ref, atom_ref, dist_ref, offs_ref, coef_ref,
                  w_ref, b_ref, z_ref, st_ref):
    i = pl.program_id(0)
    atom = atom_ref[...][:, :F].astype(jnp.bfloat16)
    w = w_ref[...]
    b = b_ref[...]
    offs = offs_ref[...]
    coef = coef_ref[...]
    asrc = asrc_ref[...][:, :, :F].astype(jnp.bfloat16).reshape(K * BN, F)
    adst = jnp.concatenate([atom] * K, axis=0)
    nbrs = []
    for t in range(K):
        dcol = dist_ref[:, t:t + 1]
        valid = (dcol < VALID_T).astype(jnp.float32)
        dlt = dcol - offs
        nbrs.append((jnp.exp(coef * dlt * dlt) * valid
                     ).astype(jnp.bfloat16))
    nbr = jnp.concatenate(nbrs, axis=0)
    tot = jnp.concatenate([asrc, adst, nbr], axis=1)
    z = jnp.dot(tot, w.astype(jnp.bfloat16),
                preferred_element_type=jnp.float32) + b
    z_ref[...] = z.astype(jnp.bfloat16).reshape(K, BN, 2 * F)
    ssum = jnp.sum(z, axis=0, keepdims=True)
    ssq = jnp.sum(z * z, axis=0, keepdims=True)
    sub = lax.broadcasted_iota(jnp.int32, (8, 2 * F), 0)
    contrib = (jnp.where(sub == 0, ssum, 0.0)
               + jnp.where(sub == 1, ssq, 0.0))

    @pl.when(i == 0)
    def _():
        st_ref[...] = jnp.zeros((8, 2 * F), jnp.float32)

    st_ref[...] += contrib


def _softplus(x):
    return jnp.maximum(x, 0.0) + jnp.log1p(jnp.exp(-jnp.abs(x)))


def _sigmoid(x):
    return 1.0 / (1.0 + jnp.exp(-x))


def _convB_kernel(z_ref, st_ref, g_ref, b_ref, dist_ref, upd_ref, st2_ref):
    i = pl.program_id(0)
    st = st_ref[...]
    mean = st[0:1] * (1.0 / E)
    var = st[1:2] * (1.0 / E) - mean * mean
    mult = g_ref[...] * lax.rsqrt(var + EPS_BN)
    add = b_ref[...] - mean * mult
    upd = jnp.zeros((BN, F), jnp.float32)
    for t in range(K):
        z = z_ref[t].astype(jnp.float32) * mult + add
        filt = z[:, :F]
        core = z[:, F:]
        dcol = dist_ref[:, t:t + 1]
        valid = (dcol < VALID_T).astype(jnp.float32)
        upd = upd + _sigmoid(filt) * _softplus(core) * valid
    upd_ref[...] = upd
    s0 = jnp.sum(upd, axis=0, keepdims=True)
    s1 = jnp.sum(upd * upd, axis=0, keepdims=True)
    sub = lax.broadcasted_iota(jnp.int32, (8, F), 0)
    contrib = (jnp.where(sub == 0, s0, 0.0)
               + jnp.where(sub == 1, s1, 0.0))

    @pl.when(i == 0)
    def _():
        st2_ref[...] = jnp.zeros((8, F), jnp.float32)

    st2_ref[...] += contrib


def _convC_kernel(atom_ref, upd_ref, st2_ref, g_ref, b_ref, out_ref):
    st = st2_ref[...]
    mean = st[0:1] * (1.0 / N)
    var = st[1:2] * (1.0 / N) - mean * mean
    mult = g_ref[...] * lax.rsqrt(var + EPS_BN)
    add = b_ref[...] - mean * mult
    x = atom_ref[...][:, :F] + upd_ref[...] * mult + add
    out_ref[:, :F] = _softplus(x)
    out_ref[:, F:] = jnp.zeros((N, 128 - F), jnp.float32)


def _final_kernel(atom_ref, batchT_ref, lat_ref, w1aT_ref, w1bT_ref,
                  b1_ref, w2T_ref, b2_ref, mu_ref, lv_ref):
    bt = batchT_ref[...]
    gi = lax.broadcasted_iota(jnp.int32, (G, N), 0)
    oh = (gi == bt).astype(jnp.float32)
    crys = jnp.dot(oh, atom_ref[...][:, :F],
                   preferred_element_type=jnp.float32)
    cnt = jnp.sum(oh, axis=1, keepdims=True)
    crys = crys / jnp.maximum(cnt, 1.0)
    h = (jnp.dot(crys, w1aT_ref[...], preferred_element_type=jnp.float32)
         + jnp.dot(lat_ref[...], w1bT_ref[...],
                   preferred_element_type=jnp.float32)
         + b1_ref[...])
    h = h * _sigmoid(h)
    out = (jnp.dot(h, w2T_ref[...], preferred_element_type=jnp.float32)
           + b2_ref[...])
    mu_ref[...] = out[:, :LATENT]
    lv_ref[...] = out[:, LATENT:]


def kernel(lattice, fracs, species, batch_indices, emb, fc_w, fc_b,
           bn1_g, bn1_b, bn2_g, bn2_b, w1, b1, w2, b2):
    f32 = jnp.float32
    batch = batch_indices.astype(jnp.int32)
    batchT = batch.reshape(1, N)
    batch_col = batch.reshape(N, 1)
    fracsT8 = jnp.zeros((8, N), f32).at[:3].set(fracs.T)
    lat9 = lattice.reshape(G, 9)
    latT16 = jnp.zeros((16, G), f32).at[:9].set(lat9.T)

    ltri = (jnp.arange(G)[:, None] > jnp.arange(G)[None, :]).astype(f32)
    cartT, rs_col, re_col = pl.pallas_call(
        _cart_kernel,
        out_shape=[jax.ShapeDtypeStruct((8, N), f32),
                   jax.ShapeDtypeStruct((N, 1), jnp.int32),
                   jax.ShapeDtypeStruct((N, 1), jnp.int32)],
    )(fracsT8, batchT, batch_col, latT16, ltri)

    cart_nt = jnp.zeros((N, 4), f32).at[:, :3].set(cartT[:3].T)
    row_s = rs_col.reshape(N)
    row_e = re_col.reshape(N)

    grid_spec = pltpu.PrefetchScalarGridSpec(
        num_scalar_prefetch=2,
        grid=(N // R,),
        in_specs=[
            pl.BlockSpec((8, N), lambda i, *_: (0, 0)),
            pl.BlockSpec((1, N), lambda i, *_: (0, 0)),
            pl.BlockSpec((N, 4), lambda i, *_: (0, 0)),
            pl.BlockSpec((N, 1), lambda i, *_: (0, 0)),
            pl.BlockSpec((1, N), lambda i, *_: (0, 0)),
            pl.BlockSpec((1, N), lambda i, *_: (0, 0)),
        ],
        out_specs=[
            pl.BlockSpec((16, R), lambda i, *_: (0, i)),
            pl.BlockSpec((16, R), lambda i, *_: (0, i)),
        ],
    )
    idx16t, dist16t = pl.pallas_call(
        _topk_kernel,
        grid_spec=grid_spec,
        out_shape=[jax.ShapeDtypeStruct((16, N), f32),
                   jax.ShapeDtypeStruct((16, N), f32)],
    )(row_s, row_e, cartT, batchT, cart_nt, batch_col,
      rs_col.reshape(1, N), re_col.reshape(1, N))

    src_rm = idx16t[:K].reshape(E).astype(jnp.int32)
    dist16 = dist16t.T

    emb_pad = jnp.zeros((emb.shape[0], 128), f32).at[:, :F].set(emb)
    atom = _sc_gather(emb_pad, species.astype(jnp.int32))

    offs = jnp.linspace(0.0, 8.0, NBR).astype(f32).reshape(1, NBR)
    coef = (-0.5 / (offs[0, 1] - offs[0, 0]) ** 2).reshape(1, 1)

    for i in range(NCONV):
        asrc = _sc_gather(atom, src_rm).reshape(K, N, 128)
        fcwT = fc_w[i].T
        fcb = fc_b[i].reshape(1, 2 * F)
        z3, st = pl.pallas_call(
            _convA_kernel,
            grid=(N // BN,),
            in_specs=[
                pl.BlockSpec((K, BN, 128), lambda n: (0, n, 0)),
                pl.BlockSpec((BN, 128), lambda n: (n, 0)),
                pl.BlockSpec((BN, 16), lambda n: (n, 0)),
                pl.BlockSpec((1, NBR), lambda n: (0, 0)),
                pl.BlockSpec((1, 1), lambda n: (0, 0)),
                pl.BlockSpec((3 * F, 2 * F), lambda n: (0, 0)),
                pl.BlockSpec((1, 2 * F), lambda n: (0, 0)),
            ],
            out_specs=[
                pl.BlockSpec((K, BN, 2 * F), lambda n: (0, n, 0)),
                pl.BlockSpec((8, 2 * F), lambda n: (0, 0)),
            ],
            out_shape=[jax.ShapeDtypeStruct((K, N, 2 * F), jnp.bfloat16),
                       jax.ShapeDtypeStruct((8, 2 * F), f32)],
        )(asrc, atom, dist16, offs, coef, fcwT, fcb)

        upd, st2 = pl.pallas_call(
            _convB_kernel,
            grid=(N // BN,),
            in_specs=[
                pl.BlockSpec((K, BN, 2 * F), lambda n: (0, n, 0)),
                pl.BlockSpec((8, 2 * F), lambda n: (0, 0)),
                pl.BlockSpec((1, 2 * F), lambda n: (0, 0)),
                pl.BlockSpec((1, 2 * F), lambda n: (0, 0)),
                pl.BlockSpec((BN, 16), lambda n: (n, 0)),
            ],
            out_specs=[
                pl.BlockSpec((BN, F), lambda n: (n, 0)),
                pl.BlockSpec((8, F), lambda n: (0, 0)),
            ],
            out_shape=[jax.ShapeDtypeStruct((N, F), f32),
                       jax.ShapeDtypeStruct((8, F), f32)],
        )(z3, st, bn1_g[i].reshape(1, 2 * F), bn1_b[i].reshape(1, 2 * F),
          dist16)

        atom = pl.pallas_call(
            _convC_kernel,
            out_shape=jax.ShapeDtypeStruct((N, 128), f32),
        )(atom, upd, st2, bn2_g[i].reshape(1, F), bn2_b[i].reshape(1, F))

    lat16 = jnp.zeros((G, 16), f32).at[:, :9].set(lat9)
    w1aT = w1[:, :F].T
    w1bT = jnp.zeros((16, 128), f32).at[:9].set(w1[:, F:].T)
    mu, lv = pl.pallas_call(
        _final_kernel,
        out_shape=[jax.ShapeDtypeStruct((G, LATENT), f32),
                   jax.ShapeDtypeStruct((G, LATENT), f32)],
    )(atom, batchT, lat16, w1aT, w1bT, b1.reshape(1, 128),
      w2.T, b2.reshape(1, 2 * LATENT))
    return mu, lv

# --- scband reference (transcript-rebuilt; emitter-appended) ---
"""Pipeline reference for scband-cgcnnencoder-40965398069686 (READ-ONLY COPY).

The authoritative reference and input builder live on the scoring server;
editing this copy changes nothing except your own understanding.
"""

import jax, jax.numpy as jnp
import numpy as np

G = 64
N = 4096
ATOM_FEA = 64
NBR_FEA = 64
LATENT = 128
N_CONV = 3
K_NEI = 12
BIG = 1e12


def _bn(x, g, b):
    m = jnp.mean(x, axis=0)
    v = jnp.var(x, axis=0)
    return (x - m) / jnp.sqrt(v + 1e-5) * g + b


def setup_inputs(seed: int = 0) -> dict:
    key = jax.random.key(seed)
    ks = jax.random.split(key, 12)
    lattice = jax.random.normal(ks[0], (G, 3, 3), dtype=jnp.float32)
    fracs = jax.random.uniform(ks[1], (N, 3), dtype=jnp.float32)
    species = jax.random.randint(ks[2], (N,), 0, 119)
    batch_indices = jnp.sort(jax.random.randint(ks[3], (N,), 0, G))
    emb = (0.02 * jax.random.normal(ks[4], (119, ATOM_FEA), dtype=jnp.float32)).at[0].set(0.0)
    fc_w = 0.05 * jax.random.normal(ks[5], (N_CONV, 2 * ATOM_FEA, 2 * ATOM_FEA + NBR_FEA), dtype=jnp.float32)
    fc_b = jnp.zeros((N_CONV, 2 * ATOM_FEA), dtype=jnp.float32)
    bn1_g = jnp.ones((N_CONV, 2 * ATOM_FEA), dtype=jnp.float32)
    bn1_b = jnp.zeros((N_CONV, 2 * ATOM_FEA), dtype=jnp.float32)
    bn2_g = jnp.ones((N_CONV, ATOM_FEA), dtype=jnp.float32)
    bn2_b = jnp.zeros((N_CONV, ATOM_FEA), dtype=jnp.float32)
    w1 = 0.05 * jax.random.normal(ks[6], (128, ATOM_FEA + 9), dtype=jnp.float32)
    b1 = jnp.zeros((128,), dtype=jnp.float32)
    w2 = 0.05 * jax.random.normal(ks[7], (2 * LATENT, 128), dtype=jnp.float32)
    b2 = jnp.zeros((2 * LATENT,), dtype=jnp.float32)
    return {"lattice": lattice, "fracs": fracs, "species": species, "batch_indices": batch_indices,
            "emb": emb, "fc_w": fc_w, "fc_b": fc_b, "bn1_g": bn1_g, "bn1_b": bn1_b,
            "bn2_g": bn2_g, "bn2_b": bn2_b, "w1": w1, "b1": b1, "w2": w2, "b2": b2}


def reference(lattice, fracs, species, batch_indices, emb, fc_w, fc_b, bn1_g, bn1_b, bn2_g, bn2_b, w1, b1, w2, b2):
    n = fracs.shape[0]
    g = lattice.shape[0]
    lat_nodes = jnp.take(lattice, batch_indices, axis=0)
    cart = jnp.einsum('ni,nij->nj', fracs, lat_nodes)
    atom_fea = jnp.take(emb, species, axis=0)
    # vectorized kNN graph construction (masked dense pairwise distances)
    same = batch_indices[:, None] == batch_indices[None, :]
    diff = cart[:, None, :] - cart[None, :, :]
    dist_sq = jnp.sum(diff * diff, axis=-1)
    dist_sq = jnp.where(same, dist_sq, BIG)
    dist_sq = dist_sq.at[jnp.arange(n), jnp.arange(n)].set(BIG)
    counts = jnp.bincount(batch_indices, length=g)
    k = min(K_NEI, -(-n // g) - 1)
    neg_vals, idx = jax.lax.top_k(-dist_sq, k)
    edge_src = idx.reshape(-1)
    edge_dst = jnp.repeat(jnp.arange(n), k)
    edge_dist_sq = (-neg_vals).reshape(-1)
    valid = (edge_dist_sq < 0.5 * BIG).astype(jnp.float32)[:, None]
    edge_dist = jnp.sqrt(edge_dist_sq + 1e-8)[:, None]
    # Gaussian smearing of distances
    offset = jnp.linspace(0.0, 8.0, NBR_FEA)
    coeff = -0.5 / (offset[1] - offset[0]) ** 2
    nbr_fea = jnp.exp(coeff * (edge_dist - offset[None, :]) ** 2) * valid
    # CGCNN conv layers
    for i in range(N_CONV):
        a_src = jnp.take(atom_fea, edge_src, axis=0)
        a_dst = jnp.take(atom_fea, edge_dst, axis=0)
        total = jnp.concatenate([a_src, a_dst, nbr_fea], axis=1) @ fc_w[i].T + fc_b[i]
        total = _bn(total, bn1_g[i], bn1_b[i])
        filt, core = jnp.split(total, 2, axis=1)
        msg = jax.nn.sigmoid(filt) * jax.nn.softplus(core) * valid
        upd = jnp.zeros_like(atom_fea).at[edge_dst].add(msg)
        atom_fea = jax.nn.softplus(atom_fea + _bn(upd, bn2_g[i], bn2_b[i]))
    # graph-level mean pool + lattice concat
    crys = jnp.zeros((g, atom_fea.shape[1]), dtype=atom_fea.dtype).at[batch_indices].add(atom_fea)
    cnt = jnp.maximum(jnp.bincount(batch_indices, length=g), 1).astype(jnp.float32)[:, None]
    crys = jnp.concatenate([crys / cnt, lattice.reshape(g, 9)], axis=1)
    h = jax.nn.silu(crys @ w1.T + b1)
    out = h @ w2.T + b2
    mu, logvar = jnp.split(out, 2, axis=-1)
    return mu, logvar

if __name__ == "__main__":
    import jax
    _d = setup_inputs()
    print(jax.jit(kernel)(*tuple(_d.values())))

</pallas_src>

<mosaic_0001>
#map = affine_map<(d0, d1) -> (0, 0)>
#map1 = affine_map<(d0, d1) -> (0)>
module attributes {stable_mosaic.version = 14 : i64} {
  func.func @gk(%arg0: i32, %arg1: i32, %arg2: memref<119x128xf32, #tpu.memory_space<hbm>>, %arg3: memref<4096xi32, #tpu.memory_space<hbm>>, %arg4: memref<4096x128xf32, #tpu.memory_space<hbm>>, %arg5: memref<128xi32, #tpu.memory_space<vmem>>, %arg6: memref<128xi32, #tpu.memory_space<vmem>>, %arg7: memref<128x128xf32, #tpu.memory_space<vmem>>, %arg8: memref<128x128xf32, #tpu.memory_space<vmem>>, %arg9: memref<!tpu.dma_semaphore, #tpu.memory_space<semaphore_mem>>, %arg10: memref<!tpu.dma_semaphore, #tpu.memory_space<semaphore_mem>>) attributes {dimension_semantics = [#tpu.dimension_semantics<core_parallel>, #tpu.dimension_semantics<subcore_parallel>], iteration_bounds = array<i64: 2, 16>, scalar_prefetch = 0 : i64, scratch_operands = 6 : i64, tpu.core_type = #tpu.core_type<sc_vector_subcore>, window_params = [{transform_indices = #map}, {transform_indices = #map1}, {transform_indices = #map}]} {
    %mul3A = arith.constant 2 : i32
    %mul3A_0 = arith.muli %arg1, %mul3A : i32
    %add3A = arith.addi %mul3A_0, %arg0 : i32
    %mul3A_1 = arith.constant 128 : i32
    %mul3A_2 = arith.muli %add3A, %mul3A_1 : i32
    "tpu.region"() ({
      %run_scoped3A = tpu.sem_alloc : memref<!tpu.dma_semaphore, #tpu.memory_space<semaphore_mem>>
      %dma_start3A_9 = tpu.memref_slice %arg3[%mul3A_2] : memref<4096xi32, #tpu.memory_space<hbm>> -> memref<128xi32, #tpu.memory_space<hbm>>
      %dma_start3A_10 = tpu.memref_slice %arg3[%mul3A_2] : memref<4096xi32, #tpu.memory_space<hbm>> -> memref<128xi32, #tpu.memory_space<hbm>>
      tpu.enqueue_dma source(%dma_start3A_10 : memref<128xi32, #tpu.memory_space<hbm>>) target(%arg5 : memref<128xi32, #tpu.memory_space<vmem>>) target_semaphore(%run_scoped3A : memref<!tpu.dma_semaphore, #tpu.memory_space<semaphore_mem>>)
      %dma_wait3A_11 = tpu.memref_slice %arg3[%mul3A_2] : memref<4096xi32, #tpu.memory_space<hbm>> -> memref<128xi32, #tpu.memory_space<hbm>>
      %dma_wait3A_12 = tpu.memref_slice %arg3[%mul3A_2] : memref<4096xi32, #tpu.memory_space<hbm>> -> memref<128xi32, #tpu.memory_space<hbm>>
      tpu.wait_dma2 semaphore(%run_scoped3A : memref<!tpu.dma_semaphore, #tpu.memory_space<semaphore_mem>>) src(%dma_wait3A_12 : memref<128xi32, #tpu.memory_space<hbm>>) dst(%arg5 : memref<128xi32, #tpu.memory_space<vmem>>)
      tpu.yield
    }) : () -> ()
    %dma_start3A = arith.constant 0 : i32
    %dma_start3A_3 = arith.constant 0 : i32
    %dma_start3A_4 = tpu.memref_slice %arg2[%dma_start3A, %dma_start3A_3] : memref<119x128xf32, #tpu.memory_space<hbm>> -> memref<119x128xf32, #tpu.memory_space<hbm>>
    tpu.enqueue_indirect_dma source(%dma_start3A_4 : memref<119x128xf32, #tpu.memory_space<hbm>>) target(%arg7 : memref<128x128xf32, #tpu.memory_space<vmem>>) offsets(%arg5 : memref<128xi32, #tpu.memory_space<vmem>>) semaphore(%arg9 : memref<!tpu.dma_semaphore, #tpu.memory_space<semaphore_mem>>)
    %dma_wait3A = arith.constant 0 : i32
    %dma_wait3A_5 = arith.constant 0 : i32
    %dma_wait3A_6 = tpu.memref_slice %arg2[%dma_wait3A, %dma_wait3A_5] : memref<119x128xf32, #tpu.memory_space<hbm>> -> memref<119x128xf32, #tpu.memory_space<hbm>>
    tpu.wait_indirect_dma semaphore(%arg9 : memref<!tpu.dma_semaphore, #tpu.memory_space<semaphore_mem>>) src(%dma_wait3A_6 : memref<119x128xf32, #tpu.memory_space<hbm>>) dst(%arg7 : memref<128x128xf32, #tpu.memory_space<vmem>>)
    %add3A_7 = arith.constant 0 : i32
    %add3A_8 = arith.addi %mul3A_2, %add3A_7 : i32
    "tpu.region"() ({
      %run_scoped3A = tpu.sem_alloc : memref<!tpu.dma_semaphore, #tpu.memory_space<semaphore_mem>>
      %dma_start3A_9 = arith.constant 0 : i32
      %dma_start3A_10 = tpu.memref_slice %arg4[%add3A_8, %dma_start3A_9] : memref<4096x128xf32, #tpu.memory_space<hbm>> -> memref<128x128xf32, #tpu.memory_space<hbm>>
      %dma_start3A_11 = arith.constant 0 : i32
      %dma_start3A_12 = tpu.memref_slice %arg4[%add3A_8, %dma_start3A_11] : memref<4096x128xf32, #tpu.memory_space<hbm>> -> memref<128x128xf32, #tpu.memory_space<hbm>>
      tpu.enqueue_dma source(%arg7 : memref<128x128xf32, #tpu.memory_space<vmem>>) target(%dma_start3A_12 : memref<128x128xf32, #tpu.memory_space<hbm>>) target_semaphore(%run_scoped3A : memref<!tpu.dma_semaphore, #tpu.memory_space<semaphore_mem>>)
      %dma_wait3A_13 = arith.constant 0 : i32
      %dma_wait3A_14 = tpu.memref_slice %arg4[%add3A_8, %dma_wait3A_13] : memref<4096x128xf32, #tpu.memory_space<hbm>> -> memref<128x128xf32, #tpu.memory_space<hbm>>
      %dma_wait3A_15 = arith.constant 0 : i32
      %dma_wait3A_16 = tpu.memref_slice %arg4[%add3A_8, %dma_wait3A_15] : memref<4096x128xf32, #tpu.memory_space<hbm>> -> memref<128x128xf32, #tpu.memory_space<hbm>>
      tpu.wait_dma2 semaphore(%run_scoped3A : memref<!tpu.dma_semaphore, #tpu.memory_space<semaphore_mem>>) src(%arg7 : memref<128x128xf32, #tpu.memory_space<vmem>>) dst(%dma_wait3A_16 : memref<128x128xf32, #tpu.memory_space<hbm>>)
      tpu.yield
    }) : () -> ()
    return
  }
}

#map = affine_map<(d0, d1) -> (0, 0)>
#map1 = affine_map<(d0, d1) -> (0)>
module attributes {stable_mosaic.version = 14 : i64} {
  func.func @gk(%arg0: i32, %arg1: i32, %arg2: memref<4096x128xf32, #tpu.memory_space<hbm>>, %arg3: memref<49152xi32, #tpu.memory_space<hbm>>, %arg4: memref<49152x128xf32, #tpu.memory_space<hbm>>, %arg5: memref<384xi32, #tpu.memory_space<vmem>>, %arg6: memref<384xi32, #tpu.memory_space<vmem>>, %arg7: memref<384x128xf32, #tpu.memory_space<vmem>>, %arg8: memref<384x128xf32, #tpu.memory_space<vmem>>, %arg9: memref<!tpu.dma_semaphore, #tpu.memory_space<semaphore_mem>>, %arg10: memref<!tpu.dma_semaphore, #tpu.memory_space<semaphore_mem>>) attributes {dimension_semantics = [#tpu.dimension_semantics<core_parallel>, #tpu.dimension_semantics<subcore_parallel>], iteration_bounds = array<i64: 2, 16>, scalar_prefetch = 0 : i64, scratch_operands = 6 : i64, tpu.core_type = #tpu.core_type<sc_vector_subcore>, window_params = [{transform_indices = #map}, {transform_indices = #map1}, {transform_indices = #map}]} {
    %mul3A = arith.constant 2 : i32
    %mul3A_0 = arith.muli %arg1, %mul3A : i32
    %add3A = arith.addi %mul3A_0, %arg0 : i32
    %mul3A_1 = arith.constant 1536 : i32
    %mul3A_2 = arith.muli %add3A, %mul3A_1 : i32
    "tpu.region"() ({
      %run_scoped3A = tpu.sem_alloc : memref<!tpu.dma_semaphore, #tpu.memory_space<semaphore_mem>>
      %dma_start3A_39 = tpu.memref_slice %arg3[%mul3A_2] : memref<49152xi32, #tpu.memory_space<hbm>> -> memref<384xi32, #tpu.memory_space<hbm>>
      %dma_start3A_40 = tpu.memref_slice %arg3[%mul3A_2] : memref<49152xi32, #tpu.memory_space<hbm>> -> memref<384xi32, #tpu.memory_space<hbm>>
      tpu.enqueue_dma source(%dma_start3A_40 : memref<384xi32, #tpu.memory_space<hbm>>) target(%arg5 : memref<384xi32, #tpu.memory_space<vmem>>) target_semaphore(%run_scoped3A : memref<!tpu.dma_semaphore, #tpu.memory_space<semaphore_mem>>)
      %dma_wait3A_41 = tpu.memref_slice %arg3[%mul3A_2] : memref<49152xi32, #tpu.memory_space<hbm>> -> memref<384xi32, #tpu.memory_space<hbm>>
      %dma_wait3A_42 = tpu.memref_slice %arg3[%mul3A_2] : memref<49152xi32, #tpu.memory_space<hbm>> -> memref<384xi32, #tpu.memory_space<hbm>>
      tpu.wait_dma2 semaphore(%run_scoped3A : memref<!tpu.dma_semaphore, #tpu.memory_space<semaphore_mem>>) src(%dma_wait3A_42 : memref<384xi32, #tpu.memory_space<hbm>>) dst(%arg5 : memref<384xi32, #tpu.memory_space<vmem>>)
      tpu.yield
    }) : () -> ()
    %dma_start3A = arith.constant 0 : i32
    %dma_start3A_3 = arith.constant 0 : i32
    %dma_start3A_4 = tpu.memref_slice %arg2[%dma_start3A, %dma_start3A_3] : memref<4096x128xf32, #tpu.memory_space<hbm>> -> memref<4096x128xf32, #tpu.memory_space<hbm>>
    tpu.enqueue_indirect_dma source(%dma_start3A_4 : memref<4096x128xf32, #tpu.memory_space<hbm>>) target(%arg7 : memref<384x128xf32, #tpu.memory_space<vmem>>) offsets(%arg5 : memref<384xi32, #tpu.memory_space<vmem>>) semaphore(%arg9 : memref<!tpu.dma_semaphore, #tpu.memory_space<semaphore_mem>>)
    %add3A_5 = arith.constant 384 : i32
    %add3A_6 = arith.addi %mul3A_2, %add3A_5 : i32
    "tpu.region"() ({
      %run_scoped3A = tpu.sem_alloc : memref<!tpu.dma_semaphore, #tpu.memory_space<semaphore_mem>>
      %dma_start3A_39 = tpu.memref_slice %arg3[%add3A_6] : memref<49152xi32, #tpu.memory_space<hbm>> -> memref<384xi32, #tpu.memory_space<hbm>>
      %dma_start3A_40 = tpu.memref_slice %arg3[%add3A_6] : memref<49152xi32, #tpu.memory_space<hbm>> -> memref<384xi32, #tpu.memory_space<hbm>>
      tpu.enqueue_dma source(%dma_start3A_40 : memref<384xi32, #tpu.memory_space<hbm>>) target(%arg6 : memref<384xi32, #tpu.memory_space<vmem>>) target_semaphore(%run_scoped3A : memref<!tpu.dma_semaphore, #tpu.memory_space<semaphore_mem>>)
      %dma_wait3A_41 = tpu.memref_slice %arg3[%add3A_6] : memref<49152xi32, #tpu.memory_space<hbm>> -> memref<384xi32, #tpu.memory_space<hbm>>
      %dma_wait3A_42 = tpu.memref_slice %arg3[%add3A_6] : memref<49152xi32, #tpu.memory_space<hbm>> -> memref<384xi32, #tpu.memory_space<hbm>>
      tpu.wait_dma2 semaphore(%run_scoped3A : memref<!tpu.dma_semaphore, #tpu.memory_space<semaphore_mem>>) src(%dma_wait3A_42 : memref<384xi32, #tpu.memory_space<hbm>>) dst(%arg6 : memref<384xi32, #tpu.memory_space<vmem>>)
      tpu.yield
    }) : () -> ()
    %dma_start3A_7 = arith.constant 0 : i32
    %dma_start3A_8 = arith.constant 0 : i32
    %dma_start3A_9 = tpu.memref_slice %arg2[%dma_start3A_7, %dma_start3A_8] : memref<4096x128xf32, #tpu.memory_space<hbm>> -> memref<4096x128xf32, #tpu.memory_space<hbm>>
    tpu.enqueue_indirect_dma source(%dma_start3A_9 : memref<4096x128xf32, #tpu.memory_space<hbm>>) target(%arg8 : memref<384x128xf32, #tpu.memory_space<vmem>>) offsets(%arg6 : memref<384xi32, #tpu.memory_space<vmem>>) semaphore(%arg10 : memref<!tpu.dma_semaphore, #tpu.memory_space<semaphore_mem>>)
    %dma_wait3A = arith.constant 0 : i32
    %dma_wait3A_10 = arith.constant 0 : i32
    %dma_wait3A_11 = tpu.memref_slice %arg2[%dma_wait3A, %dma_wait3A_10] : memref<4096x128xf32, #tpu.memory_space<hbm>> -> memref<4096x128xf32, #tpu.memory_space<hbm>>
    tpu.wait_indirect_dma semaphore(%arg9 : memref<!tpu.dma_semaphore, #tpu.memory_space<semaphore_mem>>) src(%dma_wait3A_11 : memref<4096x128xf32, #tpu.memory_space<hbm>>) dst(%arg7 : memref<384x128xf32, #tpu.memory_space<vmem>>)
    %add3A_12 = arith.constant 0 : i32
    %add3A_13 = arith.addi %mul3A_2, %add3A_12 : i32
    "tpu.region"() ({
      %run_scoped3A = tpu.sem_alloc : memref<!tpu.dma_semaphore, #tpu.memory_space<semaphore_mem>>
      %dma_start3A_39 = arith.constant 0 : i32
      %dma_start3A_40 = tpu.memref_slice %arg4[%add3A_13, %dma_start3A_39] : memref<49152x128xf32, #tpu.memory_space<hbm>> -> memref<384x128xf32, #tpu.memory_space<hbm>>
      %dma_start3A_41 = arith.constant 0 : i32
      %dma_start3A_42 = tpu.memref_slice %arg4[%add3A_13, %dma_start3A_41] : memref<49152x128xf32, #tpu.memory_space<hbm>> -> memref<384x128xf32, #tpu.memory_space<hbm>>
      tpu.enqueue_dma source(%arg7 : memref<384x128xf32, #tpu.memory_space<vmem>>) target(%dma_start3A_42 : memref<384x128xf32, #tpu.memory_space<hbm>>) target_semaphore(%run_scoped3A : memref<!tpu.dma_semaphore, #tpu.memory_space<semaphore_mem>>)
      %dma_wait3A_43 = arith.constant 0 : i32
      %dma_wait3A_44 = tpu.memref_slice %arg4[%add3A_13, %dma_wait3A_43] : memref<49152x128xf32, #tpu.memory_space<hbm>> -> memref<384x128xf32, #tpu.memory_space<hbm>>
      %dma_wait3A_45 = arith.constant 0 : i32
      %dma_wait3A_46 = tpu.memref_slice %arg4[%add3A_13, %dma_wait3A_45] : memref<49152x128xf32, #tpu.memory_space<hbm>> -> memref<384x128xf32, #tpu.memory_space<hbm>>
      tpu.wait_dma2 semaphore(%run_scoped3A : memref<!tpu.dma_semaphore, #tpu.memory_space<semaphore_mem>>) src(%arg7 : memref<384x128xf32, #tpu.memory_space<vmem>>) dst(%dma_wait3A_46 : memref<384x128xf32, #tpu.memory_space<hbm>>)
      tpu.yield
    }) : () -> ()
    %add3A_14 = arith.constant 768 : i32
    %add3A_15 = arith.addi %mul3A_2, %add3A_14 : i32
    "tpu.region"() ({
      %run_scoped3A = tpu.sem_alloc : memref<!tpu.dma_semaphore, #tpu.memory_space<semaphore_mem>>
      %dma_start3A_39 = tpu.memref_slice %arg3[%add3A_15] : memref<49152xi32, #tpu.memory_space<hbm>> -> memref<384xi32, #tpu.memory_space<hbm>>
      %dma_start3A_40 = tpu.memref_slice %arg3[%add3A_15] : memref<49152xi32, #tpu.memory_space<hbm>> -> memref<384xi32, #tpu.memory_space<hbm>>
      tpu.enqueue_dma source(%dma_start3A_40 : memref<384xi32, #tpu.memory_space<hbm>>) target(%arg5 : memref<384xi32, #tpu.memory_space<vmem>>) target_semaphore(%run_scoped3A : memref<!tpu.dma_semaphore, #tpu.memory_space<semaphore_mem>>)
      %dma_wait3A_41 = tpu.memref_slice %arg3[%add3A_15] : memref<49152xi32, #tpu.memory_space<hbm>> -> memref<384xi32, #tpu.memory_space<hbm>>
      %dma_wait3A_42 = tpu.memref_slice %arg3[%add3A_15] : memref<49152xi32, #tpu.memory_space<hbm>> -> memref<384xi32, #tpu.memory_space<hbm>>
      tpu.wait_dma2 semaphore(%run_scoped3A : memref<!tpu.dma_semaphore, #tpu.memory_space<semaphore_mem>>) src(%dma_wait3A_42 : memref<384xi32, #tpu.memory_space<hbm>>) dst(%arg5 : memref<384xi32, #tpu.memory_space<vmem>>)
      tpu.yield
    }) : () -> ()
    %dma_start3A_16 = arith.constant 0 : i32
    %dma_start3A_17 = arith.constant 0 : i32
    %dma_start3A_18 = tpu.memref_slice %arg2[%dma_start3A_16, %dma_start3A_17] : memref<4096x128xf32, #tpu.memory_space<hbm>> -> memref<4096x128xf32, #tpu.memory_space<hbm>>
    tpu.enqueue_indirect_dma source(%dma_start3A_18 : memref<4096x128xf32, #tpu.memory_space<hbm>>) target(%arg7 : memref<384x128xf32, #tpu.memory_space<vmem>>) offsets(%arg5 : memref<384xi32, #tpu.memory_space<vmem>>) semaphore(%arg9 : memref<!tpu.dma_semaphore, #tpu.memory_space<semaphore_mem>>)
    %dma_wait3A_19 = arith.constant 0 : i32
    %dma_wait3A_20 = arith.constant 0 : i32
    %dma_wait3A_21 = tpu.memref_slice %arg2[%dma_wait3A_19, %dma_wait3A_20] : memref<4096x128xf32, #tpu.memory_space<hbm>> -> memref<4096x128xf32, #tpu.memory_space<hbm>>
    tpu.wait_indirect_dma semaphore(%arg10 : memref<!tpu.dma_semaphore, #tpu.memory_space<semaphore_mem>>) src(%dma_wait3A_21 : memref<4096x128xf32, #tpu.memory_space<hbm>>) dst(%arg8 : memref<384x128xf32, #tpu.memory_space<vmem>>)
    %add3A_22 = arith.constant 384 : i32
    %add3A_23 = arith.addi %mul3A_2, %add3A_22 : i32
    "tpu.region"() ({
      %run_scoped3A = tpu.sem_alloc : memref<!tpu.dma_semaphore, #tpu.memory_space<semaphore_mem>>
      %dma_start3A_39 = arith.constant 0 : i32
      %dma_start3A_40 = tpu.memref_slice %arg4[%add3A_23, %dma_start3A_39] : memref<49152x128xf32, #tpu.memory_space<hbm>> -> memref<384x128xf32, #tpu.memory_space<hbm>>
      %dma_start3A_41 = arith.constant 0 : i32
      %dma_start3A_42 = tpu.memref_slice %arg4[%add3A_23, %dma_start3A_41] : memref<49152x128xf32, #tpu.memory_space<hbm>> -> memref<384x128xf32, #tpu.memory_space<hbm>>
      tpu.enqueue_dma source(%arg8 : memref<384x128xf32, #tpu.memory_space<vmem>>) target(%dma_start3A_42 : memref<384x128xf32, #tpu.memory_space<hbm>>) target_semaphore(%run_scoped3A : memref<!tpu.dma_semaphore, #tpu.memory_space<semaphore_mem>>)
      %dma_wait3A_43 = arith.constant 0 : i32
      %dma_wait3A_44 = tpu.memref_slice %arg4[%add3A_23, %dma_wait3A_43] : memref<49152x128xf32, #tpu.memory_space<hbm>> -> memref<384x128xf32, #tpu.memory_space<hbm>>
      %dma_wait3A_45 = arith.constant 0 : i32
      %dma_wait3A_46 = tpu.memref_slice %arg4[%add3A_23, %dma_wait3A_45] : memref<49152x128xf32, #tpu.memory_space<hbm>> -> memref<384x128xf32, #tpu.memory_space<hbm>>
      tpu.wait_dma2 semaphore(%run_scoped3A : memref<!tpu.dma_semaphore, #tpu.memory_space<semaphore_mem>>) src(%arg8 : memref<384x128xf32, #tpu.memory_space<vmem>>) dst(%dma_wait3A_46 : memref<384x128xf32, #tpu.memory_space<hbm>>)
      tpu.yield
    }) : () -> ()
    %add3A_24 = arith.constant 1152 : i32
    %add3A_25 = arith.addi %mul3A_2, %add3A_24 : i32
    "tpu.region"() ({
      %run_scoped3A = tpu.sem_alloc : memref<!tpu.dma_semaphore, #tpu.memory_space<semaphore_mem>>
      %dma_start3A_39 = tpu.memref_slice %arg3[%add3A_25] : memref<49152xi32, #tpu.memory_space<hbm>> -> memref<384xi32, #tpu.memory_space<hbm>>
      %dma_start3A_40 = tpu.memref_slice %arg3[%add3A_25] : memref<49152xi32, #tpu.memory_space<hbm>> -> memref<384xi32, #tpu.memory_space<hbm>>
      tpu.enqueue_dma source(%dma_start3A_40 : memref<384xi32, #tpu.memory_space<hbm>>) target(%arg6 : memref<384xi32, #tpu.memory_space<vmem>>) target_semaphore(%run_scoped3A : memref<!tpu.dma_semaphore, #tpu.memory_space<semaphore_mem>>)
      %dma_wait3A_41 = tpu.memref_slice %arg3[%add3A_25] : memref<49152xi32, #tpu.memory_space<hbm>> -> memref<384xi32, #tpu.memory_space<hbm>>
      %dma_wait3A_42 = tpu.memref_slice %arg3[%add3A_25] : memref<49152xi32, #tpu.memory_space<hbm>> -> memref<384xi32, #tpu.memory_space<hbm>>
      tpu.wait_dma2 semaphore(%run_scoped3A : memref<!tpu.dma_semaphore, #tpu.memory_space<semaphore_mem>>) src(%dma_wait3A_42 : memref<384xi32, #tpu.memory_space<hbm>>) dst(%arg6 : memref<384xi32, #tpu.memory_space<vmem>>)
      tpu.yield
    }) : () -> ()
    %dma_start3A_26 = arith.constant 0 : i32
    %dma_start3A_27 = arith.constant 0 : i32
    %dma_start3A_28 = tpu.memref_slice %arg2[%dma_start3A_26, %dma_start3A_27] : memref<4096x128xf32, #tpu.memory_space<hbm>> -> memref<4096x128xf32, #tpu.memory_space<hbm>>
    tpu.enqueue_indirect_dma source(%dma_start3A_28 : memref<4096x128xf32, #tpu.memory_space<hbm>>) target(%arg8 : memref<384x128xf32, #tpu.memory_space<vmem>>) offsets(%arg6 : memref<384xi32, #tpu.memory_space<vmem>>) semaphore(%arg10 : memref<!tpu.dma_semaphore, #tpu.memory_space<semaphore_mem>>)
    %dma_wait3A_29 = arith.constant 0 : i32
    %dma_wait3A_30 = arith.constant 0 : i32
    %dma_wait3A_31 = tpu.memref_slice %arg2[%dma_wait3A_29, %dma_wait3A_30] : memref<4096x128xf32, #tpu.memory_space<hbm>> -> memref<4096x128xf32, #tpu.memory_space<hbm>>
    tpu.wait_indirect_dma semaphore(%arg9 : memref<!tpu.dma_semaphore, #tpu.memory_space<semaphore_mem>>) src(%dma_wait3A_31 : memref<4096x128xf32, #tpu.memory_space<hbm>>) dst(%arg7 : memref<384x128xf32, #tpu.memory_space<vmem>>)
    %add3A_32 = arith.constant 768 : i32
    %add3A_33 = arith.addi %mul3A_2, %add3A_32 : i32
    "tpu.region"() ({
      %run_scoped3A = tpu.sem_alloc : memref<!tpu.dma_semaphore, #tpu.memory_space<semaphore_mem>>
      %dma_start3A_39 = arith.constant 0 : i32
      %dma_start3A_40 = tpu.memref_slice %arg4[%add3A_33, %dma_start3A_39] : memref<49152x128xf32, #tpu.memory_space<hbm>> -> memref<384x128xf32, #tpu.memory_space<hbm>>
      %dma_start3A_41 = arith.constant 0 : i32
      %dma_start3A_42 = tpu.memref_slice %arg4[%add3A_33, %dma_start3A_41] : memref<49152x128xf32, #tpu.memory_space<hbm>> -> memref<384x128xf32, #tpu.memory_space<hbm>>
      tpu.enqueue_dma source(%arg7 : memref<384x128xf32, #tpu.memory_space<vmem>>) target(%dma_start3A_42 : memref<384x128xf32, #tpu.memory_space<hbm>>) target_semaphore(%run_scoped3A : memref<!tpu.dma_semaphore, #tpu.memory_space<semaphore_mem>>)
      %dma_wait3A_43 = arith.constant 0 : i32
      %dma_wait3A_44 = tpu.memref_slice %arg4[%add3A_33, %dma_wait3A_43] : memref<49152x128xf32, #tpu.memory_space<hbm>> -> memref<384x128xf32, #tpu.memory_space<hbm>>
      %dma_wait3A_45 = arith.constant 0 : i32
      %dma_wait3A_46 = tpu.memref_slice %arg4[%add3A_33, %dma_wait3A_45] : memref<49152x128xf32, #tpu.memory_space<hbm>> -> memref<384x128xf32, #tpu.memory_space<hbm>>
      tpu.wait_dma2 semaphore(%run_scoped3A : memref<!tpu.dma_semaphore, #tpu.memory_space<semaphore_mem>>) src(%arg7 : memref<384x128xf32, #tpu.memory_space<vmem>>) dst(%dma_wait3A_46 : memref<384x128xf32, #tpu.memory_space<hbm>>)
      tpu.yield
    }) : () -> ()
    %dma_wait3A_34 = arith.constant 0 : i32
    %dma_wait3A_35 = arith.constant 0 : i32
    %dma_wait3A_36 = tpu.memref_slice %arg2[%dma_wait3A_34, %dma_wait3A_35] : memref<4096x128xf32, #tpu.memory_space<hbm>> -> memref<4096x128xf32, #tpu.memory_space<hbm>>
    tpu.wait_indirect_dma semaphore(%arg10 : memref<!tpu.dma_semaphore, #tpu.memory_space<semaphore_mem>>) src(%dma_wait3A_36 : memref<4096x128xf32, #tpu.memory_space<hbm>>) dst(%arg8 : memref<384x128xf32, #tpu.memory_space<vmem>>)
    %add3A_37 = arith.constant 1152 : i32
    %add3A_38 = arith.addi %mul3A_2, %add3A_37 : i32
    "tpu.region"() ({
      %run_scoped3A = tpu.sem_alloc : memref<!tpu.dma_semaphore, #tpu.memory_space<semaphore_mem>>
      %dma_start3A_39 = arith.constant 0 : i32
      %dma_start3A_40 = tpu.memref_slice %arg4[%add3A_38, %dma_start3A_39] : memref<49152x128xf32, #tpu.memory_space<hbm>> -> memref<384x128xf32, #tpu.memory_space<hbm>>
      %dma_start3A_41 = arith.constant 0 : i32
      %dma_start3A_42 = tpu.memref_slice %arg4[%add3A_38, %dma_start3A_41] : memref<49152x128xf32, #tpu.memory_space<hbm>> -> memref<384x128xf32, #tpu.memory_space<hbm>>
      tpu.enqueue_dma source(%arg8 : memref<384x128xf32, #tpu.memory_space<vmem>>) target(%dma_start3A_42 : memref<384x128xf32, #tpu.memory_space<hbm>>) target_semaphore(%run_scoped3A : memref<!tpu.dma_semaphore, #tpu.memory_space<semaphore_mem>>)
      %dma_wait3A_43 = arith.constant 0 : i32
      %dma_wait3A_44 = tpu.memref_slice %arg4[%add3A_38, %dma_wait3A_43] : memref<49152x128xf32, #tpu.memory_space<hbm>> -> memref<384x128xf32, #tpu.memory_space<hbm>>
      %dma_wait3A_45 = arith.constant 0 : i32
      %dma_wait3A_46 = tpu.memref_slice %arg4[%add3A_38, %dma_wait3A_45] : memref<49152x128xf32, #tpu.memory_space<hbm>> -> memref<384x128xf32, #tpu.memory_space<hbm>>
      tpu.wait_dma2 semaphore(%run_scoped3A : memref<!tpu.dma_semaphore, #tpu.memory_space<semaphore_mem>>) src(%arg8 : memref<384x128xf32, #tpu.memory_space<vmem>>) dst(%dma_wait3A_46 : memref<384x128xf32, #tpu.memory_space<hbm>>)
      tpu.yield
    }) : () -> ()
    return
  }
}

#map = affine_map<(d0, d1) -> (0, 0)>
#map1 = affine_map<(d0, d1) -> (0)>
module attributes {stable_mosaic.version = 14 : i64} {
  func.func @gk(%arg0: i32, %arg1: i32, %arg2: memref<4096x128xf32, #tpu.memory_space<hbm>>, %arg3: memref<49152xi32, #tpu.memory_space<hbm>>, %arg4: memref<49152x128xf32, #tpu.memory_space<hbm>>, %arg5: memref<384xi32, #tpu.memory_space<vmem>>, %arg6: memref<384xi32, #tpu.memory_space<vmem>>, %arg7: memref<384x128xf32, #tpu.memory_space<vmem>>, %arg8: memref<384x128xf32, #tpu.memory_space<vmem>>, %arg9: memref<!tpu.dma_semaphore, #tpu.memory_space<semaphore_mem>>, %arg10: memref<!tpu.dma_semaphore, #tpu.memory_space<semaphore_mem>>) attributes {dimension_semantics = [#tpu.dimension_semantics<core_parallel>, #tpu.dimension_semantics<subcore_parallel>], iteration_bounds = array<i64: 2, 16>, scalar_prefetch = 0 : i64, scratch_operands = 6 : i64, tpu.core_type = #tpu.core_type<sc_vector_subcore>, window_params = [{transform_indices = #map}, {transform_indices = #map1}, {transform_indices = #map}]} {
    %mul3A = arith.constant 2 : i32
    %mul3A_0 = arith.muli %arg1, %mul3A : i32
    %add3A = arith.addi %mul3A_0, %arg0 : i32
    %mul3A_1 = arith.constant 1536 : i32
    %mul3A_2 = arith.muli %add3A, %mul3A_1 : i32
    "tpu.region"() ({
      %run_scoped3A = tpu.sem_alloc : memref<!tpu.dma_semaphore, #tpu.memory_space<semaphore_mem>>
      %dma_start3A_39 = tpu.memref_slice %arg3[%mul3A_2] : memref<49152xi32, #tpu.memory_space<hbm>> -> memref<384xi32, #tpu.memory_space<hbm>>
      %dma_start3A_40 = tpu.memref_slice %arg3[%mul3A_2] : memref<49152xi32, #tpu.memory_space<hbm>> -> memref<384xi32, #tpu.memory_space<hbm>>
      tpu.enqueue_dma source(%dma_start3A_40 : memref<384xi32, #tpu.memory_space<hbm>>) target(%arg5 : memref<384xi32, #tpu.memory_space<vmem>>) target_semaphore(%run_scoped3A : memref<!tpu.dma_semaphore, #tpu.memory_space<semaphore_mem>>)
      %dma_wait3A_41 = tpu.memref_slice %arg3[%mul3A_2] : memref<49152xi32, #tpu.memory_space<hbm>> -> memref<384xi32, #tpu.memory_space<hbm>>
      %dma_wait3A_42 = tpu.memref_slice %arg3[%mul3A_2] : memref<49152xi32, #tpu.memory_space<hbm>> -> memref<384xi32, #tpu.memory_space<hbm>>
      tpu.wait_dma2 semaphore(%run_scoped3A : memref<!tpu.dma_semaphore, #tpu.memory_space<semaphore_mem>>) src(%dma_wait3A_42 : memref<384xi32, #tpu.memory_space<hbm>>) dst(%arg5 : memref<384xi32, #tpu.memory_space<vmem>>)
      tpu.yield
    }) : () -> ()
    %dma_start3A = arith.constant 0 : i32
    %dma_start3A_3 = arith.constant 0 : i32
    %dma_start3A_4 = tpu.memref_slice %arg2[%dma_start3A, %dma_start3A_3] : memref<4096x128xf32, #tpu.memory_space<hbm>> -> memref<4096x128xf32, #tpu.memory_space<hbm>>
    tpu.enqueue_indirect_dma source(%dma_start3A_4 : memref<4096x128xf32, #tpu.memory_space<hbm>>) target(%arg7 : memref<384x128xf32, #tpu.memory_space<vmem>>) offsets(%arg5 : memref<384xi32, #tpu.memory_space<vmem>>) semaphore(%arg9 : memref<!tpu.dma_semaphore, #tpu.memory_space<semaphore_mem>>)
    %add3A_5 = arith.constant 384 : i32
    %add3A_6 = arith.addi %mul3A_2, %add3A_5 : i32
    "tpu.region"() ({
      %run_scoped3A = tpu.sem_alloc : memref<!tpu.dma_semaphore, #tpu.memory_space<semaphore_mem>>
      %dma_start3A_39 = tpu.memref_slice %arg3[%add3A_6] : memref<49152xi32, #tpu.memory_space<hbm>> -> memref<384xi32, #tpu.memory_space<hbm>>
      %dma_start3A_40 = tpu.memref_slice %arg3[%add3A_6] : memref<49152xi32, #tpu.memory_space<hbm>> -> memref<384xi32, #tpu.memory_space<hbm>>
      tpu.enqueue_dma source(%dma_start3A_40 : memref<384xi32, #tpu.memory_space<hbm>>) target(%arg6 : memref<384xi32, #tpu.memory_space<vmem>>) target_semaphore(%run_scoped3A : memref<!tpu.dma_semaphore, #tpu.memory_space<semaphore_mem>>)
      %dma_wait3A_41 = tpu.memref_slice %arg3[%add3A_6] : memref<49152xi32, #tpu.memory_space<hbm>> -> memref<384xi32, #tpu.memory_space<hbm>>
      %dma_wait3A_42 = tpu.memref_slice %arg3[%add3A_6] : memref<49152xi32, #tpu.memory_space<hbm>> -> memref<384xi32, #tpu.memory_space<hbm>>
      tpu.wait_dma2 semaphore(%run_scoped3A : memref<!tpu.dma_semaphore, #tpu.memory_space<semaphore_mem>>) src(%dma_wait3A_42 : memref<384xi32, #tpu.memory_space<hbm>>) dst(%arg6 : memref<384xi32, #tpu.memory_space<vmem>>)
      tpu.yield
    }) : () -> ()
    %dma_start3A_7 = arith.constant 0 : i32
    %dma_start3A_8 = arith.constant 0 : i32
    %dma_start3A_9 = tpu.memref_slice %arg2[%dma_start3A_7, %dma_start3A_8] : memref<4096x128xf32, #tpu.memory_space<hbm>> -> memref<4096x128xf32, #tpu.memory_space<hbm>>
    tpu.enqueue_indirect_dma source(%dma_start3A_9 : memref<4096x128xf32, #tpu.memory_space<hbm>>) target(%arg8 : memref<384x128xf32, #tpu.memory_space<vmem>>) offsets(%arg6 : memref<384xi32, #tpu.memory_space<vmem>>) semaphore(%arg10 : memref<!tpu.dma_semaphore, #tpu.memory_space<semaphore_mem>>)
    %dma_wait3A = arith.constant 0 : i32
    %dma_wait3A_10 = arith.constant 0 : i32
    %dma_wait3A_11 = tpu.memref_slice %arg2[%dma_wait3A, %dma_wait3A_10] : memref<4096x128xf32, #tpu.memory_space<hbm>> -> memref<4096x128xf32, #tpu.memory_space<hbm>>
    tpu.wait_indirect_dma semaphore(%arg9 : memref<!tpu.dma_semaphore, #tpu.memory_space<semaphore_mem>>) src(%dma_wait3A_11 : memref<4096x128xf32, #tpu.memory_space<hbm>>) dst(%arg7 : memref<384x128xf32, #tpu.memory_space<vmem>>)
    %add3A_12 = arith.constant 0 : i32
    %add3A_13 = arith.addi %mul3A_2, %add3A_12 : i32
    "tpu.region"() ({
      %run_scoped3A = tpu.sem_alloc : memref<!tpu.dma_semaphore, #tpu.memory_space<semaphore_mem>>
      %dma_start3A_39 = arith.constant 0 : i32
      %dma_start3A_40 = tpu.memref_slice %arg4[%add3A_13, %dma_start3A_39] : memref<49152x128xf32, #tpu.memory_space<hbm>> -> memref<384x128xf32, #tpu.memory_space<hbm>>
      %dma_start3A_41 = arith.constant 0 : i32
      %dma_start3A_42 = tpu.memref_slice %arg4[%add3A_13, %dma_start3A_41] : memref<49152x128xf32, #tpu.memory_space<hbm>> -> memref<384x128xf32, #tpu.memory_space<hbm>>
      tpu.enqueue_dma source(%arg7 : memref<384x128xf32, #tpu.memory_space<vmem>>) target(%dma_start3A_42 : memref<384x128xf32, #tpu.memory_space<hbm>>) target_semaphore(%run_scoped3A : memref<!tpu.dma_semaphore, #tpu.memory_space<semaphore_mem>>)
      %dma_wait3A_43 = arith.constant 0 : i32
      %dma_wait3A_44 = tpu.memref_slice %arg4[%add3A_13, %dma_wait3A_43] : memref<49152x128xf32, #tpu.memory_space<hbm>> -> memref<384x128xf32, #tpu.memory_space<hbm>>
      %dma_wait3A_45 = arith.constant 0 : i32
      %dma_wait3A_46 = tpu.memref_slice %arg4[%add3A_13, %dma_wait3A_45] : memref<49152x128xf32, #tpu.memory_space<hbm>> -> memref<384x128xf32, #tpu.memory_space<hbm>>
      tpu.wait_dma2 semaphore(%run_scoped3A : memref<!tpu.dma_semaphore, #tpu.memory_space<semaphore_mem>>) src(%arg7 : memref<384x128xf32, #tpu.memory_space<vmem>>) dst(%dma_wait3A_46 : memref<384x128xf32, #tpu.memory_space<hbm>>)
      tpu.yield
    }) : () -> ()
    %add3A_14 = arith.constant 768 : i32
    %add3A_15 = arith.addi %mul3A_2, %add3A_14 : i32
    "tpu.region"() ({
      %run_scoped3A = tpu.sem_alloc : memref<!tpu.dma_semaphore, #tpu.memory_space<semaphore_mem>>
      %dma_start3A_39 = tpu.memref_slice %arg3[%add3A_15] : memref<49152xi32, #tpu.memory_space<hbm>> -> memref<384xi32, #tpu.memory_space<hbm>>
      %dma_start3A_40 = tpu.memref_slice %arg3[%add3A_15] : memref<49152xi32, #tpu.memory_space<hbm>> -> memref<384xi32, #tpu.memory_space<hbm>>
      tpu.enqueue_dma source(%dma_start3A_40 : memref<384xi32, #tpu.memory_space<hbm>>) target(%arg5 : memref<384xi32, #tpu.memory_space<vmem>>) target_semaphore(%run_scoped3A : memref<!tpu.dma_semaphore, #tpu.memory_space<semaphore_mem>>)
      %dma_wait3A_41 = tpu.memref_slice %arg3[%add3A_15] : memref<49152xi32, #tpu.memory_space<hbm>> -> memref<384xi32, #tpu.memory_space<hbm>>
      %dma_wait3A_42 = tpu.memref_slice %arg3[%add3A_15] : memref<49152xi32, #tpu.memory_space<hbm>> -> memref<384xi32, #tpu.memory_space<hbm>>
      tpu.wait_dma2 semaphore(%run_scoped3A : memref<!tpu.dma_semaphore, #tpu.memory_space<semaphore_mem>>) src(%dma_wait3A_42 : memref<384xi32, #tpu.memory_space<hbm>>) dst(%arg5 : memref<384xi32, #tpu.memory_space<vmem>>)
      tpu.yield
    }) : () -> ()
    %dma_start3A_16 = arith.constant 0 : i32
    %dma_start3A_17 = arith.constant 0 : i32
    %dma_start3A_18 = tpu.memref_slice %arg2[%dma_start3A_16, %dma_start3A_17] : memref<4096x128xf32, #tpu.memory_space<hbm>> -> memref<4096x128xf32, #tpu.memory_space<hbm>>
    tpu.enqueue_indirect_dma source(%dma_start3A_18 : memref<4096x128xf32, #tpu.memory_space<hbm>>) target(%arg7 : memref<384x128xf32, #tpu.memory_space<vmem>>) offsets(%arg5 : memref<384xi32, #tpu.memory_space<vmem>>) semaphore(%arg9 : memref<!tpu.dma_semaphore, #tpu.memory_space<semaphore_mem>>)
    %dma_wait3A_19 = arith.constant 0 : i32
    %dma_wait3A_20 = arith.constant 0 : i32
    %dma_wait3A_21 = tpu.memref_slice %arg2[%dma_wait3A_19, %dma_wait3A_20] : memref<4096x128xf32, #tpu.memory_space<hbm>> -> memref<4096x128xf32, #tpu.memory_space<hbm>>
    tpu.wait_indirect_dma semaphore(%arg10 : memref<!tpu.dma_semaphore, #tpu.memory_space<semaphore_mem>>) src(%dma_wait3A_21 : memref<4096x128xf32, #tpu.memory_space<hbm>>) dst(%arg8 : memref<384x128xf32, #tpu.memory_space<vmem>>)
    %add3A_22 = arith.constant 384 : i32
    %add3A_23 = arith.addi %mul3A_2, %add3A_22 : i32
    "tpu.region"() ({
      %run_scoped3A = tpu.sem_alloc : memref<!tpu.dma_semaphore, #tpu.memory_space<semaphore_mem>>
      %dma_start3A_39 = arith.constant 0 : i32
      %dma_start3A_40 = tpu.memref_slice %arg4[%add3A_23, %dma_start3A_39] : memref<49152x128xf32, #tpu.memory_space<hbm>> -> memref<384x128xf32, #tpu.memory_space<hbm>>
      %dma_start3A_41 = arith.constant 0 : i32
      %dma_start3A_42 = tpu.memref_slice %arg4[%add3A_23, %dma_start3A_41] : memref<49152x128xf32, #tpu.memory_space<hbm>> -> memref<384x128xf32, #tpu.memory_space<hbm>>
      tpu.enqueue_dma source(%arg8 : memref<384x128xf32, #tpu.memory_space<vmem>>) target(%dma_start3A_42 : memref<384x128xf32, #tpu.memory_space<hbm>>) target_semaphore(%run_scoped3A : memref<!tpu.dma_semaphore, #tpu.memory_space<semaphore_mem>>)
      %dma_wait3A_43 = arith.constant 0 : i32
      %dma_wait3A_44 = tpu.memref_slice %arg4[%add3A_23, %dma_wait3A_43] : memref<49152x128xf32, #tpu.memory_space<hbm>> -> memref<384x128xf32, #tpu.memory_space<hbm>>
      %dma_wait3A_45 = arith.constant 0 : i32
      %dma_wait3A_46 = tpu.memref_slice %arg4[%add3A_23, %dma_wait3A_45] : memref<49152x128xf32, #tpu.memory_space<hbm>> -> memref<384x128xf32, #tpu.memory_space<hbm>>
      tpu.wait_dma2 semaphore(%run_scoped3A : memref<!tpu.dma_semaphore, #tpu.memory_space<semaphore_mem>>) src(%arg8 : memref<384x128xf32, #tpu.memory_space<vmem>>) dst(%dma_wait3A_46 : memref<384x128xf32, #tpu.memory_space<hbm>>)
      tpu.yield
    }) : () -> ()
    %add3A_24 = arith.constant 1152 : i32
    %add3A_25 = arith.addi %mul3A_2, %add3A_24 : i32
    "tpu.region"() ({
      %run_scoped3A = tpu.sem_alloc : memref<!tpu.dma_semaphore, #tpu.memory_space<semaphore_mem>>
      %dma_start3A_39 = tpu.memref_slice %arg3[%add3A_25] : memref<49152xi32, #tpu.memory_space<hbm>> -> memref<384xi32, #tpu.memory_space<hbm>>
      %dma_start3A_40 = tpu.memref_slice %arg3[%add3A_25] : memref<49152xi32, #tpu.memory_space<hbm>> -> memref<384xi32, #tpu.memory_space<hbm>>
      tpu.enqueue_dma source(%dma_start3A_40 : memref<384xi32, #tpu.memory_space<hbm>>) target(%arg6 : memref<384xi32, #tpu.memory_space<vmem>>) target_semaphore(%run_scoped3A : memref<!tpu.dma_semaphore, #tpu.memory_space<semaphore_mem>>)
      %dma_wait3A_41 = tpu.memref_slice %arg3[%add3A_25] : memref<49152xi32, #tpu.memory_space<hbm>> -> memref<384xi32, #tpu.memory_space<hbm>>
      %dma_wait3A_42 = tpu.memref_slice %arg3[%add3A_25] : memref<49152xi32, #tpu.memory_space<hbm>> -> memref<384xi32, #tpu.memory_space<hbm>>
      tpu.wait_dma2 semaphore(%run_scoped3A : memref<!tpu.dma_semaphore, #tpu.memory_space<semaphore_mem>>) src(%dma_wait3A_42 : memref<384xi32, #tpu.memory_space<hbm>>) dst(%arg6 : memref<384xi32, #tpu.memory_space<vmem>>)
      tpu.yield
    }) : () -> ()
    %dma_start3A_26 = arith.constant 0 : i32
    %dma_start3A_27 = arith.constant 0 : i32
    %dma_start3A_28 = tpu.memref_slice %arg2[%dma_start3A_26, %dma_start3A_27] : memref<4096x128xf32, #tpu.memory_space<hbm>> -> memref<4096x128xf32, #tpu.memory_space<hbm>>
    tpu.enqueue_indirect_dma source(%dma_start3A_28 : memref<4096x128xf32, #tpu.memory_space<hbm>>) target(%arg8 : memref<384x128xf32, #tpu.memory_space<vmem>>) offsets(%arg6 : memref<384xi32, #tpu.memory_space<vmem>>) semaphore(%arg10 : memref<!tpu.dma_semaphore, #tpu.memory_space<semaphore_mem>>)
    %dma_wait3A_29 = arith.constant 0 : i32
    %dma_wait3A_30 = arith.constant 0 : i32
    %dma_wait3A_31 = tpu.memref_slice %arg2[%dma_wait3A_29, %dma_wait3A_30] : memref<4096x128xf32, #tpu.memory_space<hbm>> -> memref<4096x128xf32, #tpu.memory_space<hbm>>
    tpu.wait_indirect_dma semaphore(%arg9 : memref<!tpu.dma_semaphore, #tpu.memory_space<semaphore_mem>>) src(%dma_wait3A_31 : memref<4096x128xf32, #tpu.memory_space<hbm>>) dst(%arg7 : memref<384x128xf32, #tpu.memory_space<vmem>>)
    %add3A_32 = arith.constant 768 : i32
    %add3A_33 = arith.addi %mul3A_2, %add3A_32 : i32
    "tpu.region"() ({
      %run_scoped3A = tpu.sem_alloc : memref<!tpu.dma_semaphore, #tpu.memory_space<semaphore_mem>>
      %dma_start3A_39 = arith.constant 0 : i32
      %dma_start3A_40 = tpu.memref_slice %arg4[%add3A_33, %dma_start3A_39] : memref<49152x128xf32, #tpu.memory_space<hbm>> -> memref<384x128xf32, #tpu.memory_space<hbm>>
      %dma_start3A_41 = arith.constant 0 : i32
      %dma_start3A_42 = tpu.memref_slice %arg4[%add3A_33, %dma_start3A_41] : memref<49152x128xf32, #tpu.memory_space<hbm>> -> memref<384x128xf32, #tpu.memory_space<hbm>>
      tpu.enqueue_dma source(%arg7 : memref<384x128xf32, #tpu.memory_space<vmem>>) target(%dma_start3A_42 : memref<384x128xf32, #tpu.memory_space<hbm>>) target_semaphore(%run_scoped3A : memref<!tpu.dma_semaphore, #tpu.memory_space<semaphore_mem>>)
      %dma_wait3A_43 = arith.constant 0 : i32
      %dma_wait3A_44 = tpu.memref_slice %arg4[%add3A_33, %dma_wait3A_43] : memref<49152x128xf32, #tpu.memory_space<hbm>> -> memref<384x128xf32, #tpu.memory_space<hbm>>
      %dma_wait3A_45 = arith.constant 0 : i32
      %dma_wait3A_46 = tpu.memref_slice %arg4[%add3A_33, %dma_wait3A_45] : memref<49152x128xf32, #tpu.memory_space<hbm>> -> memref<384x128xf32, #tpu.memory_space<hbm>>
      tpu.wait_dma2 semaphore(%run_scoped3A : memref<!tpu.dma_semaphore, #tpu.memory_space<semaphore_mem>>) src(%arg7 : memref<384x128xf32, #tpu.memory_space<vmem>>) dst(%dma_wait3A_46 : memref<384x128xf32, #tpu.memory_space<hbm>>)
      tpu.yield
    }) : () -> ()
    %dma_wait3A_34 = arith.constant 0 : i32
    %dma_wait3A_35 = arith.constant 0 : i32
    %dma_wait3A_36 = tpu.memref_slice %arg2[%dma_wait3A_34, %dma_wait3A_35] : memref<4096x128xf32, #tpu.memory_space<hbm>> -> memref<4096x128xf32, #tpu.memory_space<hbm>>
    tpu.wait_indirect_dma semaphore(%arg10 : memref<!tpu.dma_semaphore, #tpu.memory_space<semaphore_mem>>) src(%dma_wait3A_36 : memref<4096x128xf32, #tpu.memory_space<hbm>>) dst(%arg8 : memref<384x128xf32, #tpu.memory_space<vmem>>)
    %add3A_37 = arith.constant 1152 : i32
    %add3A_38 = arith.addi %mul3A_2, %add3A_37 : i32
    "tpu.region"() ({
      %run_scoped3A = tpu.sem_alloc : memref<!tpu.dma_semaphore, #tpu.memory_space<semaphore_mem>>
      %dma_start3A_39 = arith.constant 0 : i32
      %dma_start3A_40 = tpu.memref_slice %arg4[%add3A_38, %dma_start3A_39] : memref<49152x128xf32, #tpu.memory_space<hbm>> -> memref<384x128xf32, #tpu.memory_space<hbm>>
      %dma_start3A_41 = arith.constant 0 : i32
      %dma_start3A_42 = tpu.memref_slice %arg4[%add3A_38, %dma_start3A_41] : memref<49152x128xf32, #tpu.memory_space<hbm>> -> memref<384x128xf32, #tpu.memory_space<hbm>>
      tpu.enqueue_dma source(%arg8 : memref<384x128xf32, #tpu.memory_space<vmem>>) target(%dma_start3A_42 : memref<384x128xf32, #tpu.memory_space<hbm>>) target_semaphore(%run_scoped3A : memref<!tpu.dma_semaphore, #tpu.memory_space<semaphore_mem>>)
      %dma_wait3A_43 = arith.constant 0 : i32
      %dma_wait3A_44 = tpu.memref_slice %arg4[%add3A_38, %dma_wait3A_43] : memref<49152x128xf32, #tpu.memory_space<hbm>> -> memref<384x128xf32, #tpu.memory_space<hbm>>
      %dma_wait3A_45 = arith.constant 0 : i32
      %dma_wait3A_46 = tpu.memref_slice %arg4[%add3A_38, %dma_wait3A_45] : memref<49152x128xf32, #tpu.memory_space<hbm>> -> memref<384x128xf32, #tpu.memory_space<hbm>>
      tpu.wait_dma2 semaphore(%run_scoped3A : memref<!tpu.dma_semaphore, #tpu.memory_space<semaphore_mem>>) src(%arg8 : memref<384x128xf32, #tpu.memory_space<vmem>>) dst(%dma_wait3A_46 : memref<384x128xf32, #tpu.memory_space<hbm>>)
      tpu.yield
    }) : () -> ()
    return
  }
}

#map = affine_map<(d0, d1) -> (0, 0)>
#map1 = affine_map<(d0, d1) -> (0)>
module attributes {stable_mosaic.version = 14 : i64} {
  func.func @gk(%arg0: i32, %arg1: i32, %arg2: memref<4096x128xf32, #tpu.memory_space<hbm>>, %arg3: memref<49152xi32, #tpu.memory_space<hbm>>, %arg4: memref<49152x128xf32, #tpu.memory_space<hbm>>, %arg5: memref<384xi32, #tpu.memory_space<vmem>>, %arg6: memref<384xi32, #tpu.memory_space<vmem>>, %arg7: memref<384x128xf32, #tpu.memory_space<vmem>>, %arg8: memref<384x128xf32, #tpu.memory_space<vmem>>, %arg9: memref<!tpu.dma_semaphore, #tpu.memory_space<semaphore_mem>>, %arg10: memref<!tpu.dma_semaphore, #tpu.memory_space<semaphore_mem>>) attributes {dimension_semantics = [#tpu.dimension_semantics<core_parallel>, #tpu.dimension_semantics<subcore_parallel>], iteration_bounds = array<i64: 2, 16>, scalar_prefetch = 0 : i64, scratch_operands = 6 : i64, tpu.core_type = #tpu.core_type<sc_vector_subcore>, window_params = [{transform_indices = #map}, {transform_indices = #map1}, {transform_indices = #map}]} {
    %mul3A = arith.constant 2 : i32
    %mul3A_0 = arith.muli %arg1, %mul3A : i32
    %add3A = arith.addi %mul3A_0, %arg0 : i32
    %mul3A_1 = arith.constant 1536 : i32
    %mul3A_2 = arith.muli %add3A, %mul3A_1 : i32
    "tpu.region"() ({
      %run_scoped3A = tpu.sem_alloc : memref<!tpu.dma_semaphore, #tpu.memory_space<semaphore_mem>>
      %dma_start3A_39 = tpu.memref_slice %arg3[%mul3A_2] : memref<49152xi32, #tpu.memory_space<hbm>> -> memref<384xi32, #tpu.memory_space<hbm>>
      %dma_start3A_40 = tpu.memref_slice %arg3[%mul3A_2] : memref<49152xi32, #tpu.memory_space<hbm>> -> memref<384xi32, #tpu.memory_space<hbm>>
      tpu.enqueue_dma source(%dma_start3A_40 : memref<384xi32, #tpu.memory_space<hbm>>) target(%arg5 : memref<384xi32, #tpu.memory_space<vmem>>) target_semaphore(%run_scoped3A : memref<!tpu.dma_semaphore, #tpu.memory_space<semaphore_mem>>)
      %dma_wait3A_41 = tpu.memref_slice %arg3[%mul3A_2] : memref<49152xi32, #tpu.memory_space<hbm>> -> memref<384xi32, #tpu.memory_space<hbm>>
      %dma_wait3A_42 = tpu.memref_slice %arg3[%mul3A_2] : memref<49152xi32, #tpu.memory_space<hbm>> -> memref<384xi32, #tpu.memory_space<hbm>>
      tpu.wait_dma2 semaphore(%run_scoped3A : memref<!tpu.dma_semaphore, #tpu.memory_space<semaphore_mem>>) src(%dma_wait3A_42 : memref<384xi32, #tpu.memory_space<hbm>>) dst(%arg5 : memref<384xi32, #tpu.memory_space<vmem>>)
      tpu.yield
    }) : () -> ()
    %dma_start3A = arith.constant 0 : i32
    %dma_start3A_3 = arith.constant 0 : i32
    %dma_start3A_4 = tpu.memref_slice %arg2[%dma_start3A, %dma_start3A_3] : memref<4096x128xf32, #tpu.memory_space<hbm>> -> memref<4096x128xf32, #tpu.memory_space<hbm>>
    tpu.enqueue_indirect_dma source(%dma_start3A_4 : memref<4096x128xf32, #tpu.memory_space<hbm>>) target(%arg7 : memref<384x128xf32, #tpu.memory_space<vmem>>) offsets(%arg5 : memref<384xi32, #tpu.memory_space<vmem>>) semaphore(%arg9 : memref<!tpu.dma_semaphore, #tpu.memory_space<semaphore_mem>>)
    %add3A_5 = arith.constant 384 : i32
    %add3A_6 = arith.addi %mul3A_2, %add3A_5 : i32
    "tpu.region"() ({
      %run_scoped3A = tpu.sem_alloc : memref<!tpu.dma_semaphore, #tpu.memory_space<semaphore_mem>>
      %dma_start3A_39 = tpu.memref_slice %arg3[%add3A_6] : memref<49152xi32, #tpu.memory_space<hbm>> -> memref<384xi32, #tpu.memory_space<hbm>>
      %dma_start3A_40 = tpu.memref_slice %arg3[%add3A_6] : memref<49152xi32, #tpu.memory_space<hbm>> -> memref<384xi32, #tpu.memory_space<hbm>>
      tpu.enqueue_dma source(%dma_start3A_40 : memref<384xi32, #tpu.memory_space<hbm>>) target(%arg6 : memref<384xi32, #tpu.memory_space<vmem>>) target_semaphore(%run_scoped3A : memref<!tpu.dma_semaphore, #tpu.memory_space<semaphore_mem>>)
      %dma_wait3A_41 = tpu.memref_slice %arg3[%add3A_6] : memref<49152xi32, #tpu.memory_space<hbm>> -> memref<384xi32, #tpu.memory_space<hbm>>
      %dma_wait3A_42 = tpu.memref_slice %arg3[%add3A_6] : memref<49152xi32, #tpu.memory_space<hbm>> -> memref<384xi32, #tpu.memory_space<hbm>>
      tpu.wait_dma2 semaphore(%run_scoped3A : memref<!tpu.dma_semaphore, #tpu.memory_space<semaphore_mem>>) src(%dma_wait3A_42 : memref<384xi32, #tpu.memory_space<hbm>>) dst(%arg6 : memref<384xi32, #tpu.memory_space<vmem>>)
      tpu.yield
    }) : () -> ()
    %dma_start3A_7 = arith.constant 0 : i32
    %dma_start3A_8 = arith.constant 0 : i32
    %dma_start3A_9 = tpu.memref_slice %arg2[%dma_start3A_7, %dma_start3A_8] : memref<4096x128xf32, #tpu.memory_space<hbm>> -> memref<4096x128xf32, #tpu.memory_space<hbm>>
    tpu.enqueue_indirect_dma source(%dma_start3A_9 : memref<4096x128xf32, #tpu.memory_space<hbm>>) target(%arg8 : memref<384x128xf32, #tpu.memory_space<vmem>>) offsets(%arg6 : memref<384xi32, #tpu.memory_space<vmem>>) semaphore(%arg10 : memref<!tpu.dma_semaphore, #tpu.memory_space<semaphore_mem>>)
    %dma_wait3A = arith.constant 0 : i32
    %dma_wait3A_10 = arith.constant 0 : i32
    %dma_wait3A_11 = tpu.memref_slice %arg2[%dma_wait3A, %dma_wait3A_10] : memref<4096x128xf32, #tpu.memory_space<hbm>> -> memref<4096x128xf32, #tpu.memory_space<hbm>>
    tpu.wait_indirect_dma semaphore(%arg9 : memref<!tpu.dma_semaphore, #tpu.memory_space<semaphore_mem>>) src(%dma_wait3A_11 : memref<4096x128xf32, #tpu.memory_space<hbm>>) dst(%arg7 : memref<384x128xf32, #tpu.memory_space<vmem>>)
    %add3A_12 = arith.constant 0 : i32
    %add3A_13 = arith.addi %mul3A_2, %add3A_12 : i32
    "tpu.region"() ({
      %run_scoped3A = tpu.sem_alloc : memref<!tpu.dma_semaphore, #tpu.memory_space<semaphore_mem>>
      %dma_start3A_39 = arith.constant 0 : i32
      %dma_start3A_40 = tpu.memref_slice %arg4[%add3A_13, %dma_start3A_39] : memref<49152x128xf32, #tpu.memory_space<hbm>> -> memref<384x128xf32, #tpu.memory_space<hbm>>
      %dma_start3A_41 = arith.constant 0 : i32
      %dma_start3A_42 = tpu.memref_slice %arg4[%add3A_13, %dma_start3A_41] : memref<49152x128xf32, #tpu.memory_space<hbm>> -> memref<384x128xf32, #tpu.memory_space<hbm>>
      tpu.enqueue_dma source(%arg7 : memref<384x128xf32, #tpu.memory_space<vmem>>) target(%dma_start3A_42 : memref<384x128xf32, #tpu.memory_space<hbm>>) target_semaphore(%run_scoped3A : memref<!tpu.dma_semaphore, #tpu.memory_space<semaphore_mem>>)
      %dma_wait3A_43 = arith.constant 0 : i32
      %dma_wait3A_44 = tpu.memref_slice %arg4[%add3A_13, %dma_wait3A_43] : memref<49152x128xf32, #tpu.memory_space<hbm>> -> memref<384x128xf32, #tpu.memory_space<hbm>>
      %dma_wait3A_45 = arith.constant 0 : i32
      %dma_wait3A_46 = tpu.memref_slice %arg4[%add3A_13, %dma_wait3A_45] : memref<49152x128xf32, #tpu.memory_space<hbm>> -> memref<384x128xf32, #tpu.memory_space<hbm>>
      tpu.wait_dma2 semaphore(%run_scoped3A : memref<!tpu.dma_semaphore, #tpu.memory_space<semaphore_mem>>) src(%arg7 : memref<384x128xf32, #tpu.memory_space<vmem>>) dst(%dma_wait3A_46 : memref<384x128xf32, #tpu.memory_space<hbm>>)
      tpu.yield
    }) : () -> ()
    %add3A_14 = arith.constant 768 : i32
    %add3A_15 = arith.addi %mul3A_2, %add3A_14 : i32
    "tpu.region"() ({
      %run_scoped3A = tpu.sem_alloc : memref<!tpu.dma_semaphore, #tpu.memory_space<semaphore_mem>>
      %dma_start3A_39 = tpu.memref_slice %arg3[%add3A_15] : memref<49152xi32, #tpu.memory_space<hbm>> -> memref<384xi32, #tpu.memory_space<hbm>>
      %dma_start3A_40 = tpu.memref_slice %arg3[%add3A_15] : memref<49152xi32, #tpu.memory_space<hbm>> -> memref<384xi32, #tpu.memory_space<hbm>>
      tpu.enqueue_dma source(%dma_start3A_40 : memref<384xi32, #tpu.memory_space<hbm>>) target(%arg5 : memref<384xi32, #tpu.memory_space<vmem>>) target_semaphore(%run_scoped3A : memref<!tpu.dma_semaphore, #tpu.memory_space<semaphore_mem>>)
      %dma_wait3A_41 = tpu.memref_slice %arg3[%add3A_15] : memref<49152xi32, #tpu.memory_space<hbm>> -> memref<384xi32, #tpu.memory_space<hbm>>
      %dma_wait3A_42 = tpu.memref_slice %arg3[%add3A_15] : memref<49152xi32, #tpu.memory_space<hbm>> -> memref<384xi32, #tpu.memory_space<hbm>>
      tpu.wait_dma2 semaphore(%run_scoped3A : memref<!tpu.dma_semaphore, #tpu.memory_space<semaphore_mem>>) src(%dma_wait3A_42 : memref<384xi32, #tpu.memory_space<hbm>>) dst(%arg5 : memref<384xi32, #tpu.memory_space<vmem>>)
      tpu.yield
    }) : () -> ()
    %dma_start3A_16 = arith.constant 0 : i32
    %dma_start3A_17 = arith.constant 0 : i32
    %dma_start3A_18 = tpu.memref_slice %arg2[%dma_start3A_16, %dma_start3A_17] : memref<4096x128xf32, #tpu.memory_space<hbm>> -> memref<4096x128xf32, #tpu.memory_space<hbm>>
    tpu.enqueue_indirect_dma source(%dma_start3A_18 : memref<4096x128xf32, #tpu.memory_space<hbm>>) target(%arg7 : memref<384x128xf32, #tpu.memory_space<vmem>>) offsets(%arg5 : memref<384xi32, #tpu.memory_space<vmem>>) semaphore(%arg9 : memref<!tpu.dma_semaphore, #tpu.memory_space<semaphore_mem>>)
    %dma_wait3A_19 = arith.constant 0 : i32
    %dma_wait3A_20 = arith.constant 0 : i32
    %dma_wait3A_21 = tpu.memref_slice %arg2[%dma_wait3A_19, %dma_wait3A_20] : memref<4096x128xf32, #tpu.memory_space<hbm>> -> memref<4096x128xf32, #tpu.memory_space<hbm>>
    tpu.wait_indirect_dma semaphore(%arg10 : memref<!tpu.dma_semaphore, #tpu.memory_space<semaphore_mem>>) src(%dma_wait3A_21 : memref<4096x128xf32, #tpu.memory_space<hbm>>) dst(%arg8 : memref<384x128xf32, #tpu.memory_space<vmem>>)
    %add3A_22 = arith.constant 384 : i32
    %add3A_23 = arith.addi %mul3A_2, %add3A_22 : i32
    "tpu.region"() ({
      %run_scoped3A = tpu.sem_alloc : memref<!tpu.dma_semaphore, #tpu.memory_space<semaphore_mem>>
      %dma_start3A_39 = arith.constant 0 : i32
      %dma_start3A_40 = tpu.memref_slice %arg4[%add3A_23, %dma_start3A_39] : memref<49152x128xf32, #tpu.memory_space<hbm>> -> memref<384x128xf32, #tpu.memory_space<hbm>>
      %dma_start3A_41 = arith.constant 0 : i32
      %dma_start3A_42 = tpu.memref_slice %arg4[%add3A_23, %dma_start3A_41] : memref<49152x128xf32, #tpu.memory_space<hbm>> -> memref<384x128xf32, #tpu.memory_space<hbm>>
      tpu.enqueue_dma source(%arg8 : memref<384x128xf32, #tpu.memory_space<vmem>>) target(%dma_start3A_42 : memref<384x128xf32, #tpu.memory_space<hbm>>) target_semaphore(%run_scoped3A : memref<!tpu.dma_semaphore, #tpu.memory_space<semaphore_mem>>)
      %dma_wait3A_43 = arith.constant 0 : i32
      %dma_wait3A_44 = tpu.memref_slice %arg4[%add3A_23, %dma_wait3A_43] : memref<49152x128xf32, #tpu.memory_space<hbm>> -> memref<384x128xf32, #tpu.memory_space<hbm>>
      %dma_wait3A_45 = arith.constant 0 : i32
      %dma_wait3A_46 = tpu.memref_slice %arg4[%add3A_23, %dma_wait3A_45] : memref<49152x128xf32, #tpu.memory_space<hbm>> -> memref<384x128xf32, #tpu.memory_space<hbm>>
      tpu.wait_dma2 semaphore(%run_scoped3A : memref<!tpu.dma_semaphore, #tpu.memory_space<semaphore_mem>>) src(%arg8 : memref<384x128xf32, #tpu.memory_space<vmem>>) dst(%dma_wait3A_46 : memref<384x128xf32, #tpu.memory_space<hbm>>)
      tpu.yield
    }) : () -> ()
    %add3A_24 = arith.constant 1152 : i32
    %add3A_25 = arith.addi %mul3A_2, %add3A_24 : i32
    "tpu.region"() ({
      %run_scoped3A = tpu.sem_alloc : memref<!tpu.dma_semaphore, #tpu.memory_space<semaphore_mem>>
      %dma_start3A_39 = tpu.memref_slice %arg3[%add3A_25] : memref<49152xi32, #tpu.memory_space<hbm>> -> memref<384xi32, #tpu.memory_space<hbm>>
      %dma_start3A_40 = tpu.memref_slice %arg3[%add3A_25] : memref<49152xi32, #tpu.memory_space<hbm>> -> memref<384xi32, #tpu.memory_space<hbm>>
      tpu.enqueue_dma source(%dma_start3A_40 : memref<384xi32, #tpu.memory_space<hbm>>) target(%arg6 : memref<384xi32, #tpu.memory_space<vmem>>) target_semaphore(%run_scoped3A : memref<!tpu.dma_semaphore, #tpu.memory_space<semaphore_mem>>)
      %dma_wait3A_41 = tpu.memref_slice %arg3[%add3A_25] : memref<49152xi32, #tpu.memory_space<hbm>> -> memref<384xi32, #tpu.memory_space<hbm>>
      %dma_wait3A_42 = tpu.memref_slice %arg3[%add3A_25] : memref<49152xi32, #tpu.memory_space<hbm>> -> memref<384xi32, #tpu.memory_space<hbm>>
      tpu.wait_dma2 semaphore(%run_scoped3A : memref<!tpu.dma_semaphore, #tpu.memory_space<semaphore_mem>>) src(%dma_wait3A_42 : memref<384xi32, #tpu.memory_space<hbm>>) dst(%arg6 : memref<384xi32, #tpu.memory_space<vmem>>)
      tpu.yield
    }) : () -> ()
    %dma_start3A_26 = arith.constant 0 : i32
    %dma_start3A_27 = arith.constant 0 : i32
    %dma_start3A_28 = tpu.memref_slice %arg2[%dma_start3A_26, %dma_start3A_27] : memref<4096x128xf32, #tpu.memory_space<hbm>> -> memref<4096x128xf32, #tpu.memory_space<hbm>>
    tpu.enqueue_indirect_dma source(%dma_start3A_28 : memref<4096x128xf32, #tpu.memory_space<hbm>>) target(%arg8 : memref<384x128xf32, #tpu.memory_space<vmem>>) offsets(%arg6 : memref<384xi32, #tpu.memory_space<vmem>>) semaphore(%arg10 : memref<!tpu.dma_semaphore, #tpu.memory_space<semaphore_mem>>)
    %dma_wait3A_29 = arith.constant 0 : i32
    %dma_wait3A_30 = arith.constant 0 : i32
    %dma_wait3A_31 = tpu.memref_slice %arg2[%dma_wait3A_29, %dma_wait3A_30] : memref<4096x128xf32, #tpu.memory_space<hbm>> -> memref<4096x128xf32, #tpu.memory_space<hbm>>
    tpu.wait_indirect_dma semaphore(%arg9 : memref<!tpu.dma_semaphore, #tpu.memory_space<semaphore_mem>>) src(%dma_wait3A_31 : memref<4096x128xf32, #tpu.memory_space<hbm>>) dst(%arg7 : memref<384x128xf32, #tpu.memory_space<vmem>>)
    %add3A_32 = arith.constant 768 : i32
    %add3A_33 = arith.addi %mul3A_2, %add3A_32 : i32
    "tpu.region"() ({
      %run_scoped3A = tpu.sem_alloc : memref<!tpu.dma_semaphore, #tpu.memory_space<semaphore_mem>>
      %dma_start3A_39 = arith.constant 0 : i32
      %dma_start3A_40 = tpu.memref_slice %arg4[%add3A_33, %dma_start3A_39] : memref<49152x128xf32, #tpu.memory_space<hbm>> -> memref<384x128xf32, #tpu.memory_space<hbm>>
      %dma_start3A_41 = arith.constant 0 : i32
      %dma_start3A_42 = tpu.memref_slice %arg4[%add3A_33, %dma_start3A_41] : memref<49152x128xf32, #tpu.memory_space<hbm>> -> memref<384x128xf32, #tpu.memory_space<hbm>>
      tpu.enqueue_dma source(%arg7 : memref<384x128xf32, #tpu.memory_space<vmem>>) target(%dma_start3A_42 : memref<384x128xf32, #tpu.memory_space<hbm>>) target_semaphore(%run_scoped3A : memref<!tpu.dma_semaphore, #tpu.memory_space<semaphore_mem>>)
      %dma_wait3A_43 = arith.constant 0 : i32
      %dma_wait3A_44 = tpu.memref_slice %arg4[%add3A_33, %dma_wait3A_43] : memref<49152x128xf32, #tpu.memory_space<hbm>> -> memref<384x128xf32, #tpu.memory_space<hbm>>
      %dma_wait3A_45 = arith.constant 0 : i32
      %dma_wait3A_46 = tpu.memref_slice %arg4[%add3A_33, %dma_wait3A_45] : memref<49152x128xf32, #tpu.memory_space<hbm>> -> memref<384x128xf32, #tpu.memory_space<hbm>>
      tpu.wait_dma2 semaphore(%run_scoped3A : memref<!tpu.dma_semaphore, #tpu.memory_space<semaphore_mem>>) src(%arg7 : memref<384x128xf32, #tpu.memory_space<vmem>>) dst(%dma_wait3A_46 : memref<384x128xf32, #tpu.memory_space<hbm>>)
      tpu.yield
    }) : () -> ()
    %dma_wait3A_34 = arith.constant 0 : i32
    %dma_wait3A_35 = arith.constant 0 : i32
    %dma_wait3A_36 = tpu.memref_slice %arg2[%dma_wait3A_34, %dma_wait3A_35] : memref<4096x128xf32, #tpu.memory_space<hbm>> -> memref<4096x128xf32, #tpu.memory_space<hbm>>
    tpu.wait_indirect_dma semaphore(%arg10 : memref<!tpu.dma_semaphore, #tpu.memory_space<semaphore_mem>>) src(%dma_wait3A_36 : memref<4096x128xf32, #tpu.memory_space<hbm>>) dst(%arg8 : memref<384x128xf32, #tpu.memory_space<vmem>>)
    %add3A_37 = arith.constant 1152 : i32
    %add3A_38 = arith.addi %mul3A_2, %add3A_37 : i32
    "tpu.region"() ({
      %run_scoped3A = tpu.sem_alloc : memref<!tpu.dma_semaphore, #tpu.memory_space<semaphore_mem>>
      %dma_start3A_39 = arith.constant 0 : i32
      %dma_start3A_40 = tpu.memref_slice %arg4[%add3A_38, %dma_start3A_39] : memref<49152x128xf32, #tpu.memory_space<hbm>> -> memref<384x128xf32, #tpu.memory_space<hbm>>
      %dma_start3A_41 = arith.constant 0 : i32
      %dma_start3A_42 = tpu.memref_slice %arg4[%add3A_38, %dma_start3A_41] : memref<49152x128xf32, #tpu.memory_space<hbm>> -> memref<384x128xf32, #tpu.memory_space<hbm>>
      tpu.enqueue_dma source(%arg8 : memref<384x128xf32, #tpu.memory_space<vmem>>) target(%dma_start3A_42 : memref<384x128xf32, #tpu.memory_space<hbm>>) target_semaphore(%run_scoped3A : memref<!tpu.dma_semaphore, #tpu.memory_space<semaphore_mem>>)
      %dma_wait3A_43 = arith.constant 0 : i32
      %dma_wait3A_44 = tpu.memref_slice %arg4[%add3A_38, %dma_wait3A_43] : memref<49152x128xf32, #tpu.memory_space<hbm>> -> memref<384x128xf32, #tpu.memory_space<hbm>>
      %dma_wait3A_45 = arith.constant 0 : i32
      %dma_wait3A_46 = tpu.memref_slice %arg4[%add3A_38, %dma_wait3A_45] : memref<49152x128xf32, #tpu.memory_space<hbm>> -> memref<384x128xf32, #tpu.memory_space<hbm>>
      tpu.wait_dma2 semaphore(%run_scoped3A : memref<!tpu.dma_semaphore, #tpu.memory_space<semaphore_mem>>) src(%arg8 : memref<384x128xf32, #tpu.memory_space<vmem>>) dst(%dma_wait3A_46 : memref<384x128xf32, #tpu.memory_space<hbm>>)
      tpu.yield
    }) : () -> ()
    return
  }
}

module attributes {stable_mosaic.version = 14 : i64} {
  func.func @_cart_kernel(%arg0: memref<8x4096xf32, #tpu.memory_space<vmem>>, %arg1: memref<1x4096xi32, #tpu.memory_space<vmem>>, %arg2: memref<4096x1xi32, #tpu.memory_space<vmem>>, %arg3: memref<16x64xf32, #tpu.memory_space<vmem>>, %arg4: memref<64x64xf32, #tpu.memory_space<vmem>>, %arg5: memref<8x4096xf32, #tpu.memory_space<vmem>>, %arg6: memref<4096x1xi32, #tpu.memory_space<vmem>>, %arg7: memref<4096x1xi32, #tpu.memory_space<vmem>>) attributes {dimension_semantics = [], scalar_prefetch = 0 : i64, scratch_operands = 0 : i64, tpu.core_type = #tpu.core_type<tc>} {
    %get3A = arith.constant 0 : index
    %get3A_0 = arith.constant 0 : index
    %get3A_1 = vector.load %arg1[%get3A, %get3A_0] : memref<1x4096xi32, #tpu.memory_space<vmem>>, vector<1x4096xi32>
    %get3A_2 = arith.constant 0 : index
    %get3A_3 = arith.constant 0 : index
    %get3A_4 = vector.load %arg3[%get3A_2, %get3A_3] : memref<16x64xf32, #tpu.memory_space<vmem>>, vector<16x64xf32>
    %iota3A = tpu.iota {dimensions = array<i32: 0>} : vector<64x1xi32>
    %eq3A = vector.broadcast %iota3A : vector<64x1xi32> to vector<64x4096xi32>
    %eq3A_5 = vector.broadcast %get3A_1 : vector<1x4096xi32> to vector<64x4096xi32>
    %eq3A_6 = arith.cmpi eq, %eq3A, %eq3A_5 : vector<64x4096xi32>
    %convert_element_type3A = arith.extui %eq3A_6 : vector<64x4096xi1> to vector<64x4096xi32>
    %convert_element_type3A_7 = arith.sitofp %convert_element_type3A : vector<64x4096xi32> to vector<64x4096xf32>
    %dot_general3A = arith.constant dense<0.000000e+00> : vector<16x4096xf32>
    %dot_general3A_8 = tpu.matmul %get3A_4, %convert_element_type3A_7, %dot_general3A {dimension_numbers = #tpu.dot_dimension_numbers<[1], [0], [0], [1], [0, 0, 1, 1], [], []>, precision = #tpu.contract_precision<fp32>, transpose_lhs_hint = false} : vector<16x64xf32>, vector<64x4096xf32>, vector<16x4096xf32> -> vector<16x4096xf32>
    %get3A_9 = arith.constant 0 : index
    %get3A_10 = arith.constant 0 : index
    %get3A_11 = vector.load %arg0[%get3A_9, %get3A_10] : memref<8x4096xf32, #tpu.memory_space<vmem>>, vector<1x4096xf32>
    %get3A_12 = arith.constant 1 : index
    %get3A_13 = arith.constant 0 : index
    %get3A_14 = vector.load %arg0[%get3A_12, %get3A_13] : memref<8x4096xf32, #tpu.memory_space<vmem>>, vector<1x4096xf32>
    %get3A_15 = arith.constant 2 : index
    %get3A_16 = arith.constant 0 : index
    %get3A_17 = vector.load %arg0[%get3A_15, %get3A_16] : memref<8x4096xf32, #tpu.memory_space<vmem>>, vector<1x4096xf32>
    %slice3A = vector.extract_strided_slice %dot_general3A_8 {offsets = [0, 0], sizes = [1, 4096], strides = [1, 1]} : vector<16x4096xf32> to vector<1x4096xf32>
    %mul3A = arith.mulf %get3A_11, %slice3A : vector<1x4096xf32>
    %slice3A_18 = vector.extract_strided_slice %dot_general3A_8 {offsets = [3, 0], sizes = [1, 4096], strides = [1, 1]} : vector<16x4096xf32> to vector<1x4096xf32>
    %mul3A_19 = arith.mulf %get3A_14, %slice3A_18 : vector<1x4096xf32>
    %add3A = arith.addf %mul3A, %mul3A_19 : vector<1x4096xf32>
    %slice3A_20 = vector.extract_strided_slice %dot_general3A_8 {offsets = [6, 0], sizes = [1, 4096], strides = [1, 1]} : vector<16x4096xf32> to vector<1x4096xf32>
    %mul3A_21 = arith.mulf %get3A_17, %slice3A_20 : vector<1x4096xf32>
    %add3A_22 = arith.addf %add3A, %mul3A_21 : vector<1x4096xf32>
    %slice3A_23 = vector.extract_strided_slice %dot_general3A_8 {offsets = [1, 0], sizes = [1, 4096], strides = [1, 1]} : vector<16x4096xf32> to vector<1x4096xf32>
    %mul3A_24 = arith.mulf %get3A_11, %slice3A_23 : vector<1x4096xf32>
    %slice3A_25 = vector.extract_strided_slice %dot_general3A_8 {offsets = [4, 0], sizes = [1, 4096], strides = [1, 1]} : vector<16x4096xf32> to vector<1x4096xf32>
    %mul3A_26 = arith.mulf %get3A_14, %slice3A_25 : vector<1x4096xf32>
    %add3A_27 = arith.addf %mul3A_24, %mul3A_26 : vector<1x4096xf32>
    %slice3A_28 = vector.extract_strided_slice %dot_general3A_8 {offsets = [7, 0], sizes = [1, 4096], strides = [1, 1]} : vector<16x4096xf32> to vector<1x4096xf32>
    %mul3A_29 = arith.mulf %get3A_17, %slice3A_28 : vector<1x4096xf32>
    %add3A_30 = arith.addf %add3A_27, %mul3A_29 : vector<1x4096xf32>
    %slice3A_31 = vector.extract_strided_slice %dot_general3A_8 {offsets = [2, 0], sizes = [1, 4096], strides = [1, 1]} : vector<16x4096xf32> to vector<1x4096xf32>
    %mul3A_32 = arith.mulf %get3A_11, %slice3A_31 : vector<1x4096xf32>
    %slice3A_33 = vector.extract_strided_slice %dot_general3A_8 {offsets = [5, 0], sizes = [1, 4096], strides = [1, 1]} : vector<16x4096xf32> to vector<1x4096xf32>
    %mul3A_34 = arith.mulf %get3A_14, %slice3A_33 : vector<1x4096xf32>
    %add3A_35 = arith.addf %mul3A_32, %mul3A_34 : vector<1x4096xf32>
    %slice3A_36 = vector.extract_strided_slice %dot_general3A_8 {offsets = [8, 0], sizes = [1, 4096], strides = [1, 1]} : vector<16x4096xf32> to vector<1x4096xf32>
    %mul3A_37 = arith.mulf %get3A_17, %slice3A_36 : vector<1x4096xf32>
    %add3A_38 = arith.addf %add3A_35, %mul3A_37 : vector<1x4096xf32>
    %iota3A_39 = tpu.iota {dimensions = array<i32: 0>} : vector<8x4096xi32>
    %eq3A_40 = arith.constant 0 : i32
    %eq3A_41 = vector.broadcast %eq3A_40 : i32 to vector<8x4096xi32>
    %eq3A_42 = arith.cmpi eq, %iota3A_39, %eq3A_41 : vector<8x4096xi32>
    %eq3A_43 = arith.constant 1 : i32
    %eq3A_44 = vector.broadcast %eq3A_43 : i32 to vector<8x4096xi32>
    %eq3A_45 = arith.cmpi eq, %iota3A_39, %eq3A_44 : vector<8x4096xi32>
    %eq3A_46 = arith.constant 2 : i32
    %eq3A_47 = vector.broadcast %eq3A_46 : i32 to vector<8x4096xi32>
    %eq3A_48 = arith.cmpi eq, %iota3A_39, %eq3A_47 : vector<8x4096xi32>
    %jit3A = arith.constant 0.000000e+00 : f32
    %broadcast_in_dim3A = vector.shape_cast %add3A_38 : vector<1x4096xf32> to vector<1x4096xf32>
    %broadcast_in_dim3A_49 = vector.broadcast %broadcast_in_dim3A : vector<1x4096xf32> to vector<8x4096xf32>
    %broadcast_in_dim3A_50 = vector.broadcast %jit3A : f32 to vector<8x4096xf32>
    %select_n3A = arith.select %eq3A_48, %broadcast_in_dim3A_49, %broadcast_in_dim3A_50 : vector<8x4096xi1>, vector<8x4096xf32>
    %broadcast_in_dim3A_51 = vector.shape_cast %add3A_30 : vector<1x4096xf32> to vector<1x4096xf32>
    %broadcast_in_dim3A_52 = vector.broadcast %broadcast_in_dim3A_51 : vector<1x4096xf32> to vector<8x4096xf32>
    %select_n3A_53 = arith.select %eq3A_45, %broadcast_in_dim3A_52, %select_n3A : vector<8x4096xi1>, vector<8x4096xf32>
    %broadcast_in_dim3A_54 = vector.shape_cast %add3A_22 : vector<1x4096xf32> to vector<1x4096xf32>
    %broadcast_in_dim3A_55 = vector.broadcast %broadcast_in_dim3A_54 : vector<1x4096xf32> to vector<8x4096xf32>
    %select_n3A_56 = arith.select %eq3A_42, %broadcast_in_dim3A_55, %select_n3A_53 : vector<8x4096xi1>, vector<8x4096xf32>
    %swap3A = arith.constant 0 : index
    %swap3A_57 = arith.constant 0 : index
    %swap3A_58 = vector.load %arg5[%swap3A, %swap3A_57] : memref<8x4096xf32, #tpu.memory_space<vmem>>, vector<8x4096xf32>
    tpu.vector_store %arg5[%swap3A, %swap3A_57], %select_n3A_56 {strides = array<i32>} : memref<8x4096xf32, #tpu.memory_space<vmem>>, vector<8x4096xf32>,
    %get3A_59 = arith.constant 0 : index
    %get3A_60 = arith.constant 0 : index
    %get3A_61 = vector.load %arg2[%get3A_59, %get3A_60] : memref<4096x1xi32, #tpu.memory_space<vmem>>, vector<4096x1xi32>
    %iota3A_62 = tpu.iota {dimensions = array<i32: 1>} : vector<1x64xi32>
    %eq3A_63 = vector.broadcast %get3A_61 : vector<4096x1xi32> to vector<4096x64xi32>
    %eq3A_64 = vector.broadcast %iota3A_62 : vector<1x64xi32> to vector<4096x64xi32>
    %eq3A_65 = arith.cmpi eq, %eq3A_63, %eq3A_64 : vector<4096x64xi32>
    %convert_element_type3A_66 = arith.extui %eq3A_65 : vector<4096x64xi1> to vector<4096x64xi32>
    %convert_element_type3A_67 = arith.sitofp %convert_element_type3A_66 : vector<4096x64xi32> to vector<4096x64xf32>
    %broadcast_in_dim3A_68 = arith.constant 1.000000e+00 : f32
    %broadcast_in_dim3A_69 = vector.broadcast %broadcast_in_dim3A_68 : f32 to vector<4096x1xf32>
    %dot_general3A_70 = arith.constant dense<0.000000e+00> : vector<64x1xf32>
    %dot_general3A_71 = tpu.matmul %convert_element_type3A_7, %broadcast_in_dim3A_69, %dot_general3A_70 {dimension_numbers = #tpu.dot_dimension_numbers<[1], [0], [0], [1], [0, 0, 1, 1], [], []>, precision = #tpu.contract_precision<fp32>, transpose_lhs_hint = false} : vector<64x4096xf32>, vector<4096x1xf32>, vector<64x1xf32> -> vector<64x1xf32>
    %get3A_72 = arith.constant 0 : index
    %get3A_73 = arith.constant 0 : index
    %get3A_74 = vector.load %arg4[%get3A_72, %get3A_73] : memref<64x64xf32, #tpu.memory_space<vmem>>, vector<64x64xf32>
    %dot_general3A_75 = arith.constant dense<0.000000e+00> : vector<64x1xf32>
    %dot_general3A_76 = tpu.matmul %get3A_74, %dot_general3A_71, %dot_general3A_75 {dimension_numbers = #tpu.dot_dimension_numbers<[1], [0], [0], [1], [0, 0, 1, 1], [], []>, precision = #tpu.contract_precision<fp32>, transpose_lhs_hint = false} : vector<64x64xf32>, vector<64x1xf32>, vector<64x1xf32> -> vector<64x1xf32>
    %add3A_77 = arith.addf %dot_general3A_76, %dot_general3A_71 : vector<64x1xf32>
    %dot_general3A_78 = arith.constant dense<0.000000e+00> : vector<4096x1xf32>
    %dot_general3A_79 = tpu.matmul %convert_element_type3A_67, %dot_general3A_76, %dot_general3A_78 {dimension_numbers = #tpu.dot_dimension_numbers<[1], [0], [0], [1], [0, 0, 1, 1], [], []>, precision = #tpu.contract_precision<fp32>, transpose_lhs_hint = false} : vector<4096x64xf32>, vector<64x1xf32>, vector<4096x1xf32> -> vector<4096x1xf32>
    %dot_general3A_80 = arith.constant dense<0.000000e+00> : vector<4096x1xf32>
    %dot_general3A_81 = tpu.matmul %convert_element_type3A_67, %add3A_77, %dot_general3A_80 {dimension_numbers = #tpu.dot_dimension_numbers<[1], [0], [0], [1], [0, 0, 1, 1], [], []>, precision = #tpu.contract_precision<fp32>, transpose_lhs_hint = false} : vector<4096x64xf32>, vector<64x1xf32>, vector<4096x1xf32> -> vector<4096x1xf32>
    %convert_element_type3A_82 = arith.fptosi %dot_general3A_79 : vector<4096x1xf32> to vector<4096x1xi32>
    %swap3A_83 = arith.constant 0 : index
    %swap3A_84 = arith.constant 0 : index
    %swap3A_85 = vector.load %arg6[%swap3A_83, %swap3A_84] : memref<4096x1xi32, #tpu.memory_space<vmem>>, vector<4096x1xi32>
    tpu.vector_store %arg6[%swap3A_83, %swap3A_84], %convert_element_type3A_82 {strides = array<i32>} : memref<4096x1xi32, #tpu.memory_space<vmem>>, vector<4096x1xi32>,
    %convert_element_type3A_86 = arith.fptosi %dot_general3A_81 : vector<4096x1xf32> to vector<4096x1xi32>
    %swap3A_87 = arith.constant 0 : index
    %swap3A_88 = arith.constant 0 : index
    %swap3A_89 = vector.load %arg7[%swap3A_87, %swap3A_88] : memref<4096x1xi32, #tpu.memory_space<vmem>>, vector<4096x1xi32>
    tpu.vector_store %arg7[%swap3A_87, %swap3A_88], %convert_element_type3A_86 {strides = array<i32>} : memref<4096x1xi32, #tpu.memory_space<vmem>>, vector<4096x1xi32>,
    return
  }
}

module attributes {stable_mosaic.version = 14 : i64} {
  func.func @_topk_kernel(%arg0: i32, %arg1: memref<4096xi32, #tpu.memory_space<smem>>, %arg2: memref<4096xi32, #tpu.memory_space<smem>>, %arg3: memref<8x4096xf32, #tpu.memory_space<vmem>>, %arg4: memref<1x4096xi32, #tpu.memory_space<vmem>>, %arg5: memref<4096x4xf32, #tpu.memory_space<vmem>>, %arg6: memref<4096x1xi32, #tpu.memory_space<vmem>>, %arg7: memref<1x4096xi32, #tpu.memory_space<vmem>>, %arg8: memref<1x4096xi32, #tpu.memory_space<vmem>>, %arg9: memref<16x128xf32, #tpu.memory_space<vmem>>, %arg10: memref<16x128xf32, #tpu.memory_space<vmem>>) attributes {dimension_semantics = [#tpu.dimension_semantics<arbitrary>], iteration_bounds = array<i64: 32>, scalar_prefetch = 2 : i64, scratch_operands = 0 : i64, tpu.core_type = #tpu.core_type<tc>, window_params = [{pipeline_mode = #tpu.pipeline_mode<synchronous>, transform_indices = @transform_0, window_bounds = array<i64: 8, 4096>}, {pipeline_mode = #tpu.pipeline_mode<synchronous>, transform_indices = @transform_1, window_bounds = array<i64: 1, 4096>}, {pipeline_mode = #tpu.pipeline_mode<synchronous>, transform_indices = @transform_2, window_bounds = array<i64: 4096, 4>}, {pipeline_mode = #tpu.pipeline_mode<synchronous>, transform_indices = @transform_3, window_bounds = array<i64: 4096, 1>}, {pipeline_mode = #tpu.pipeline_mode<synchronous>, transform_indices = @transform_4, window_bounds = array<i64: 1, 4096>}, {pipeline_mode = #tpu.pipeline_mode<synchronous>, transform_indices = @transform_5, window_bounds = array<i64: 1, 4096>}, {transform_indices = @transform_6, window_bounds = array<i64: 16, 128>}, {transform_indices = @transform_7, window_bounds = array<i64: 16, 128>}]} {
    %mul3A = arith.constant 128 : i32
    %mul3A_0 = arith.muli %arg0, %mul3A : i32
    %get3A = arith.index_cast %mul3A_0 : i32 to index
    %get3A_1 = memref.load %arg1[%get3A] : memref<4096xi32, #tpu.memory_space<smem>>
    %add3A = arith.constant 128 : i32
    %add3A_2 = arith.addi %mul3A_0, %add3A : i32
    %sub3A = arith.constant 1 : i32
    %sub3A_3 = arith.subi %add3A_2, %sub3A : i32
    %get3A_4 = arith.index_cast %sub3A_3 : i32 to index
    %get3A_5 = memref.load %arg2[%get3A_4] : memref<4096xi32, #tpu.memory_space<smem>>
    %jit3A = arith.constant 256 : i32
    %div3A = arith.divsi %get3A_1, %jit3A : i32
    %sign3A = arith.constant 0 : i32
    %sign3A_6 = arith.cmpi sgt, %get3A_1, %sign3A : i32
    %sign3A_7 = arith.extui %sign3A_6 : i1 to i32
    %sign3A_8 = arith.constant 0 : i32
    %sign3A_9 = arith.cmpi slt, %get3A_1, %sign3A_8 : i32
    %sign3A_10 = arith.extui %sign3A_9 : i1 to i32
    %sign3A_11 = arith.subi %sign3A_7, %sign3A_10 : i32
    %sign3A_12 = arith.constant 0 : i32
    %sign3A_13 = arith.cmpi sgt, %jit3A, %sign3A_12 : i32
    %sign3A_14 = arith.extui %sign3A_13 : i1 to i32
    %sign3A_15 = arith.constant 0 : i32
    %sign3A_16 = arith.cmpi slt, %jit3A, %sign3A_15 : i32
    %sign3A_17 = arith.extui %sign3A_16 : i1 to i32
    %sign3A_18 = arith.subi %sign3A_14, %sign3A_17 : i32
    %ne3A = arith.cmpi ne, %sign3A_11, %sign3A_18 : i32
    %rem3A = arith.remsi %get3A_1, %jit3A : i32
    %ne3A_19 = arith.constant 0 : i32
    %ne3A_20 = arith.cmpi ne, %rem3A, %ne3A_19 : i32
    %and3A = arith.andi %ne3A, %ne3A_20 : i1
    %sub3A_21 = arith.constant 1 : i32
    %sub3A_22 = arith.subi %div3A, %sub3A_21 : i32
    %select_n3A = arith.select %and3A, %sub3A_22, %div3A : i32
    %add3A_23 = arith.constant 256 : i32
    %add3A_24 = arith.addi %get3A_5, %add3A_23 : i32
    %sub3A_25 = arith.constant 1 : i32
    %sub3A_26 = arith.subi %add3A_24, %sub3A_25 : i32
    %jit3A_27 = arith.constant 256 : i32
    %div3A_28 = arith.divsi %sub3A_26, %jit3A_27 : i32
    %sign3A_29 = arith.constant 0 : i32
    %sign3A_30 = arith.cmpi sgt, %sub3A_26, %sign3A_29 : i32
    %sign3A_31 = arith.extui %sign3A_30 : i1 to i32
    %sign3A_32 = arith.constant 0 : i32
    %sign3A_33 = arith.cmpi slt, %sub3A_26, %sign3A_32 : i32
    %sign3A_34 = arith.extui %sign3A_33 : i1 to i32
    %sign3A_35 = arith.subi %sign3A_31, %sign3A_34 : i32
    %sign3A_36 = arith.constant 0 : i32
    %sign3A_37 = arith.cmpi sgt, %jit3A_27, %sign3A_36 : i32
    %sign3A_38 = arith.extui %sign3A_37 : i1 to i32
    %sign3A_39 = arith.constant 0 : i32
    %sign3A_40 = arith.cmpi slt, %jit3A_27, %sign3A_39 : i32
    %sign3A_41 = arith.extui %sign3A_40 : i1 to i32
    %sign3A_42 = arith.subi %sign3A_38, %sign3A_41 : i32
    %ne3A_43 = arith.cmpi ne, %sign3A_35, %sign3A_42 : i32
    %rem3A_44 = arith.remsi %sub3A_26, %jit3A_27 : i32
    %ne3A_45 = arith.constant 0 : i32
    %ne3A_46 = arith.cmpi ne, %rem3A_44, %ne3A_45 : i32
    %and3A_47 = arith.andi %ne3A_43, %ne3A_46 : i1
    %sub3A_48 = arith.constant 1 : i32
    %sub3A_49 = arith.subi %div3A_28, %sub3A_48 : i32
    %select_n3A_50 = arith.select %and3A_47, %sub3A_49, %div3A_28 : i32
    %get3A_51 = arith.constant 0 : index
    %get3A_52 = arith.index_cast %mul3A_0 : i32 to index
    %get3A_53 = vector.load %arg3[%get3A_51, %get3A_52] : memref<8x4096xf32, #tpu.memory_space<vmem>>, vector<1x128xf32>
    %get3A_54 = arith.constant 1 : index
    %get3A_55 = arith.index_cast %mul3A_0 : i32 to index
    %get3A_56 = vector.load %arg3[%get3A_54, %get3A_55] : memref<8x4096xf32, #tpu.memory_space<vmem>>, vector<1x128xf32>
    %get3A_57 = arith.constant 2 : index
    %get3A_58 = arith.index_cast %mul3A_0 : i32 to index
    %get3A_59 = vector.load %arg3[%get3A_57, %get3A_58] : memref<8x4096xf32, #tpu.memory_space<vmem>>, vector<1x128xf32>
    %get3A_60 = arith.constant 0 : index
    %get3A_61 = arith.index_cast %mul3A_0 : i32 to index
    %get3A_62 = vector.load %arg4[%get3A_60, %get3A_61] : memref<1x4096xi32, #tpu.memory_space<vmem>>, vector<1x128xi32>
    %iota3A = tpu.iota {dimensions = array<i32: 1>} : vector<1x128xi32>
    %add3A_63 = vector.broadcast %mul3A_0 : i32 to vector<1x128xi32>
    %add3A_64 = arith.addi %add3A_63, %iota3A : vector<1x128xi32>
    %broadcast_in_dim3A = arith.constant 1.000000e+30 : f32
    %broadcast_in_dim3A_65 = vector.broadcast %broadcast_in_dim3A : f32 to vector<16x128xf32>
    %broadcast_in_dim3A_66 = arith.constant 1.000000e+09 : f32
    %broadcast_in_dim3A_67 = vector.broadcast %broadcast_in_dim3A_66 : f32 to vector<16x128xf32>
    %while3A = arith.subi %select_n3A_50, %select_n3A : i32
    %while3A_68 = arith.addi %select_n3A, %while3A : i32
    %while3A_69 = arith.constant 1 : i32
    %while3A_70 = arith.divsi %while3A, %while3A_69 : i32
    %while3A_71 = arith.muli %while3A_70, %while3A_69 : i32
    %while3A_72 = arith.addi %select_n3A, %while3A_71 : i32
    %while3A_73 = arith.constant 1 : i32
    %while3A_74:2 = scf.for %while3A_116 = %select_n3A to %while3A_72 step %while3A_73 iter_args(%while3A_117 = %broadcast_in_dim3A_65, %while3A_118 = %broadcast_in_dim3A_67) -> (vector<16x128xf32>, vector<16x128xf32>)  : i32 {
      %mul3A_119 = arith.constant 256 : i32
      %mul3A_120 = arith.muli %while3A_116, %mul3A_119 : i32
      %get3A_121 = arith.index_cast %mul3A_120 : i32 to index
      %get3A_122 = arith.constant 0 : index
      %get3A_123 = vector.load %arg6[%get3A_121, %get3A_122] : memref<4096x1xi32, #tpu.memory_space<vmem>>, vector<256x1xi32>
      %iota3A_124 = tpu.iota {dimensions = array<i32: 0>} : vector<256x1xi32>
      %add3A_125 = vector.broadcast %mul3A_120 : i32 to vector<256x1xi32>
      %add3A_126 = arith.addi %add3A_125, %iota3A_124 : vector<256x1xi32>
      %get3A_127 = arith.index_cast %mul3A_120 : i32 to index
      %get3A_128 = arith.constant 0 : index
      %get3A_129 = vector.load %arg5[%get3A_127, %get3A_128] : memref<4096x4xf32, #tpu.memory_space<vmem>>, vector<256x1xf32>
      %sub3A_130 = vector.broadcast %get3A_129 : vector<256x1xf32> to vector<256x128xf32>
      %sub3A_131 = vector.broadcast %get3A_53 : vector<1x128xf32> to vector<256x128xf32>
      %sub3A_132 = arith.subf %sub3A_130, %sub3A_131 : vector<256x128xf32>
      %get3A_133 = arith.index_cast %mul3A_120 : i32 to index
      %get3A_134 = arith.constant 1 : index
      %get3A_135 = vector.load %arg5[%get3A_133, %get3A_134] : memref<4096x4xf32, #tpu.memory_space<vmem>>, vector<256x1xf32>
      %sub3A_136 = vector.broadcast %get3A_135 : vector<256x1xf32> to vector<256x128xf32>
      %sub3A_137 = vector.broadcast %get3A_56 : vector<1x128xf32> to vector<256x128xf32>
      %sub3A_138 = arith.subf %sub3A_136, %sub3A_137 : vector<256x128xf32>
      %get3A_139 = arith.index_cast %mul3A_120 : i32 to index
      %get3A_140 = arith.constant 2 : index
      %get3A_141 = vector.load %arg5[%get3A_139, %get3A_140] : memref<4096x4xf32, #tpu.memory_space<vmem>>, vector<256x1xf32>
      %sub3A_142 = vector.broadcast %get3A_141 : vector<256x1xf32> to vector<256x128xf32>
      %sub3A_143 = vector.broadcast %get3A_59 : vector<1x128xf32> to vector<256x128xf32>
      %sub3A_144 = arith.subf %sub3A_142, %sub3A_143 : vector<256x128xf32>
      %mul3A_145 = arith.mulf %sub3A_132, %sub3A_132 : vector<256x128xf32>
      %mul3A_146 = arith.mulf %sub3A_138, %sub3A_138 : vector<256x128xf32>
      %add3A_147 = arith.addf %mul3A_145, %mul3A_146 : vector<256x128xf32>
      %mul3A_148 = arith.mulf %sub3A_144, %sub3A_144 : vector<256x128xf32>
      %add3A_149 = arith.addf %add3A_147, %mul3A_148 : vector<256x128xf32>
      %eq3A_150 = vector.broadcast %get3A_123 : vector<256x1xi32> to vector<256x128xi32>
      %eq3A_151 = vector.broadcast %get3A_62 : vector<1x128xi32> to vector<256x128xi32>
      %eq3A_152 = arith.cmpi eq, %eq3A_150, %eq3A_151 : vector<256x128xi32>
      %ne3A_153 = vector.broadcast %add3A_126 : vector<256x1xi32> to vector<256x128xi32>
      %ne3A_154 = vector.broadcast %add3A_64 : vector<1x128xi32> to vector<256x128xi32>
      %ne3A_155 = arith.cmpi ne, %ne3A_153, %ne3A_154 : vector<256x128xi32>
      %and3A_156 = arith.andi %eq3A_152, %ne3A_155 : vector<256x128xi1>
      %jit3A_157 = arith.constant 9.99999995E+11 : f32
      %broadcast_in_dim3A_158 = vector.broadcast %jit3A_157 : f32 to vector<256x128xf32>
      %select_n3A_159 = arith.select %and3A_156, %add3A_149, %broadcast_in_dim3A_158 : vector<256x128xi1>, vector<256x128xf32>
      %convert_element_type3A_160 = arith.sitofp %add3A_126 : vector<256x1xi32> to vector<256x1xf32>
      %broadcast_in_dim3A_161 = vector.shape_cast %convert_element_type3A_160 : vector<256x1xf32> to vector<256x1xf32>
      %broadcast_in_dim3A_162 = vector.broadcast %broadcast_in_dim3A_161 : vector<256x1xf32> to vector<256x128xf32>
      %concatenate3A = tpu.concatenate %while3A_117, %select_n3A_159 in 0 : vector<16x128xf32>, vector<256x128xf32> -> vector<272x128xf32>
      %concatenate3A_163 = tpu.concatenate %while3A_118, %broadcast_in_dim3A_162 in 0 : vector<16x128xf32>, vector<256x128xf32> -> vector<272x128xf32>
      %iota3A_164 = tpu.iota {dimensions = array<i32: 0>} : vector<16x128xi32>
      %broadcast_in_dim3A_165 = arith.constant 1.000000e+30 : f32
      %broadcast_in_dim3A_166 = vector.broadcast %broadcast_in_dim3A_165 : f32 to vector<16x128xf32>
      %broadcast_in_dim3A_167 = arith.constant 1.000000e+09 : f32
      %broadcast_in_dim3A_168 = vector.broadcast %broadcast_in_dim3A_167 : f32 to vector<16x128xf32>
      %reduce_min3A = arith.constant dense<0x7F800000> : vector<128xf32>
      %reduce_min3A_169 = vector.multi_reduction <minimumf>, %concatenate3A, %reduce_min3A [0] : vector<272x128xf32> to vector<128xf32>
      %broadcast_in_dim3A_170 = vector.shape_cast %reduce_min3A_169 : vector<128xf32> to vector<1x128xf32>
      %eq3A_171 = vector.broadcast %broadcast_in_dim3A_170 : vector<1x128xf32> to vector<272x128xf32>
      %eq3A_172 = arith.cmpf oeq, %concatenate3A, %eq3A_171 : vector<272x128xf32>
      %jit3A_173 = arith.constant 1.000000e+09 : f32
      %broadcast_in_dim3A_174 = vector.broadcast %jit3A_173 : f32 to vector<272x128xf32>
      %select_n3A_175 = arith.select %eq3A_172, %concatenate3A_163, %broadcast_in_dim3A_174 : vector<272x128xi1>, vector<272x128xf32>
      %reduce_min3A_176 = arith.constant dense<0x7F800000> : vector<128xf32>
      %reduce_min3A_177 = vector.multi_reduction <minimumf>, %select_n3A_175, %reduce_min3A_176 [0] : vector<272x128xf32> to vector<128xf32>
      %broadcast_in_dim3A_178 = vector.shape_cast %reduce_min3A_177 : vector<128xf32> to vector<1x128xf32>
      %eq3A_179 = vector.broadcast %broadcast_in_dim3A_178 : vector<1x128xf32> to vector<272x128xf32>
      %eq3A_180 = arith.cmpf oeq, %concatenate3A_163, %eq3A_179 : vector<272x128xf32>
      %and3A_181 = arith.andi %eq3A_172, %eq3A_180 : vector<272x128xi1>
      %eq3A_182 = arith.constant 0 : i32
      %eq3A_183 = vector.broadcast %eq3A_182 : i32 to vector<16x128xi32>
      %eq3A_184 = arith.cmpi eq, %iota3A_164, %eq3A_183 : vector<16x128xi32>
      %broadcast_in_dim3A_185 = vector.shape_cast %broadcast_in_dim3A_170 : vector<1x128xf32> to vector<1x128xf32>
      %broadcast_in_dim3A_186 = vector.broadcast %broadcast_in_dim3A_185 : vector<1x128xf32> to vector<16x128xf32>
      %select_n3A_187 = arith.select %eq3A_184, %broadcast_in_dim3A_186, %broadcast_in_dim3A_166 : vector<16x128xi1>, vector<16x128xf32>
      %eq3A_188 = arith.constant 0 : i32
      %eq3A_189 = vector.broadcast %eq3A_188 : i32 to vector<16x128xi32>
      %eq3A_190 = arith.cmpi eq, %iota3A_164, %eq3A_189 : vector<16x128xi32>
      %broadcast_in_dim3A_191 = vector.shape_cast %broadcast_in_dim3A_178 : vector<1x128xf32> to vector<1x128xf32>
      %broadcast_in_dim3A_192 = vector.broadcast %broadcast_in_dim3A_191 : vector<1x128xf32> to vector<16x128xf32>
      %select_n3A_193 = arith.select %eq3A_190, %broadcast_in_dim3A_192, %broadcast_in_dim3A_168 : vector<16x128xi1>, vector<16x128xf32>
      %jit3A_194 = arith.constant 1.000000e+30 : f32
      %broadcast_in_dim3A_195 = vector.broadcast %jit3A_194 : f32 to vector<272x128xf32>
      %select_n3A_196 = arith.select %and3A_181, %broadcast_in_dim3A_195, %concatenate3A : vector<272x128xi1>, vector<272x128xf32>
      %reduce_min3A_197 = arith.constant dense<0x7F800000> : vector<128xf32>
      %reduce_min3A_198 = vector.multi_reduction <minimumf>, %select_n3A_196, %reduce_min3A_197 [0] : vector<272x128xf32> to vector<128xf32>
      %broadcast_in_dim3A_199 = vector.shape_cast %reduce_min3A_198 : vector<128xf32> to vector<1x128xf32>
      %eq3A_200 = vector.broadcast %broadcast_in_dim3A_199 : vector<1x128xf32> to vector<272x128xf32>
      %eq3A_201 = arith.cmpf oeq, %select_n3A_196, %eq3A_200 : vector<272x128xf32>
      %jit3A_202 = arith.constant 1.000000e+09 : f32
      %broadcast_in_dim3A_203 = vector.broadcast %jit3A_202 : f32 to vector<272x128xf32>
      %select_n3A_204 = arith.select %eq3A_201, %concatenate3A_163, %broadcast_in_dim3A_203 : vector<272x128xi1>, vector<272x128xf32>
      %reduce_min3A_205 = arith.constant dense<0x7F800000> : vector<128xf32>
      %reduce_min3A_206 = vector.multi_reduction <minimumf>, %select_n3A_204, %reduce_min3A_205 [0] : vector<272x128xf32> to vector<128xf32>
      %broadcast_in_dim3A_207 = vector.shape_cast %reduce_min3A_206 : vector<128xf32> to vector<1x128xf32>
      %eq3A_208 = vector.broadcast %broadcast_in_dim3A_207 : vector<1x128xf32> to vector<272x128xf32>
      %eq3A_209 = arith.cmpf oeq, %concatenate3A_163, %eq3A_208 : vector<272x128xf32>
      %and3A_210 = arith.andi %eq3A_201, %eq3A_209 : vector<272x128xi1>
      %eq3A_211 = arith.constant 1 : i32
      %eq3A_212 = vector.broadcast %eq3A_211 : i32 to vector<16x128xi32>
      %eq3A_213 = arith.cmpi eq, %iota3A_164, %eq3A_212 : vector<16x128xi32>
      %broadcast_in_dim3A_214 = vector.shape_cast %broadcast_in_dim3A_199 : vector<1x128xf32> to vector<1x128xf32>
      %broadcast_in_dim3A_215 = vector.broadcast %broadcast_in_dim3A_214 : vector<1x128xf32> to vector<16x128xf32>
      %select_n3A_216 = arith.select %eq3A_213, %broadcast_in_dim3A_215, %select_n3A_187 : vector<16x128xi1>, vector<16x128xf32>
      %eq3A_217 = arith.constant 1 : i32
      %eq3A_218 = vector.broadcast %eq3A_217 : i32 to vector<16x128xi32>
      %eq3A_219 = arith.cmpi eq, %iota3A_164, %eq3A_218 : vector<16x128xi32>
      %broadcast_in_dim3A_220 = vector.shape_cast %broadcast_in_dim3A_207 : vector<1x128xf32> to vector<1x128xf32>
      %broadcast_in_dim3A_221 = vector.broadcast %broadcast_in_dim3A_220 : vector<1x128xf32> to vector<16x128xf32>
      %select_n3A_222 = arith.select %eq3A_219, %broadcast_in_dim3A_221, %select_n3A_193 : vector<16x128xi1>, vector<16x128xf32>
      %jit3A_223 = arith.constant 1.000000e+30 : f32
      %broadcast_in_dim3A_224 = vector.broadcast %jit3A_223 : f32 to vector<272x128xf32>
      %select_n3A_225 = arith.select %and3A_210, %broadcast_in_dim3A_224, %select_n3A_196 : vector<272x128xi1>, vector<272x128xf32>
      %reduce_min3A_226 = arith.constant dense<0x7F800000> : vector<128xf32>
      %reduce_min3A_227 = vector.multi_reduction <minimumf>, %select_n3A_225, %reduce_min3A_226 [0] : vector<272x128xf32> to vector<128xf32>
      %broadcast_in_dim3A_228 = vector.shape_cast %reduce_min3A_227 : vector<128xf32> to vector<1x128xf32>
      %eq3A_229 = vector.broadcast %broadcast_in_dim3A_228 : vector<1x128xf32> to vector<272x128xf32>
      %eq3A_230 = arith.cmpf oeq, %select_n3A_225, %eq3A_229 : vector<272x128xf32>
      %jit3A_231 = arith.constant 1.000000e+09 : f32
      %broadcast_in_dim3A_232 = vector.broadcast %jit3A_231 : f32 to vector<272x128xf32>
      %select_n3A_233 = arith.select %eq3A_230, %concatenate3A_163, %broadcast_in_dim3A_232 : vector<272x128xi1>, vector<272x128xf32>
      %reduce_min3A_234 = arith.constant dense<0x7F800000> : vector<128xf32>
      %reduce_min3A_235 = vector.multi_reduction <minimumf>, %select_n3A_233, %reduce_min3A_234 [0] : vector<272x128xf32> to vector<128xf32>
      %broadcast_in_dim3A_236 = vector.shape_cast %reduce_min3A_235 : vector<128xf32> to vector<1x128xf32>
      %eq3A_237 = vector.broadcast %broadcast_in_dim3A_236 : vector<1x128xf32> to vector<272x128xf32>
      %eq3A_238 = arith.cmpf oeq, %concatenate3A_163, %eq3A_237 : vector<272x128xf32>
      %and3A_239 = arith.andi %eq3A_230, %eq3A_238 : vector<272x128xi1>
      %eq3A_240 = arith.constant 2 : i32
      %eq3A_241 = vector.broadcast %eq3A_240 : i32 to vector<16x128xi32>
      %eq3A_242 = arith.cmpi eq, %iota3A_164, %eq3A_241 : vector<16x128xi32>
      %broadcast_in_dim3A_243 = vector.shape_cast %broadcast_in_dim3A_228 : vector<1x128xf32> to vector<1x128xf32>
      %broadcast_in_dim3A_244 = vector.broadcast %broadcast_in_dim3A_243 : vector<1x128xf32> to vector<16x128xf32>
      %select_n3A_245 = arith.select %eq3A_242, %broadcast_in_dim3A_244, %select_n3A_216 : vector<16x128xi1>, vector<16x128xf32>
      %eq3A_246 = arith.constant 2 : i32
      %eq3A_247 = vector.broadcast %eq3A_246 : i32 to vector<16x128xi32>
      %eq3A_248 = arith.cmpi eq, %iota3A_164, %eq3A_247 : vector<16x128xi32>
      %broadcast_in_dim3A_249 = vector.shape_cast %broadcast_in_dim3A_236 : vector<1x128xf32> to vector<1x128xf32>
      %broadcast_in_dim3A_250 = vector.broadcast %broadcast_in_dim3A_249 : vector<1x128xf32> to vector<16x128xf32>
      %select_n3A_251 = arith.select %eq3A_248, %broadcast_in_dim3A_250, %select_n3A_222 : vector<16x128xi1>, vector<16x128xf32>
      %jit3A_252 = arith.constant 1.000000e+30 : f32
      %broadcast_in_dim3A_253 = vector.broadcast %jit3A_252 : f32 to vector<272x128xf32>
      %select_n3A_254 = arith.select %and3A_239, %broadcast_in_dim3A_253, %select_n3A_225 : vector<272x128xi1>, vector<272x128xf32>
      %reduce_min3A_255 = arith.constant dense<0x7F800000> : vector<128xf32>
      %reduce_min3A_256 = vector.multi_reduction <minimumf>, %select_n3A_254, %reduce_min3A_255 [0] : vector<272x128xf32> to vector<128xf32>
      %broadcast_in_dim3A_257 = vector.shape_cast %reduce_min3A_256 : vector<128xf32> to vector<1x128xf32>
      %eq3A_258 = vector.broadcast %broadcast_in_dim3A_257 : vector<1x128xf32> to vector<272x128xf32>
      %eq3A_259 = arith.cmpf oeq, %select_n3A_254, %eq3A_258 : vector<272x128xf32>
      %jit3A_260 = arith.constant 1.000000e+09 : f32
      %broadcast_in_dim3A_261 = vector.broadcast %jit3A_260 : f32 to vector<272x128xf32>
      %select_n3A_262 = arith.select %eq3A_259, %concatenate3A_163, %broadcast_in_dim3A_261 : vector<272x128xi1>, vector<272x128xf32>
      %reduce_min3A_263 = arith.constant dense<0x7F800000> : vector<128xf32>
      %reduce_min3A_264 = vector.multi_reduction <minimumf>, %select_n3A_262, %reduce_min3A_263 [0] : vector<272x128xf32> to vector<128xf32>
      %broadcast_in_dim3A_265 = vector.shape_cast %reduce_min3A_264 : vector<128xf32> to vector<1x128xf32>
      %eq3A_266 = vector.broadcast %broadcast_in_dim3A_265 : vector<1x128xf32> to vector<272x128xf32>
      %eq3A_267 = arith.cmpf oeq, %concatenate3A_163, %eq3A_266 : vector<272x128xf32>
      %and3A_268 = arith.andi %eq3A_259, %eq3A_267 : vector<272x128xi1>
      %eq3A_269 = arith.constant 3 : i32
      %eq3A_270 = vector.broadcast %eq3A_269 : i32 to vector<16x128xi32>
      %eq3A_271 = arith.cmpi eq, %iota3A_164, %eq3A_270 : vector<16x128xi32>
      %broadcast_in_dim3A_272 = vector.shape_cast %broadcast_in_dim3A_257 : vector<1x128xf32> to vector<1x128xf32>
      %broadcast_in_dim3A_273 = vector.broadcast %broadcast_in_dim3A_272 : vector<1x128xf32> to vector<16x128xf32>
      %select_n3A_274 = arith.select %eq3A_271, %broadcast_in_dim3A_273, %select_n3A_245 : vector<16x128xi1>, vector<16x128xf32>
      %eq3A_275 = arith.constant 3 : i32
      %eq3A_276 = vector.broadcast %eq3A_275 : i32 to vector<16x128xi32>
      %eq3A_277 = arith.cmpi eq, %iota3A_164, %eq3A_276 : vector<16x128xi32>
      %broadcast_in_dim3A_278 = vector.shape_cast %broadcast_in_dim3A_265 : vector<1x128xf32> to vector<1x128xf32>
      %broadcast_in_dim3A_279 = vector.broadcast %broadcast_in_dim3A_278 : vector<1x128xf32> to vector<16x128xf32>
      %select_n3A_280 = arith.select %eq3A_277, %broadcast_in_dim3A_279, %select_n3A_251 : vector<16x128xi1>, vector<16x128xf32>
      %jit3A_281 = arith.constant 1.000000e+30 : f32
      %broadcast_in_dim3A_282 = vector.broadcast %jit3A_281 : f32 to vector<272x128xf32>
      %select_n3A_283 = arith.select %and3A_268, %broadcast_in_dim3A_282, %select_n3A_254 : vector<272x128xi1>, vector<272x128xf32>
      %reduce_min3A_284 = arith.constant dense<0x7F800000> : vector<128xf32>
      %reduce_min3A_285 = vector.multi_reduction <minimumf>, %select_n3A_283, %reduce_min3A_284 [0] : vector<272x128xf32> to vector<128xf32>
      %broadcast_in_dim3A_286 = vector.shape_cast %reduce_min3A_285 : vector<128xf32> to vector<1x128xf32>
      %eq3A_287 = vector.broadcast %broadcast_in_dim3A_286 : vector<1x128xf32> to vector<272x128xf32>
      %eq3A_288 = arith.cmpf oeq, %select_n3A_283, %eq3A_287 : vector<272x128xf32>
      %jit3A_289 = arith.constant 1.000000e+09 : f32
      %broadcast_in_dim3A_290 = vector.broadcast %jit3A_289 : f32 to vector<272x128xf32>
      %select_n3A_291 = arith.select %eq3A_288, %concatenate3A_163, %broadcast_in_dim3A_290 : vector<272x128xi1>, vector<272x128xf32>
      %reduce_min3A_292 = arith.constant dense<0x7F800000> : vector<128xf32>
      %reduce_min3A_293 = vector.multi_reduction <minimumf>, %select_n3A_291, %reduce_min3A_292 [0] : vector<272x128xf32> to vector<128xf32>
      %broadcast_in_dim3A_294 = vector.shape_cast %reduce_min3A_293 : vector<128xf32> to vector<1x128xf32>
      %eq3A_295 = vector.broadcast %broadcast_in_dim3A_294 : vector<1x128xf32> to vector<272x128xf32>
      %eq3A_296 = arith.cmpf oeq, %concatenate3A_163, %eq3A_295 : vector<272x128xf32>
      %and3A_297 = arith.andi %eq3A_288, %eq3A_296 : vector<272x128xi1>
      %eq3A_298 = arith.constant 4 : i32
      %eq3A_299 = vector.broadcast %eq3A_298 : i32 to vector<16x128xi32>
      %eq3A_300 = arith.cmpi eq, %iota3A_164, %eq3A_299 : vector<16x128xi32>
      %broadcast_in_dim3A_301 = vector.shape_cast %broadcast_in_dim3A_286 : vector<1x128xf32> to vector<1x128xf32>
      %broadcast_in_dim3A_302 = vector.broadcast %broadcast_in_dim3A_301 : vector<1x128xf32> to vector<16x128xf32>
      %select_n3A_303 = arith.select %eq3A_300, %broadcast_in_dim3A_302, %select_n3A_274 : vector<16x128xi1>, vector<16x128xf32>
      %eq3A_304 = arith.constant 4 : i32
      %eq3A_305 = vector.broadcast %eq3A_304 : i32 to vector<16x128xi32>
      %eq3A_306 = arith.cmpi eq, %iota3A_164, %eq3A_305 : vector<16x128xi32>
      %broadcast_in_dim3A_307 = vector.shape_cast %broadcast_in_dim3A_294 : vector<1x128xf32> to vector<1x128xf32>
      %broadcast_in_dim3A_308 = vector.broadcast %broadcast_in_dim3A_307 : vector<1x128xf32> to vector<16x128xf32>
      %select_n3A_309 = arith.select %eq3A_306, %broadcast_in_dim3A_308, %select_n3A_280 : vector<16x128xi1>, vector<16x128xf32>
      %jit3A_310 = arith.constant 1.000000e+30 : f32
      %broadcast_in_dim3A_311 = vector.broadcast %jit3A_310 : f32 to vector<272x128xf32>
      %select_n3A_312 = arith.select %and3A_297, %broadcast_in_dim3A_311, %select_n3A_283 : vector<272x128xi1>, vector<272x128xf32>
      %reduce_min3A_313 = arith.constant dense<0x7F800000> : vector<128xf32>
      %reduce_min3A_314 = vector.multi_reduction <minimumf>, %select_n3A_312, %reduce_min3A_313 [0] : vector<272x128xf32> to vector<128xf32>
      %broadcast_in_dim3A_315 = vector.shape_cast %reduce_min3A_314 : vector<128xf32> to vector<1x128xf32>
      %eq3A_316 = vector.broadcast %broadcast_in_dim3A_315 : vector<1x128xf32> to vector<272x128xf32>
      %eq3A_317 = arith.cmpf oeq, %select_n3A_312, %eq3A_316 : vector<272x128xf32>
      %jit3A_318 = arith.constant 1.000000e+09 : f32
      %broadcast_in_dim3A_319 = vector.broadcast %jit3A_318 : f32 to vector<272x128xf32>
      %select_n3A_320 = arith.select %eq3A_317, %concatenate3A_163, %broadcast_in_dim3A_319 : vector<272x128xi1>, vector<272x128xf32>
      %reduce_min3A_321 = arith.constant dense<0x7F800000> : vector<128xf32>
      %reduce_min3A_322 = vector.multi_reduction <minimumf>, %select_n3A_320, %reduce_min3A_321 [0] : vector<272x128xf32> to vector<128xf32>
      %broadcast_in_dim3A_323 = vector.shape_cast %reduce_min3A_322 : vector<128xf32> to vector<1x128xf32>
      %eq3A_324 = vector.broadcast %broadcast_in_dim3A_323 : vector<1x128xf32> to vector<272x128xf32>
      %eq3A_325 = arith.cmpf oeq, %concatenate3A_163, %eq3A_324 : vector<272x128xf32>
      %and3A_326 = arith.andi %eq3A_317, %eq3A_325 : vector<272x128xi1>
      %eq3A_327 = arith.constant 5 : i32
      %eq3A_328 = vector.broadcast %eq3A_327 : i32 to vector<16x128xi32>
      %eq3A_329 = arith.cmpi eq, %iota3A_164, %eq3A_328 : vector<16x128xi32>
      %broadcast_in_dim3A_330 = vector.shape_cast %broadcast_in_dim3A_315 : vector<1x128xf32> to vector<1x128xf32>
      %broadcast_in_dim3A_331 = vector.broadcast %broadcast_in_dim3A_330 : vector<1x128xf32> to vector<16x128xf32>
      %select_n3A_332 = arith.select %eq3A_329, %broadcast_in_dim3A_331, %select_n3A_303 : vector<16x128xi1>, vector<16x128xf32>
      %eq3A_333 = arith.constant 5 : i32
      %eq3A_334 = vector.broadcast %eq3A_333 : i32 to vector<16x128xi32>
      %eq3A_335 = arith.cmpi eq, %iota3A_164, %eq3A_334 : vector<16x128xi32>
      %broadcast_in_dim3A_336 = vector.shape_cast %broadcast_in_dim3A_323 : vector<1x128xf32> to vector<1x128xf32>
      %broadcast_in_dim3A_337 = vector.broadcast %broadcast_in_dim3A_336 : vector<1x128xf32> to vector<16x128xf32>
      %select_n3A_338 = arith.select %eq3A_335, %broadcast_in_dim3A_337, %select_n3A_309 : vector<16x128xi1>, vector<16x128xf32>
      %jit3A_339 = arith.constant 1.000000e+30 : f32
      %broadcast_in_dim3A_340 = vector.broadcast %jit3A_339 : f32 to vector<272x128xf32>
      %select_n3A_341 = arith.select %and3A_326, %broadcast_in_dim3A_340, %select_n3A_312 : vector<272x128xi1>, vector<272x128xf32>
      %reduce_min3A_342 = arith.constant dense<0x7F800000> : vector<128xf32>
      %reduce_min3A_343 = vector.multi_reduction <minimumf>, %select_n3A_341, %reduce_min3A_342 [0] : vector<272x128xf32> to vector<128xf32>
      %broadcast_in_dim3A_344 = vector.shape_cast %reduce_min3A_343 : vector<128xf32> to vector<1x128xf32>
      %eq3A_345 = vector.broadcast %broadcast_in_dim3A_344 : vector<1x128xf32> to vector<272x128xf32>
      %eq3A_346 = arith.cmpf oeq, %select_n3A_341, %eq3A_345 : vector<272x128xf32>
      %jit3A_347 = arith.constant 1.000000e+09 : f32
      %broadcast_in_dim3A_348 = vector.broadcast %jit3A_347 : f32 to vector<272x128xf32>
      %select_n3A_349 = arith.select %eq3A_346, %concatenate3A_163, %broadcast_in_dim3A_348 : vector<272x128xi1>, vector<272x128xf32>
      %reduce_min3A_350 = arith.constant dense<0x7F800000> : vector<128xf32>
      %reduce_min3A_351 = vector.multi_reduction <minimumf>, %select_n3A_349, %reduce_min3A_350 [0] : vector<272x128xf32> to vector<128xf32>
      %broadcast_in_dim3A_352 = vector.shape_cast %reduce_min3A_351 : vector<128xf32> to vector<1x128xf32>
      %eq3A_353 = vector.broadcast %broadcast_in_dim3A_352 : vector<1x128xf32> to vector<272x128xf32>
      %eq3A_354 = arith.cmpf oeq, %concatenate3A_163, %eq3A_353 : vector<272x128xf32>
      %and3A_355 = arith.andi %eq3A_346, %eq3A_354 : vector<272x128xi1>
      %eq3A_356 = arith.constant 6 : i32
      %eq3A_357 = vector.broadcast %eq3A_356 : i32 to vector<16x128xi32>
      %eq3A_358 = arith.cmpi eq, %iota3A_164, %eq3A_357 : vector<16x128xi32>
      %broadcast_in_dim3A_359 = vector.shape_cast %broadcast_in_dim3A_344 : vector<1x128xf32> to vector<1x128xf32>
      %broadcast_in_dim3A_360 = vector.broadcast %broadcast_in_dim3A_359 : vector<1x128xf32> to vector<16x128xf32>
      %select_n3A_361 = arith.select %eq3A_358, %broadcast_in_dim3A_360, %select_n3A_332 : vector<16x128xi1>, vector<16x128xf32>
      %eq3A_362 = arith.constant 6 : i32
      %eq3A_363 = vector.broadcast %eq3A_362 : i32 to vector<16x128xi32>
      %eq3A_364 = arith.cmpi eq, %iota3A_164, %eq3A_363 : vector<16x128xi32>
      %broadcast_in_dim3A_365 = vector.shape_cast %broadcast_in_dim3A_352 : vector<1x128xf32> to vector<1x128xf32>
      %broadcast_in_dim3A_366 = vector.broadcast %broadcast_in_dim3A_365 : vector<1x128xf32> to vector<16x128xf32>
      %select_n3A_367 = arith.select %eq3A_364, %broadcast_in_dim3A_366, %select_n3A_338 : vector<16x128xi1>, vector<16x128xf32>
      %jit3A_368 = arith.constant 1.000000e+30 : f32
      %broadcast_in_dim3A_369 = vector.broadcast %jit3A_368 : f32 to vector<272x128xf32>
      %select_n3A_370 = arith.select %and3A_355, %broadcast_in_dim3A_369, %select_n3A_341 : vector<272x128xi1>, vector<272x128xf32>
      %reduce_min3A_371 = arith.constant dense<0x7F800000> : vector<128xf32>
      %reduce_min3A_372 = vector.multi_reduction <minimumf>, %select_n3A_370, %reduce_min3A_371 [0] : vector<272x128xf32> to vector<128xf32>
      %broadcast_in_dim3A_373 = vector.shape_cast %reduce_min3A_372 : vector<128xf32> to vector<1x128xf32>
      %eq3A_374 = vector.broadcast %broadcast_in_dim3A_373 : vector<1x128xf32> to vector<272x128xf32>
      %eq3A_375 = arith.cmpf oeq, %select_n3A_370, %eq3A_374 : vector<272x128xf32>
      %jit3A_376 = arith.constant 1.000000e+09 : f32
      %broadcast_in_dim3A_377 = vector.broadcast %jit3A_376 : f32 to vector<272x128xf32>
      %select_n3A_378 = arith.select %eq3A_375, %concatenate3A_163, %broadcast_in_dim3A_377 : vector<272x128xi1>, vector<272x128xf32>
      %reduce_min3A_379 = arith.constant dense<0x7F800000> : vector<128xf32>
      %reduce_min3A_380 = vector.multi_reduction <minimumf>, %select_n3A_378, %reduce_min3A_379 [0] : vector<272x128xf32> to vector<128xf32>
      %broadcast_in_dim3A_381 = vector.shape_cast %reduce_min3A_380 : vector<128xf32> to vector<1x128xf32>
      %eq3A_382 = vector.broadcast %broadcast_in_dim3A_381 : vector<1x128xf32> to vector<272x128xf32>
      %eq3A_383 = arith.cmpf oeq, %concatenate3A_163, %eq3A_382 : vector<272x128xf32>
      %and3A_384 = arith.andi %eq3A_375, %eq3A_383 : vector<272x128xi1>
      %eq3A_385 = arith.constant 7 : i32
      %eq3A_386 = vector.broadcast %eq3A_385 : i32 to vector<16x128xi32>
      %eq3A_387 = arith.cmpi eq, %iota3A_164, %eq3A_386 : vector<16x128xi32>
      %broadcast_in_dim3A_388 = vector.shape_cast %broadcast_in_dim3A_373 : vector<1x128xf32> to vector<1x128xf32>
      %broadcast_in_dim3A_389 = vector.broadcast %broadcast_in_dim3A_388 : vector<1x128xf32> to vector<16x128xf32>
      %select_n3A_390 = arith.select %eq3A_387, %broadcast_in_dim3A_389, %select_n3A_361 : vector<16x128xi1>, vector<16x128xf32>
      %eq3A_391 = arith.constant 7 : i32
      %eq3A_392 = vector.broadcast %eq3A_391 : i32 to vector<16x128xi32>
      %eq3A_393 = arith.cmpi eq, %iota3A_164, %eq3A_392 : vector<16x128xi32>
      %broadcast_in_dim3A_394 = vector.shape_cast %broadcast_in_dim3A_381 : vector<1x128xf32> to vector<1x128xf32>
      %broadcast_in_dim3A_395 = vector.broadcast %broadcast_in_dim3A_394 : vector<1x128xf32> to vector<16x128xf32>
      %select_n3A_396 = arith.select %eq3A_393, %broadcast_in_dim3A_395, %select_n3A_367 : vector<16x128xi1>, vector<16x128xf32>
      %jit3A_397 = arith.constant 1.000000e+30 : f32
      %broadcast_in_dim3A_398 = vector.broadcast %jit3A_397 : f32 to vector<272x128xf32>
      %select_n3A_399 = arith.select %and3A_384, %broadcast_in_dim3A_398, %select_n3A_370 : vector<272x128xi1>, vector<272x128xf32>
      %reduce_min3A_400 = arith.constant dense<0x7F800000> : vector<128xf32>
      %reduce_min3A_401 = vector.multi_reduction <minimumf>, %select_n3A_399, %reduce_min3A_400 [0] : vector<272x128xf32> to vector<128xf32>
      %broadcast_in_dim3A_402 = vector.shape_cast %reduce_min3A_401 : vector<128xf32> to vector<1x128xf32>
      %eq3A_403 = vector.broadcast %broadcast_in_dim3A_402 : vector<1x128xf32> to vector<272x128xf32>
      %eq3A_404 = arith.cmpf oeq, %select_n3A_399, %eq3A_403 : vector<272x128xf32>
      %jit3A_405 = arith.constant 1.000000e+09 : f32
      %broadcast_in_dim3A_406 = vector.broadcast %jit3A_405 : f32 to vector<272x128xf32>
      %select_n3A_407 = arith.select %eq3A_404, %concatenate3A_163, %broadcast_in_dim3A_406 : vector<272x128xi1>, vector<272x128xf32>
      %reduce_min3A_408 = arith.constant dense<0x7F800000> : vector<128xf32>
      %reduce_min3A_409 = vector.multi_reduction <minimumf>, %select_n3A_407, %reduce_min3A_408 [0] : vector<272x128xf32> to vector<128xf32>
      %broadcast_in_dim3A_410 = vector.shape_cast %reduce_min3A_409 : vector<128xf32> to vector<1x128xf32>
      %eq3A_411 = vector.broadcast %broadcast_in_dim3A_410 : vector<1x128xf32> to vector<272x128xf32>
      %eq3A_412 = arith.cmpf oeq, %concatenate3A_163, %eq3A_411 : vector<272x128xf32>
      %and3A_413 = arith.andi %eq3A_404, %eq3A_412 : vector<272x128xi1>
      %eq3A_414 = arith.constant 8 : i32
      %eq3A_415 = vector.broadcast %eq3A_414 : i32 to vector<16x128xi32>
      %eq3A_416 = arith.cmpi eq, %iota3A_164, %eq3A_415 : vector<16x128xi32>
      %broadcast_in_dim3A_417 = vector.shape_cast %broadcast_in_dim3A_402 : vector<1x128xf32> to vector<1x128xf32>
      %broadcast_in_dim3A_418 = vector.broadcast %broadcast_in_dim3A_417 : vector<1x128xf32> to vector<16x128xf32>
      %select_n3A_419 = arith.select %eq3A_416, %broadcast_in_dim3A_418, %select_n3A_390 : vector<16x128xi1>, vector<16x128xf32>
      %eq3A_420 = arith.constant 8 : i32
      %eq3A_421 = vector.broadcast %eq3A_420 : i32 to vector<16x128xi32>
      %eq3A_422 = arith.cmpi eq, %iota3A_164, %eq3A_421 : vector<16x128xi32>
      %broadcast_in_dim3A_423 = vector.shape_cast %broadcast_in_dim3A_410 : vector<1x128xf32> to vector<1x128xf32>
      %broadcast_in_dim3A_424 = vector.broadcast %broadcast_in_dim3A_423 : vector<1x128xf32> to vector<16x128xf32>
      %select_n3A_425 = arith.select %eq3A_422, %broadcast_in_dim3A_424, %select_n3A_396 : vector<16x128xi1>, vector<16x128xf32>
      %jit3A_426 = arith.constant 1.000000e+30 : f32
      %broadcast_in_dim3A_427 = vector.broadcast %jit3A_426 : f32 to vector<272x128xf32>
      %select_n3A_428 = arith.select %and3A_413, %broadcast_in_dim3A_427, %select_n3A_399 : vector<272x128xi1>, vector<272x128xf32>
      %reduce_min3A_429 = arith.constant dense<0x7F800000> : vector<128xf32>
      %reduce_min3A_430 = vector.multi_reduction <minimumf>, %select_n3A_428, %reduce_min3A_429 [0] : vector<272x128xf32> to vector<128xf32>
      %broadcast_in_dim3A_431 = vector.shape_cast %reduce_min3A_430 : vector<128xf32> to vector<1x128xf32>
      %eq3A_432 = vector.broadcast %broadcast_in_dim3A_431 : vector<1x128xf32> to vector<272x128xf32>
      %eq3A_433 = arith.cmpf oeq, %select_n3A_428, %eq3A_432 : vector<272x128xf32>
      %jit3A_434 = arith.constant 1.000000e+09 : f32
      %broadcast_in_dim3A_435 = vector.broadcast %jit3A_434 : f32 to vector<272x128xf32>
      %select_n3A_436 = arith.select %eq3A_433, %concatenate3A_163, %broadcast_in_dim3A_435 : vector<272x128xi1>, vector<272x128xf32>
      %reduce_min3A_437 = arith.constant dense<0x7F800000> : vector<128xf32>
      %reduce_min3A_438 = vector.multi_reduction <minimumf>, %select_n3A_436, %reduce_min3A_437 [0] : vector<272x128xf32> to vector<128xf32>
      %broadcast_in_dim3A_439 = vector.shape_cast %reduce_min3A_438 : vector<128xf32> to vector<1x128xf32>
      %eq3A_440 = vector.broadcast %broadcast_in_dim3A_439 : vector<1x128xf32> to vector<272x128xf32>
      %eq3A_441 = arith.cmpf oeq, %concatenate3A_163, %eq3A_440 : vector<272x128xf32>
      %and3A_442 = arith.andi %eq3A_433, %eq3A_441 : vector<272x128xi1>
      %eq3A_443 = arith.constant 9 : i32
      %eq3A_444 = vector.broadcast %eq3A_443 : i32 to vector<16x128xi32>
      %eq3A_445 = arith.cmpi eq, %iota3A_164, %eq3A_444 : vector<16x128xi32>
      %broadcast_in_dim3A_446 = vector.shape_cast %broadcast_in_dim3A_431 : vector<1x128xf32> to vector<1x128xf32>
      %broadcast_in_dim3A_447 = vector.broadcast %broadcast_in_dim3A_446 : vector<1x128xf32> to vector<16x128xf32>
      %select_n3A_448 = arith.select %eq3A_445, %broadcast_in_dim3A_447, %select_n3A_419 : vector<16x128xi1>, vector<16x128xf32>
      %eq3A_449 = arith.constant 9 : i32
      %eq3A_450 = vector.broadcast %eq3A_449 : i32 to vector<16x128xi32>
      %eq3A_451 = arith.cmpi eq, %iota3A_164, %eq3A_450 : vector<16x128xi32>
      %broadcast_in_dim3A_452 = vector.shape_cast %broadcast_in_dim3A_439 : vector<1x128xf32> to vector<1x128xf32>
      %broadcast_in_dim3A_453 = vector.broadcast %broadcast_in_dim3A_452 : vector<1x128xf32> to vector<16x128xf32>
      %select_n3A_454 = arith.select %eq3A_451, %broadcast_in_dim3A_453, %select_n3A_425 : vector<16x128xi1>, vector<16x128xf32>
      %jit3A_455 = arith.constant 1.000000e+30 : f32
      %broadcast_in_dim3A_456 = vector.broadcast %jit3A_455 : f32 to vector<272x128xf32>
      %select_n3A_457 = arith.select %and3A_442, %broadcast_in_dim3A_456, %select_n3A_428 : vector<272x128xi1>, vector<272x128xf32>
      %reduce_min3A_458 = arith.constant dense<0x7F800000> : vector<128xf32>
      %reduce_min3A_459 = vector.multi_reduction <minimumf>, %select_n3A_457, %reduce_min3A_458 [0] : vector<272x128xf32> to vector<128xf32>
      %broadcast_in_dim3A_460 = vector.shape_cast %reduce_min3A_459 : vector<128xf32> to vector<1x128xf32>
      %eq3A_461 = vector.broadcast %broadcast_in_dim3A_460 : vector<1x128xf32> to vector<272x128xf32>
      %eq3A_462 = arith.cmpf oeq, %select_n3A_457, %eq3A_461 : vector<272x128xf32>
      %jit3A_463 = arith.constant 1.000000e+09 : f32
      %broadcast_in_dim3A_464 = vector.broadcast %jit3A_463 : f32 to vector<272x128xf32>
      %select_n3A_465 = arith.select %eq3A_462, %concatenate3A_163, %broadcast_in_dim3A_464 : vector<272x128xi1>, vector<272x128xf32>
      %reduce_min3A_466 = arith.constant dense<0x7F800000> : vector<128xf32>
      %reduce_min3A_467 = vector.multi_reduction <minimumf>, %select_n3A_465, %reduce_min3A_466 [0] : vector<272x128xf32> to vector<128xf32>
      %broadcast_in_dim3A_468 = vector.shape_cast %reduce_min3A_467 : vector<128xf32> to vector<1x128xf32>
      %eq3A_469 = vector.broadcast %broadcast_in_dim3A_468 : vector<1x128xf32> to vector<272x128xf32>
      %eq3A_470 = arith.cmpf oeq, %concatenate3A_163, %eq3A_469 : vector<272x128xf32>
      %and3A_471 = arith.andi %eq3A_462, %eq3A_470 : vector<272x128xi1>
      %eq3A_472 = arith.constant 10 : i32
      %eq3A_473 = vector.broadcast %eq3A_472 : i32 to vector<16x128xi32>
      %eq3A_474 = arith.cmpi eq, %iota3A_164, %eq3A_473 : vector<16x128xi32>
      %broadcast_in_dim3A_475 = vector.shape_cast %broadcast_in_dim3A_460 : vector<1x128xf32> to vector<1x128xf32>
      %broadcast_in_dim3A_476 = vector.broadcast %broadcast_in_dim3A_475 : vector<1x128xf32> to vector<16x128xf32>
      %select_n3A_477 = arith.select %eq3A_474, %broadcast_in_dim3A_476, %select_n3A_448 : vector<16x128xi1>, vector<16x128xf32>
      %eq3A_478 = arith.constant 10 : i32
      %eq3A_479 = vector.broadcast %eq3A_478 : i32 to vector<16x128xi32>
      %eq3A_480 = arith.cmpi eq, %iota3A_164, %eq3A_479 : vector<16x128xi32>
      %broadcast_in_dim3A_481 = vector.shape_cast %broadcast_in_dim3A_468 : vector<1x128xf32> to vector<1x128xf32>
      %broadcast_in_dim3A_482 = vector.broadcast %broadcast_in_dim3A_481 : vector<1x128xf32> to vector<16x128xf32>
      %select_n3A_483 = arith.select %eq3A_480, %broadcast_in_dim3A_482, %select_n3A_454 : vector<16x128xi1>, vector<16x128xf32>
      %jit3A_484 = arith.constant 1.000000e+30 : f32
      %broadcast_in_dim3A_485 = vector.broadcast %jit3A_484 : f32 to vector<272x128xf32>
      %select_n3A_486 = arith.select %and3A_471, %broadcast_in_dim3A_485, %select_n3A_457 : vector<272x128xi1>, vector<272x128xf32>
      %reduce_min3A_487 = arith.constant dense<0x7F800000> : vector<128xf32>
      %reduce_min3A_488 = vector.multi_reduction <minimumf>, %select_n3A_486, %reduce_min3A_487 [0] : vector<272x128xf32> to vector<128xf32>
      %broadcast_in_dim3A_489 = vector.shape_cast %reduce_min3A_488 : vector<128xf32> to vector<1x128xf32>
      %eq3A_490 = vector.broadcast %broadcast_in_dim3A_489 : vector<1x128xf32> to vector<272x128xf32>
      %eq3A_491 = arith.cmpf oeq, %select_n3A_486, %eq3A_490 : vector<272x128xf32>
      %jit3A_492 = arith.constant 1.000000e+09 : f32
      %broadcast_in_dim3A_493 = vector.broadcast %jit3A_492 : f32 to vector<272x128xf32>
      %select_n3A_494 = arith.select %eq3A_491, %concatenate3A_163, %broadcast_in_dim3A_493 : vector<272x128xi1>, vector<272x128xf32>
      %reduce_min3A_495 = arith.constant dense<0x7F800000> : vector<128xf32>
      %reduce_min3A_496 = vector.multi_reduction <minimumf>, %select_n3A_494, %reduce_min3A_495 [0] : vector<272x128xf32> to vector<128xf32>
      %broadcast_in_dim3A_497 = vector.shape_cast %reduce_min3A_496 : vector<128xf32> to vector<1x128xf32>
      %eq3A_498 = vector.broadcast %broadcast_in_dim3A_497 : vector<1x128xf32> to vector<272x128xf32>
      %eq3A_499 = arith.cmpf oeq, %concatenate3A_163, %eq3A_498 : vector<272x128xf32>
      %and3A_500 = arith.andi %eq3A_491, %eq3A_499 : vector<272x128xi1>
      %eq3A_501 = arith.constant 11 : i32
      %eq3A_502 = vector.broadcast %eq3A_501 : i32 to vector<16x128xi32>
      %eq3A_503 = arith.cmpi eq, %iota3A_164, %eq3A_502 : vector<16x128xi32>
      %broadcast_in_dim3A_504 = vector.shape_cast %broadcast_in_dim3A_489 : vector<1x128xf32> to vector<1x128xf32>
      %broadcast_in_dim3A_505 = vector.broadcast %broadcast_in_dim3A_504 : vector<1x128xf32> to vector<16x128xf32>
      %select_n3A_506 = arith.select %eq3A_503, %broadcast_in_dim3A_505, %select_n3A_477 : vector<16x128xi1>, vector<16x128xf32>
      %eq3A_507 = arith.constant 11 : i32
      %eq3A_508 = vector.broadcast %eq3A_507 : i32 to vector<16x128xi32>
      %eq3A_509 = arith.cmpi eq, %iota3A_164, %eq3A_508 : vector<16x128xi32>
      %broadcast_in_dim3A_510 = vector.shape_cast %broadcast_in_dim3A_497 : vector<1x128xf32> to vector<1x128xf32>
      %broadcast_in_dim3A_511 = vector.broadcast %broadcast_in_dim3A_510 : vector<1x128xf32> to vector<16x128xf32>
      %select_n3A_512 = arith.select %eq3A_509, %broadcast_in_dim3A_511, %select_n3A_483 : vector<16x128xi1>, vector<16x128xf32>
      %jit3A_513 = arith.constant 1.000000e+30 : f32
      %broadcast_in_dim3A_514 = vector.broadcast %jit3A_513 : f32 to vector<272x128xf32>
      %select_n3A_515 = arith.select %and3A_500, %broadcast_in_dim3A_514, %select_n3A_486 : vector<272x128xi1>, vector<272x128xf32>
      scf.yield %select_n3A_506, %select_n3A_512 : vector<16x128xf32>, vector<16x128xf32>
    }
    %while3A_75 = arith.constant 1 : i32
    %while3A_76:2 = scf.for %while3A_116 = %while3A_72 to %while3A_68 step %while3A_75 iter_args(%while3A_117 = %while3A_74#0, %while3A_118 = %while3A_74#1) -> (vector<16x128xf32>, vector<16x128xf32>)  : i32 {
      %mul3A_119 = arith.constant 256 : i32
      %mul3A_120 = arith.muli %while3A_116, %mul3A_119 : i32
      %get3A_121 = arith.index_cast %mul3A_120 : i32 to index
      %get3A_122 = arith.constant 0 : index
      %get3A_123 = vector.load %arg6[%get3A_121, %get3A_122] : memref<4096x1xi32, #tpu.memory_space<vmem>>, vector<256x1xi32>
      %iota3A_124 = tpu.iota {dimensions = array<i32: 0>} : vector<256x1xi32>
      %add3A_125 = vector.broadcast %mul3A_120 : i32 to vector<256x1xi32>
      %add3A_126 = arith.addi %add3A_125, %iota3A_124 : vector<256x1xi32>
      %get3A_127 = arith.index_cast %mul3A_120 : i32 to index
      %get3A_128 = arith.constant 0 : index
      %get3A_129 = vector.load %arg5[%get3A_127, %get3A_128] : memref<4096x4xf32, #tpu.memory_space<vmem>>, vector<256x1xf32>
      %sub3A_130 = vector.broadcast %get3A_129 : vector<256x1xf32> to vector<256x128xf32>
      %sub3A_131 = vector.broadcast %get3A_53 : vector<1x128xf32> to vector<256x128xf32>
      %sub3A_132 = arith.subf %sub3A_130, %sub3A_131 : vector<256x128xf32>
      %get3A_133 = arith.index_cast %mul3A_120 : i32 to index
      %get3A_134 = arith.constant 1 : index
      %get3A_135 = vector.load %arg5[%get3A_133, %get3A_134] : memref<4096x4xf32, #tpu.memory_space<vmem>>, vector<256x1xf32>
      %sub3A_136 = vector.broadcast %get3A_135 : vector<256x1xf32> to vector<256x128xf32>
      %sub3A_137 = vector.broadcast %get3A_56 : vector<1x128xf32> to vector<256x128xf32>
      %sub3A_138 = arith.subf %sub3A_136, %sub3A_137 : vector<256x128xf32>
      %get3A_139 = arith.index_cast %mul3A_120 : i32 to index
      %get3A_140 = arith.constant 2 : index
      %get3A_141 = vector.load %arg5[%get3A_139, %get3A_140] : memref<4096x4xf32, #tpu.memory_space<vmem>>, vector<256x1xf32>
      %sub3A_142 = vector.broadcast %get3A_141 : vector<256x1xf32> to vector<256x128xf32>
      %sub3A_143 = vector.broadcast %get3A_59 : vector<1x128xf32> to vector<256x128xf32>
      %sub3A_144 = arith.subf %sub3A_142, %sub3A_143 : vector<256x128xf32>
      %mul3A_145 = arith.mulf %sub3A_132, %sub3A_132 : vector<256x128xf32>
      %mul3A_146 = arith.mulf %sub3A_138, %sub3A_138 : vector<256x128xf32>
      %add3A_147 = arith.addf %mul3A_145, %mul3A_146 : vector<256x128xf32>
      %mul3A_148 = arith.mulf %sub3A_144, %sub3A_144 : vector<256x128xf32>
      %add3A_149 = arith.addf %add3A_147, %mul3A_148 : vector<256x128xf32>
      %eq3A_150 = vector.broadcast %get3A_123 : vector<256x1xi32> to vector<256x128xi32>
      %eq3A_151 = vector.broadcast %get3A_62 : vector<1x128xi32> to vector<256x128xi32>
      %eq3A_152 = arith.cmpi eq, %eq3A_150, %eq3A_151 : vector<256x128xi32>
      %ne3A_153 = vector.broadcast %add3A_126 : vector<256x1xi32> to vector<256x128xi32>
      %ne3A_154 = vector.broadcast %add3A_64 : vector<1x128xi32> to vector<256x128xi32>
      %ne3A_155 = arith.cmpi ne, %ne3A_153, %ne3A_154 : vector<256x128xi32>
      %and3A_156 = arith.andi %eq3A_152, %ne3A_155 : vector<256x128xi1>
      %jit3A_157 = arith.constant 9.99999995E+11 : f32
      %broadcast_in_dim3A_158 = vector.broadcast %jit3A_157 : f32 to vector<256x128xf32>
      %select_n3A_159 = arith.select %and3A_156, %add3A_149, %broadcast_in_dim3A_158 : vector<256x128xi1>, vector<256x128xf32>
      %convert_element_type3A_160 = arith.sitofp %add3A_126 : vector<256x1xi32> to vector<256x1xf32>
      %broadcast_in_dim3A_161 = vector.shape_cast %convert_element_type3A_160 : vector<256x1xf32> to vector<256x1xf32>
      %broadcast_in_dim3A_162 = vector.broadcast %broadcast_in_dim3A_161 : vector<256x1xf32> to vector<256x128xf32>
      %concatenate3A = tpu.concatenate %while3A_117, %select_n3A_159 in 0 : vector<16x128xf32>, vector<256x128xf32> -> vector<272x128xf32>
      %concatenate3A_163 = tpu.concatenate %while3A_118, %broadcast_in_dim3A_162 in 0 : vector<16x128xf32>, vector<256x128xf32> -> vector<272x128xf32>
      %iota3A_164 = tpu.iota {dimensions = array<i32: 0>} : vector<16x128xi32>
      %broadcast_in_dim3A_165 = arith.constant 1.000000e+30 : f32
      %broadcast_in_dim3A_166 = vector.broadcast %broadcast_in_dim3A_165 : f32 to vector<16x128xf32>
      %broadcast_in_dim3A_167 = arith.constant 1.000000e+09 : f32
      %broadcast_in_dim3A_168 = vector.broadcast %broadcast_in_dim3A_167 : f32 to vector<16x128xf32>
      %reduce_min3A = arith.constant dense<0x7F800000> : vector<128xf32>
      %reduce_min3A_169 = vector.multi_reduction <minimumf>, %concatenate3A, %reduce_min3A [0] : vector<272x128xf32> to vector<128xf32>
      %broadcast_in_dim3A_170 = vector.shape_cast %reduce_min3A_169 : vector<128xf32> to vector<1x128xf32>
      %eq3A_171 = vector.broadcast %broadcast_in_dim3A_170 : vector<1x128xf32> to vector<272x128xf32>
      %eq3A_172 = arith.cmpf oeq, %concatenate3A, %eq3A_171 : vector<272x128xf32>
      %jit3A_173 = arith.constant 1.000000e+09 : f32
      %broadcast_in_dim3A_174 = vector.broadcast %jit3A_173 : f32 to vector<272x128xf32>
      %select_n3A_175 = arith.select %eq3A_172, %concatenate3A_163, %broadcast_in_dim3A_174 : vector<272x128xi1>, vector<272x128xf32>
      %reduce_min3A_176 = arith.constant dense<0x7F800000> : vector<128xf32>
      %reduce_min3A_177 = vector.multi_reduction <minimumf>, %select_n3A_175, %reduce_min3A_176 [0] : vector<272x128xf32> to vector<128xf32>
      %broadcast_in_dim3A_178 = vector.shape_cast %reduce_min3A_177 : vector<128xf32> to vector<1x128xf32>
      %eq3A_179 = vector.broadcast %broadcast_in_dim3A_178 : vector<1x128xf32> to vector<272x128xf32>
      %eq3A_180 = arith.cmpf oeq, %concatenate3A_163, %eq3A_179 : vector<272x128xf32>
      %and3A_181 = arith.andi %eq3A_172, %eq3A_180 : vector<272x128xi1>
      %eq3A_182 = arith.constant 0 : i32
      %eq3A_183 = vector.broadcast %eq3A_182 : i32 to vector<16x128xi32>
      %eq3A_184 = arith.cmpi eq, %iota3A_164, %eq3A_183 : vector<16x128xi32>
      %broadcast_in_dim3A_185 = vector.shape_cast %broadcast_in_dim3A_170 : vector<1x128xf32> to vector<1x128xf32>
      %broadcast_in_dim3A_186 = vector.broadcast %broadcast_in_dim3A_185 : vector<1x128xf32> to vector<16x128xf32>
      %select_n3A_187 = arith.select %eq3A_184, %broadcast_in_dim3A_186, %broadcast_in_dim3A_166 : vector<16x128xi1>, vector<16x128xf32>
      %eq3A_188 = arith.constant 0 : i32
      %eq3A_189 = vector.broadcast %eq3A_188 : i32 to vector<16x128xi32>
      %eq3A_190 = arith.cmpi eq, %iota3A_164, %eq3A_189 : vector<16x128xi32>
      %broadcast_in_dim3A_191 = vector.shape_cast %broadcast_in_dim3A_178 : vector<1x128xf32> to vector<1x128xf32>
      %broadcast_in_dim3A_192 = vector.broadcast %broadcast_in_dim3A_191 : vector<1x128xf32> to vector<16x128xf32>
      %select_n3A_193 = arith.select %eq3A_190, %broadcast_in_dim3A_192, %broadcast_in_dim3A_168 : vector<16x128xi1>, vector<16x128xf32>
      %jit3A_194 = arith.constant 1.000000e+30 : f32
      %broadcast_in_dim3A_195 = vector.broadcast %jit3A_194 : f32 to vector<272x128xf32>
      %select_n3A_196 = arith.select %and3A_181, %broadcast_in_dim3A_195, %concatenate3A : vector<272x128xi1>, vector<272x128xf32>
      %reduce_min3A_197 = arith.constant dense<0x7F800000> : vector<128xf32>
      %reduce_min3A_198 = vector.multi_reduction <minimumf>, %select_n3A_196, %reduce_min3A_197 [0] : vector<272x128xf32> to vector<128xf32>
      %broadcast_in_dim3A_199 = vector.shape_cast %reduce_min3A_198 : vector<128xf32> to vector<1x128xf32>
      %eq3A_200 = vector.broadcast %broadcast_in_dim3A_199 : vector<1x128xf32> to vector<272x128xf32>
      %eq3A_201 = arith.cmpf oeq, %select_n3A_196, %eq3A_200 : vector<272x128xf32>
      %jit3A_202 = arith.constant 1.000000e+09 : f32
      %broadcast_in_dim3A_203 = vector.broadcast %jit3A_202 : f32 to vector<272x128xf32>
      %select_n3A_204 = arith.select %eq3A_201, %concatenate3A_163, %broadcast_in_dim3A_203 : vector<272x128xi1>, vector<272x128xf32>
      %reduce_min3A_205 = arith.constant dense<0x7F800000> : vector<128xf32>
      %reduce_min3A_206 = vector.multi_reduction <minimumf>, %select_n3A_204, %reduce_min3A_205 [0] : vector<272x128xf32> to vector<128xf32>
      %broadcast_in_dim3A_207 = vector.shape_cast %reduce_min3A_206 : vector<128xf32> to vector<1x128xf32>
      %eq3A_208 = vector.broadcast %broadcast_in_dim3A_207 : vector<1x128xf32> to vector<272x128xf32>
      %eq3A_209 = arith.cmpf oeq, %concatenate3A_163, %eq3A_208 : vector<272x128xf32>
      %and3A_210 = arith.andi %eq3A_201, %eq3A_209 : vector<272x128xi1>
      %eq3A_211 = arith.constant 1 : i32
      %eq3A_212 = vector.broadcast %eq3A_211 : i32 to vector<16x128xi32>
      %eq3A_213 = arith.cmpi eq, %iota3A_164, %eq3A_212 : vector<16x128xi32>
      %broadcast_in_dim3A_214 = vector.shape_cast %broadcast_in_dim3A_199 : vector<1x128xf32> to vector<1x128xf32>
      %broadcast_in_dim3A_215 = vector.broadcast %broadcast_in_dim3A_214 : vector<1x128xf32> to vector<16x128xf32>
      %select_n3A_216 = arith.select %eq3A_213, %broadcast_in_dim3A_215, %select_n3A_187 : vector<16x128xi1>, vector<16x128xf32>
      %eq3A_217 = arith.constant 1 : i32
      %eq3A_218 = vector.broadcast %eq3A_217 : i32 to vector<16x128xi32>
      %eq3A_219 = arith.cmpi eq, %iota3A_164, %eq3A_218 : vector<16x128xi32>
      %broadcast_in_dim3A_220 = vector.shape_cast %broadcast_in_dim3A_207 : vector<1x128xf32> to vector<1x128xf32>
      %broadcast_in_dim3A_221 = vector.broadcast %broadcast_in_dim3A_220 : vector<1x128xf32> to vector<16x128xf32>
      %select_n3A_222 = arith.select %eq3A_219, %broadcast_in_dim3A_221, %select_n3A_193 : vector<16x128xi1>, vector<16x128xf32>
      %jit3A_223 = arith.constant 1.000000e+30 : f32
      %broadcast_in_dim3A_224 = vector.broadcast %jit3A_223 : f32 to vector<272x128xf32>
      %select_n3A_225 = arith.select %and3A_210, %broadcast_in_dim3A_224, %select_n3A_196 : vector<272x128xi1>, vector<272x128xf32>
      %reduce_min3A_226 = arith.constant dense<0x7F800000> : vector<128xf32>
      %reduce_min3A_227 = vector.multi_reduction <minimumf>, %select_n3A_225, %reduce_min3A_226 [0] : vector<272x128xf32> to vector<128xf32>
      %broadcast_in_dim3A_228 = vector.shape_cast %reduce_min3A_227 : vector<128xf32> to vector<1x128xf32>
      %eq3A_229 = vector.broadcast %broadcast_in_dim3A_228 : vector<1x128xf32> to vector<272x128xf32>
      %eq3A_230 = arith.cmpf oeq, %select_n3A_225, %eq3A_229 : vector<272x128xf32>
      %jit3A_231 = arith.constant 1.000000e+09 : f32
      %broadcast_in_dim3A_232 = vector.broadcast %jit3A_231 : f32 to vector<272x128xf32>
      %select_n3A_233 = arith.select %eq3A_230, %concatenate3A_163, %broadcast_in_dim3A_232 : vector<272x128xi1>, vector<272x128xf32>
      %reduce_min3A_234 = arith.constant dense<0x7F800000> : vector<128xf32>
      %reduce_min3A_235 = vector.multi_reduction <minimumf>, %select_n3A_233, %reduce_min3A_234 [0] : vector<272x128xf32> to vector<128xf32>
      %broadcast_in_dim3A_236 = vector.shape_cast %reduce_min3A_235 : vector<128xf32> to vector<1x128xf32>
      %eq3A_237 = vector.broadcast %broadcast_in_dim3A_236 : vector<1x128xf32> to vector<272x128xf32>
      %eq3A_238 = arith.cmpf oeq, %concatenate3A_163, %eq3A_237 : vector<272x128xf32>
      %and3A_239 = arith.andi %eq3A_230, %eq3A_238 : vector<272x128xi1>
      %eq3A_240 = arith.constant 2 : i32
      %eq3A_241 = vector.broadcast %eq3A_240 : i32 to vector<16x128xi32>
      %eq3A_242 = arith.cmpi eq, %iota3A_164, %eq3A_241 : vector<16x128xi32>
      %broadcast_in_dim3A_243 = vector.shape_cast %broadcast_in_dim3A_228 : vector<1x128xf32> to vector<1x128xf32>
      %broadcast_in_dim3A_244 = vector.broadcast %broadcast_in_dim3A_243 : vector<1x128xf32> to vector<16x128xf32>
      %select_n3A_245 = arith.select %eq3A_242, %broadcast_in_dim3A_244, %select_n3A_216 : vector<16x128xi1>, vector<16x128xf32>
      %eq3A_246 = arith.constant 2 : i32
      %eq3A_247 = vector.broadcast %eq3A_246 : i32 to vector<16x128xi32>
      %eq3A_248 = arith.cmpi eq, %iota3A_164, %eq3A_247 : vector<16x128xi32>
      %broadcast_in_dim3A_249 = vector.shape_cast %broadcast_in_dim3A_236 : vector<1x128xf32> to vector<1x128xf32>
      %broadcast_in_dim3A_250 = vector.broadcast %broadcast_in_dim3A_249 : vector<1x128xf32> to vector<16x128xf32>
      %select_n3A_251 = arith.select %eq3A_248, %broadcast_in_dim3A_250, %select_n3A_222 : vector<16x128xi1>, vector<16x128xf32>
      %jit3A_252 = arith.constant 1.000000e+30 : f32
      %broadcast_in_dim3A_253 = vector.broadcast %jit3A_252 : f32 to vector<272x128xf32>
      %select_n3A_254 = arith.select %and3A_239, %broadcast_in_dim3A_253, %select_n3A_225 : vector<272x128xi1>, vector<272x128xf32>
      %reduce_min3A_255 = arith.constant dense<0x7F800000> : vector<128xf32>
      %reduce_min3A_256 = vector.multi_reduction <minimumf>, %select_n3A_254, %reduce_min3A_255 [0] : vector<272x128xf32> to vector<128xf32>
      %broadcast_in_dim3A_257 = vector.shape_cast %reduce_min3A_256 : vector<128xf32> to vector<1x128xf32>
      %eq3A_258 = vector.broadcast %broadcast_in_dim3A_257 : vector<1x128xf32> to vector<272x128xf32>
      %eq3A_259 = arith.cmpf oeq, %select_n3A_254, %eq3A_258 : vector<272x128xf32>
      %jit3A_260 = arith.constant 1.000000e+09 : f32
      %broadcast_in_dim3A_261 = vector.broadcast %jit3A_260 : f32 to vector<272x128xf32>
      %select_n3A_262 = arith.select %eq3A_259, %concatenate3A_163, %broadcast_in_dim3A_261 : vector<272x128xi1>, vector<272x128xf32>
      %reduce_min3A_263 = arith.constant dense<0x7F800000> : vector<128xf32>
      %reduce_min3A_264 = vector.multi_reduction <minimumf>, %select_n3A_262, %reduce_min3A_263 [0] : vector<272x128xf32> to vector<128xf32>
      %broadcast_in_dim3A_265 = vector.shape_cast %reduce_min3A_264 : vector<128xf32> to vector<1x128xf32>
      %eq3A_266 = vector.broadcast %broadcast_in_dim3A_265 : vector<1x128xf32> to vector<272x128xf32>
      %eq3A_267 = arith.cmpf oeq, %concatenate3A_163, %eq3A_266 : vector<272x128xf32>
      %and3A_268 = arith.andi %eq3A_259, %eq3A_267 : vector<272x128xi1>
      %eq3A_269 = arith.constant 3 : i32
      %eq3A_270 = vector.broadcast %eq3A_269 : i32 to vector<16x128xi32>
      %eq3A_271 = arith.cmpi eq, %iota3A_164, %eq3A_270 : vector<16x128xi32>
      %broadcast_in_dim3A_272 = vector.shape_cast %broadcast_in_dim3A_257 : vector<1x128xf32> to vector<1x128xf32>
      %broadcast_in_dim3A_273 = vector.broadcast %broadcast_in_dim3A_272 : vector<1x128xf32> to vector<16x128xf32>
      %select_n3A_274 = arith.select %eq3A_271, %broadcast_in_dim3A_273, %select_n3A_245 : vector<16x128xi1>, vector<16x128xf32>
      %eq3A_275 = arith.constant 3 : i32
      %eq3A_276 = vector.broadcast %eq3A_275 : i32 to vector<16x128xi32>
      %eq3A_277 = arith.cmpi eq, %iota3A_164, %eq3A_276 : vector<16x128xi32>
      %broadcast_in_dim3A_278 = vector.shape_cast %broadcast_in_dim3A_265 : vector<1x128xf32> to vector<1x128xf32>
      %broadcast_in_dim3A_279 = vector.broadcast %broadcast_in_dim3A_278 : vector<1x128xf32> to vector<16x128xf32>
      %select_n3A_280 = arith.select %eq3A_277, %broadcast_in_dim3A_279, %select_n3A_251 : vector<16x128xi1>, vector<16x128xf32>
      %jit3A_281 = arith.constant 1.000000e+30 : f32
      %broadcast_in_dim3A_282 = vector.broadcast %jit3A_281 : f32 to vector<272x128xf32>
      %select_n3A_283 = arith.select %and3A_268, %broadcast_in_dim3A_282, %select_n3A_254 : vector<272x128xi1>, vector<272x128xf32>
      %reduce_min3A_284 = arith.constant dense<0x7F800000> : vector<128xf32>
      %reduce_min3A_285 = vector.multi_reduction <minimumf>, %select_n3A_283, %reduce_min3A_284 [0] : vector<272x128xf32> to vector<128xf32>
      %broadcast_in_dim3A_286 = vector.shape_cast %reduce_min3A_285 : vector<128xf32> to vector<1x128xf32>
      %eq3A_287 = vector.broadcast %broadcast_in_dim3A_286 : vector<1x128xf32> to vector<272x128xf32>
      %eq3A_288 = arith.cmpf oeq, %select_n3A_283, %eq3A_287 : vector<272x128xf32>
      %jit3A_289 = arith.constant 1.000000e+09 : f32
      %broadcast_in_dim3A_290 = vector.broadcast %jit3A_289 : f32 to vector<272x128xf32>
      %select_n3A_291 = arith.select %eq3A_288, %concatenate3A_163, %broadcast_in_dim3A_290 : vector<272x128xi1>, vector<272x128xf32>
      %reduce_min3A_292 = arith.constant dense<0x7F800000> : vector<128xf32>
      %reduce_min3A_293 = vector.multi_reduction <minimumf>, %select_n3A_291, %reduce_min3A_292 [0] : vector<272x128xf32> to vector<128xf32>
      %broadcast_in_dim3A_294 = vector.shape_cast %reduce_min3A_293 : vector<128xf32> to vector<1x128xf32>
      %eq3A_295 = vector.broadcast %broadcast_in_dim3A_294 : vector<1x128xf32> to vector<272x128xf32>
      %eq3A_296 = arith.cmpf oeq, %concatenate3A_163, %eq3A_295 : vector<272x128xf32>
      %and3A_297 = arith.andi %eq3A_288, %eq3A_296 : vector<272x128xi1>
      %eq3A_298 = arith.constant 4 : i32
      %eq3A_299 = vector.broadcast %eq3A_298 : i32 to vector<16x128xi32>
      %eq3A_300 = arith.cmpi eq, %iota3A_164, %eq3A_299 : vector<16x128xi32>
      %broadcast_in_dim3A_301 = vector.shape_cast %broadcast_in_dim3A_286 : vector<1x128xf32> to vector<1x128xf32>
      %broadcast_in_dim3A_302 = vector.broadcast %broadcast_in_dim3A_301 : vector<1x128xf32> to vector<16x128xf32>
      %select_n3A_303 = arith.select %eq3A_300, %broadcast_in_dim3A_302, %select_n3A_274 : vector<16x128xi1>, vector<16x128xf32>
      %eq3A_304 = arith.constant 4 : i32
      %eq3A_305 = vector.broadcast %eq3A_304 : i32 to vector<16x128xi32>
      %eq3A_306 = arith.cmpi eq, %iota3A_164, %eq3A_305 : vector<16x128xi32>
      %broadcast_in_dim3A_307 = vector.shape_cast %broadcast_in_dim3A_294 : vector<1x128xf32> to vector<1x128xf32>
      %broadcast_in_dim3A_308 = vector.broadcast %broadcast_in_dim3A_307 : vector<1x128xf32> to vector<16x128xf32>
      %select_n3A_309 = arith.select %eq3A_306, %broadcast_in_dim3A_308, %select_n3A_280 : vector<16x128xi1>, vector<16x128xf32>
      %jit3A_310 = arith.constant 1.000000e+30 : f32
      %broadcast_in_dim3A_311 = vector.broadcast %jit3A_310 : f32 to vector<272x128xf32>
      %select_n3A_312 = arith.select %and3A_297, %broadcast_in_dim3A_311, %select_n3A_283 : vector<272x128xi1>, vector<272x128xf32>
      %reduce_min3A_313 = arith.constant dense<0x7F800000> : vector<128xf32>
      %reduce_min3A_314 = vector.multi_reduction <minimumf>, %select_n3A_312, %reduce_min3A_313 [0] : vector<272x128xf32> to vector<128xf32>
      %broadcast_in_dim3A_315 = vector.shape_cast %reduce_min3A_314 : vector<128xf32> to vector<1x128xf32>
      %eq3A_316 = vector.broadcast %broadcast_in_dim3A_315 : vector<1x128xf32> to vector<272x128xf32>
      %eq3A_317 = arith.cmpf oeq, %select_n3A_312, %eq3A_316 : vector<272x128xf32>
      %jit3A_318 = arith.constant 1.000000e+09 : f32
      %broadcast_in_dim3A_319 = vector.broadcast %jit3A_318 : f32 to vector<272x128xf32>
      %select_n3A_320 = arith.select %eq3A_317, %concatenate3A_163, %broadcast_in_dim3A_319 : vector<272x128xi1>, vector<272x128xf32>
      %reduce_min3A_321 = arith.constant dense<0x7F800000> : vector<128xf32>
      %reduce_min3A_322 = vector.multi_reduction <minimumf>, %select_n3A_320, %reduce_min3A_321 [0] : vector<272x128xf32> to vector<128xf32>
      %broadcast_in_dim3A_323 = vector.shape_cast %reduce_min3A_322 : vector<128xf32> to vector<1x128xf32>
      %eq3A_324 = vector.broadcast %broadcast_in_dim3A_323 : vector<1x128xf32> to vector<272x128xf32>
      %eq3A_325 = arith.cmpf oeq, %concatenate3A_163, %eq3A_324 : vector<272x128xf32>
      %and3A_326 = arith.andi %eq3A_317, %eq3A_325 : vector<272x128xi1>
      %eq3A_327 = arith.constant 5 : i32
      %eq3A_328 = vector.broadcast %eq3A_327 : i32 to vector<16x128xi32>
      %eq3A_329 = arith.cmpi eq, %iota3A_164, %eq3A_328 : vector<16x128xi32>
      %broadcast_in_dim3A_330 = vector.shape_cast %broadcast_in_dim3A_315 : vector<1x128xf32> to vector<1x128xf32>
      %broadcast_in_dim3A_331 = vector.broadcast %broadcast_in_dim3A_330 : vector<1x128xf32> to vector<16x128xf32>
      %select_n3A_332 = arith.select %eq3A_329, %broadcast_in_dim3A_331, %select_n3A_303 : vector<16x128xi1>, vector<16x128xf32>
      %eq3A_333 = arith.constant 5 : i32
      %eq3A_334 = vector.broadcast %eq3A_333 : i32 to vector<16x128xi32>
      %eq3A_335 = arith.cmpi eq, %iota3A_164, %eq3A_334 : vector<16x128xi32>
      %broadcast_in_dim3A_336 = vector.shape_cast %broadcast_in_dim3A_323 : vector<1x128xf32> to vector<1x128xf32>
      %broadcast_in_dim3A_337 = vector.broadcast %broadcast_in_dim3A_336 : vector<1x128xf32> to vector<16x128xf32>
      %select_n3A_338 = arith.select %eq3A_335, %broadcast_in_dim3A_337, %select_n3A_309 : vector<16x128xi1>, vector<16x128xf32>
      %jit3A_339 = arith.constant 1.000000e+30 : f32
      %broadcast_in_dim3A_340 = vector.broadcast %jit3A_339 : f32 to vector<272x128xf32>
      %select_n3A_341 = arith.select %and3A_326, %broadcast_in_dim3A_340, %select_n3A_312 : vector<272x128xi1>, vector<272x128xf32>
      %reduce_min3A_342 = arith.constant dense<0x7F800000> : vector<128xf32>
      %reduce_min3A_343 = vector.multi_reduction <minimumf>, %select_n3A_341, %reduce_min3A_342 [0] : vector<272x128xf32> to vector<128xf32>
      %broadcast_in_dim3A_344 = vector.shape_cast %reduce_min3A_343 : vector<128xf32> to vector<1x128xf32>
      %eq3A_345 = vector.broadcast %broadcast_in_dim3A_344 : vector<1x128xf32> to vector<272x128xf32>
      %eq3A_346 = arith.cmpf oeq, %select_n3A_341, %eq3A_345 : vector<272x128xf32>
      %jit3A_347 = arith.constant 1.000000e+09 : f32
      %broadcast_in_dim3A_348 = vector.broadcast %jit3A_347 : f32 to vector<272x128xf32>
      %select_n3A_349 = arith.select %eq3A_346, %concatenate3A_163, %broadcast_in_dim3A_348 : vector<272x128xi1>, vector<272x128xf32>
      %reduce_min3A_350 = arith.constant dense<0x7F800000> : vector<128xf32>
      %reduce_min3A_351 = vector.multi_reduction <minimumf>, %select_n3A_349, %reduce_min3A_350 [0] : vector<272x128xf32> to vector<128xf32>
      %broadcast_in_dim3A_352 = vector.shape_cast %reduce_min3A_351 : vector<128xf32> to vector<1x128xf32>
      %eq3A_353 = vector.broadcast %broadcast_in_dim3A_352 : vector<1x128xf32> to vector<272x128xf32>
      %eq3A_354 = arith.cmpf oeq, %concatenate3A_163, %eq3A_353 : vector<272x128xf32>
      %and3A_355 = arith.andi %eq3A_346, %eq3A_354 : vector<272x128xi1>
      %eq3A_356 = arith.constant 6 : i32
      %eq3A_357 = vector.broadcast %eq3A_356 : i32 to vector<16x128xi32>
      %eq3A_358 = arith.cmpi eq, %iota3A_164, %eq3A_357 : vector<16x128xi32>
      %broadcast_in_dim3A_359 = vector.shape_cast %broadcast_in_dim3A_344 : vector<1x128xf32> to vector<1x128xf32>
      %broadcast_in_dim3A_360 = vector.broadcast %broadcast_in_dim3A_359 : vector<1x128xf32> to vector<16x128xf32>
      %select_n3A_361 = arith.select %eq3A_358, %broadcast_in_dim3A_360, %select_n3A_332 : vector<16x128xi1>, vector<16x128xf32>
      %eq3A_362 = arith.constant 6 : i32
      %eq3A_363 = vector.broadcast %eq3A_362 : i32 to vector<16x128xi32>
      %eq3A_364 = arith.cmpi eq, %iota3A_164, %eq3A_363 : vector<16x128xi32>
      %broadcast_in_dim3A_365 = vector.shape_cast %broadcast_in_dim3A_352 : vector<1x128xf32> to vector<1x128xf32>
      %broadcast_in_dim3A_366 = vector.broadcast %broadcast_in_dim3A_365 : vector<1x128xf32> to vector<16x128xf32>
      %select_n3A_367 = arith.select %eq3A_364, %broadcast_in_dim3A_366, %select_n3A_338 : vector<16x128xi1>, vector<16x128xf32>
      %jit3A_368 = arith.constant 1.000000e+30 : f32
      %broadcast_in_dim3A_369 = vector.broadcast %jit3A_368 : f32 to vector<272x128xf32>
      %select_n3A_370 = arith.select %and3A_355, %broadcast_in_dim3A_369, %select_n3A_341 : vector<272x128xi1>, vector<272x128xf32>
      %reduce_min3A_371 = arith.constant dense<0x7F800000> : vector<128xf32>
      %reduce_min3A_372 = vector.multi_reduction <minimumf>, %select_n3A_370, %reduce_min3A_371 [0] : vector<272x128xf32> to vector<128xf32>
      %broadcast_in_dim3A_373 = vector.shape_cast %reduce_min3A_372 : vector<128xf32> to vector<1x128xf32>
      %eq3A_374 = vector.broadcast %broadcast_in_dim3A_373 : vector<1x128xf32> to vector<272x128xf32>
      %eq3A_375 = arith.cmpf oeq, %select_n3A_370, %eq3A_374 : vector<272x128xf32>
      %jit3A_376 = arith.constant 1.000000e+09 : f32
      %broadcast_in_dim3A_377 = vector.broadcast %jit3A_376 : f32 to vector<272x128xf32>
      %select_n3A_378 = arith.select %eq3A_375, %concatenate3A_163, %broadcast_in_dim3A_377 : vector<272x128xi1>, vector<272x128xf32>
      %reduce_min3A_379 = arith.constant dense<0x7F800000> : vector<128xf32>
      %reduce_min3A_380 = vector.multi_reduction <minimumf>, %select_n3A_378, %reduce_min3A_379 [0] : vector<272x128xf32> to vector<128xf32>
      %broadcast_in_dim3A_381 = vector.shape_cast %reduce_min3A_380 : vector<128xf32> to vector<1x128xf32>
      %eq3A_382 = vector.broadcast %broadcast_in_dim3A_381 : vector<1x128xf32> to vector<272x128xf32>
      %eq3A_383 = arith.cmpf oeq, %concatenate3A_163, %eq3A_382 : vector<272x128xf32>
      %and3A_384 = arith.andi %eq3A_375, %eq3A_383 : vector<272x128xi1>
      %eq3A_385 = arith.constant 7 : i32
      %eq3A_386 = vector.broadcast %eq3A_385 : i32 to vector<16x128xi32>
      %eq3A_387 = arith.cmpi eq, %iota3A_164, %eq3A_386 : vector<16x128xi32>
      %broadcast_in_dim3A_388 = vector.shape_cast %broadcast_in_dim3A_373 : vector<1x128xf32> to vector<1x128xf32>
      %broadcast_in_dim3A_389 = vector.broadcast %broadcast_in_dim3A_388 : vector<1x128xf32> to vector<16x128xf32>
      %select_n3A_390 = arith.select %eq3A_387, %broadcast_in_dim3A_389, %select_n3A_361 : vector<16x128xi1>, vector<16x128xf32>
      %eq3A_391 = arith.constant 7 : i32
      %eq3A_392 = vector.broadcast %eq3A_391 : i32 to vector<16x128xi32>
      %eq3A_393 = arith.cmpi eq, %iota3A_164, %eq3A_392 : vector<16x128xi32>
      %broadcast_in_dim3A_394 = vector.shape_cast %broadcast_in_dim3A_381 : vector<1x128xf32> to vector<1x128xf32>
      %broadcast_in_dim3A_395 = vector.broadcast %broadcast_in_dim3A_394 : vector<1x128xf32> to vector<16x128xf32>
      %select_n3A_396 = arith.select %eq3A_393, %broadcast_in_dim3A_395, %select_n3A_367 : vector<16x128xi1>, vector<16x128xf32>
      %jit3A_397 = arith.constant 1.000000e+30 : f32
      %broadcast_in_dim3A_398 = vector.broadcast %jit3A_397 : f32 to vector<272x128xf32>
      %select_n3A_399 = arith.select %and3A_384, %broadcast_in_dim3A_398, %select_n3A_370 : vector<272x128xi1>, vector<272x128xf32>
      %reduce_min3A_400 = arith.constant dense<0x7F800000> : vector<128xf32>
      %reduce_min3A_401 = vector.multi_reduction <minimumf>, %select_n3A_399, %reduce_min3A_400 [0] : vector<272x128xf32> to vector<128xf32>
      %broadcast_in_dim3A_402 = vector.shape_cast %reduce_min3A_401 : vector<128xf32> to vector<1x128xf32>
      %eq3A_403 = vector.broadcast %broadcast_in_dim3A_402 : vector<1x128xf32> to vector<272x128xf32>
      %eq3A_404 = arith.cmpf oeq, %select_n3A_399, %eq3A_403 : vector<272x128xf32>
      %jit3A_405 = arith.constant 1.000000e+09 : f32
      %broadcast_in_dim3A_406 = vector.broadcast %jit3A_405 : f32 to vector<272x128xf32>
      %select_n3A_407 = arith.select %eq3A_404, %concatenate3A_163, %broadcast_in_dim3A_406 : vector<272x128xi1>, vector<272x128xf32>
      %reduce_min3A_408 = arith.constant dense<0x7F800000> : vector<128xf32>
      %reduce_min3A_409 = vector.multi_reduction <minimumf>, %select_n3A_407, %reduce_min3A_408 [0] : vector<272x128xf32> to vector<128xf32>
      %broadcast_in_dim3A_410 = vector.shape_cast %reduce_min3A_409 : vector<128xf32> to vector<1x128xf32>
      %eq3A_411 = vector.broadcast %broadcast_in_dim3A_410 : vector<1x128xf32> to vector<272x128xf32>
      %eq3A_412 = arith.cmpf oeq, %concatenate3A_163, %eq3A_411 : vector<272x128xf32>
      %and3A_413 = arith.andi %eq3A_404, %eq3A_412 : vector<272x128xi1>
      %eq3A_414 = arith.constant 8 : i32
      %eq3A_415 = vector.broadcast %eq3A_414 : i32 to vector<16x128xi32>
      %eq3A_416 = arith.cmpi eq, %iota3A_164, %eq3A_415 : vector<16x128xi32>
      %broadcast_in_dim3A_417 = vector.shape_cast %broadcast_in_dim3A_402 : vector<1x128xf32> to vector<1x128xf32>
      %broadcast_in_dim3A_418 = vector.broadcast %broadcast_in_dim3A_417 : vector<1x128xf32> to vector<16x128xf32>
      %select_n3A_419 = arith.select %eq3A_416, %broadcast_in_dim3A_418, %select_n3A_390 : vector<16x128xi1>, vector<16x128xf32>
      %eq3A_420 = arith.constant 8 : i32
      %eq3A_421 = vector.broadcast %eq3A_420 : i32 to vector<16x128xi32>
      %eq3A_422 = arith.cmpi eq, %iota3A_164, %eq3A_421 : vector<16x128xi32>
      %broadcast_in_dim3A_423 = vector.shape_cast %broadcast_in_dim3A_410 : vector<1x128xf32> to vector<1x128xf32>
      %broadcast_in_dim3A_424 = vector.broadcast %broadcast_in_dim3A_423 : vector<1x128xf32> to vector<16x128xf32>
      %select_n3A_425 = arith.select %eq3A_422, %broadcast_in_dim3A_424, %select_n3A_396 : vector<16x128xi1>, vector<16x128xf32>
      %jit3A_426 = arith.constant 1.000000e+30 : f32
      %broadcast_in_dim3A_427 = vector.broadcast %jit3A_426 : f32 to vector<272x128xf32>
      %select_n3A_428 = arith.select %and3A_413, %broadcast_in_dim3A_427, %select_n3A_399 : vector<272x128xi1>, vector<272x128xf32>
      %reduce_min3A_429 = arith.constant dense<0x7F800000> : vector<128xf32>
      %reduce_min3A_430 = vector.multi_reduction <minimumf>, %select_n3A_428, %reduce_min3A_429 [0] : vector<272x128xf32> to vector<128xf32>
      %broadcast_in_dim3A_431 = vector.shape_cast %reduce_min3A_430 : vector<128xf32> to vector<1x128xf32>
      %eq3A_432 = vector.broadcast %broadcast_in_dim3A_431 : vector<1x128xf32> to vector<272x128xf32>
      %eq3A_433 = arith.cmpf oeq, %select_n3A_428, %eq3A_432 : vector<272x128xf32>
      %jit3A_434 = arith.constant 1.000000e+09 : f32
      %broadcast_in_dim3A_435 = vector.broadcast %jit3A_434 : f32 to vector<272x128xf32>
      %select_n3A_436 = arith.select %eq3A_433, %concatenate3A_163, %broadcast_in_dim3A_435 : vector<272x128xi1>, vector<272x128xf32>
      %reduce_min3A_437 = arith.constant dense<0x7F800000> : vector<128xf32>
      %reduce_min3A_438 = vector.multi_reduction <minimumf>, %select_n3A_436, %reduce_min3A_437 [0] : vector<272x128xf32> to vector<128xf32>
      %broadcast_in_dim3A_439 = vector.shape_cast %reduce_min3A_438 : vector<128xf32> to vector<1x128xf32>
      %eq3A_440 = vector.broadcast %broadcast_in_dim3A_439 : vector<1x128xf32> to vector<272x128xf32>
      %eq3A_441 = arith.cmpf oeq, %concatenate3A_163, %eq3A_440 : vector<272x128xf32>
      %and3A_442 = arith.andi %eq3A_433, %eq3A_441 : vector<272x128xi1>
      %eq3A_443 = arith.constant 9 : i32
      %eq3A_444 = vector.broadcast %eq3A_443 : i32 to vector<16x128xi32>
      %eq3A_445 = arith.cmpi eq, %iota3A_164, %eq3A_444 : vector<16x128xi32>
      %broadcast_in_dim3A_446 = vector.shape_cast %broadcast_in_dim3A_431 : vector<1x128xf32> to vector<1x128xf32>
      %broadcast_in_dim3A_447 = vector.broadcast %broadcast_in_dim3A_446 : vector<1x128xf32> to vector<16x128xf32>
      %select_n3A_448 = arith.select %eq3A_445, %broadcast_in_dim3A_447, %select_n3A_419 : vector<16x128xi1>, vector<16x128xf32>
      %eq3A_449 = arith.constant 9 : i32
      %eq3A_450 = vector.broadcast %eq3A_449 : i32 to vector<16x128xi32>
      %eq3A_451 = arith.cmpi eq, %iota3A_164, %eq3A_450 : vector<16x128xi32>
      %broadcast_in_dim3A_452 = vector.shape_cast %broadcast_in_dim3A_439 : vector<1x128xf32> to vector<1x128xf32>
      %broadcast_in_dim3A_453 = vector.broadcast %broadcast_in_dim3A_452 : vector<1x128xf32> to vector<16x128xf32>
      %select_n3A_454 = arith.select %eq3A_451, %broadcast_in_dim3A_453, %select_n3A_425 : vector<16x128xi1>, vector<16x128xf32>
      %jit3A_455 = arith.constant 1.000000e+30 : f32
      %broadcast_in_dim3A_456 = vector.broadcast %jit3A_455 : f32 to vector<272x128xf32>
      %select_n3A_457 = arith.select %and3A_442, %broadcast_in_dim3A_456, %select_n3A_428 : vector<272x128xi1>, vector<272x128xf32>
      %reduce_min3A_458 = arith.constant dense<0x7F800000> : vector<128xf32>
      %reduce_min3A_459 = vector.multi_reduction <minimumf>, %select_n3A_457, %reduce_min3A_458 [0] : vector<272x128xf32> to vector<128xf32>
      %broadcast_in_dim3A_460 = vector.shape_cast %reduce_min3A_459 : vector<128xf32> to vector<1x128xf32>
      %eq3A_461 = vector.broadcast %broadcast_in_dim3A_460 : vector<1x128xf32> to vector<272x128xf32>
      %eq3A_462 = arith.cmpf oeq, %select_n3A_457, %eq3A_461 : vector<272x128xf32>
      %jit3A_463 = arith.constant 1.000000e+09 : f32
      %broadcast_in_dim3A_464 = vector.broadcast %jit3A_463 : f32 to vector<272x128xf32>
      %select_n3A_465 = arith.select %eq3A_462, %concatenate3A_163, %broadcast_in_dim3A_464 : vector<272x128xi1>, vector<272x128xf32>
      %reduce_min3A_466 = arith.constant dense<0x7F800000> : vector<128xf32>
      %reduce_min3A_467 = vector.multi_reduction <minimumf>, %select_n3A_465, %reduce_min3A_466 [0] : vector<272x128xf32> to vector<128xf32>
      %broadcast_in_dim3A_468 = vector.shape_cast %reduce_min3A_467 : vector<128xf32> to vector<1x128xf32>
      %eq3A_469 = vector.broadcast %broadcast_in_dim3A_468 : vector<1x128xf32> to vector<272x128xf32>
      %eq3A_470 = arith.cmpf oeq, %concatenate3A_163, %eq3A_469 : vector<272x128xf32>
      %and3A_471 = arith.andi %eq3A_462, %eq3A_470 : vector<272x128xi1>
      %eq3A_472 = arith.constant 10 : i32
      %eq3A_473 = vector.broadcast %eq3A_472 : i32 to vector<16x128xi32>
      %eq3A_474 = arith.cmpi eq, %iota3A_164, %eq3A_473 : vector<16x128xi32>
      %broadcast_in_dim3A_475 = vector.shape_cast %broadcast_in_dim3A_460 : vector<1x128xf32> to vector<1x128xf32>
      %broadcast_in_dim3A_476 = vector.broadcast %broadcast_in_dim3A_475 : vector<1x128xf32> to vector<16x128xf32>
      %select_n3A_477 = arith.select %eq3A_474, %broadcast_in_dim3A_476, %select_n3A_448 : vector<16x128xi1>, vector<16x128xf32>
      %eq3A_478 = arith.constant 10 : i32
      %eq3A_479 = vector.broadcast %eq3A_478 : i32 to vector<16x128xi32>
      %eq3A_480 = arith.cmpi eq, %iota3A_164, %eq3A_479 : vector<16x128xi32>
      %broadcast_in_dim3A_481 = vector.shape_cast %broadcast_in_dim3A_468 : vector<1x128xf32> to vector<1x128xf32>
      %broadcast_in_dim3A_482 = vector.broadcast %broadcast_in_dim3A_481 : vector<1x128xf32> to vector<16x128xf32>
      %select_n3A_483 = arith.select %eq3A_480, %broadcast_in_dim3A_482, %select_n3A_454 : vector<16x128xi1>, vector<16x128xf32>
      %jit3A_484 = arith.constant 1.000000e+30 : f32
      %broadcast_in_dim3A_485 = vector.broadcast %jit3A_484 : f32 to vector<272x128xf32>
      %select_n3A_486 = arith.select %and3A_471, %broadcast_in_dim3A_485, %select_n3A_457 : vector<272x128xi1>, vector<272x128xf32>
      %reduce_min3A_487 = arith.constant dense<0x7F800000> : vector<128xf32>
      %reduce_min3A_488 = vector.multi_reduction <minimumf>, %select_n3A_486, %reduce_min3A_487 [0] : vector<272x128xf32> to vector<128xf32>
      %broadcast_in_dim3A_489 = vector.shape_cast %reduce_min3A_488 : vector<128xf32> to vector<1x128xf32>
      %eq3A_490 = vector.broadcast %broadcast_in_dim3A_489 : vector<1x128xf32> to vector<272x128xf32>
      %eq3A_491 = arith.cmpf oeq, %select_n3A_486, %eq3A_490 : vector<272x128xf32>
      %jit3A_492 = arith.constant 1.000000e+09 : f32
      %broadcast_in_dim3A_493 = vector.broadcast %jit3A_492 : f32 to vector<272x128xf32>
      %select_n3A_494 = arith.select %eq3A_491, %concatenate3A_163, %broadcast_in_dim3A_493 : vector<272x128xi1>, vector<272x128xf32>
      %reduce_min3A_495 = arith.constant dense<0x7F800000> : vector<128xf32>
      %reduce_min3A_496 = vector.multi_reduction <minimumf>, %select_n3A_494, %reduce_min3A_495 [0] : vector<272x128xf32> to vector<128xf32>
      %broadcast_in_dim3A_497 = vector.shape_cast %reduce_min3A_496 : vector<128xf32> to vector<1x128xf32>
      %eq3A_498 = vector.broadcast %broadcast_in_dim3A_497 : vector<1x128xf32> to vector<272x128xf32>
      %eq3A_499 = arith.cmpf oeq, %concatenate3A_163, %eq3A_498 : vector<272x128xf32>
      %and3A_500 = arith.andi %eq3A_491, %eq3A_499 : vector<272x128xi1>
      %eq3A_501 = arith.constant 11 : i32
      %eq3A_502 = vector.broadcast %eq3A_501 : i32 to vector<16x128xi32>
      %eq3A_503 = arith.cmpi eq, %iota3A_164, %eq3A_502 : vector<16x128xi32>
      %broadcast_in_dim3A_504 = vector.shape_cast %broadcast_in_dim3A_489 : vector<1x128xf32> to vector<1x128xf32>
      %broadcast_in_dim3A_505 = vector.broadcast %broadcast_in_dim3A_504 : vector<1x128xf32> to vector<16x128xf32>
      %select_n3A_506 = arith.select %eq3A_503, %broadcast_in_dim3A_505, %select_n3A_477 : vector<16x128xi1>, vector<16x128xf32>
      %eq3A_507 = arith.constant 11 : i32
      %eq3A_508 = vector.broadcast %eq3A_507 : i32 to vector<16x128xi32>
      %eq3A_509 = arith.cmpi eq, %iota3A_164, %eq3A_508 : vector<16x128xi32>
      %broadcast_in_dim3A_510 = vector.shape_cast %broadcast_in_dim3A_497 : vector<1x128xf32> to vector<1x128xf32>
      %broadcast_in_dim3A_511 = vector.broadcast %broadcast_in_dim3A_510 : vector<1x128xf32> to vector<16x128xf32>
      %select_n3A_512 = arith.select %eq3A_509, %broadcast_in_dim3A_511, %select_n3A_483 : vector<16x128xi1>, vector<16x128xf32>
      %jit3A_513 = arith.constant 1.000000e+30 : f32
      %broadcast_in_dim3A_514 = vector.broadcast %jit3A_513 : f32 to vector<272x128xf32>
      %select_n3A_515 = arith.select %and3A_500, %broadcast_in_dim3A_514, %select_n3A_486 : vector<272x128xi1>, vector<272x128xf32>
      scf.yield %select_n3A_506, %select_n3A_512 : vector<16x128xf32>, vector<16x128xf32>
    }
    %get3A_77 = arith.constant 0 : index
    %get3A_78 = arith.index_cast %mul3A_0 : i32 to index
    %get3A_79 = vector.load %arg7[%get3A_77, %get3A_78] : memref<1x4096xi32, #tpu.memory_space<vmem>>, vector<1x128xi32>
    %get3A_80 = arith.constant 0 : index
    %get3A_81 = arith.index_cast %mul3A_0 : i32 to index
    %get3A_82 = vector.load %arg8[%get3A_80, %get3A_81] : memref<1x4096xi32, #tpu.memory_space<vmem>>, vector<1x128xi32>
    %sub3A_83 = arith.subi %get3A_82, %get3A_79 : vector<1x128xi32>
    %sub3A_84 = arith.constant 1 : i32
    %sub3A_85 = vector.broadcast %sub3A_84 : i32 to vector<1x128xi32>
    %sub3A_86 = arith.subi %sub3A_83, %sub3A_85 : vector<1x128xi32>
    %iota3A_87 = tpu.iota {dimensions = array<i32: 0>} : vector<16x128xi32>
    %sub3A_88 = vector.broadcast %sub3A_86 : vector<1x128xi32> to vector<16x128xi32>
    %sub3A_89 = arith.subi %iota3A_87, %sub3A_88 : vector<16x128xi32>
    %lt3A = vector.broadcast %get3A_79 : vector<1x128xi32> to vector<16x128xi32>
    %lt3A_90 = arith.cmpi slt, %sub3A_89, %lt3A : vector<16x128xi32>
    %eq3A = vector.broadcast %get3A_79 : vector<1x128xi32> to vector<16x128xi32>
    %eq3A_91 = arith.cmpi eq, %sub3A_89, %eq3A : vector<16x128xi32>
    %sub3A_92 = vector.broadcast %get3A_79 : vector<1x128xi32> to vector<16x128xi32>
    %sub3A_93 = arith.subi %sub3A_89, %sub3A_92 : vector<16x128xi32>
    %add3A_94 = vector.broadcast %get3A_82 : vector<1x128xi32> to vector<16x128xi32>
    %add3A_95 = arith.addi %add3A_94, %sub3A_93 : vector<16x128xi32>
    %sub3A_96 = arith.constant 1 : i32
    %sub3A_97 = vector.broadcast %sub3A_96 : i32 to vector<16x128xi32>
    %sub3A_98 = arith.subi %add3A_95, %sub3A_97 : vector<16x128xi32>
    %broadcast_in_dim3A_99 = vector.shape_cast %add3A_64 : vector<1x128xi32> to vector<1x128xi32>
    %broadcast_in_dim3A_100 = vector.broadcast %broadcast_in_dim3A_99 : vector<1x128xi32> to vector<16x128xi32>
    %select_n3A_101 = arith.select %eq3A_91, %broadcast_in_dim3A_100, %sub3A_98 : vector<16x128xi1>, vector<16x128xi32>
    %select_n3A_102 = arith.select %lt3A_90, %sub3A_89, %select_n3A_101 : vector<16x128xi1>, vector<16x128xi32>
    %ge3A = vector.broadcast %sub3A_86 : vector<1x128xi32> to vector<16x128xi32>
    %ge3A_103 = arith.cmpi sge, %iota3A_87, %ge3A : vector<16x128xi32>
    %convert_element_type3A = arith.sitofp %select_n3A_102 : vector<16x128xi32> to vector<16x128xf32>
    %select_n3A_104 = arith.select %ge3A_103, %convert_element_type3A, %while3A_76#1 : vector<16x128xi1>, vector<16x128xf32>
    %jit3A_105 = arith.constant 9.99999995E+11 : f32
    %broadcast_in_dim3A_106 = vector.broadcast %jit3A_105 : f32 to vector<16x128xf32>
    %select_n3A_107 = arith.select %ge3A_103, %broadcast_in_dim3A_106, %while3A_76#0 : vector<16x128xi1>, vector<16x128xf32>
    %swap3A = arith.constant 0 : index
    %swap3A_108 = arith.constant 0 : index
    %swap3A_109 = vector.load %arg9[%swap3A, %swap3A_108] : memref<16x128xf32, #tpu.memory_space<vmem>>, vector<16x128xf32>
    tpu.vector_store %arg9[%swap3A, %swap3A_108], %select_n3A_104 {strides = array<i32>} : memref<16x128xf32, #tpu.memory_space<vmem>>, vector<16x128xf32>,
    %add3A_110 = arith.constant 9.99999993E-9 : f32
    %add3A_111 = vector.broadcast %add3A_110 : f32 to vector<16x128xf32>
    %add3A_112 = arith.addf %select_n3A_107, %add3A_111 : vector<16x128xf32>
    %sqrt3A = math.sqrt %add3A_112 : vector<16x128xf32>
    %swap3A_113 = arith.constant 0 : index
    %swap3A_114 = arith.constant 0 : index
    %swap3A_115 = vector.load %arg10[%swap3A_113, %swap3A_114] : memref<16x128xf32, #tpu.memory_space<vmem>>, vector<16x128xf32>
    tpu.vector_store %arg10[%swap3A_113, %swap3A_114], %sqrt3A {strides = array<i32>} : memref<16x128xf32, #tpu.memory_space<vmem>>, vector<16x128xf32>,
    return
  }
  func.func @transform_0(%arg0: i32, %arg1: memref<4096xi32, #tpu.memory_space<smem>>, %arg2: memref<4096xi32, #tpu.memory_space<smem>>) -> (i32, i32) {
    %c0_i32 = arith.constant 0 : i32
    %c0_i32_0 = arith.constant 0 : i32
    %c0_i32_1 = arith.constant 0 : i32
    return %c0_i32, %c0_i32_0 : i32, i32
  }
  func.func @transform_1(%arg0: i32, %arg1: memref<4096xi32, #tpu.memory_space<smem>>, %arg2: memref<4096xi32, #tpu.memory_space<smem>>) -> (i32, i32) {
    %c0_i32 = arith.constant 0 : i32
    %c0_i32_0 = arith.constant 0 : i32
    %c0_i32_1 = arith.constant 0 : i32
    return %c0_i32, %c0_i32_0 : i32, i32
  }
  func.func @transform_2(%arg0: i32, %arg1: memref<4096xi32, #tpu.memory_space<smem>>, %arg2: memref<4096xi32, #tpu.memory_space<smem>>) -> (i32, i32) {
    %c0_i32 = arith.constant 0 : i32
    %c0_i32_0 = arith.constant 0 : i32
    %c0_i32_1 = arith.constant 0 : i32
    return %c0_i32, %c0_i32_0 : i32, i32
  }
  func.func @transform_3(%arg0: i32, %arg1: memref<4096xi32, #tpu.memory_space<smem>>, %arg2: memref<4096xi32, #tpu.memory_space<smem>>) -> (i32, i32) {
    %c0_i32 = arith.constant 0 : i32
    %c0_i32_0 = arith.constant 0 : i32
    %c0_i32_1 = arith.constant 0 : i32
    return %c0_i32, %c0_i32_0 : i32, i32
  }
  func.func @transform_4(%arg0: i32, %arg1: memref<4096xi32, #tpu.memory_space<smem>>, %arg2: memref<4096xi32, #tpu.memory_space<smem>>) -> (i32, i32) {
    %c0_i32 = arith.constant 0 : i32
    %c0_i32_0 = arith.constant 0 : i32
    %c0_i32_1 = arith.constant 0 : i32
    return %c0_i32, %c0_i32_0 : i32, i32
  }
  func.func @transform_5(%arg0: i32, %arg1: memref<4096xi32, #tpu.memory_space<smem>>, %arg2: memref<4096xi32, #tpu.memory_space<smem>>) -> (i32, i32) {
    %c0_i32 = arith.constant 0 : i32
    %c0_i32_0 = arith.constant 0 : i32
    %c0_i32_1 = arith.constant 0 : i32
    return %c0_i32, %c0_i32_0 : i32, i32
  }
  func.func @transform_6(%arg0: i32, %arg1: memref<4096xi32, #tpu.memory_space<smem>>, %arg2: memref<4096xi32, #tpu.memory_space<smem>>) -> (i32, i32) {
    %c0_i32 = arith.constant 0 : i32
    %c0_i32_0 = arith.constant 0 : i32
    return %c0_i32, %arg0 : i32, i32
  }
  func.func @transform_7(%arg0: i32, %arg1: memref<4096xi32, #tpu.memory_space<smem>>, %arg2: memref<4096xi32, #tpu.memory_space<smem>>) -> (i32, i32) {
    %c0_i32 = arith.constant 0 : i32
    %c0_i32_0 = arith.constant 0 : i32
    return %c0_i32, %arg0 : i32, i32
  }
}

module attributes {stable_mosaic.version = 14 : i64} {
  func.func @_convA_kernel(%arg0: i32, %arg1: memref<12x1024x128xf32, #tpu.memory_space<vmem>>, %arg2: memref<1024x128xf32, #tpu.memory_space<vmem>>, %arg3: memref<1024x16xf32, #tpu.memory_space<vmem>>, %arg4: memref<1x64xf32, #tpu.memory_space<vmem>>, %arg5: memref<1x1xf32, #tpu.memory_space<vmem>>, %arg6: memref<192x128xf32, #tpu.memory_space<vmem>>, %arg7: memref<1x128xf32, #tpu.memory_space<vmem>>, %arg8: memref<12x1024x128xbf16, #tpu.memory_space<vmem>>, %arg9: memref<8x128xf32, #tpu.memory_space<vmem>>) attributes {dimension_semantics = [#tpu.dimension_semantics<arbitrary>], iteration_bounds = array<i64: 4>, scalar_prefetch = 0 : i64, scratch_operands = 0 : i64, tpu.core_type = #tpu.core_type<tc>, window_params = [{transform_indices = @transform_0, window_bounds = array<i64: 12, 1024, 128>}, {transform_indices = @transform_1, window_bounds = array<i64: 1024, 128>}, {transform_indices = @transform_2, window_bounds = array<i64: 1024, 16>}, {pipeline_mode = #tpu.pipeline_mode<synchronous>, transform_indices = @transform_3, window_bounds = array<i64: 1, 64>}, {pipeline_mode = #tpu.pipeline_mode<synchronous>, transform_indices = @transform_4, window_bounds = array<i64: 1, 1>}, {pipeline_mode = #tpu.pipeline_mode<synchronous>, transform_indices = @transform_5, window_bounds = array<i64: 192, 128>}, {pipeline_mode = #tpu.pipeline_mode<synchronous>, transform_indices = @transform_6, window_bounds = array<i64: 1, 128>}, {transform_indices = @transform_7, window_bounds = array<i64: 12, 1024, 128>}, {pipeline_mode = #tpu.pipeline_mode<synchronous>, transform_indices = @transform_8, window_bounds = array<i64: 8, 128>}]} {
    %get3A = arith.constant 0 : index
    %get3A_0 = arith.constant 0 : index
    %get3A_1 = vector.load %arg2[%get3A, %get3A_0] : memref<1024x128xf32, #tpu.memory_space<vmem>>, vector<1024x128xf32>
    %slice3A = vector.extract_strided_slice %get3A_1 {offsets = [0, 0], sizes = [1024, 64], strides = [1, 1]} : vector<1024x128xf32> to vector<1024x64xf32>
    %convert_element_type3A = arith.truncf %slice3A : vector<1024x64xf32> to vector<1024x64xbf16>
    %get3A_2 = arith.constant 0 : index
    %get3A_3 = arith.constant 0 : index
    %get3A_4 = vector.load %arg6[%get3A_2, %get3A_3] : memref<192x128xf32, #tpu.memory_space<vmem>>, vector<192x128xf32>
    %get3A_5 = arith.constant 0 : index
    %get3A_6 = arith.constant 0 : index
    %get3A_7 = vector.load %arg7[%get3A_5, %get3A_6] : memref<1x128xf32, #tpu.memory_space<vmem>>, vector<1x128xf32>
    %get3A_8 = arith.constant 0 : index
    %get3A_9 = arith.constant 0 : index
    %get3A_10 = vector.load %arg4[%get3A_8, %get3A_9] : memref<1x64xf32, #tpu.memory_space<vmem>>, vector<1x64xf32>
    %get3A_11 = arith.constant 0 : index
    %get3A_12 = arith.constant 0 : index
    %get3A_13 = vector.load %arg5[%get3A_11, %get3A_12] : memref<1x1xf32, #tpu.memory_space<vmem>>, vector<1x1xf32>
    %get3A_14 = arith.constant 0 : index
    %get3A_15 = arith.constant 0 : index
    %get3A_16 = arith.constant 0 : index
    %get3A_17 = vector.load %arg1[%get3A_14, %get3A_15, %get3A_16] : memref<12x1024x128xf32, #tpu.memory_space<vmem>>, vector<12x1024x128xf32>
    %slice3A_18 = vector.extract_strided_slice %get3A_17 {offsets = [0, 0, 0], sizes = [12, 1024, 64], strides = [1, 1, 1]} : vector<12x1024x128xf32> to vector<12x1024x64xf32>
    %convert_element_type3A_19 = arith.truncf %slice3A_18 : vector<12x1024x64xf32> to vector<12x1024x64xbf16>
    %reshape3A = vector.shape_cast %convert_element_type3A_19 : vector<12x1024x64xbf16> to vector<12288x64xbf16>
    %concatenate3A = tpu.concatenate %convert_element_type3A, %convert_element_type3A, %convert_element_type3A, %convert_element_type3A, %convert_element_type3A, %convert_element_type3A, %convert_element_type3A, %convert_element_type3A, %convert_element_type3A, %convert_element_type3A, %convert_element_type3A, %convert_element_type3A in 0 : vector<1024x64xbf16>, vector<1024x64xbf16>, vector<1024x64xbf16>, vector<1024x64xbf16>, vector<1024x64xbf16>, vector<1024x64xbf16>, vector<1024x64xbf16>, vector<1024x64xbf16>, vector<1024x64xbf16>, vector<1024x64xbf16>, vector<1024x64xbf16>, vector<1024x64xbf16> -> vector<12288x64xbf16>
    %get3A_20 = arith.constant 0 : index
    %get3A_21 = arith.constant 0 : index
    %get3A_22 = vector.load %arg3[%get3A_20, %get3A_21] : memref<1024x16xf32, #tpu.memory_space<vmem>>, vector<1024x1xf32>
    %lt3A = arith.constant 1.000000e+05 : f32
    %lt3A_23 = vector.broadcast %lt3A : f32 to vector<1024x1xf32>
    %lt3A_24 = arith.cmpf olt, %get3A_22, %lt3A_23 : vector<1024x1xf32>
    %convert_element_type3A_25 = arith.extui %lt3A_24 : vector<1024x1xi1> to vector<1024x1xi32>
    %convert_element_type3A_26 = arith.sitofp %convert_element_type3A_25 : vector<1024x1xi32> to vector<1024x1xf32>
    %sub3A = vector.broadcast %get3A_22 : vector<1024x1xf32> to vector<1024x64xf32>
    %sub3A_27 = vector.broadcast %get3A_10 : vector<1x64xf32> to vector<1024x64xf32>
    %sub3A_28 = arith.subf %sub3A, %sub3A_27 : vector<1024x64xf32>
    %mul3A = vector.broadcast %get3A_13 : vector<1x1xf32> to vector<1024x64xf32>
    %mul3A_29 = arith.mulf %mul3A, %sub3A_28 : vector<1024x64xf32>
    %mul3A_30 = arith.mulf %mul3A_29, %sub3A_28 : vector<1024x64xf32>
    %exp3A = math.exp %mul3A_30 : vector<1024x64xf32>
    %mul3A_31 = vector.broadcast %convert_element_type3A_26 : vector<1024x1xf32> to vector<1024x64xf32>
    %mul3A_32 = arith.mulf %exp3A, %mul3A_31 : vector<1024x64xf32>
    %convert_element_type3A_33 = arith.truncf %mul3A_32 : vector<1024x64xf32> to vector<1024x64xbf16>
    %get3A_34 = arith.constant 0 : index
    %get3A_35 = arith.constant 1 : index
    %get3A_36 = vector.load %arg3[%get3A_34, %get3A_35] : memref<1024x16xf32, #tpu.memory_space<vmem>>, vector<1024x1xf32>
    %lt3A_37 = arith.constant 1.000000e+05 : f32
    %lt3A_38 = vector.broadcast %lt3A_37 : f32 to vector<1024x1xf32>
    %lt3A_39 = arith.cmpf olt, %get3A_36, %lt3A_38 : vector<1024x1xf32>
    %convert_element_type3A_40 = arith.extui %lt3A_39 : vector<1024x1xi1> to vector<1024x1xi32>
    %convert_element_type3A_41 = arith.sitofp %convert_element_type3A_40 : vector<1024x1xi32> to vector<1024x1xf32>
    %sub3A_42 = vector.broadcast %get3A_36 : vector<1024x1xf32> to vector<1024x64xf32>
    %sub3A_43 = vector.broadcast %get3A_10 : vector<1x64xf32> to vector<1024x64xf32>
    %sub3A_44 = arith.subf %sub3A_42, %sub3A_43 : vector<1024x64xf32>
    %mul3A_45 = vector.broadcast %get3A_13 : vector<1x1xf32> to vector<1024x64xf32>
    %mul3A_46 = arith.mulf %mul3A_45, %sub3A_44 : vector<1024x64xf32>
    %mul3A_47 = arith.mulf %mul3A_46, %sub3A_44 : vector<1024x64xf32>
    %exp3A_48 = math.exp %mul3A_47 : vector<1024x64xf32>
    %mul3A_49 = vector.broadcast %convert_element_type3A_41 : vector<1024x1xf32> to vector<1024x64xf32>
    %mul3A_50 = arith.mulf %exp3A_48, %mul3A_49 : vector<1024x64xf32>
    %convert_element_type3A_51 = arith.truncf %mul3A_50 : vector<1024x64xf32> to vector<1024x64xbf16>
    %get3A_52 = arith.constant 0 : index
    %get3A_53 = arith.constant 2 : index
    %get3A_54 = vector.load %arg3[%get3A_52, %get3A_53] : memref<1024x16xf32, #tpu.memory_space<vmem>>, vector<1024x1xf32>
    %lt3A_55 = arith.constant 1.000000e+05 : f32
    %lt3A_56 = vector.broadcast %lt3A_55 : f32 to vector<1024x1xf32>
    %lt3A_57 = arith.cmpf olt, %get3A_54, %lt3A_56 : vector<1024x1xf32>
    %convert_element_type3A_58 = arith.extui %lt3A_57 : vector<1024x1xi1> to vector<1024x1xi32>
    %convert_element_type3A_59 = arith.sitofp %convert_element_type3A_58 : vector<1024x1xi32> to vector<1024x1xf32>
    %sub3A_60 = vector.broadcast %get3A_54 : vector<1024x1xf32> to vector<1024x64xf32>
    %sub3A_61 = vector.broadcast %get3A_10 : vector<1x64xf32> to vector<1024x64xf32>
    %sub3A_62 = arith.subf %sub3A_60, %sub3A_61 : vector<1024x64xf32>
    %mul3A_63 = vector.broadcast %get3A_13 : vector<1x1xf32> to vector<1024x64xf32>
    %mul3A_64 = arith.mulf %mul3A_63, %sub3A_62 : vector<1024x64xf32>
    %mul3A_65 = arith.mulf %mul3A_64, %sub3A_62 : vector<1024x64xf32>
    %exp3A_66 = math.exp %mul3A_65 : vector<1024x64xf32>
    %mul3A_67 = vector.broadcast %convert_element_type3A_59 : vector<1024x1xf32> to vector<1024x64xf32>
    %mul3A_68 = arith.mulf %exp3A_66, %mul3A_67 : vector<1024x64xf32>
    %convert_element_type3A_69 = arith.truncf %mul3A_68 : vector<1024x64xf32> to vector<1024x64xbf16>
    %get3A_70 = arith.constant 0 : index
    %get3A_71 = arith.constant 3 : index
    %get3A_72 = vector.load %arg3[%get3A_70, %get3A_71] : memref<1024x16xf32, #tpu.memory_space<vmem>>, vector<1024x1xf32>
    %lt3A_73 = arith.constant 1.000000e+05 : f32
    %lt3A_74 = vector.broadcast %lt3A_73 : f32 to vector<1024x1xf32>
    %lt3A_75 = arith.cmpf olt, %get3A_72, %lt3A_74 : vector<1024x1xf32>
    %convert_element_type3A_76 = arith.extui %lt3A_75 : vector<1024x1xi1> to vector<1024x1xi32>
    %convert_element_type3A_77 = arith.sitofp %convert_element_type3A_76 : vector<1024x1xi32> to vector<1024x1xf32>
    %sub3A_78 = vector.broadcast %get3A_72 : vector<1024x1xf32> to vector<1024x64xf32>
    %sub3A_79 = vector.broadcast %get3A_10 : vector<1x64xf32> to vector<1024x64xf32>
    %sub3A_80 = arith.subf %sub3A_78, %sub3A_79 : vector<1024x64xf32>
    %mul3A_81 = vector.broadcast %get3A_13 : vector<1x1xf32> to vector<1024x64xf32>
    %mul3A_82 = arith.mulf %mul3A_81, %sub3A_80 : vector<1024x64xf32>
    %mul3A_83 = arith.mulf %mul3A_82, %sub3A_80 : vector<1024x64xf32>
    %exp3A_84 = math.exp %mul3A_83 : vector<1024x64xf32>
    %mul3A_85 = vector.broadcast %convert_element_type3A_77 : vector<1024x1xf32> to vector<1024x64xf32>
    %mul3A_86 = arith.mulf %exp3A_84, %mul3A_85 : vector<1024x64xf32>
    %convert_element_type3A_87 = arith.truncf %mul3A_86 : vector<1024x64xf32> to vector<1024x64xbf16>
    %get3A_88 = arith.constant 0 : index
    %get3A_89 = arith.constant 4 : index
    %get3A_90 = vector.load %arg3[%get3A_88, %get3A_89] : memref<1024x16xf32, #tpu.memory_space<vmem>>, vector<1024x1xf32>
    %lt3A_91 = arith.constant 1.000000e+05 : f32
    %lt3A_92 = vector.broadcast %lt3A_91 : f32 to vector<1024x1xf32>
    %lt3A_93 = arith.cmpf olt, %get3A_90, %lt3A_92 : vector<1024x1xf32>
    %convert_element_type3A_94 = arith.extui %lt3A_93 : vector<1024x1xi1> to vector<1024x1xi32>
    %convert_element_type3A_95 = arith.sitofp %convert_element_type3A_94 : vector<1024x1xi32> to vector<1024x1xf32>
    %sub3A_96 = vector.broadcast %get3A_90 : vector<1024x1xf32> to vector<1024x64xf32>
    %sub3A_97 = vector.broadcast %get3A_10 : vector<1x64xf32> to vector<1024x64xf32>
    %sub3A_98 = arith.subf %sub3A_96, %sub3A_97 : vector<1024x64xf32>
    %mul3A_99 = vector.broadcast %get3A_13 : vector<1x1xf32> to vector<1024x64xf32>
    %mul3A_100 = arith.mulf %mul3A_99, %sub3A_98 : vector<1024x64xf32>
    %mul3A_101 = arith.mulf %mul3A_100, %sub3A_98 : vector<1024x64xf32>
    %exp3A_102 = math.exp %mul3A_101 : vector<1024x64xf32>
    %mul3A_103 = vector.broadcast %convert_element_type3A_95 : vector<1024x1xf32> to vector<1024x64xf32>
    %mul3A_104 = arith.mulf %exp3A_102, %mul3A_103 : vector<1024x64xf32>
    %convert_element_type3A_105 = arith.truncf %mul3A_104 : vector<1024x64xf32> to vector<1024x64xbf16>
    %get3A_106 = arith.constant 0 : index
    %get3A_107 = arith.constant 5 : index
    %get3A_108 = vector.load %arg3[%get3A_106, %get3A_107] : memref<1024x16xf32, #tpu.memory_space<vmem>>, vector<1024x1xf32>
    %lt3A_109 = arith.constant 1.000000e+05 : f32
    %lt3A_110 = vector.broadcast %lt3A_109 : f32 to vector<1024x1xf32>
    %lt3A_111 = arith.cmpf olt, %get3A_108, %lt3A_110 : vector<1024x1xf32>
    %convert_element_type3A_112 = arith.extui %lt3A_111 : vector<1024x1xi1> to vector<1024x1xi32>
    %convert_element_type3A_113 = arith.sitofp %convert_element_type3A_112 : vector<1024x1xi32> to vector<1024x1xf32>
    %sub3A_114 = vector.broadcast %get3A_108 : vector<1024x1xf32> to vector<1024x64xf32>
    %sub3A_115 = vector.broadcast %get3A_10 : vector<1x64xf32> to vector<1024x64xf32>
    %sub3A_116 = arith.subf %sub3A_114, %sub3A_115 : vector<1024x64xf32>
    %mul3A_117 = vector.broadcast %get3A_13 : vector<1x1xf32> to vector<1024x64xf32>
    %mul3A_118 = arith.mulf %mul3A_117, %sub3A_116 : vector<1024x64xf32>
    %mul3A_119 = arith.mulf %mul3A_118, %sub3A_116 : vector<1024x64xf32>
    %exp3A_120 = math.exp %mul3A_119 : vector<1024x64xf32>
    %mul3A_121 = vector.broadcast %convert_element_type3A_113 : vector<1024x1xf32> to vector<1024x64xf32>
    %mul3A_122 = arith.mulf %exp3A_120, %mul3A_121 : vector<1024x64xf32>
    %convert_element_type3A_123 = arith.truncf %mul3A_122 : vector<1024x64xf32> to vector<1024x64xbf16>
    %get3A_124 = arith.constant 0 : index
    %get3A_125 = arith.constant 6 : index
    %get3A_126 = vector.load %arg3[%get3A_124, %get3A_125] : memref<1024x16xf32, #tpu.memory_space<vmem>>, vector<1024x1xf32>
    %lt3A_127 = arith.constant 1.000000e+05 : f32
    %lt3A_128 = vector.broadcast %lt3A_127 : f32 to vector<1024x1xf32>
    %lt3A_129 = arith.cmpf olt, %get3A_126, %lt3A_128 : vector<1024x1xf32>
    %convert_element_type3A_130 = arith.extui %lt3A_129 : vector<1024x1xi1> to vector<1024x1xi32>
    %convert_element_type3A_131 = arith.sitofp %convert_element_type3A_130 : vector<1024x1xi32> to vector<1024x1xf32>
    %sub3A_132 = vector.broadcast %get3A_126 : vector<1024x1xf32> to vector<1024x64xf32>
    %sub3A_133 = vector.broadcast %get3A_10 : vector<1x64xf32> to vector<1024x64xf32>
    %sub3A_134 = arith.subf %sub3A_132, %sub3A_133 : vector<1024x64xf32>
    %mul3A_135 = vector.broadcast %get3A_13 : vector<1x1xf32> to vector<1024x64xf32>
    %mul3A_136 = arith.mulf %mul3A_135, %sub3A_134 : vector<1024x64xf32>
    %mul3A_137 = arith.mulf %mul3A_136, %sub3A_134 : vector<1024x64xf32>
    %exp3A_138 = math.exp %mul3A_137 : vector<1024x64xf32>
    %mul3A_139 = vector.broadcast %convert_element_type3A_131 : vector<1024x1xf32> to vector<1024x64xf32>
    %mul3A_140 = arith.mulf %exp3A_138, %mul3A_139 : vector<1024x64xf32>
    %convert_element_type3A_141 = arith.truncf %mul3A_140 : vector<1024x64xf32> to vector<1024x64xbf16>
    %get3A_142 = arith.constant 0 : index
    %get3A_143 = arith.constant 7 : index
    %get3A_144 = vector.load %arg3[%get3A_142, %get3A_143] : memref<1024x16xf32, #tpu.memory_space<vmem>>, vector<1024x1xf32>
    %lt3A_145 = arith.constant 1.000000e+05 : f32
    %lt3A_146 = vector.broadcast %lt3A_145 : f32 to vector<1024x1xf32>
    %lt3A_147 = arith.cmpf olt, %get3A_144, %lt3A_146 : vector<1024x1xf32>
    %convert_element_type3A_148 = arith.extui %lt3A_147 : vector<1024x1xi1> to vector<1024x1xi32>
    %convert_element_type3A_149 = arith.sitofp %convert_element_type3A_148 : vector<1024x1xi32> to vector<1024x1xf32>
    %sub3A_150 = vector.broadcast %get3A_144 : vector<1024x1xf32> to vector<1024x64xf32>
    %sub3A_151 = vector.broadcast %get3A_10 : vector<1x64xf32> to vector<1024x64xf32>
    %sub3A_152 = arith.subf %sub3A_150, %sub3A_151 : vector<1024x64xf32>
    %mul3A_153 = vector.broadcast %get3A_13 : vector<1x1xf32> to vector<1024x64xf32>
    %mul3A_154 = arith.mulf %mul3A_153, %sub3A_152 : vector<1024x64xf32>
    %mul3A_155 = arith.mulf %mul3A_154, %sub3A_152 : vector<1024x64xf32>
    %exp3A_156 = math.exp %mul3A_155 : vector<1024x64xf32>
    %mul3A_157 = vector.broadcast %convert_element_type3A_149 : vector<1024x1xf32> to vector<1024x64xf32>
    %mul3A_158 = arith.mulf %exp3A_156, %mul3A_157 : vector<1024x64xf32>
    %convert_element_type3A_159 = arith.truncf %mul3A_158 : vector<1024x64xf32> to vector<1024x64xbf16>
    %get3A_160 = arith.constant 0 : index
    %get3A_161 = arith.constant 8 : index
    %get3A_162 = vector.load %arg3[%get3A_160, %get3A_161] : memref<1024x16xf32, #tpu.memory_space<vmem>>, vector<1024x1xf32>
    %lt3A_163 = arith.constant 1.000000e+05 : f32
    %lt3A_164 = vector.broadcast %lt3A_163 : f32 to vector<1024x1xf32>
    %lt3A_165 = arith.cmpf olt, %get3A_162, %lt3A_164 : vector<1024x1xf32>
    %convert_element_type3A_166 = arith.extui %lt3A_165 : vector<1024x1xi1> to vector<1024x1xi32>
    %convert_element_type3A_167 = arith.sitofp %convert_element_type3A_166 : vector<1024x1xi32> to vector<1024x1xf32>
    %sub3A_168 = vector.broadcast %get3A_162 : vector<1024x1xf32> to vector<1024x64xf32>
    %sub3A_169 = vector.broadcast %get3A_10 : vector<1x64xf32> to vector<1024x64xf32>
    %sub3A_170 = arith.subf %sub3A_168, %sub3A_169 : vector<1024x64xf32>
    %mul3A_171 = vector.broadcast %get3A_13 : vector<1x1xf32> to vector<1024x64xf32>
    %mul3A_172 = arith.mulf %mul3A_171, %sub3A_170 : vector<1024x64xf32>
    %mul3A_173 = arith.mulf %mul3A_172, %sub3A_170 : vector<1024x64xf32>
    %exp3A_174 = math.exp %mul3A_173 : vector<1024x64xf32>
    %mul3A_175 = vector.broadcast %convert_element_type3A_167 : vector<1024x1xf32> to vector<1024x64xf32>
    %mul3A_176 = arith.mulf %exp3A_174, %mul3A_175 : vector<1024x64xf32>
    %convert_element_type3A_177 = arith.truncf %mul3A_176 : vector<1024x64xf32> to vector<1024x64xbf16>
    %get3A_178 = arith.constant 0 : index
    %get3A_179 = arith.constant 9 : index
    %get3A_180 = vector.load %arg3[%get3A_178, %get3A_179] : memref<1024x16xf32, #tpu.memory_space<vmem>>, vector<1024x1xf32>
    %lt3A_181 = arith.constant 1.000000e+05 : f32
    %lt3A_182 = vector.broadcast %lt3A_181 : f32 to vector<1024x1xf32>
    %lt3A_183 = arith.cmpf olt, %get3A_180, %lt3A_182 : vector<1024x1xf32>
    %convert_element_type3A_184 = arith.extui %lt3A_183 : vector<1024x1xi1> to vector<1024x1xi32>
    %convert_element_type3A_185 = arith.sitofp %convert_element_type3A_184 : vector<1024x1xi32> to vector<1024x1xf32>
    %sub3A_186 = vector.broadcast %get3A_180 : vector<1024x1xf32> to vector<1024x64xf32>
    %sub3A_187 = vector.broadcast %get3A_10 : vector<1x64xf32> to vector<1024x64xf32>
    %sub3A_188 = arith.subf %sub3A_186, %sub3A_187 : vector<1024x64xf32>
    %mul3A_189 = vector.broadcast %get3A_13 : vector<1x1xf32> to vector<1024x64xf32>
    %mul3A_190 = arith.mulf %mul3A_189, %sub3A_188 : vector<1024x64xf32>
    %mul3A_191 = arith.mulf %mul3A_190, %sub3A_188 : vector<1024x64xf32>
    %exp3A_192 = math.exp %mul3A_191 : vector<1024x64xf32>
    %mul3A_193 = vector.broadcast %convert_element_type3A_185 : vector<1024x1xf32> to vector<1024x64xf32>
    %mul3A_194 = arith.mulf %exp3A_192, %mul3A_193 : vector<1024x64xf32>
    %convert_element_type3A_195 = arith.truncf %mul3A_194 : vector<1024x64xf32> to vector<1024x64xbf16>
    %get3A_196 = arith.constant 0 : index
    %get3A_197 = arith.constant 10 : index
    %get3A_198 = vector.load %arg3[%get3A_196, %get3A_197] : memref<1024x16xf32, #tpu.memory_space<vmem>>, vector<1024x1xf32>
    %lt3A_199 = arith.constant 1.000000e+05 : f32
    %lt3A_200 = vector.broadcast %lt3A_199 : f32 to vector<1024x1xf32>
    %lt3A_201 = arith.cmpf olt, %get3A_198, %lt3A_200 : vector<1024x1xf32>
    %convert_element_type3A_202 = arith.extui %lt3A_201 : vector<1024x1xi1> to vector<1024x1xi32>
    %convert_element_type3A_203 = arith.sitofp %convert_element_type3A_202 : vector<1024x1xi32> to vector<1024x1xf32>
    %sub3A_204 = vector.broadcast %get3A_198 : vector<1024x1xf32> to vector<1024x64xf32>
    %sub3A_205 = vector.broadcast %get3A_10 : vector<1x64xf32> to vector<1024x64xf32>
    %sub3A_206 = arith.subf %sub3A_204, %sub3A_205 : vector<1024x64xf32>
    %mul3A_207 = vector.broadcast %get3A_13 : vector<1x1xf32> to vector<1024x64xf32>
    %mul3A_208 = arith.mulf %mul3A_207, %sub3A_206 : vector<1024x64xf32>
    %mul3A_209 = arith.mulf %mul3A_208, %sub3A_206 : vector<1024x64xf32>
    %exp3A_210 = math.exp %mul3A_209 : vector<1024x64xf32>
    %mul3A_211 = vector.broadcast %convert_element_type3A_203 : vector<1024x1xf32> to vector<1024x64xf32>
    %mul3A_212 = arith.mulf %exp3A_210, %mul3A_211 : vector<1024x64xf32>
    %convert_element_type3A_213 = arith.truncf %mul3A_212 : vector<1024x64xf32> to vector<1024x64xbf16>
    %get3A_214 = arith.constant 0 : index
    %get3A_215 = arith.constant 11 : index
    %get3A_216 = vector.load %arg3[%get3A_214, %get3A_215] : memref<1024x16xf32, #tpu.memory_space<vmem>>, vector<1024x1xf32>
    %lt3A_217 = arith.constant 1.000000e+05 : f32
    %lt3A_218 = vector.broadcast %lt3A_217 : f32 to vector<1024x1xf32>
    %lt3A_219 = arith.cmpf olt, %get3A_216, %lt3A_218 : vector<1024x1xf32>
    %convert_element_type3A_220 = arith.extui %lt3A_219 : vector<1024x1xi1> to vector<1024x1xi32>
    %convert_element_type3A_221 = arith.sitofp %convert_element_type3A_220 : vector<1024x1xi32> to vector<1024x1xf32>
    %sub3A_222 = vector.broadcast %get3A_216 : vector<1024x1xf32> to vector<1024x64xf32>
    %sub3A_223 = vector.broadcast %get3A_10 : vector<1x64xf32> to vector<1024x64xf32>
    %sub3A_224 = arith.subf %sub3A_222, %sub3A_223 : vector<1024x64xf32>
    %mul3A_225 = vector.broadcast %get3A_13 : vector<1x1xf32> to vector<1024x64xf32>
    %mul3A_226 = arith.mulf %mul3A_225, %sub3A_224 : vector<1024x64xf32>
    %mul3A_227 = arith.mulf %mul3A_226, %sub3A_224 : vector<1024x64xf32>
    %exp3A_228 = math.exp %mul3A_227 : vector<1024x64xf32>
    %mul3A_229 = vector.broadcast %convert_element_type3A_221 : vector<1024x1xf32> to vector<1024x64xf32>
    %mul3A_230 = arith.mulf %exp3A_228, %mul3A_229 : vector<1024x64xf32>
    %convert_element_type3A_231 = arith.truncf %mul3A_230 : vector<1024x64xf32> to vector<1024x64xbf16>
    %concatenate3A_232 = tpu.concatenate %convert_element_type3A_33, %convert_element_type3A_51, %convert_element_type3A_69, %convert_element_type3A_87, %convert_element_type3A_105, %convert_element_type3A_123, %convert_element_type3A_141, %convert_element_type3A_159, %convert_element_type3A_177, %convert_element_type3A_195, %convert_element_type3A_213, %convert_element_type3A_231 in 0 : vector<1024x64xbf16>, vector<1024x64xbf16>, vector<1024x64xbf16>, vector<1024x64xbf16>, vector<1024x64xbf16>, vector<1024x64xbf16>, vector<1024x64xbf16>, vector<1024x64xbf16>, vector<1024x64xbf16>, vector<1024x64xbf16>, vector<1024x64xbf16>, vector<1024x64xbf16> -> vector<12288x64xbf16>
    %concatenate3A_233 = tpu.concatenate %reshape3A, %concatenate3A, %concatenate3A_232 in 1 : vector<12288x64xbf16>, vector<12288x64xbf16>, vector<12288x64xbf16> -> vector<12288x192xbf16>
    %convert_element_type3A_234 = arith.truncf %get3A_4 : vector<192x128xf32> to vector<192x128xbf16>
    %dot_general3A = arith.constant dense<0.000000e+00> : vector<12288x128xf32>
    %dot_general3A_235 = tpu.matmul %concatenate3A_233, %convert_element_type3A_234, %dot_general3A {dimension_numbers = #tpu.dot_dimension_numbers<[1], [0], [0], [1], [0, 0, 1, 1], [], []>, transpose_lhs_hint = false} : vector<12288x192xbf16>, vector<192x128xbf16>, vector<12288x128xf32> -> vector<12288x128xf32>
    %add3A = vector.broadcast %get3A_7 : vector<1x128xf32> to vector<12288x128xf32>
    %add3A_236 = arith.addf %dot_general3A_235, %add3A : vector<12288x128xf32>
    %convert_element_type3A_237 = arith.truncf %add3A_236 : vector<12288x128xf32> to vector<12288x128xbf16>
    %reshape3A_238 = vector.shape_cast %convert_element_type3A_237 : vector<12288x128xbf16> to vector<12x1024x128xbf16>
    %swap3A = arith.constant 0 : index
    %swap3A_239 = arith.constant 0 : index
    %swap3A_240 = arith.constant 0 : index
    %swap3A_241 = vector.load %arg8[%swap3A, %swap3A_239, %swap3A_240] : memref<12x1024x128xbf16, #tpu.memory_space<vmem>>, vector<12x1024x128xbf16>
    tpu.vector_store %arg8[%swap3A, %swap3A_239, %swap3A_240], %reshape3A_238 {strides = array<i32>} : memref<12x1024x128xbf16, #tpu.memory_space<vmem>>, vector<12x1024x128xbf16>,
    %reduce_sum3A = arith.constant dense<0.000000e+00> : vector<128xf32>
    %reduce_sum3A_242 = vector.multi_reduction <add>, %add3A_236, %reduce_sum3A [0] : vector<12288x128xf32> to vector<128xf32>
    %broadcast_in_dim3A = vector.shape_cast %reduce_sum3A_242 : vector<128xf32> to vector<1x128xf32>
    %mul3A_243 = arith.mulf %add3A_236, %add3A_236 : vector<12288x128xf32>
    %reduce_sum3A_244 = arith.constant dense<0.000000e+00> : vector<128xf32>
    %reduce_sum3A_245 = vector.multi_reduction <add>, %mul3A_243, %reduce_sum3A_244 [0] : vector<12288x128xf32> to vector<128xf32>
    %broadcast_in_dim3A_246 = vector.shape_cast %reduce_sum3A_245 : vector<128xf32> to vector<1x128xf32>
    %iota3A = tpu.iota {dimensions = array<i32: 0>} : vector<8x128xi32>
    %eq3A = arith.constant 0 : i32
    %eq3A_247 = vector.broadcast %eq3A : i32 to vector<8x128xi32>
    %eq3A_248 = arith.cmpi eq, %iota3A, %eq3A_247 : vector<8x128xi32>
    %jit3A = arith.constant 0.000000e+00 : f32
    %broadcast_in_dim3A_249 = vector.shape_cast %broadcast_in_dim3A : vector<1x128xf32> to vector<1x128xf32>
    %broadcast_in_dim3A_250 = vector.broadcast %broadcast_in_dim3A_249 : vector<1x128xf32> to vector<8x128xf32>
    %broadcast_in_dim3A_251 = vector.broadcast %jit3A : f32 to vector<8x128xf32>
    %select_n3A = arith.select %eq3A_248, %broadcast_in_dim3A_250, %broadcast_in_dim3A_251 : vector<8x128xi1>, vector<8x128xf32>
    %eq3A_252 = arith.constant 1 : i32
    %eq3A_253 = vector.broadcast %eq3A_252 : i32 to vector<8x128xi32>
    %eq3A_254 = arith.cmpi eq, %iota3A, %eq3A_253 : vector<8x128xi32>
    %jit3A_255 = arith.constant 0.000000e+00 : f32
    %broadcast_in_dim3A_256 = vector.shape_cast %broadcast_in_dim3A_246 : vector<1x128xf32> to vector<1x128xf32>
    %broadcast_in_dim3A_257 = vector.broadcast %broadcast_in_dim3A_256 : vector<1x128xf32> to vector<8x128xf32>
    %broadcast_in_dim3A_258 = vector.broadcast %jit3A_255 : f32 to vector<8x128xf32>
    %select_n3A_259 = arith.select %eq3A_254, %broadcast_in_dim3A_257, %broadcast_in_dim3A_258 : vector<8x128xi1>, vector<8x128xf32>
    %add3A_260 = arith.addf %select_n3A, %select_n3A_259 : vector<8x128xf32>
    %eq3A_261 = arith.constant 0 : i32
    %eq3A_262 = arith.cmpi eq, %arg0, %eq3A_261 : i32
    %convert_element_type3A_263 = arith.extui %eq3A_262 : i1 to i32
    %cond3A = arith.constant 0 : i32
    %cond3A_264 = arith.cmpi ne, %convert_element_type3A_263, %cond3A : i32
    scf.if %cond3A_264 {
      %broadcast_in_dim3A_272 = arith.constant 0.000000e+00 : f32
      %broadcast_in_dim3A_273 = vector.broadcast %broadcast_in_dim3A_272 : f32 to vector<8x128xf32>
      %swap3A_274 = arith.constant 0 : index
      %swap3A_275 = arith.constant 0 : index
      %swap3A_276 = vector.load %arg9[%swap3A_274, %swap3A_275] : memref<8x128xf32, #tpu.memory_space<vmem>>, vector<8x128xf32>
      tpu.vector_store %arg9[%swap3A_274, %swap3A_275], %broadcast_in_dim3A_273 {strides = array<i32>} : memref<8x128xf32, #tpu.memory_space<vmem>>, vector<8x128xf32>,
    } else {
    }
    %get3A_265 = arith.constant 0 : index
    %get3A_266 = arith.constant 0 : index
    %get3A_267 = vector.load %arg9[%get3A_265, %get3A_266] : memref<8x128xf32, #tpu.memory_space<vmem>>, vector<8x128xf32>
    %add3A_268 = arith.addf %get3A_267, %add3A_260 : vector<8x128xf32>
    %swap3A_269 = arith.constant 0 : index
    %swap3A_270 = arith.constant 0 : index
    %swap3A_271 = vector.load %arg9[%swap3A_269, %swap3A_270] : memref<8x128xf32, #tpu.memory_space<vmem>>, vector<8x128xf32>
    tpu.vector_store %arg9[%swap3A_269, %swap3A_270], %add3A_268 {strides = array<i32>} : memref<8x128xf32, #tpu.memory_space<vmem>>, vector<8x128xf32>,
    return
  }
  func.func @transform_0(%arg0: i32) -> (i32, i32, i32) {
    %c0_i32 = arith.constant 0 : i32
    %c0_i32_0 = arith.constant 0 : i32
    %c0_i32_1 = arith.constant 0 : i32
    return %c0_i32, %arg0, %c0_i32_0 : i32, i32, i32
  }
  func.func @transform_1(%arg0: i32) -> (i32, i32) {
    %c0_i32 = arith.constant 0 : i32
    %c0_i32_0 = arith.constant 0 : i32
    return %arg0, %c0_i32 : i32, i32
  }
  func.func @transform_2(%arg0: i32) -> (i32, i32) {
    %c0_i32 = arith.constant 0 : i32
    %c0_i32_0 = arith.constant 0 : i32
    return %arg0, %c0_i32 : i32, i32
  }
  func.func @transform_3(%arg0: i32) -> (i32, i32) {
    %c0_i32 = arith.constant 0 : i32
    %c0_i32_0 = arith.constant 0 : i32
    %c0_i32_1 = arith.constant 0 : i32
    return %c0_i32, %c0_i32_0 : i32, i32
  }
  func.func @transform_4(%arg0: i32) -> (i32, i32) {
    %c0_i32 = arith.constant 0 : i32
    %c0_i32_0 = arith.constant 0 : i32
    %c0_i32_1 = arith.constant 0 : i32
    return %c0_i32, %c0_i32_0 : i32, i32
  }
  func.func @transform_5(%arg0: i32) -> (i32, i32) {
    %c0_i32 = arith.constant 0 : i32
    %c0_i32_0 = arith.constant 0 : i32
    %c0_i32_1 = arith.constant 0 : i32
    return %c0_i32, %c0_i32_0 : i32, i32
  }
  func.func @transform_6(%arg0: i32) -> (i32, i32) {
    %c0_i32 = arith.constant 0 : i32
    %c0_i32_0 = arith.constant 0 : i32
    %c0_i32_1 = arith.constant 0 : i32
    return %c0_i32, %c0_i32_0 : i32, i32
  }
  func.func @transform_7(%arg0: i32) -> (i32, i32, i32) {
    %c0_i32 = arith.constant 0 : i32
    %c0_i32_0 = arith.constant 0 : i32
    %c0_i32_1 = arith.constant 0 : i32
    return %c0_i32, %arg0, %c0_i32_0 : i32, i32, i32
  }
  func.func @transform_8(%arg0: i32) -> (i32, i32) {
    %c0_i32 = arith.constant 0 : i32
    %c0_i32_0 = arith.constant 0 : i32
    %c0_i32_1 = arith.constant 0 : i32
    return %c0_i32, %c0_i32_0 : i32, i32
  }
}

module attributes {stable_mosaic.version = 14 : i64} {
  func.func @_convB_kernel(%arg0: i32, %arg1: memref<12x1024x128xbf16, #tpu.memory_space<vmem>>, %arg2: memref<8x128xf32, #tpu.memory_space<vmem>>, %arg3: memref<1x128xf32, #tpu.memory_space<vmem>>, %arg4: memref<1x128xf32, #tpu.memory_space<vmem>>, %arg5: memref<1024x16xf32, #tpu.memory_space<vmem>>, %arg6: memref<1024x64xf32, #tpu.memory_space<vmem>>, %arg7: memref<8x64xf32, #tpu.memory_space<vmem>>) attributes {dimension_semantics = [#tpu.dimension_semantics<arbitrary>], iteration_bounds = array<i64: 4>, scalar_prefetch = 0 : i64, scratch_operands = 0 : i64, tpu.core_type = #tpu.core_type<tc>, window_params = [{transform_indices = @transform_0, window_bounds = array<i64: 12, 1024, 128>}, {pipeline_mode = #tpu.pipeline_mode<synchronous>, transform_indices = @transform_1, window_bounds = array<i64: 8, 128>}, {pipeline_mode = #tpu.pipeline_mode<synchronous>, transform_indices = @transform_2, window_bounds = array<i64: 1, 128>}, {pipeline_mode = #tpu.pipeline_mode<synchronous>, transform_indices = @transform_3, window_bounds = array<i64: 1, 128>}, {transform_indices = @transform_4, window_bounds = array<i64: 1024, 16>}, {transform_indices = @transform_5, window_bounds = array<i64: 1024, 64>}, {pipeline_mode = #tpu.pipeline_mode<synchronous>, transform_indices = @transform_6, window_bounds = array<i64: 8, 64>}]} {
    %get3A = arith.constant 0 : index
    %get3A_0 = arith.constant 0 : index
    %get3A_1 = vector.load %arg2[%get3A, %get3A_0] : memref<8x128xf32, #tpu.memory_space<vmem>>, vector<8x128xf32>
    %slice3A = vector.extract_strided_slice %get3A_1 {offsets = [0, 0], sizes = [1, 128], strides = [1, 1]} : vector<8x128xf32> to vector<1x128xf32>
    %mul3A = arith.constant 2.03450527E-5 : f32
    %mul3A_2 = vector.broadcast %mul3A : f32 to vector<1x128xf32>
    %mul3A_3 = arith.mulf %slice3A, %mul3A_2 : vector<1x128xf32>
    %slice3A_4 = vector.extract_strided_slice %get3A_1 {offsets = [1, 0], sizes = [1, 128], strides = [1, 1]} : vector<8x128xf32> to vector<1x128xf32>
    %mul3A_5 = arith.constant 2.03450527E-5 : f32
    %mul3A_6 = vector.broadcast %mul3A_5 : f32 to vector<1x128xf32>
    %mul3A_7 = arith.mulf %slice3A_4, %mul3A_6 : vector<1x128xf32>
    %mul3A_8 = arith.mulf %mul3A_3, %mul3A_3 : vector<1x128xf32>
    %sub3A = arith.subf %mul3A_7, %mul3A_8 : vector<1x128xf32>
    %get3A_9 = arith.constant 0 : index
    %get3A_10 = arith.constant 0 : index
    %get3A_11 = vector.load %arg3[%get3A_9, %get3A_10] : memref<1x128xf32, #tpu.memory_space<vmem>>, vector<1x128xf32>
    %add3A = arith.constant 9.99999974E-6 : f32
    %add3A_12 = vector.broadcast %add3A : f32 to vector<1x128xf32>
    %add3A_13 = arith.addf %sub3A, %add3A_12 : vector<1x128xf32>
    %rsqrt3A = math.rsqrt %add3A_13 : vector<1x128xf32>
    %mul3A_14 = arith.mulf %get3A_11, %rsqrt3A : vector<1x128xf32>
    %get3A_15 = arith.constant 0 : index
    %get3A_16 = arith.constant 0 : index
    %get3A_17 = vector.load %arg4[%get3A_15, %get3A_16] : memref<1x128xf32, #tpu.memory_space<vmem>>, vector<1x128xf32>
    %mul3A_18 = arith.mulf %mul3A_3, %mul3A_14 : vector<1x128xf32>
    %sub3A_19 = arith.subf %get3A_17, %mul3A_18 : vector<1x128xf32>
    %broadcast_in_dim3A = arith.constant 0.000000e+00 : f32
    %broadcast_in_dim3A_20 = vector.broadcast %broadcast_in_dim3A : f32 to vector<1024x64xf32>
    %get3A_21 = arith.constant 0 : index
    %get3A_22 = arith.constant 0 : index
    %get3A_23 = arith.constant 0 : index
    %get3A_24 = vector.load %arg1[%get3A_21, %get3A_22, %get3A_23] : memref<12x1024x128xbf16, #tpu.memory_space<vmem>>, vector<1x1024x128xbf16>
    %get3A_25 = vector.shape_cast %get3A_24 : vector<1x1024x128xbf16> to vector<1024x128xbf16>
    %convert_element_type3A = arith.extf %get3A_25 : vector<1024x128xbf16> to vector<1024x128xf32>
    %mul3A_26 = vector.broadcast %mul3A_14 : vector<1x128xf32> to vector<1024x128xf32>
    %mul3A_27 = arith.mulf %convert_element_type3A, %mul3A_26 : vector<1024x128xf32>
    %add3A_28 = vector.broadcast %sub3A_19 : vector<1x128xf32> to vector<1024x128xf32>
    %add3A_29 = arith.addf %mul3A_27, %add3A_28 : vector<1024x128xf32>
    %slice3A_30 = vector.extract_strided_slice %add3A_29 {offsets = [0, 0], sizes = [1024, 64], strides = [1, 1]} : vector<1024x128xf32> to vector<1024x64xf32>
    %slice3A_31 = vector.extract_strided_slice %add3A_29 {offsets = [0, 64], sizes = [1024, 64], strides = [1, 1]} : vector<1024x128xf32> to vector<1024x64xf32>
    %get3A_32 = arith.constant 0 : index
    %get3A_33 = arith.constant 0 : index
    %get3A_34 = vector.load %arg5[%get3A_32, %get3A_33] : memref<1024x16xf32, #tpu.memory_space<vmem>>, vector<1024x1xf32>
    %lt3A = arith.constant 1.000000e+05 : f32
    %lt3A_35 = vector.broadcast %lt3A : f32 to vector<1024x1xf32>
    %lt3A_36 = arith.cmpf olt, %get3A_34, %lt3A_35 : vector<1024x1xf32>
    %convert_element_type3A_37 = arith.extui %lt3A_36 : vector<1024x1xi1> to vector<1024x1xi32>
    %convert_element_type3A_38 = arith.sitofp %convert_element_type3A_37 : vector<1024x1xi32> to vector<1024x1xf32>
    %neg3A = arith.constant 0.000000e+00 : f32
    %neg3A_39 = vector.broadcast %neg3A : f32 to vector<1024x64xf32>
    %neg3A_40 = arith.subf %neg3A_39, %slice3A_30 : vector<1024x64xf32>
    %exp3A = math.exp %neg3A_40 : vector<1024x64xf32>
    %add3A_41 = arith.constant 1.000000e+00 : f32
    %add3A_42 = vector.broadcast %add3A_41 : f32 to vector<1024x64xf32>
    %add3A_43 = arith.addf %add3A_42, %exp3A : vector<1024x64xf32>
    %div3A = arith.constant 1.000000e+00 : f32
    %div3A_44 = vector.broadcast %div3A : f32 to vector<1024x64xf32>
    %div3A_45 = arith.divf %div3A_44, %add3A_43 : vector<1024x64xf32>
    %max3A = arith.constant 0.000000e+00 : f32
    %max3A_46 = vector.broadcast %max3A : f32 to vector<1024x64xf32>
    %max3A_47 = arith.maximumf %slice3A_31, %max3A_46 : vector<1024x64xf32>
    %abs3A = math.absf %slice3A_31 : vector<1024x64xf32>
    %neg3A_48 = arith.constant 0.000000e+00 : f32
    %neg3A_49 = vector.broadcast %neg3A_48 : f32 to vector<1024x64xf32>
    %neg3A_50 = arith.subf %neg3A_49, %abs3A : vector<1024x64xf32>
    %exp3A_51 = math.exp %neg3A_50 : vector<1024x64xf32>
    %log1p3A = math.log1p %exp3A_51 : vector<1024x64xf32>
    %add3A_52 = arith.addf %max3A_47, %log1p3A : vector<1024x64xf32>
    %mul3A_53 = arith.mulf %div3A_45, %add3A_52 : vector<1024x64xf32>
    %mul3A_54 = vector.broadcast %convert_element_type3A_38 : vector<1024x1xf32> to vector<1024x64xf32>
    %mul3A_55 = arith.mulf %mul3A_53, %mul3A_54 : vector<1024x64xf32>
    %add3A_56 = arith.addf %broadcast_in_dim3A_20, %mul3A_55 : vector<1024x64xf32>
    %get3A_57 = arith.constant 1 : index
    %get3A_58 = arith.constant 0 : index
    %get3A_59 = arith.constant 0 : index
    %get3A_60 = vector.load %arg1[%get3A_57, %get3A_58, %get3A_59] : memref<12x1024x128xbf16, #tpu.memory_space<vmem>>, vector<1x1024x128xbf16>
    %get3A_61 = vector.shape_cast %get3A_60 : vector<1x1024x128xbf16> to vector<1024x128xbf16>
    %convert_element_type3A_62 = arith.extf %get3A_61 : vector<1024x128xbf16> to vector<1024x128xf32>
    %mul3A_63 = vector.broadcast %mul3A_14 : vector<1x128xf32> to vector<1024x128xf32>
    %mul3A_64 = arith.mulf %convert_element_type3A_62, %mul3A_63 : vector<1024x128xf32>
    %add3A_65 = vector.broadcast %sub3A_19 : vector<1x128xf32> to vector<1024x128xf32>
    %add3A_66 = arith.addf %mul3A_64, %add3A_65 : vector<1024x128xf32>
    %slice3A_67 = vector.extract_strided_slice %add3A_66 {offsets = [0, 0], sizes = [1024, 64], strides = [1, 1]} : vector<1024x128xf32> to vector<1024x64xf32>
    %slice3A_68 = vector.extract_strided_slice %add3A_66 {offsets = [0, 64], sizes = [1024, 64], strides = [1, 1]} : vector<1024x128xf32> to vector<1024x64xf32>
    %get3A_69 = arith.constant 0 : index
    %get3A_70 = arith.constant 1 : index
    %get3A_71 = vector.load %arg5[%get3A_69, %get3A_70] : memref<1024x16xf32, #tpu.memory_space<vmem>>, vector<1024x1xf32>
    %lt3A_72 = arith.constant 1.000000e+05 : f32
    %lt3A_73 = vector.broadcast %lt3A_72 : f32 to vector<1024x1xf32>
    %lt3A_74 = arith.cmpf olt, %get3A_71, %lt3A_73 : vector<1024x1xf32>
    %convert_element_type3A_75 = arith.extui %lt3A_74 : vector<1024x1xi1> to vector<1024x1xi32>
    %convert_element_type3A_76 = arith.sitofp %convert_element_type3A_75 : vector<1024x1xi32> to vector<1024x1xf32>
    %neg3A_77 = arith.constant 0.000000e+00 : f32
    %neg3A_78 = vector.broadcast %neg3A_77 : f32 to vector<1024x64xf32>
    %neg3A_79 = arith.subf %neg3A_78, %slice3A_67 : vector<1024x64xf32>
    %exp3A_80 = math.exp %neg3A_79 : vector<1024x64xf32>
    %add3A_81 = arith.constant 1.000000e+00 : f32
    %add3A_82 = vector.broadcast %add3A_81 : f32 to vector<1024x64xf32>
    %add3A_83 = arith.addf %add3A_82, %exp3A_80 : vector<1024x64xf32>
    %div3A_84 = arith.constant 1.000000e+00 : f32
    %div3A_85 = vector.broadcast %div3A_84 : f32 to vector<1024x64xf32>
    %div3A_86 = arith.divf %div3A_85, %add3A_83 : vector<1024x64xf32>
    %max3A_87 = arith.constant 0.000000e+00 : f32
    %max3A_88 = vector.broadcast %max3A_87 : f32 to vector<1024x64xf32>
    %max3A_89 = arith.maximumf %slice3A_68, %max3A_88 : vector<1024x64xf32>
    %abs3A_90 = math.absf %slice3A_68 : vector<1024x64xf32>
    %neg3A_91 = arith.constant 0.000000e+00 : f32
    %neg3A_92 = vector.broadcast %neg3A_91 : f32 to vector<1024x64xf32>
    %neg3A_93 = arith.subf %neg3A_92, %abs3A_90 : vector<1024x64xf32>
    %exp3A_94 = math.exp %neg3A_93 : vector<1024x64xf32>
    %log1p3A_95 = math.log1p %exp3A_94 : vector<1024x64xf32>
    %add3A_96 = arith.addf %max3A_89, %log1p3A_95 : vector<1024x64xf32>
    %mul3A_97 = arith.mulf %div3A_86, %add3A_96 : vector<1024x64xf32>
    %mul3A_98 = vector.broadcast %convert_element_type3A_76 : vector<1024x1xf32> to vector<1024x64xf32>
    %mul3A_99 = arith.mulf %mul3A_97, %mul3A_98 : vector<1024x64xf32>
    %add3A_100 = arith.addf %add3A_56, %mul3A_99 : vector<1024x64xf32>
    %get3A_101 = arith.constant 2 : index
    %get3A_102 = arith.constant 0 : index
    %get3A_103 = arith.constant 0 : index
    %get3A_104 = vector.load %arg1[%get3A_101, %get3A_102, %get3A_103] : memref<12x1024x128xbf16, #tpu.memory_space<vmem>>, vector<1x1024x128xbf16>
    %get3A_105 = vector.shape_cast %get3A_104 : vector<1x1024x128xbf16> to vector<1024x128xbf16>
    %convert_element_type3A_106 = arith.extf %get3A_105 : vector<1024x128xbf16> to vector<1024x128xf32>
    %mul3A_107 = vector.broadcast %mul3A_14 : vector<1x128xf32> to vector<1024x128xf32>
    %mul3A_108 = arith.mulf %convert_element_type3A_106, %mul3A_107 : vector<1024x128xf32>
    %add3A_109 = vector.broadcast %sub3A_19 : vector<1x128xf32> to vector<1024x128xf32>
    %add3A_110 = arith.addf %mul3A_108, %add3A_109 : vector<1024x128xf32>
    %slice3A_111 = vector.extract_strided_slice %add3A_110 {offsets = [0, 0], sizes = [1024, 64], strides = [1, 1]} : vector<1024x128xf32> to vector<1024x64xf32>
    %slice3A_112 = vector.extract_strided_slice %add3A_110 {offsets = [0, 64], sizes = [1024, 64], strides = [1, 1]} : vector<1024x128xf32> to vector<1024x64xf32>
    %get3A_113 = arith.constant 0 : index
    %get3A_114 = arith.constant 2 : index
    %get3A_115 = vector.load %arg5[%get3A_113, %get3A_114] : memref<1024x16xf32, #tpu.memory_space<vmem>>, vector<1024x1xf32>
    %lt3A_116 = arith.constant 1.000000e+05 : f32
    %lt3A_117 = vector.broadcast %lt3A_116 : f32 to vector<1024x1xf32>
    %lt3A_118 = arith.cmpf olt, %get3A_115, %lt3A_117 : vector<1024x1xf32>
    %convert_element_type3A_119 = arith.extui %lt3A_118 : vector<1024x1xi1> to vector<1024x1xi32>
    %convert_element_type3A_120 = arith.sitofp %convert_element_type3A_119 : vector<1024x1xi32> to vector<1024x1xf32>
    %neg3A_121 = arith.constant 0.000000e+00 : f32
    %neg3A_122 = vector.broadcast %neg3A_121 : f32 to vector<1024x64xf32>
    %neg3A_123 = arith.subf %neg3A_122, %slice3A_111 : vector<1024x64xf32>
    %exp3A_124 = math.exp %neg3A_123 : vector<1024x64xf32>
    %add3A_125 = arith.constant 1.000000e+00 : f32
    %add3A_126 = vector.broadcast %add3A_125 : f32 to vector<1024x64xf32>
    %add3A_127 = arith.addf %add3A_126, %exp3A_124 : vector<1024x64xf32>
    %div3A_128 = arith.constant 1.000000e+00 : f32
    %div3A_129 = vector.broadcast %div3A_128 : f32 to vector<1024x64xf32>
    %div3A_130 = arith.divf %div3A_129, %add3A_127 : vector<1024x64xf32>
    %max3A_131 = arith.constant 0.000000e+00 : f32
    %max3A_132 = vector.broadcast %max3A_131 : f32 to vector<1024x64xf32>
    %max3A_133 = arith.maximumf %slice3A_112, %max3A_132 : vector<1024x64xf32>
    %abs3A_134 = math.absf %slice3A_112 : vector<1024x64xf32>
    %neg3A_135 = arith.constant 0.000000e+00 : f32
    %neg3A_136 = vector.broadcast %neg3A_135 : f32 to vector<1024x64xf32>
    %neg3A_137 = arith.subf %neg3A_136, %abs3A_134 : vector<1024x64xf32>
    %exp3A_138 = math.exp %neg3A_137 : vector<1024x64xf32>
    %log1p3A_139 = math.log1p %exp3A_138 : vector<1024x64xf32>
    %add3A_140 = arith.addf %max3A_133, %log1p3A_139 : vector<1024x64xf32>
    %mul3A_141 = arith.mulf %div3A_130, %add3A_140 : vector<1024x64xf32>
    %mul3A_142 = vector.broadcast %convert_element_type3A_120 : vector<1024x1xf32> to vector<1024x64xf32>
    %mul3A_143 = arith.mulf %mul3A_141, %mul3A_142 : vector<1024x64xf32>
    %add3A_144 = arith.addf %add3A_100, %mul3A_143 : vector<1024x64xf32>
    %get3A_145 = arith.constant 3 : index
    %get3A_146 = arith.constant 0 : index
    %get3A_147 = arith.constant 0 : index
    %get3A_148 = vector.load %arg1[%get3A_145, %get3A_146, %get3A_147] : memref<12x1024x128xbf16, #tpu.memory_space<vmem>>, vector<1x1024x128xbf16>
    %get3A_149 = vector.shape_cast %get3A_148 : vector<1x1024x128xbf16> to vector<1024x128xbf16>
    %convert_element_type3A_150 = arith.extf %get3A_149 : vector<1024x128xbf16> to vector<1024x128xf32>
    %mul3A_151 = vector.broadcast %mul3A_14 : vector<1x128xf32> to vector<1024x128xf32>
    %mul3A_152 = arith.mulf %convert_element_type3A_150, %mul3A_151 : vector<1024x128xf32>
    %add3A_153 = vector.broadcast %sub3A_19 : vector<1x128xf32> to vector<1024x128xf32>
    %add3A_154 = arith.addf %mul3A_152, %add3A_153 : vector<1024x128xf32>
    %slice3A_155 = vector.extract_strided_slice %add3A_154 {offsets = [0, 0], sizes = [1024, 64], strides = [1, 1]} : vector<1024x128xf32> to vector<1024x64xf32>
    %slice3A_156 = vector.extract_strided_slice %add3A_154 {offsets = [0, 64], sizes = [1024, 64], strides = [1, 1]} : vector<1024x128xf32> to vector<1024x64xf32>
    %get3A_157 = arith.constant 0 : index
    %get3A_158 = arith.constant 3 : index
    %get3A_159 = vector.load %arg5[%get3A_157, %get3A_158] : memref<1024x16xf32, #tpu.memory_space<vmem>>, vector<1024x1xf32>
    %lt3A_160 = arith.constant 1.000000e+05 : f32
    %lt3A_161 = vector.broadcast %lt3A_160 : f32 to vector<1024x1xf32>
    %lt3A_162 = arith.cmpf olt, %get3A_159, %lt3A_161 : vector<1024x1xf32>
    %convert_element_type3A_163 = arith.extui %lt3A_162 : vector<1024x1xi1> to vector<1024x1xi32>
    %convert_element_type3A_164 = arith.sitofp %convert_element_type3A_163 : vector<1024x1xi32> to vector<1024x1xf32>
    %neg3A_165 = arith.constant 0.000000e+00 : f32
    %neg3A_166 = vector.broadcast %neg3A_165 : f32 to vector<1024x64xf32>
    %neg3A_167 = arith.subf %neg3A_166, %slice3A_155 : vector<1024x64xf32>
    %exp3A_168 = math.exp %neg3A_167 : vector<1024x64xf32>
    %add3A_169 = arith.constant 1.000000e+00 : f32
    %add3A_170 = vector.broadcast %add3A_169 : f32 to vector<1024x64xf32>
    %add3A_171 = arith.addf %add3A_170, %exp3A_168 : vector<1024x64xf32>
    %div3A_172 = arith.constant 1.000000e+00 : f32
    %div3A_173 = vector.broadcast %div3A_172 : f32 to vector<1024x64xf32>
    %div3A_174 = arith.divf %div3A_173, %add3A_171 : vector<1024x64xf32>
    %max3A_175 = arith.constant 0.000000e+00 : f32
    %max3A_176 = vector.broadcast %max3A_175 : f32 to vector<1024x64xf32>
    %max3A_177 = arith.maximumf %slice3A_156, %max3A_176 : vector<1024x64xf32>
    %abs3A_178 = math.absf %slice3A_156 : vector<1024x64xf32>
    %neg3A_179 = arith.constant 0.000000e+00 : f32
    %neg3A_180 = vector.broadcast %neg3A_179 : f32 to vector<1024x64xf32>
    %neg3A_181 = arith.subf %neg3A_180, %abs3A_178 : vector<1024x64xf32>
    %exp3A_182 = math.exp %neg3A_181 : vector<1024x64xf32>
    %log1p3A_183 = math.log1p %exp3A_182 : vector<1024x64xf32>
    %add3A_184 = arith.addf %max3A_177, %log1p3A_183 : vector<1024x64xf32>
    %mul3A_185 = arith.mulf %div3A_174, %add3A_184 : vector<1024x64xf32>
    %mul3A_186 = vector.broadcast %convert_element_type3A_164 : vector<1024x1xf32> to vector<1024x64xf32>
    %mul3A_187 = arith.mulf %mul3A_185, %mul3A_186 : vector<1024x64xf32>
    %add3A_188 = arith.addf %add3A_144, %mul3A_187 : vector<1024x64xf32>
    %get3A_189 = arith.constant 4 : index
    %get3A_190 = arith.constant 0 : index
    %get3A_191 = arith.constant 0 : index
    %get3A_192 = vector.load %arg1[%get3A_189, %get3A_190, %get3A_191] : memref<12x1024x128xbf16, #tpu.memory_space<vmem>>, vector<1x1024x128xbf16>
    %get3A_193 = vector.shape_cast %get3A_192 : vector<1x1024x128xbf16> to vector<1024x128xbf16>
    %convert_element_type3A_194 = arith.extf %get3A_193 : vector<1024x128xbf16> to vector<1024x128xf32>
    %mul3A_195 = vector.broadcast %mul3A_14 : vector<1x128xf32> to vector<1024x128xf32>
    %mul3A_196 = arith.mulf %convert_element_type3A_194, %mul3A_195 : vector<1024x128xf32>
    %add3A_197 = vector.broadcast %sub3A_19 : vector<1x128xf32> to vector<1024x128xf32>
    %add3A_198 = arith.addf %mul3A_196, %add3A_197 : vector<1024x128xf32>
    %slice3A_199 = vector.extract_strided_slice %add3A_198 {offsets = [0, 0], sizes = [1024, 64], strides = [1, 1]} : vector<1024x128xf32> to vector<1024x64xf32>
    %slice3A_200 = vector.extract_strided_slice %add3A_198 {offsets = [0, 64], sizes = [1024, 64], strides = [1, 1]} : vector<1024x128xf32> to vector<1024x64xf32>
    %get3A_201 = arith.constant 0 : index
    %get3A_202 = arith.constant 4 : index
    %get3A_203 = vector.load %arg5[%get3A_201, %get3A_202] : memref<1024x16xf32, #tpu.memory_space<vmem>>, vector<1024x1xf32>
    %lt3A_204 = arith.constant 1.000000e+05 : f32
    %lt3A_205 = vector.broadcast %lt3A_204 : f32 to vector<1024x1xf32>
    %lt3A_206 = arith.cmpf olt, %get3A_203, %lt3A_205 : vector<1024x1xf32>
    %convert_element_type3A_207 = arith.extui %lt3A_206 : vector<1024x1xi1> to vector<1024x1xi32>
    %convert_element_type3A_208 = arith.sitofp %convert_element_type3A_207 : vector<1024x1xi32> to vector<1024x1xf32>
    %neg3A_209 = arith.constant 0.000000e+00 : f32
    %neg3A_210 = vector.broadcast %neg3A_209 : f32 to vector<1024x64xf32>
    %neg3A_211 = arith.subf %neg3A_210, %slice3A_199 : vector<1024x64xf32>
    %exp3A_212 = math.exp %neg3A_211 : vector<1024x64xf32>
    %add3A_213 = arith.constant 1.000000e+00 : f32
    %add3A_214 = vector.broadcast %add3A_213 : f32 to vector<1024x64xf32>
    %add3A_215 = arith.addf %add3A_214, %exp3A_212 : vector<1024x64xf32>
    %div3A_216 = arith.constant 1.000000e+00 : f32
    %div3A_217 = vector.broadcast %div3A_216 : f32 to vector<1024x64xf32>
    %div3A_218 = arith.divf %div3A_217, %add3A_215 : vector<1024x64xf32>
    %max3A_219 = arith.constant 0.000000e+00 : f32
    %max3A_220 = vector.broadcast %max3A_219 : f32 to vector<1024x64xf32>
    %max3A_221 = arith.maximumf %slice3A_200, %max3A_220 : vector<1024x64xf32>
    %abs3A_222 = math.absf %slice3A_200 : vector<1024x64xf32>
    %neg3A_223 = arith.constant 0.000000e+00 : f32
    %neg3A_224 = vector.broadcast %neg3A_223 : f32 to vector<1024x64xf32>
    %neg3A_225 = arith.subf %neg3A_224, %abs3A_222 : vector<1024x64xf32>
    %exp3A_226 = math.exp %neg3A_225 : vector<1024x64xf32>
    %log1p3A_227 = math.log1p %exp3A_226 : vector<1024x64xf32>
    %add3A_228 = arith.addf %max3A_221, %log1p3A_227 : vector<1024x64xf32>
    %mul3A_229 = arith.mulf %div3A_218, %add3A_228 : vector<1024x64xf32>
    %mul3A_230 = vector.broadcast %convert_element_type3A_208 : vector<1024x1xf32> to vector<1024x64xf32>
    %mul3A_231 = arith.mulf %mul3A_229, %mul3A_230 : vector<1024x64xf32>
    %add3A_232 = arith.addf %add3A_188, %mul3A_231 : vector<1024x64xf32>
    %get3A_233 = arith.constant 5 : index
    %get3A_234 = arith.constant 0 : index
    %get3A_235 = arith.constant 0 : index
    %get3A_236 = vector.load %arg1[%get3A_233, %get3A_234, %get3A_235] : memref<12x1024x128xbf16, #tpu.memory_space<vmem>>, vector<1x1024x128xbf16>
    %get3A_237 = vector.shape_cast %get3A_236 : vector<1x1024x128xbf16> to vector<1024x128xbf16>
    %convert_element_type3A_238 = arith.extf %get3A_237 : vector<1024x128xbf16> to vector<1024x128xf32>
    %mul3A_239 = vector.broadcast %mul3A_14 : vector<1x128xf32> to vector<1024x128xf32>
    %mul3A_240 = arith.mulf %convert_element_type3A_238, %mul3A_239 : vector<1024x128xf32>
    %add3A_241 = vector.broadcast %sub3A_19 : vector<1x128xf32> to vector<1024x128xf32>
    %add3A_242 = arith.addf %mul3A_240, %add3A_241 : vector<1024x128xf32>
    %slice3A_243 = vector.extract_strided_slice %add3A_242 {offsets = [0, 0], sizes = [1024, 64], strides = [1, 1]} : vector<1024x128xf32> to vector<1024x64xf32>
    %slice3A_244 = vector.extract_strided_slice %add3A_242 {offsets = [0, 64], sizes = [1024, 64], strides = [1, 1]} : vector<1024x128xf32> to vector<1024x64xf32>
    %get3A_245 = arith.constant 0 : index
    %get3A_246 = arith.constant 5 : index
    %get3A_247 = vector.load %arg5[%get3A_245, %get3A_246] : memref<1024x16xf32, #tpu.memory_space<vmem>>, vector<1024x1xf32>
    %lt3A_248 = arith.constant 1.000000e+05 : f32
    %lt3A_249 = vector.broadcast %lt3A_248 : f32 to vector<1024x1xf32>
    %lt3A_250 = arith.cmpf olt, %get3A_247, %lt3A_249 : vector<1024x1xf32>
    %convert_element_type3A_251 = arith.extui %lt3A_250 : vector<1024x1xi1> to vector<1024x1xi32>
    %convert_element_type3A_252 = arith.sitofp %convert_element_type3A_251 : vector<1024x1xi32> to vector<1024x1xf32>
    %neg3A_253 = arith.constant 0.000000e+00 : f32
    %neg3A_254 = vector.broadcast %neg3A_253 : f32 to vector<1024x64xf32>
    %neg3A_255 = arith.subf %neg3A_254, %slice3A_243 : vector<1024x64xf32>
    %exp3A_256 = math.exp %neg3A_255 : vector<1024x64xf32>
    %add3A_257 = arith.constant 1.000000e+00 : f32
    %add3A_258 = vector.broadcast %add3A_257 : f32 to vector<1024x64xf32>
    %add3A_259 = arith.addf %add3A_258, %exp3A_256 : vector<1024x64xf32>
    %div3A_260 = arith.constant 1.000000e+00 : f32
    %div3A_261 = vector.broadcast %div3A_260 : f32 to vector<1024x64xf32>
    %div3A_262 = arith.divf %div3A_261, %add3A_259 : vector<1024x64xf32>
    %max3A_263 = arith.constant 0.000000e+00 : f32
    %max3A_264 = vector.broadcast %max3A_263 : f32 to vector<1024x64xf32>
    %max3A_265 = arith.maximumf %slice3A_244, %max3A_264 : vector<1024x64xf32>
    %abs3A_266 = math.absf %slice3A_244 : vector<1024x64xf32>
    %neg3A_267 = arith.constant 0.000000e+00 : f32
    %neg3A_268 = vector.broadcast %neg3A_267 : f32 to vector<1024x64xf32>
    %neg3A_269 = arith.subf %neg3A_268, %abs3A_266 : vector<1024x64xf32>
    %exp3A_270 = math.exp %neg3A_269 : vector<1024x64xf32>
    %log1p3A_271 = math.log1p %exp3A_270 : vector<1024x64xf32>
    %add3A_272 = arith.addf %max3A_265, %log1p3A_271 : vector<1024x64xf32>
    %mul3A_273 = arith.mulf %div3A_262, %add3A_272 : vector<1024x64xf32>
    %mul3A_274 = vector.broadcast %convert_element_type3A_252 : vector<1024x1xf32> to vector<1024x64xf32>
    %mul3A_275 = arith.mulf %mul3A_273, %mul3A_274 : vector<1024x64xf32>
    %add3A_276 = arith.addf %add3A_232, %mul3A_275 : vector<1024x64xf32>
    %get3A_277 = arith.constant 6 : index
    %get3A_278 = arith.constant 0 : index
    %get3A_279 = arith.constant 0 : index
    %get3A_280 = vector.load %arg1[%get3A_277, %get3A_278, %get3A_279] : memref<12x1024x128xbf16, #tpu.memory_space<vmem>>, vector<1x1024x128xbf16>
    %get3A_281 = vector.shape_cast %get3A_280 : vector<1x1024x128xbf16> to vector<1024x128xbf16>
    %convert_element_type3A_282 = arith.extf %get3A_281 : vector<1024x128xbf16> to vector<1024x128xf32>
    %mul3A_283 = vector.broadcast %mul3A_14 : vector<1x128xf32> to vector<1024x128xf32>
    %mul3A_284 = arith.mulf %convert_element_type3A_282, %mul3A_283 : vector<1024x128xf32>
    %add3A_285 = vector.broadcast %sub3A_19 : vector<1x128xf32> to vector<1024x128xf32>
    %add3A_286 = arith.addf %mul3A_284, %add3A_285 : vector<1024x128xf32>
    %slice3A_287 = vector.extract_strided_slice %add3A_286 {offsets = [0, 0], sizes = [1024, 64], strides = [1, 1]} : vector<1024x128xf32> to vector<1024x64xf32>
    %slice3A_288 = vector.extract_strided_slice %add3A_286 {offsets = [0, 64], sizes = [1024, 64], strides = [1, 1]} : vector<1024x128xf32> to vector<1024x64xf32>
    %get3A_289 = arith.constant 0 : index
    %get3A_290 = arith.constant 6 : index
    %get3A_291 = vector.load %arg5[%get3A_289, %get3A_290] : memref<1024x16xf32, #tpu.memory_space<vmem>>, vector<1024x1xf32>
    %lt3A_292 = arith.constant 1.000000e+05 : f32
    %lt3A_293 = vector.broadcast %lt3A_292 : f32 to vector<1024x1xf32>
    %lt3A_294 = arith.cmpf olt, %get3A_291, %lt3A_293 : vector<1024x1xf32>
    %convert_element_type3A_295 = arith.extui %lt3A_294 : vector<1024x1xi1> to vector<1024x1xi32>
    %convert_element_type3A_296 = arith.sitofp %convert_element_type3A_295 : vector<1024x1xi32> to vector<1024x1xf32>
    %neg3A_297 = arith.constant 0.000000e+00 : f32
    %neg3A_298 = vector.broadcast %neg3A_297 : f32 to vector<1024x64xf32>
    %neg3A_299 = arith.subf %neg3A_298, %slice3A_287 : vector<1024x64xf32>
    %exp3A_300 = math.exp %neg3A_299 : vector<1024x64xf32>
    %add3A_301 = arith.constant 1.000000e+00 : f32
    %add3A_302 = vector.broadcast %add3A_301 : f32 to vector<1024x64xf32>
    %add3A_303 = arith.addf %add3A_302, %exp3A_300 : vector<1024x64xf32>
    %div3A_304 = arith.constant 1.000000e+00 : f32
    %div3A_305 = vector.broadcast %div3A_304 : f32 to vector<1024x64xf32>
    %div3A_306 = arith.divf %div3A_305, %add3A_303 : vector<1024x64xf32>
    %max3A_307 = arith.constant 0.000000e+00 : f32
    %max3A_308 = vector.broadcast %max3A_307 : f32 to vector<1024x64xf32>
    %max3A_309 = arith.maximumf %slice3A_288, %max3A_308 : vector<1024x64xf32>
    %abs3A_310 = math.absf %slice3A_288 : vector<1024x64xf32>
    %neg3A_311 = arith.constant 0.000000e+00 : f32
    %neg3A_312 = vector.broadcast %neg3A_311 : f32 to vector<1024x64xf32>
    %neg3A_313 = arith.subf %neg3A_312, %abs3A_310 : vector<1024x64xf32>
    %exp3A_314 = math.exp %neg3A_313 : vector<1024x64xf32>
    %log1p3A_315 = math.log1p %exp3A_314 : vector<1024x64xf32>
    %add3A_316 = arith.addf %max3A_309, %log1p3A_315 : vector<1024x64xf32>
    %mul3A_317 = arith.mulf %div3A_306, %add3A_316 : vector<1024x64xf32>
    %mul3A_318 = vector.broadcast %convert_element_type3A_296 : vector<1024x1xf32> to vector<1024x64xf32>
    %mul3A_319 = arith.mulf %mul3A_317, %mul3A_318 : vector<1024x64xf32>
    %add3A_320 = arith.addf %add3A_276, %mul3A_319 : vector<1024x64xf32>
    %get3A_321 = arith.constant 7 : index
    %get3A_322 = arith.constant 0 : index
    %get3A_323 = arith.constant 0 : index
    %get3A_324 = vector.load %arg1[%get3A_321, %get3A_322, %get3A_323] : memref<12x1024x128xbf16, #tpu.memory_space<vmem>>, vector<1x1024x128xbf16>
    %get3A_325 = vector.shape_cast %get3A_324 : vector<1x1024x128xbf16> to vector<1024x128xbf16>
    %convert_element_type3A_326 = arith.extf %get3A_325 : vector<1024x128xbf16> to vector<1024x128xf32>
    %mul3A_327 = vector.broadcast %mul3A_14 : vector<1x128xf32> to vector<1024x128xf32>
    %mul3A_328 = arith.mulf %convert_element_type3A_326, %mul3A_327 : vector<1024x128xf32>
    %add3A_329 = vector.broadcast %sub3A_19 : vector<1x128xf32> to vector<1024x128xf32>
    %add3A_330 = arith.addf %mul3A_328, %add3A_329 : vector<1024x128xf32>
    %slice3A_331 = vector.extract_strided_slice %add3A_330 {offsets = [0, 0], sizes = [1024, 64], strides = [1, 1]} : vector<1024x128xf32> to vector<1024x64xf32>
    %slice3A_332 = vector.extract_strided_slice %add3A_330 {offsets = [0, 64], sizes = [1024, 64], strides = [1, 1]} : vector<1024x128xf32> to vector<1024x64xf32>
    %get3A_333 = arith.constant 0 : index
    %get3A_334 = arith.constant 7 : index
    %get3A_335 = vector.load %arg5[%get3A_333, %get3A_334] : memref<1024x16xf32, #tpu.memory_space<vmem>>, vector<1024x1xf32>
    %lt3A_336 = arith.constant 1.000000e+05 : f32
    %lt3A_337 = vector.broadcast %lt3A_336 : f32 to vector<1024x1xf32>
    %lt3A_338 = arith.cmpf olt, %get3A_335, %lt3A_337 : vector<1024x1xf32>
    %convert_element_type3A_339 = arith.extui %lt3A_338 : vector<1024x1xi1> to vector<1024x1xi32>
    %convert_element_type3A_340 = arith.sitofp %convert_element_type3A_339 : vector<1024x1xi32> to vector<1024x1xf32>
    %neg3A_341 = arith.constant 0.000000e+00 : f32
    %neg3A_342 = vector.broadcast %neg3A_341 : f32 to vector<1024x64xf32>
    %neg3A_343 = arith.subf %neg3A_342, %slice3A_331 : vector<1024x64xf32>
    %exp3A_344 = math.exp %neg3A_343 : vector<1024x64xf32>
    %add3A_345 = arith.constant 1.000000e+00 : f32
    %add3A_346 = vector.broadcast %add3A_345 : f32 to vector<1024x64xf32>
    %add3A_347 = arith.addf %add3A_346, %exp3A_344 : vector<1024x64xf32>
    %div3A_348 = arith.constant 1.000000e+00 : f32
    %div3A_349 = vector.broadcast %div3A_348 : f32 to vector<1024x64xf32>
    %div3A_350 = arith.divf %div3A_349, %add3A_347 : vector<1024x64xf32>
    %max3A_351 = arith.constant 0.000000e+00 : f32
    %max3A_352 = vector.broadcast %max3A_351 : f32 to vector<1024x64xf32>
    %max3A_353 = arith.maximumf %slice3A_332, %max3A_352 : vector<1024x64xf32>
    %abs3A_354 = math.absf %slice3A_332 : vector<1024x64xf32>
    %neg3A_355 = arith.constant 0.000000e+00 : f32
    %neg3A_356 = vector.broadcast %neg3A_355 : f32 to vector<1024x64xf32>
    %neg3A_357 = arith.subf %neg3A_356, %abs3A_354 : vector<1024x64xf32>
    %exp3A_358 = math.exp %neg3A_357 : vector<1024x64xf32>
    %log1p3A_359 = math.log1p %exp3A_358 : vector<1024x64xf32>
    %add3A_360 = arith.addf %max3A_353, %log1p3A_359 : vector<1024x64xf32>
    %mul3A_361 = arith.mulf %div3A_350, %add3A_360 : vector<1024x64xf32>
    %mul3A_362 = vector.broadcast %convert_element_type3A_340 : vector<1024x1xf32> to vector<1024x64xf32>
    %mul3A_363 = arith.mulf %mul3A_361, %mul3A_362 : vector<1024x64xf32>
    %add3A_364 = arith.addf %add3A_320, %mul3A_363 : vector<1024x64xf32>
    %get3A_365 = arith.constant 8 : index
    %get3A_366 = arith.constant 0 : index
    %get3A_367 = arith.constant 0 : index
    %get3A_368 = vector.load %arg1[%get3A_365, %get3A_366, %get3A_367] : memref<12x1024x128xbf16, #tpu.memory_space<vmem>>, vector<1x1024x128xbf16>
    %get3A_369 = vector.shape_cast %get3A_368 : vector<1x1024x128xbf16> to vector<1024x128xbf16>
    %convert_element_type3A_370 = arith.extf %get3A_369 : vector<1024x128xbf16> to vector<1024x128xf32>
    %mul3A_371 = vector.broadcast %mul3A_14 : vector<1x128xf32> to vector<1024x128xf32>
    %mul3A_372 = arith.mulf %convert_element_type3A_370, %mul3A_371 : vector<1024x128xf32>
    %add3A_373 = vector.broadcast %sub3A_19 : vector<1x128xf32> to vector<1024x128xf32>
    %add3A_374 = arith.addf %mul3A_372, %add3A_373 : vector<1024x128xf32>
    %slice3A_375 = vector.extract_strided_slice %add3A_374 {offsets = [0, 0], sizes = [1024, 64], strides = [1, 1]} : vector<1024x128xf32> to vector<1024x64xf32>
    %slice3A_376 = vector.extract_strided_slice %add3A_374 {offsets = [0, 64], sizes = [1024, 64], strides = [1, 1]} : vector<1024x128xf32> to vector<1024x64xf32>
    %get3A_377 = arith.constant 0 : index
    %get3A_378 = arith.constant 8 : index
    %get3A_379 = vector.load %arg5[%get3A_377, %get3A_378] : memref<1024x16xf32, #tpu.memory_space<vmem>>, vector<1024x1xf32>
    %lt3A_380 = arith.constant 1.000000e+05 : f32
    %lt3A_381 = vector.broadcast %lt3A_380 : f32 to vector<1024x1xf32>
    %lt3A_382 = arith.cmpf olt, %get3A_379, %lt3A_381 : vector<1024x1xf32>
    %convert_element_type3A_383 = arith.extui %lt3A_382 : vector<1024x1xi1> to vector<1024x1xi32>
    %convert_element_type3A_384 = arith.sitofp %convert_element_type3A_383 : vector<1024x1xi32> to vector<1024x1xf32>
    %neg3A_385 = arith.constant 0.000000e+00 : f32
    %neg3A_386 = vector.broadcast %neg3A_385 : f32 to vector<1024x64xf32>
    %neg3A_387 = arith.subf %neg3A_386, %slice3A_375 : vector<1024x64xf32>
    %exp3A_388 = math.exp %neg3A_387 : vector<1024x64xf32>
    %add3A_389 = arith.constant 1.000000e+00 : f32
    %add3A_390 = vector.broadcast %add3A_389 : f32 to vector<1024x64xf32>
    %add3A_391 = arith.addf %add3A_390, %exp3A_388 : vector<1024x64xf32>
    %div3A_392 = arith.constant 1.000000e+00 : f32
    %div3A_393 = vector.broadcast %div3A_392 : f32 to vector<1024x64xf32>
    %div3A_394 = arith.divf %div3A_393, %add3A_391 : vector<1024x64xf32>
    %max3A_395 = arith.constant 0.000000e+00 : f32
    %max3A_396 = vector.broadcast %max3A_395 : f32 to vector<1024x64xf32>
    %max3A_397 = arith.maximumf %slice3A_376, %max3A_396 : vector<1024x64xf32>
    %abs3A_398 = math.absf %slice3A_376 : vector<1024x64xf32>
    %neg3A_399 = arith.constant 0.000000e+00 : f32
    %neg3A_400 = vector.broadcast %neg3A_399 : f32 to vector<1024x64xf32>
    %neg3A_401 = arith.subf %neg3A_400, %abs3A_398 : vector<1024x64xf32>
    %exp3A_402 = math.exp %neg3A_401 : vector<1024x64xf32>
    %log1p3A_403 = math.log1p %exp3A_402 : vector<1024x64xf32>
    %add3A_404 = arith.addf %max3A_397, %log1p3A_403 : vector<1024x64xf32>
    %mul3A_405 = arith.mulf %div3A_394, %add3A_404 : vector<1024x64xf32>
    %mul3A_406 = vector.broadcast %convert_element_type3A_384 : vector<1024x1xf32> to vector<1024x64xf32>
    %mul3A_407 = arith.mulf %mul3A_405, %mul3A_406 : vector<1024x64xf32>
    %add3A_408 = arith.addf %add3A_364, %mul3A_407 : vector<1024x64xf32>
    %get3A_409 = arith.constant 9 : index
    %get3A_410 = arith.constant 0 : index
    %get3A_411 = arith.constant 0 : index
    %get3A_412 = vector.load %arg1[%get3A_409, %get3A_410, %get3A_411] : memref<12x1024x128xbf16, #tpu.memory_space<vmem>>, vector<1x1024x128xbf16>
    %get3A_413 = vector.shape_cast %get3A_412 : vector<1x1024x128xbf16> to vector<1024x128xbf16>
    %convert_element_type3A_414 = arith.extf %get3A_413 : vector<1024x128xbf16> to vector<1024x128xf32>
    %mul3A_415 = vector.broadcast %mul3A_14 : vector<1x128xf32> to vector<1024x128xf32>
    %mul3A_416 = arith.mulf %convert_element_type3A_414, %mul3A_415 : vector<1024x128xf32>
    %add3A_417 = vector.broadcast %sub3A_19 : vector<1x128xf32> to vector<1024x128xf32>
    %add3A_418 = arith.addf %mul3A_416, %add3A_417 : vector<1024x128xf32>
    %slice3A_419 = vector.extract_strided_slice %add3A_418 {offsets = [0, 0], sizes = [1024, 64], strides = [1, 1]} : vector<1024x128xf32> to vector<1024x64xf32>
    %slice3A_420 = vector.extract_strided_slice %add3A_418 {offsets = [0, 64], sizes = [1024, 64], strides = [1, 1]} : vector<1024x128xf32> to vector<1024x64xf32>
    %get3A_421 = arith.constant 0 : index
    %get3A_422 = arith.constant 9 : index
    %get3A_423 = vector.load %arg5[%get3A_421, %get3A_422] : memref<1024x16xf32, #tpu.memory_space<vmem>>, vector<1024x1xf32>
    %lt3A_424 = arith.constant 1.000000e+05 : f32
    %lt3A_425 = vector.broadcast %lt3A_424 : f32 to vector<1024x1xf32>
    %lt3A_426 = arith.cmpf olt, %get3A_423, %lt3A_425 : vector<1024x1xf32>
    %convert_element_type3A_427 = arith.extui %lt3A_426 : vector<1024x1xi1> to vector<1024x1xi32>
    %convert_element_type3A_428 = arith.sitofp %convert_element_type3A_427 : vector<1024x1xi32> to vector<1024x1xf32>
    %neg3A_429 = arith.constant 0.000000e+00 : f32
    %neg3A_430 = vector.broadcast %neg3A_429 : f32 to vector<1024x64xf32>
    %neg3A_431 = arith.subf %neg3A_430, %slice3A_419 : vector<1024x64xf32>
    %exp3A_432 = math.exp %neg3A_431 : vector<1024x64xf32>
    %add3A_433 = arith.constant 1.000000e+00 : f32
    %add3A_434 = vector.broadcast %add3A_433 : f32 to vector<1024x64xf32>
    %add3A_435 = arith.addf %add3A_434, %exp3A_432 : vector<1024x64xf32>
    %div3A_436 = arith.constant 1.000000e+00 : f32
    %div3A_437 = vector.broadcast %div3A_436 : f32 to vector<1024x64xf32>
    %div3A_438 = arith.divf %div3A_437, %add3A_435 : vector<1024x64xf32>
    %max3A_439 = arith.constant 0.000000e+00 : f32
    %max3A_440 = vector.broadcast %max3A_439 : f32 to vector<1024x64xf32>
    %max3A_441 = arith.maximumf %slice3A_420, %max3A_440 : vector<1024x64xf32>
    %abs3A_442 = math.absf %slice3A_420 : vector<1024x64xf32>
    %neg3A_443 = arith.constant 0.000000e+00 : f32
    %neg3A_444 = vector.broadcast %neg3A_443 : f32 to vector<1024x64xf32>
    %neg3A_445 = arith.subf %neg3A_444, %abs3A_442 : vector<1024x64xf32>
    %exp3A_446 = math.exp %neg3A_445 : vector<1024x64xf32>
    %log1p3A_447 = math.log1p %exp3A_446 : vector<1024x64xf32>
    %add3A_448 = arith.addf %max3A_441, %log1p3A_447 : vector<1024x64xf32>
    %mul3A_449 = arith.mulf %div3A_438, %add3A_448 : vector<1024x64xf32>
    %mul3A_450 = vector.broadcast %convert_element_type3A_428 : vector<1024x1xf32> to vector<1024x64xf32>
    %mul3A_451 = arith.mulf %mul3A_449, %mul3A_450 : vector<1024x64xf32>
    %add3A_452 = arith.addf %add3A_408, %mul3A_451 : vector<1024x64xf32>
    %get3A_453 = arith.constant 10 : index
    %get3A_454 = arith.constant 0 : index
    %get3A_455 = arith.constant 0 : index
    %get3A_456 = vector.load %arg1[%get3A_453, %get3A_454, %get3A_455] : memref<12x1024x128xbf16, #tpu.memory_space<vmem>>, vector<1x1024x128xbf16>
    %get3A_457 = vector.shape_cast %get3A_456 : vector<1x1024x128xbf16> to vector<1024x128xbf16>
    %convert_element_type3A_458 = arith.extf %get3A_457 : vector<1024x128xbf16> to vector<1024x128xf32>
    %mul3A_459 = vector.broadcast %mul3A_14 : vector<1x128xf32> to vector<1024x128xf32>
    %mul3A_460 = arith.mulf %convert_element_type3A_458, %mul3A_459 : vector<1024x128xf32>
    %add3A_461 = vector.broadcast %sub3A_19 : vector<1x128xf32> to vector<1024x128xf32>
    %add3A_462 = arith.addf %mul3A_460, %add3A_461 : vector<1024x128xf32>
    %slice3A_463 = vector.extract_strided_slice %add3A_462 {offsets = [0, 0], sizes = [1024, 64], strides = [1, 1]} : vector<1024x128xf32> to vector<1024x64xf32>
    %slice3A_464 = vector.extract_strided_slice %add3A_462 {offsets = [0, 64], sizes = [1024, 64], strides = [1, 1]} : vector<1024x128xf32> to vector<1024x64xf32>
    %get3A_465 = arith.constant 0 : index
    %get3A_466 = arith.constant 10 : index
    %get3A_467 = vector.load %arg5[%get3A_465, %get3A_466] : memref<1024x16xf32, #tpu.memory_space<vmem>>, vector<1024x1xf32>
    %lt3A_468 = arith.constant 1.000000e+05 : f32
    %lt3A_469 = vector.broadcast %lt3A_468 : f32 to vector<1024x1xf32>
    %lt3A_470 = arith.cmpf olt, %get3A_467, %lt3A_469 : vector<1024x1xf32>
    %convert_element_type3A_471 = arith.extui %lt3A_470 : vector<1024x1xi1> to vector<1024x1xi32>
    %convert_element_type3A_472 = arith.sitofp %convert_element_type3A_471 : vector<1024x1xi32> to vector<1024x1xf32>
    %neg3A_473 = arith.constant 0.000000e+00 : f32
    %neg3A_474 = vector.broadcast %neg3A_473 : f32 to vector<1024x64xf32>
    %neg3A_475 = arith.subf %neg3A_474, %slice3A_463 : vector<1024x64xf32>
    %exp3A_476 = math.exp %neg3A_475 : vector<1024x64xf32>
    %add3A_477 = arith.constant 1.000000e+00 : f32
    %add3A_478 = vector.broadcast %add3A_477 : f32 to vector<1024x64xf32>
    %add3A_479 = arith.addf %add3A_478, %exp3A_476 : vector<1024x64xf32>
    %div3A_480 = arith.constant 1.000000e+00 : f32
    %div3A_481 = vector.broadcast %div3A_480 : f32 to vector<1024x64xf32>
    %div3A_482 = arith.divf %div3A_481, %add3A_479 : vector<1024x64xf32>
    %max3A_483 = arith.constant 0.000000e+00 : f32
    %max3A_484 = vector.broadcast %max3A_483 : f32 to vector<1024x64xf32>
    %max3A_485 = arith.maximumf %slice3A_464, %max3A_484 : vector<1024x64xf32>
    %abs3A_486 = math.absf %slice3A_464 : vector<1024x64xf32>
    %neg3A_487 = arith.constant 0.000000e+00 : f32
    %neg3A_488 = vector.broadcast %neg3A_487 : f32 to vector<1024x64xf32>
    %neg3A_489 = arith.subf %neg3A_488, %abs3A_486 : vector<1024x64xf32>
    %exp3A_490 = math.exp %neg3A_489 : vector<1024x64xf32>
    %log1p3A_491 = math.log1p %exp3A_490 : vector<1024x64xf32>
    %add3A_492 = arith.addf %max3A_485, %log1p3A_491 : vector<1024x64xf32>
    %mul3A_493 = arith.mulf %div3A_482, %add3A_492 : vector<1024x64xf32>
    %mul3A_494 = vector.broadcast %convert_element_type3A_472 : vector<1024x1xf32> to vector<1024x64xf32>
    %mul3A_495 = arith.mulf %mul3A_493, %mul3A_494 : vector<1024x64xf32>
    %add3A_496 = arith.addf %add3A_452, %mul3A_495 : vector<1024x64xf32>
    %get3A_497 = arith.constant 11 : index
    %get3A_498 = arith.constant 0 : index
    %get3A_499 = arith.constant 0 : index
    %get3A_500 = vector.load %arg1[%get3A_497, %get3A_498, %get3A_499] : memref<12x1024x128xbf16, #tpu.memory_space<vmem>>, vector<1x1024x128xbf16>
    %get3A_501 = vector.shape_cast %get3A_500 : vector<1x1024x128xbf16> to vector<1024x128xbf16>
    %convert_element_type3A_502 = arith.extf %get3A_501 : vector<1024x128xbf16> to vector<1024x128xf32>
    %mul3A_503 = vector.broadcast %mul3A_14 : vector<1x128xf32> to vector<1024x128xf32>
    %mul3A_504 = arith.mulf %convert_element_type3A_502, %mul3A_503 : vector<1024x128xf32>
    %add3A_505 = vector.broadcast %sub3A_19 : vector<1x128xf32> to vector<1024x128xf32>
    %add3A_506 = arith.addf %mul3A_504, %add3A_505 : vector<1024x128xf32>
    %slice3A_507 = vector.extract_strided_slice %add3A_506 {offsets = [0, 0], sizes = [1024, 64], strides = [1, 1]} : vector<1024x128xf32> to vector<1024x64xf32>
    %slice3A_508 = vector.extract_strided_slice %add3A_506 {offsets = [0, 64], sizes = [1024, 64], strides = [1, 1]} : vector<1024x128xf32> to vector<1024x64xf32>
    %get3A_509 = arith.constant 0 : index
    %get3A_510 = arith.constant 11 : index
    %get3A_511 = vector.load %arg5[%get3A_509, %get3A_510] : memref<1024x16xf32, #tpu.memory_space<vmem>>, vector<1024x1xf32>
    %lt3A_512 = arith.constant 1.000000e+05 : f32
    %lt3A_513 = vector.broadcast %lt3A_512 : f32 to vector<1024x1xf32>
    %lt3A_514 = arith.cmpf olt, %get3A_511, %lt3A_513 : vector<1024x1xf32>
    %convert_element_type3A_515 = arith.extui %lt3A_514 : vector<1024x1xi1> to vector<1024x1xi32>
    %convert_element_type3A_516 = arith.sitofp %convert_element_type3A_515 : vector<1024x1xi32> to vector<1024x1xf32>
    %neg3A_517 = arith.constant 0.000000e+00 : f32
    %neg3A_518 = vector.broadcast %neg3A_517 : f32 to vector<1024x64xf32>
    %neg3A_519 = arith.subf %neg3A_518, %slice3A_507 : vector<1024x64xf32>
    %exp3A_520 = math.exp %neg3A_519 : vector<1024x64xf32>
    %add3A_521 = arith.constant 1.000000e+00 : f32
    %add3A_522 = vector.broadcast %add3A_521 : f32 to vector<1024x64xf32>
    %add3A_523 = arith.addf %add3A_522, %exp3A_520 : vector<1024x64xf32>
    %div3A_524 = arith.constant 1.000000e+00 : f32
    %div3A_525 = vector.broadcast %div3A_524 : f32 to vector<1024x64xf32>
    %div3A_526 = arith.divf %div3A_525, %add3A_523 : vector<1024x64xf32>
    %max3A_527 = arith.constant 0.000000e+00 : f32
    %max3A_528 = vector.broadcast %max3A_527 : f32 to vector<1024x64xf32>
    %max3A_529 = arith.maximumf %slice3A_508, %max3A_528 : vector<1024x64xf32>
    %abs3A_530 = math.absf %slice3A_508 : vector<1024x64xf32>
    %neg3A_531 = arith.constant 0.000000e+00 : f32
    %neg3A_532 = vector.broadcast %neg3A_531 : f32 to vector<1024x64xf32>
    %neg3A_533 = arith.subf %neg3A_532, %abs3A_530 : vector<1024x64xf32>
    %exp3A_534 = math.exp %neg3A_533 : vector<1024x64xf32>
    %log1p3A_535 = math.log1p %exp3A_534 : vector<1024x64xf32>
    %add3A_536 = arith.addf %max3A_529, %log1p3A_535 : vector<1024x64xf32>
    %mul3A_537 = arith.mulf %div3A_526, %add3A_536 : vector<1024x64xf32>
    %mul3A_538 = vector.broadcast %convert_element_type3A_516 : vector<1024x1xf32> to vector<1024x64xf32>
    %mul3A_539 = arith.mulf %mul3A_537, %mul3A_538 : vector<1024x64xf32>
    %add3A_540 = arith.addf %add3A_496, %mul3A_539 : vector<1024x64xf32>
    %swap3A = arith.constant 0 : index
    %swap3A_541 = arith.constant 0 : index
    %swap3A_542 = vector.load %arg6[%swap3A, %swap3A_541] : memref<1024x64xf32, #tpu.memory_space<vmem>>, vector<1024x64xf32>
    tpu.vector_store %arg6[%swap3A, %swap3A_541], %add3A_540 {strides = array<i32>} : memref<1024x64xf32, #tpu.memory_space<vmem>>, vector<1024x64xf32>,
    %reduce_sum3A = arith.constant dense<0.000000e+00> : vector<64xf32>
    %reduce_sum3A_543 = vector.multi_reduction <add>, %add3A_540, %reduce_sum3A [0] : vector<1024x64xf32> to vector<64xf32>
    %broadcast_in_dim3A_544 = vector.shape_cast %reduce_sum3A_543 : vector<64xf32> to vector<1x64xf32>
    %mul3A_545 = arith.mulf %add3A_540, %add3A_540 : vector<1024x64xf32>
    %reduce_sum3A_546 = arith.constant dense<0.000000e+00> : vector<64xf32>
    %reduce_sum3A_547 = vector.multi_reduction <add>, %mul3A_545, %reduce_sum3A_546 [0] : vector<1024x64xf32> to vector<64xf32>
    %broadcast_in_dim3A_548 = vector.shape_cast %reduce_sum3A_547 : vector<64xf32> to vector<1x64xf32>
    %iota3A = tpu.iota {dimensions = array<i32: 0>} : vector<8x64xi32>
    %eq3A = arith.constant 0 : i32
    %eq3A_549 = vector.broadcast %eq3A : i32 to vector<8x64xi32>
    %eq3A_550 = arith.cmpi eq, %iota3A, %eq3A_549 : vector<8x64xi32>
    %jit3A = arith.constant 0.000000e+00 : f32
    %broadcast_in_dim3A_551 = vector.shape_cast %broadcast_in_dim3A_544 : vector<1x64xf32> to vector<1x64xf32>
    %broadcast_in_dim3A_552 = vector.broadcast %broadcast_in_dim3A_551 : vector<1x64xf32> to vector<8x64xf32>
    %broadcast_in_dim3A_553 = vector.broadcast %jit3A : f32 to vector<8x64xf32>
    %select_n3A = arith.select %eq3A_550, %broadcast_in_dim3A_552, %broadcast_in_dim3A_553 : vector<8x64xi1>, vector<8x64xf32>
    %eq3A_554 = arith.constant 1 : i32
    %eq3A_555 = vector.broadcast %eq3A_554 : i32 to vector<8x64xi32>
    %eq3A_556 = arith.cmpi eq, %iota3A, %eq3A_555 : vector<8x64xi32>
    %jit3A_557 = arith.constant 0.000000e+00 : f32
    %broadcast_in_dim3A_558 = vector.shape_cast %broadcast_in_dim3A_548 : vector<1x64xf32> to vector<1x64xf32>
    %broadcast_in_dim3A_559 = vector.broadcast %broadcast_in_dim3A_558 : vector<1x64xf32> to vector<8x64xf32>
    %broadcast_in_dim3A_560 = vector.broadcast %jit3A_557 : f32 to vector<8x64xf32>
    %select_n3A_561 = arith.select %eq3A_556, %broadcast_in_dim3A_559, %broadcast_in_dim3A_560 : vector<8x64xi1>, vector<8x64xf32>
    %add3A_562 = arith.addf %select_n3A, %select_n3A_561 : vector<8x64xf32>
    %eq3A_563 = arith.constant 0 : i32
    %eq3A_564 = arith.cmpi eq, %arg0, %eq3A_563 : i32
    %convert_element_type3A_565 = arith.extui %eq3A_564 : i1 to i32
    %cond3A = arith.constant 0 : i32
    %cond3A_566 = arith.cmpi ne, %convert_element_type3A_565, %cond3A : i32
    scf.if %cond3A_566 {
      %broadcast_in_dim3A_574 = arith.constant 0.000000e+00 : f32
      %broadcast_in_dim3A_575 = vector.broadcast %broadcast_in_dim3A_574 : f32 to vector<8x64xf32>
      %swap3A_576 = arith.constant 0 : index
      %swap3A_577 = arith.constant 0 : index
      %swap3A_578 = vector.load %arg7[%swap3A_576, %swap3A_577] : memref<8x64xf32, #tpu.memory_space<vmem>>, vector<8x64xf32>
      tpu.vector_store %arg7[%swap3A_576, %swap3A_577], %broadcast_in_dim3A_575 {strides = array<i32>} : memref<8x64xf32, #tpu.memory_space<vmem>>, vector<8x64xf32>,
    } else {
    }
    %get3A_567 = arith.constant 0 : index
    %get3A_568 = arith.constant 0 : index
    %get3A_569 = vector.load %arg7[%get3A_567, %get3A_568] : memref<8x64xf32, #tpu.memory_space<vmem>>, vector<8x64xf32>
    %add3A_570 = arith.addf %get3A_569, %add3A_562 : vector<8x64xf32>
    %swap3A_571 = arith.constant 0 : index
    %swap3A_572 = arith.constant 0 : index
    %swap3A_573 = vector.load %arg7[%swap3A_571, %swap3A_572] : memref<8x64xf32, #tpu.memory_space<vmem>>, vector<8x64xf32>
    tpu.vector_store %arg7[%swap3A_571, %swap3A_572], %add3A_570 {strides = array<i32>} : memref<8x64xf32, #tpu.memory_space<vmem>>, vector<8x64xf32>,
    return
  }
  func.func @transform_0(%arg0: i32) -> (i32, i32, i32) {
    %c0_i32 = arith.constant 0 : i32
    %c0_i32_0 = arith.constant 0 : i32
    %c0_i32_1 = arith.constant 0 : i32
    return %c0_i32, %arg0, %c0_i32_0 : i32, i32, i32
  }
  func.func @transform_1(%arg0: i32) -> (i32, i32) {
    %c0_i32 = arith.constant 0 : i32
    %c0_i32_0 = arith.constant 0 : i32
    %c0_i32_1 = arith.constant 0 : i32
    return %c0_i32, %c0_i32_0 : i32, i32
  }
  func.func @transform_2(%arg0: i32) -> (i32, i32) {
    %c0_i32 = arith.constant 0 : i32
    %c0_i32_0 = arith.constant 0 : i32
    %c0_i32_1 = arith.constant 0 : i32
    return %c0_i32, %c0_i32_0 : i32, i32
  }
  func.func @transform_3(%arg0: i32) -> (i32, i32) {
    %c0_i32 = arith.constant 0 : i32
    %c0_i32_0 = arith.constant 0 : i32
    %c0_i32_1 = arith.constant 0 : i32
    return %c0_i32, %c0_i32_0 : i32, i32
  }
  func.func @transform_4(%arg0: i32) -> (i32, i32) {
    %c0_i32 = arith.constant 0 : i32
    %c0_i32_0 = arith.constant 0 : i32
    return %arg0, %c0_i32 : i32, i32
  }
  func.func @transform_5(%arg0: i32) -> (i32, i32) {
    %c0_i32 = arith.constant 0 : i32
    %c0_i32_0 = arith.constant 0 : i32
    return %arg0, %c0_i32 : i32, i32
  }
  func.func @transform_6(%arg0: i32) -> (i32, i32) {
    %c0_i32 = arith.constant 0 : i32
    %c0_i32_0 = arith.constant 0 : i32
    %c0_i32_1 = arith.constant 0 : i32
    return %c0_i32, %c0_i32_0 : i32, i32
  }
}

module attributes {stable_mosaic.version = 14 : i64} {
  func.func @_convC_kernel(%arg0: memref<4096x128xf32, #tpu.memory_space<vmem>>, %arg1: memref<4096x64xf32, #tpu.memory_space<vmem>>, %arg2: memref<8x64xf32, #tpu.memory_space<vmem>>, %arg3: memref<1x64xf32, #tpu.memory_space<vmem>>, %arg4: memref<1x64xf32, #tpu.memory_space<vmem>>, %arg5: memref<4096x128xf32, #tpu.memory_space<vmem>>) attributes {dimension_semantics = [], scalar_prefetch = 0 : i64, scratch_operands = 0 : i64, tpu.core_type = #tpu.core_type<tc>} {
    %get3A = arith.constant 0 : index
    %get3A_0 = arith.constant 0 : index
    %get3A_1 = vector.load %arg2[%get3A, %get3A_0] : memref<8x64xf32, #tpu.memory_space<vmem>>, vector<8x64xf32>
    %slice3A = vector.extract_strided_slice %get3A_1 {offsets = [0, 0], sizes = [1, 64], strides = [1, 1]} : vector<8x64xf32> to vector<1x64xf32>
    %mul3A = arith.constant 2.44140625E-4 : f32
    %mul3A_2 = vector.broadcast %mul3A : f32 to vector<1x64xf32>
    %mul3A_3 = arith.mulf %slice3A, %mul3A_2 : vector<1x64xf32>
    %slice3A_4 = vector.extract_strided_slice %get3A_1 {offsets = [1, 0], sizes = [1, 64], strides = [1, 1]} : vector<8x64xf32> to vector<1x64xf32>
    %mul3A_5 = arith.constant 2.44140625E-4 : f32
    %mul3A_6 = vector.broadcast %mul3A_5 : f32 to vector<1x64xf32>
    %mul3A_7 = arith.mulf %slice3A_4, %mul3A_6 : vector<1x64xf32>
    %mul3A_8 = arith.mulf %mul3A_3, %mul3A_3 : vector<1x64xf32>
    %sub3A = arith.subf %mul3A_7, %mul3A_8 : vector<1x64xf32>
    %get3A_9 = arith.constant 0 : index
    %get3A_10 = arith.constant 0 : index
    %get3A_11 = vector.load %arg3[%get3A_9, %get3A_10] : memref<1x64xf32, #tpu.memory_space<vmem>>, vector<1x64xf32>
    %add3A = arith.constant 9.99999974E-6 : f32
    %add3A_12 = vector.broadcast %add3A : f32 to vector<1x64xf32>
    %add3A_13 = arith.addf %sub3A, %add3A_12 : vector<1x64xf32>
    %rsqrt3A = math.rsqrt %add3A_13 : vector<1x64xf32>
    %mul3A_14 = arith.mulf %get3A_11, %rsqrt3A : vector<1x64xf32>
    %get3A_15 = arith.constant 0 : index
    %get3A_16 = arith.constant 0 : index
    %get3A_17 = vector.load %arg4[%get3A_15, %get3A_16] : memref<1x64xf32, #tpu.memory_space<vmem>>, vector<1x64xf32>
    %mul3A_18 = arith.mulf %mul3A_3, %mul3A_14 : vector<1x64xf32>
    %sub3A_19 = arith.subf %get3A_17, %mul3A_18 : vector<1x64xf32>
    %get3A_20 = arith.constant 0 : index
    %get3A_21 = arith.constant 0 : index
    %get3A_22 = vector.load %arg0[%get3A_20, %get3A_21] : memref<4096x128xf32, #tpu.memory_space<vmem>>, vector<4096x128xf32>
    %slice3A_23 = vector.extract_strided_slice %get3A_22 {offsets = [0, 0], sizes = [4096, 64], strides = [1, 1]} : vector<4096x128xf32> to vector<4096x64xf32>
    %get3A_24 = arith.constant 0 : index
    %get3A_25 = arith.constant 0 : index
    %get3A_26 = vector.load %arg1[%get3A_24, %get3A_25] : memref<4096x64xf32, #tpu.memory_space<vmem>>, vector<4096x64xf32>
    %mul3A_27 = vector.broadcast %mul3A_14 : vector<1x64xf32> to vector<4096x64xf32>
    %mul3A_28 = arith.mulf %get3A_26, %mul3A_27 : vector<4096x64xf32>
    %add3A_29 = arith.addf %slice3A_23, %mul3A_28 : vector<4096x64xf32>
    %add3A_30 = vector.broadcast %sub3A_19 : vector<1x64xf32> to vector<4096x64xf32>
    %add3A_31 = arith.addf %add3A_29, %add3A_30 : vector<4096x64xf32>
    %max3A = arith.constant 0.000000e+00 : f32
    %max3A_32 = vector.broadcast %max3A : f32 to vector<4096x64xf32>
    %max3A_33 = arith.maximumf %add3A_31, %max3A_32 : vector<4096x64xf32>
    %abs3A = math.absf %add3A_31 : vector<4096x64xf32>
    %neg3A = arith.constant 0.000000e+00 : f32
    %neg3A_34 = vector.broadcast %neg3A : f32 to vector<4096x64xf32>
    %neg3A_35 = arith.subf %neg3A_34, %abs3A : vector<4096x64xf32>
    %exp3A = math.exp %neg3A_35 : vector<4096x64xf32>
    %log1p3A = math.log1p %exp3A : vector<4096x64xf32>
    %add3A_36 = arith.addf %max3A_33, %log1p3A : vector<4096x64xf32>
    %swap3A = arith.constant 0 : index
    %swap3A_37 = arith.constant 0 : index
    %swap3A_38 = vector.load %arg5[%swap3A, %swap3A_37] : memref<4096x128xf32, #tpu.memory_space<vmem>>, vector<4096x64xf32>
    tpu.vector_store %arg5[%swap3A, %swap3A_37], %add3A_36 {strides = array<i32>} : memref<4096x128xf32, #tpu.memory_space<vmem>>, vector<4096x64xf32>,
    %broadcast_in_dim3A = arith.constant 0.000000e+00 : f32
    %broadcast_in_dim3A_39 = vector.broadcast %broadcast_in_dim3A : f32 to vector<4096x64xf32>
    %swap3A_40 = arith.constant 0 : index
    %swap3A_41 = arith.constant 64 : index
    %swap3A_42 = vector.load %arg5[%swap3A_40, %swap3A_41] : memref<4096x128xf32, #tpu.memory_space<vmem>>, vector<4096x64xf32>
    tpu.vector_store %arg5[%swap3A_40, %swap3A_41], %broadcast_in_dim3A_39 {strides = array<i32>} : memref<4096x128xf32, #tpu.memory_space<vmem>>, vector<4096x64xf32>,
    return
  }
}

module attributes {stable_mosaic.version = 14 : i64} {
  func.func @_final_kernel(%arg0: memref<4096x128xf32, #tpu.memory_space<vmem>>, %arg1: memref<1x4096xi32, #tpu.memory_space<vmem>>, %arg2: memref<64x16xf32, #tpu.memory_space<vmem>>, %arg3: memref<64x128xf32, #tpu.memory_space<vmem>>, %arg4: memref<16x128xf32, #tpu.memory_space<vmem>>, %arg5: memref<1x128xf32, #tpu.memory_space<vmem>>, %arg6: memref<128x256xf32, #tpu.memory_space<vmem>>, %arg7: memref<1x256xf32, #tpu.memory_space<vmem>>, %arg8: memref<64x128xf32, #tpu.memory_space<vmem>>, %arg9: memref<64x128xf32, #tpu.memory_space<vmem>>) attributes {dimension_semantics = [], scalar_prefetch = 0 : i64, scratch_operands = 0 : i64, tpu.core_type = #tpu.core_type<tc>} {
    %get3A = arith.constant 0 : index
    %get3A_0 = arith.constant 0 : index
    %get3A_1 = vector.load %arg1[%get3A, %get3A_0] : memref<1x4096xi32, #tpu.memory_space<vmem>>, vector<1x4096xi32>
    %iota3A = tpu.iota {dimensions = array<i32: 0>} : vector<64x4096xi32>
    %eq3A = vector.broadcast %get3A_1 : vector<1x4096xi32> to vector<64x4096xi32>
    %eq3A_2 = arith.cmpi eq, %iota3A, %eq3A : vector<64x4096xi32>
    %convert_element_type3A = arith.extui %eq3A_2 : vector<64x4096xi1> to vector<64x4096xi32>
    %convert_element_type3A_3 = arith.sitofp %convert_element_type3A : vector<64x4096xi32> to vector<64x4096xf32>
    %get3A_4 = arith.constant 0 : index
    %get3A_5 = arith.constant 0 : index
    %get3A_6 = vector.load %arg0[%get3A_4, %get3A_5] : memref<4096x128xf32, #tpu.memory_space<vmem>>, vector<4096x128xf32>
    %slice3A = vector.extract_strided_slice %get3A_6 {offsets = [0, 0], sizes = [4096, 64], strides = [1, 1]} : vector<4096x128xf32> to vector<4096x64xf32>
    %dot_general3A = arith.constant dense<0.000000e+00> : vector<64x64xf32>
    %dot_general3A_7 = tpu.matmul %convert_element_type3A_3, %slice3A, %dot_general3A {dimension_numbers = #tpu.dot_dimension_numbers<[1], [0], [0], [1], [0, 0, 1, 1], [], []>, transpose_lhs_hint = false} : vector<64x4096xf32>, vector<4096x64xf32>, vector<64x64xf32> -> vector<64x64xf32>
    %reduce_sum3A = arith.constant dense<0.000000e+00> : vector<64xf32>
    %reduce_sum3A_8 = vector.multi_reduction <add>, %convert_element_type3A_3, %reduce_sum3A [1] : vector<64x4096xf32> to vector<64xf32>
    %broadcast_in_dim3A = vector.shape_cast %reduce_sum3A_8 : vector<64xf32> to vector<64x1xf32>
    %max3A = arith.constant 1.000000e+00 : f32
    %max3A_9 = vector.broadcast %max3A : f32 to vector<64x1xf32>
    %max3A_10 = arith.maximumf %broadcast_in_dim3A, %max3A_9 : vector<64x1xf32>
    %div3A = vector.broadcast %max3A_10 : vector<64x1xf32> to vector<64x64xf32>
    %div3A_11 = arith.divf %dot_general3A_7, %div3A : vector<64x64xf32>
    %get3A_12 = arith.constant 0 : index
    %get3A_13 = arith.constant 0 : index
    %get3A_14 = vector.load %arg3[%get3A_12, %get3A_13] : memref<64x128xf32, #tpu.memory_space<vmem>>, vector<64x128xf32>
    %dot_general3A_15 = arith.constant dense<0.000000e+00> : vector<64x128xf32>
    %dot_general3A_16 = tpu.matmul %div3A_11, %get3A_14, %dot_general3A_15 {dimension_numbers = #tpu.dot_dimension_numbers<[1], [0], [0], [1], [0, 0, 1, 1], [], []>, transpose_lhs_hint = false} : vector<64x64xf32>, vector<64x128xf32>, vector<64x128xf32> -> vector<64x128xf32>
    %get3A_17 = arith.constant 0 : index
    %get3A_18 = arith.constant 0 : index
    %get3A_19 = vector.load %arg2[%get3A_17, %get3A_18] : memref<64x16xf32, #tpu.memory_space<vmem>>, vector<64x16xf32>
    %get3A_20 = arith.constant 0 : index
    %get3A_21 = arith.constant 0 : index
    %get3A_22 = vector.load %arg4[%get3A_20, %get3A_21] : memref<16x128xf32, #tpu.memory_space<vmem>>, vector<16x128xf32>
    %dot_general3A_23 = arith.constant dense<0.000000e+00> : vector<64x128xf32>
    %dot_general3A_24 = tpu.matmul %get3A_19, %get3A_22, %dot_general3A_23 {dimension_numbers = #tpu.dot_dimension_numbers<[1], [0], [0], [1], [0, 0, 1, 1], [], []>, transpose_lhs_hint = false} : vector<64x16xf32>, vector<16x128xf32>, vector<64x128xf32> -> vector<64x128xf32>
    %add3A = arith.addf %dot_general3A_16, %dot_general3A_24 : vector<64x128xf32>
    %get3A_25 = arith.constant 0 : index
    %get3A_26 = arith.constant 0 : index
    %get3A_27 = vector.load %arg5[%get3A_25, %get3A_26] : memref<1x128xf32, #tpu.memory_space<vmem>>, vector<1x128xf32>
    %add3A_28 = vector.broadcast %get3A_27 : vector<1x128xf32> to vector<64x128xf32>
    %add3A_29 = arith.addf %add3A, %add3A_28 : vector<64x128xf32>
    %neg3A = arith.constant 0.000000e+00 : f32
    %neg3A_30 = vector.broadcast %neg3A : f32 to vector<64x128xf32>
    %neg3A_31 = arith.subf %neg3A_30, %add3A_29 : vector<64x128xf32>
    %exp3A = math.exp %neg3A_31 : vector<64x128xf32>
    %add3A_32 = arith.constant 1.000000e+00 : f32
    %add3A_33 = vector.broadcast %add3A_32 : f32 to vector<64x128xf32>
    %add3A_34 = arith.addf %add3A_33, %exp3A : vector<64x128xf32>
    %div3A_35 = arith.constant 1.000000e+00 : f32
    %div3A_36 = vector.broadcast %div3A_35 : f32 to vector<64x128xf32>
    %div3A_37 = arith.divf %div3A_36, %add3A_34 : vector<64x128xf32>
    %mul3A = arith.mulf %add3A_29, %div3A_37 : vector<64x128xf32>
    %get3A_38 = arith.constant 0 : index
    %get3A_39 = arith.constant 0 : index
    %get3A_40 = vector.load %arg6[%get3A_38, %get3A_39] : memref<128x256xf32, #tpu.memory_space<vmem>>, vector<128x256xf32>
    %dot_general3A_41 = arith.constant dense<0.000000e+00> : vector<64x256xf32>
    %dot_general3A_42 = tpu.matmul %mul3A, %get3A_40, %dot_general3A_41 {dimension_numbers = #tpu.dot_dimension_numbers<[1], [0], [0], [1], [0, 0, 1, 1], [], []>, transpose_lhs_hint = false} : vector<64x128xf32>, vector<128x256xf32>, vector<64x256xf32> -> vector<64x256xf32>
    %get3A_43 = arith.constant 0 : index
    %get3A_44 = arith.constant 0 : index
    %get3A_45 = vector.load %arg7[%get3A_43, %get3A_44] : memref<1x256xf32, #tpu.memory_space<vmem>>, vector<1x256xf32>
    %add3A_46 = vector.broadcast %get3A_45 : vector<1x256xf32> to vector<64x256xf32>
    %add3A_47 = arith.addf %dot_general3A_42, %add3A_46 : vector<64x256xf32>
    %slice3A_48 = vector.extract_strided_slice %add3A_47 {offsets = [0, 0], sizes = [64, 128], strides = [1, 1]} : vector<64x256xf32> to vector<64x128xf32>
    %swap3A = arith.constant 0 : index
    %swap3A_49 = arith.constant 0 : index
    %swap3A_50 = vector.load %arg8[%swap3A, %swap3A_49] : memref<64x128xf32, #tpu.memory_space<vmem>>, vector<64x128xf32>
    tpu.vector_store %arg8[%swap3A, %swap3A_49], %slice3A_48 {strides = array<i32>} : memref<64x128xf32, #tpu.memory_space<vmem>>, vector<64x128xf32>,
    %slice3A_51 = vector.extract_strided_slice %add3A_47 {offsets = [0, 128], sizes = [64, 128], strides = [1, 1]} : vector<64x256xf32> to vector<64x128xf32>
    %swap3A_52 = arith.constant 0 : index
    %swap3A_53 = arith.constant 0 : index
    %swap3A_54 = vector.load %arg9[%swap3A_52, %swap3A_53] : memref<64x128xf32, #tpu.memory_space<vmem>>, vector<64x128xf32>
    tpu.vector_store %arg9[%swap3A_52, %swap3A_53], %slice3A_51 {strides = array<i32>} : memref<64x128xf32, #tpu.memory_space<vmem>>, vector<64x128xf32>,
    return
  }
}

</mosaic_0001>

<sc_bundles>
// kernel: kernel.18.cloned.1.call-start
scs
__scs_entry_jumppad:
0x0: {  	(pc) =	sbr.rel $0x88, $3  }
0x1: {  	(tag) =	ssettag $0x0;
	lr =	simm.s32 $0x1  }
0x2: {  	[smem:$0x3F92] =	sst lr;
	_ =	strace $0xD0000000  }
0x3: {  	_ = 	snop  }
0x4: {  	_ = 	snop  }
0x5: {  	_ = 	snop  }
0x6: {  	_ = 	snop  }
0x7: {  	_ = 	snop  }
__scs_overlays_trampoline_lowered:
0x8: {  	[smem:$0x3FA1] =	sst s0  }
0x9: {  	[smem:$0x3FA2] =	sst s1  }
0xa: {  	[smem:$0x3FA3] =	sst s2  }
0xb: {  	[smem:$0x3FA4] =	sst s3  }
0xc: {  	[smem:$0x3FA5] =	sst s4  }
0xd: {  	[smem:$0x3FA6] =	sst s5  }
0xe: {  	[smem:$0x3FA7] =	sst s6  }
0xf: {  	[smem:$0x3FA8] =	sst s7  }
0x10: {  	[smem:$0x3FA9] =	sst s8  }
0x11: {  	[smem:$0x3FAA] =	sst s9;
	s0 =	simm.s32 @!p0 $0x0  }
0x12: {  	s1 =	sld [smem:$0x3F90];
	s0 =	simm.s32 @p0 $0x1  }
0x13: {  	[smem:$0x3FAB] =	sst s0;
	s0 =	simm.s32 @!p1 $0x0  }
0x14: {  	s2 =	sld [smem:$0x3F8F];
	s0 =	simm.s32 @p1 $0x1  }
0x15: {  	[smem:$0x3FAC] =	sst s0;
	s0 =	simm.s32 @!p2 $0x0  }
0x16: {  	s3 =	sld [smem:$0x3FDB];
	s0 =	simm.s32 @p2 $0x1  }
0x17: {  	s4 =	simm.s32 $0x1BF5;
	[smem:$0x3FAE] =	sst s0  }
0x18: {  	s0 =	sld [smem:$0x3F91];
	_ =	swait.ge [sflag:s4], $0x0  }
0x19: {  	s7 =	sld [smem:$0x3F92]  }
0x1a: {  	s8 =	sadd.s32 $0xFFFFE003, lr  }
0x1b: {  	s9 =	sadd.s32 $0xFFFFFEF7, lr;
	s5 =	simm.s32 $0xFFFFFFFF;
	p2 =	slt.u32 s8, $0xFFFFF086  }
0x1c: {  	p1 =	slt.u32 s9, $0xF7A;
	s5 =	simm.s32 @!p2 $0x0  }
0x1d: {  	s5 =	simm.s32 @p1 $0x1;
	p0 =	seq.s32 s7, s2  }
0x1e: {  	s7 =	smul.u32 @!p0 $0xF7A, s2;
	p2 =	seq.s32 @!p0 s5, $0x0  }
0x1f: {  	s9 =	smul.u32 $0xF7A, s1;
	s8 =	simm.s32 @!p0 $0x1BF5;
	p2 =	por !p2, p0  }
0x20: {  	[sflag:s8] =	ssyncset.s32 @!p0 $0xFFFFF086;
	s6 =	sadd.s32 @!p0 s3, s7;
	s7 =	simm.s32 @!p0 $0x108  }
0x21: {  	s3 =	sadd.s32 s3, s9;
	s6 =	sadd.s32 @!p0 $0x88, s6;
	s7 =	simm.s32 @p2 $0x1082  }
0x22: {  	[simem:s7], [sflag:s8] =	dma.local @!p0 [hbm:s6], $0xF7A  }
0x23: {  	s9 =	sor.u32 $0xD0000000, s2;
	s6 =	simm.s32 $0x108;
	_ =	swait.ge @!p0 [sflag:s8], $0x0  }
0x24: {  	s3 =	sadd.s32 $0x88, s3;
	s6 =	simm.s32 @!p1 $0x1082;
	[sflag:s4] =	ssyncset.s32 $0xFFFFF086  }
0x25: {  	[simem:s6], [sflag:s4] =	dma.local [hbm:s3], $0xF7A  }
0x26: {  	[smem:$0x3F92] =	sst s1;
	(tag) =	ssettag s2;
	_ =	strace s9  }
0x27: {  	s1 =	sld [smem:$0x3FA2]  }
0x28: {  	s2 =	sld [smem:$0x3FA3]  }
0x29: {  	s4 =	sld [smem:$0x3FA5]  }
0x2a: {  	p0 =	seq.s32 s5, $0x0;
	s5 =	sld [smem:$0x3FA6]  }
0x2b: {  	s6 =	sld [smem:$0x3FA7]  }
0x2c: {  	s7 =	sld [smem:$0x3FA8]  }
0x2d: {  	s3 =	simm.s32 $0x108;
	s8 =	sld [smem:$0x3FA9]  }
0x2e: {  	s3 =	simm.s32 @!p0 $0x1082;
	s9 =	sld [smem:$0x3FAA]  }
0x2f: {  	lr =	sadd.s32 s0, s3;
	s0 =	sld [smem:$0x3FA1]  }
0x30: {  	s3 =	sld [smem:$0x3FA4]  }
0x31: {  	[smem:$0x3FAD] =	sst s10  }
0x32: {  	s10 =	sld [smem:$0x3FAB];
	_ =	sdelay $0x3  }
0x33: {  	p0 =	seq.s32 s10, $0x1;
	s10 =	sld [smem:$0x3FAD];
	_ =	sdelay $0x3  }
0x34: {  	[smem:$0x3FAD] =	sst s10  }
0x35: {  	s10 =	sld [smem:$0x3FAC];
	_ =	sdelay $0x3  }
0x36: {  	p1 =	seq.s32 s10, $0x1;
	s10 =	sld [smem:$0x3FAD];
	_ =	sdelay $0x3  }
0x37: {  	[smem:$0x3FAD] =	sst s10  }
0x38: {  	s10 =	sld [smem:$0x3FAE]  }
0x39: {  	_ = 	snop;
	(pc) =	sbr.ind lr, $3  }
0x3a: {  	_ = 	snop  }
0x3b: {  	_ = 	snop  }
0x3c: {  	p2 =	seq.s32 s10, $0x1;
	s10 =	sld [smem:$0x3FAD]  }
0x3d: {  	_ =	shalt  }
0x3e: {  	_ =	shalt  }
0x3f: {  	_ =	shalt  }
0x40: {  	_ =	shalt  }
0x41: {  	_ =	shalt  }
0x42: {  	_ =	shalt  }
0x43: {  	_ =	shalt  }
0x44: {  	_ =	shalt  }
0x45: {  	_ =	shalt  }
0x46: {  	_ =	shalt  }
0x47: {  	_ =	shalt  }
0x48: {  	_ =	shalt  }
0x49: {  	_ =	shalt  }
0x4a: {  	_ =	shalt  }
0x4b: {  	_ =	shalt  }
0x4c: {  	_ =	shalt  }
0x4d: {  	_ =	shalt  }
0x4e: {  	_ =	shalt  }
0x4f: {  	_ =	shalt  }
0x50: {  	_ =	shalt  }
0x51: {  	_ =	shalt  }
0x52: {  	_ =	shalt  }
0x53: {  	_ =	shalt  }
0x54: {  	_ =	shalt  }
0x55: {  	_ =	shalt  }
0x56: {  	_ =	shalt  }
0x57: {  	_ =	shalt  }
0x58: {  	_ =	shalt  }
0x59: {  	_ =	shalt  }
0x5a: {  	_ =	shalt  }
0x5b: {  	_ =	shalt  }
0x5c: {  	_ =	shalt  }
0x5d: {  	_ =	shalt  }
0x5e: {  	_ =	shalt  }
0x5f: {  	_ =	shalt  }
0x60: {  	_ =	shalt  }
0x61: {  	_ =	shalt  }
0x62: {  	_ =	shalt  }
0x63: {  	_ =	shalt  }
0x64: {  	_ =	shalt  }
0x65: {  	_ =	shalt  }
0x66: {  	_ =	shalt  }
0x67: {  	_ =	shalt  }
0x68: {  	_ =	shalt  }
0x69: {  	_ =	shalt  }
0x6a: {  	_ =	shalt  }
0x6b: {  	_ =	shalt  }
0x6c: {  	_ =	shalt  }
0x6d: {  	_ =	shalt  }
0x6e: {  	_ =	shalt  }
0x6f: {  	_ =	shalt  }
0x70: {  	_ =	shalt  }
0x71: {  	_ =	shalt  }
0x72: {  	_ =	shalt  }
0x73: {  	_ =	shalt  }
0x74: {  	_ =	shalt  }
0x75: {  	_ =	shalt  }
0x76: {  	_ =	shalt  }
0x77: {  	_ =	shalt  }
0x78: {  	_ =	shalt  }
0x79: {  	_ =	shalt  }
0x7a: {  	_ =	shalt  }
0x7b: {  	_ =	shalt  }
0x7c: {  	_ =	shalt  }
0x7d: {  	_ =	shalt  }
0x7e: {  	_ =	shalt  }
0x7f: {  	_ =	shalt  }
0x80: {  	_ =	shalt  }
0x81: {  	_ =	shalt  }
0x82: {  	_ =	shalt  }
0x83: {  	_ =	shalt  }
0x84: {  	_ =	shalt  }
0x85: {  	_ =	shalt  }
0x86: {  	_ =	shalt  }
0x87: {  	_ =	shalt  }
.Lfunc_end0:
.L_simem_size_0:
called_computation_lowered:
.L_overlay_start_0:
0x88: {  	s2 =	sld [smem:$0x3FD9]  }
0x89: {  	s3 =	sld [smem:$0x3FFE];
	_ =	sdelay $0x1  }
0x8a: {  	s1 =	srdreg.scid  }
0x8b: {  	s0 =	sand.u32 $0x1, s1  }
0x8c: {  	s17 =	sshll.u32 s0, $0xA;
	s2 =	sadd.s32 s3, s2  }
0x8d: {  	s2 =	sadd.s32 s2, s17  }
0x8e: {  	[smem:$0x3FB9] =	sst s2  }
0x8f: {  	_ = 	snop  }
0x90: {  	s2 =	sld [smem:$0x3FC7];
	(tm) =	ssettm $0x1  }
0x91: {  	s18 =	sld [smem:$0x3FFB];
	_ =	sdelay $0x3  }
0x92: {  	_ =	strace s18  }
0x93: {  	s3 =	sld [smem:$0x3FFC];
	_ =	sdelay $0x3  }
0x94: {  	_ =	strace s3  }
0x95: {  	s3 =	sld [smem:$0x3FFD];
	_ =	sdelay $0x3  }
0x96: {  	_ =	strace s3  }
0x97: {  	_ =	strace $0x8FFFFFFF  }
0x98: {  	s19 =	sld [smem:$0x3FDB];
	_ =	sdelay $0x1  }
0x99: {  	s4 =	simm.s32 $_scs_section_size  }
0x9a: {  	s5 =	simm.s32 $_size__tile_overlayer_lowered;
	s6 =	simm.s32 $_tile_overlayer_lowered  }
0x9b: {  	s22 =	simm.s32 $0x1BFF;
	s21 =	sshll.u32 s6, $0x1;
	s3 =	sadd.s32 s4, s19  }
0x9c: {  	s7 =	simm.s32 $0x0;
	s20 =	sshll.u32 s5, $0x1;
	s5 =	sadd.s32 s21, s3  }
0x9d: {  	[timem:s7], [sflag:s22] =	dma.local [hbm:s5], s20  }
0x9e: {  	_ =	swait.ge [sflag:s22], s20  }
0x9f: {  	s4 =	ssub.s32 $0x0, s20;
	[sflag:s22] =	ssyncset.done $0x0  }
0xa0: {  	[sflag:s22] =	ssyncadd.s32 s4;
	_ =	sdelay $0x1  }
0xa1: {  	s23 =	simm.s32 $0x1B8B  }
0xa2: {  	_ =	swait.ge [sflag:s23], $0x1  }
0xa3: {  	[sflag:s23] =	ssyncset.done $0x0  }
0xa4: {  	s25 =	simm.s32 $0x1B8E;
	s24 =	sld [smem:$0x3FFE];
	[sflag:s23] =	ssyncadd.s32 $0xFFFFFFFF  }
0xa5: {  	s26 =	simm.s32 $execute0_lowered;
	[smem:$0x3FD2] =	sst s25  }
0xa6: {  	s5 =	sshll.u32 s26, $0x1;
	_ =	strace $0x80000046;
	[dreg:$0x1] =	wrdreg $0xFFFFFFFF  }
0xa7: {  	s28 =	simm.s32 $_size_execute0_lowered;
	s3 =	sadd.s32 s3, s5;
	[dreg:$0x0] =	wrdreg $0x0  }
0xa8: {  	s5 =	sshll.u32 s28, $0x1;
	[dreg:$0x2] =	wrdreg s3  }
0xa9: {  	[dreg:$0x3] =	wrdreg s5  }
0xaa: {  	[dreg:$0x4] =	wrdreg $0xC0  }
0xab: {  	_ =	task [dreg:s7], $0x5FFFF  }
0xac: {  	[dreg:$0x1] =	wrdreg $0xFFFFFFFF  }
0xad: {  	[dreg:$0x0] =	wrdreg $0x60  }
0xae: {  	[dreg:$0x2] =	wrdreg s24  }
0xaf: {  	[dreg:$0x3] =	wrdreg s2  }
0xb0: {  	[dreg:$0x4] =	wrdreg $0x9  }
0xb1: {  	_ =	task.clear_ibuf [dreg:s7], $0x5FFFF;
	_ =	strace $0x90000046  }
0xb2: {  	s29 =	simm.s32 $0x9;
	_ =	strace $0x80000048  }
0xb3: {  	_ =	swait.ge [sflag:s29], $0x1  }
0xb4: {  	[sflag:s29] =	ssyncadd.s32 $0xFFFFFFFF  }
0xb5: {  	_ =	strace $0x90000048  }
0xb6: {  	_ =	sfence  }
0xb7: {  	s30 =	sld [smem:$0x0];
	_ =	sdelay $0x2  }
0xb8: {  	s31 =	sshll.u32 s1, $0xD;
	s1 =	sshrl.u32 s1, $0x2  }
0xb9: {  	s3 =	sand.u32 $0x4000, s31;
	s1 =	sadd.s32 s1, s30  }
0xba: {  	s0 =	sor.u32 s3, s0;
	s1 =	sshll.u32 s1, $0x11  }
0xbb: {  	s0 =	sor.u32 s1, s0  }
0xbc: {  	s0 =	sadd.s32 $0x8F2B, s0  }
0xbd: {  	[sflag:s0] =	ssyncadd.remote.s32 $0x1  }
0xbe: {  	_ =	sfence.sel $0xFFFF  }
0xbf: {  	[dreg:$0x0] =	wrdreg $0xFFFFFFFF;
	(pc) =	sbr.abs _section_cstart, $3  }
0xc0: {  	[dreg:$0x1] =	wrdreg $0xFFFFFFFF  }
0xc1: {  	_ =	task.clear_ibuf [dreg:s7], $0x2FFFF;
	_ =	strace $0x9FFFFFFF  }
0xc2: {  	(tm) =	ssettm $0x7FFFFFFF  }
0xc3: {  	_ =	shalt  }
tec
execute0_lowered:
.L_overlay_start_1:
0x0: {  	(tag) =	ssettag $0x1  }
0x1: {  	s1 =	srdreg.scid  }
0x2: {  	s8 =	rddreg [dreg:$0x0];
	s0 =	stileid.u32  }
0x3: {  	s3 =	rddreg [dreg:$0x1];
	s2 =	simm.s32 $0x0;
	s6 =	sand.u32 $0x1, s1  }
0x4: {  	s4 =	sshll.u32 s0, $0x8;
	s1 =	rddreg [dreg:$0x2];
	s5 =	sshll.u32 s6, $0x7  }
0x5: {  	s7 =	simm.s32 $0x1;
	[smem:$0x7FF] =	sst s2;
	s9 =	sor.u32 s5, s4  }
0x6: {  	_ =	strace $0x80000047;
	s10 =	ssub.s32 $0x2, s6;
	s4 =	sshrl.u32 s9, $0x3  }
0x7: {  	s6 =	simm.s32 $0x80;
	s4 =	sadd.s32 s3, s4;
	s3 =	simm.s32 $0x2  }
0x8: {  	[tilespmem:s2], [sflag:$0x2] =	stream.linear.gather [hbm4b:s4+s2], $0x80, $0x38;
	[tilespmem:$0x4080] =	vst v63  }
0x9: {  	s5 =	sadd.s32 $0x4400, s8;
	s11 =	sshrl.u32 s10, $0x1;
	_ =	swait.ge [sflag:s3], $0x80  }
0xa: {  	s9 =	sshll.u32 s9, $0x4;
	s31 =	ssub.s32 s10, s11;
	[sflag:s3] =	ssyncset.done $0x0  }
0xb: {  	s8 =	sadd.s32 s9, s8;
	s9 =	smax.u32 s31, $0x1;
	[sflag:s3] =	ssyncadd.s32 $0xFFFFFF80  }
0xc: {  	[tilespmem:s6], [sflag:$0x1] =	stream.indirect.gather [hbm4b:s5+s6], $0x80, s2, s6, $0xb8;
	[tilespmem:$0x4080] =	vst v63  }
0xd: {  	p0 =	sne.s32 s9, $0x1;
	_ =	swait.ge [sflag:s7], $0x4000  }
.Ltmp0:
0xe: {  	[sflag:s7] =	ssyncset.done $0x0;
	(pc) =	sbr.rel @!p0 .LBB2_2-.Ltmp0, $4  }
0xf: {  	s8 =	sadd.s32 $0x4C00, s8;
	[sflag:s7] =	ssyncadd.s32 $0xFFFFC000  }
0x10: {  	[hbm4b:s8+s2] =	stream.linear.scatter [tilespmem:s6], [sflag:$0x2], $0x4000, $0x38;
	[tilespmem:$0x4080] =	vst v63  }
0x11: {  	_ =	swait.ge [sflag:s3], $0x4000  }
0x12: {  	s9 =	sadd.s32 $0xFFFFFFFF, s9;
	[sflag:s3] =	ssyncset.done $0x0  }
.LBB2_1:
0x13: {  	p0 =	sne.s32 s9, $0x1;
	s9 =	sadd.s32 $0xFFFFFFFF, s9;
	[sflag:s3] =	ssyncadd.s32 $0xFFFFC000  }
0x14: {  	[tilespmem:s2], [sflag:$0x2] =	stream.linear.gather [hbm4b:s4+s2], $0x80, $0x38;
	[tilespmem:$0x4080] =	vst v63  }
0x15: {  	_ =	swait.ge [sflag:s3], $0x80  }
0x16: {  	[sflag:s3] =	ssyncset.done $0x0  }
0x17: {  	[sflag:s3] =	ssyncadd.s32 $0xFFFFFF80  }
0x18: {  	[tilespmem:s6], [sflag:$0x1] =	stream.indirect.gather [hbm4b:s5+s6], $0x80, s2, s6, $0xb8;
	[tilespmem:$0x4080] =	vst v63  }
0x19: {  	_ =	swait.ge [sflag:s7], $0x4000  }
.Ltmp1:
0x1a: {  	[sflag:s7] =	ssyncset.done $0x0;
	(pc) =	sbr.rel @p0 .LBB2_1-.Ltmp1, $4  }
0x1b: {  	[sflag:s7] =	ssyncadd.s32 $0xFFFFC000  }
0x1c: {  	[hbm4b:s8+s2] =	stream.linear.scatter [tilespmem:s6], [sflag:$0x2], $0x4000, $0x38;
	[tilespmem:$0x4080] =	vst v63  }
0x1d: {  	_ =	swait.ge [sflag:s3], $0x4000  }
0x1e: {  	[sflag:s3] =	ssyncset.done $0x0  }
.LBB2_2:
0x1f: {  	[sflag:s3] =	ssyncadd.s32 $0xFFFFC000  }
0x20: {  	_ =	sfence.sel $0x180000  }
0x21: {  	[bflag:$0x0] =	sbarrier.arrive $0xFFFF  }
0x22: {  	p0 =	sne.s32 s0, $0x0;
	_ =	strace $0x90000047  }
0x23: {  	s0 =	sadd.s32 @!p0 $0x100000, s1;
	[bflag:$0x2] =	sbarrier.arrive $0xFFFF  }
0x24: {  	[sflag:s0] =	ssyncadd.tile.s32 @!p0 $0x1;
	_ =	shalt  }
.Lfunc_end2:
_tile_overlayer_lowered:
.L_overlay_start_2:
0x25: {  	(tag) =	ssettag $0x2  }
0x26: {  	s0 =	rddreg [dreg:$0x0];
	s2 =	stileid.u32  }
0x27: {  	s1 =	rddreg [dreg:$0x1];
	p0 =	sne.s32 s2, $0x0  }
0x28: {  	s3 =	rddreg [dreg:$0x2];
	[bflag:$0x3] =	sbarrier.arrive $0xFFFF;
	s2 =	simm.s32 @!p0 $0x1C02  }
0x29: {  	[timem:s3], [sflag:s2] =	dma.local @!p0 [hbm:s0], s1  }
0x2a: {  	s0 =	simm.s32 @!p0 $0x2  }
0x2b: {  	_ =	swait.ge @!p0 [sflag:s0], s1  }
0x2c: {  	s1 =	ssub.s32 @!p0 $0x0, s1;
	[sflag:s0] =	ssyncset.done @!p0 $0x0  }
0x2d: {  	[sflag:s0] =	ssyncadd.s32 @!p0 s1  }
0x2e: {  	[bflag:$0x3] =	sbarrier.arrive $0xFFFF  }
0x2f: {  	_ =	shalt  }

// kernel: kernel.21.cloned.1.call-start
scs
__scs_entry_jumppad:
0x0: {  	(pc) =	sbr.rel $0x88, $3  }
0x1: {  	(tag) =	ssettag $0x0;
	lr =	simm.s32 $0x1  }
0x2: {  	[smem:$0x3F92] =	sst lr;
	_ =	strace $0xD0000000  }
0x3: {  	_ = 	snop  }
0x4: {  	_ = 	snop  }
0x5: {  	_ = 	snop  }
0x6: {  	_ = 	snop  }
0x7: {  	_ = 	snop  }
__scs_overlays_trampoline_lowered:
0x8: {  	[smem:$0x3FA1] =	sst s0  }
0x9: {  	[smem:$0x3FA2] =	sst s1  }
0xa: {  	[smem:$0x3FA3] =	sst s2  }
0xb: {  	[smem:$0x3FA4] =	sst s3  }
0xc: {  	[smem:$0x3FA5] =	sst s4  }
0xd: {  	[smem:$0x3FA6] =	sst s5  }
0xe: {  	[smem:$0x3FA7] =	sst s6  }
0xf: {  	[smem:$0x3FA8] =	sst s7  }
0x10: {  	[smem:$0x3FA9] =	sst s8  }
0x11: {  	[smem:$0x3FAA] =	sst s9;
	s0 =	simm.s32 @!p0 $0x0  }
0x12: {  	s1 =	sld [smem:$0x3F90];
	s0 =	simm.s32 @p0 $0x1  }
0x13: {  	[smem:$0x3FAB] =	sst s0;
	s0 =	simm.s32 @!p1 $0x0  }
0x14: {  	s2 =	sld [smem:$0x3F8F];
	s0 =	simm.s32 @p1 $0x1  }
0x15: {  	[smem:$0x3FAC] =	sst s0;
	s0 =	simm.s32 @!p2 $0x0  }
0x16: {  	s3 =	sld [smem:$0x3FDB];
	s0 =	simm.s32 @p2 $0x1  }
0x17: {  	s4 =	simm.s32 $0x1BF5;
	[smem:$0x3FAE] =	sst s0  }
0x18: {  	s0 =	sld [smem:$0x3F91];
	_ =	swait.ge [sflag:s4], $0x0  }
0x19: {  	s7 =	sld [smem:$0x3F92]  }
0x1a: {  	s8 =	sadd.s32 $0xFFFFE003, lr  }
0x1b: {  	s9 =	sadd.s32 $0xFFFFFEF7, lr;
	s5 =	simm.s32 $0xFFFFFFFF;
	p2 =	slt.u32 s8, $0xFFFFF086  }
0x1c: {  	p1 =	slt.u32 s9, $0xF7A;
	s5 =	simm.s32 @!p2 $0x0  }
0x1d: {  	s5 =	simm.s32 @p1 $0x1;
	p0 =	seq.s32 s7, s2  }
0x1e: {  	s7 =	smul.u32 @!p0 $0xF7A, s2;
	p2 =	seq.s32 @!p0 s5, $0x0  }
0x1f: {  	s9 =	smul.u32 $0xF7A, s1;
	s8 =	simm.s32 @!p0 $0x1BF5;
	p2 =	por !p2, p0  }
0x20: {  	[sflag:s8] =	ssyncset.s32 @!p0 $0xFFFFF086;
	s6 =	sadd.s32 @!p0 s3, s7;
	s7 =	simm.s32 @!p0 $0x108  }
0x21: {  	s3 =	sadd.s32 s3, s9;
	s6 =	sadd.s32 @!p0 $0x88, s6;
	s7 =	simm.s32 @p2 $0x1082  }
0x22: {  	[simem:s7], [sflag:s8] =	dma.local @!p0 [hbm:s6], $0xF7A  }
0x23: {  	s9 =	sor.u32 $0xD0000000, s2;
	s6 =	simm.s32 $0x108;
	_ =	swait.ge @!p0 [sflag:s8], $0x0  }
0x24: {  	s3 =	sadd.s32 $0x88, s3;
	s6 =	simm.s32 @!p1 $0x1082;
	[sflag:s4] =	ssyncset.s32 $0xFFFFF086  }
0x25: {  	[simem:s6], [sflag:s4] =	dma.local [hbm:s3], $0xF7A  }
0x26: {  	[smem:$0x3F92] =	sst s1;
	(tag) =	ssettag s2;
	_ =	strace s9  }
0x27: {  	s1 =	sld [smem:$0x3FA2]  }
0x28: {  	s2 =	sld [smem:$0x3FA3]  }
0x29: {  	s4 =	sld [smem:$0x3FA5]  }
0x2a: {  	p0 =	seq.s32 s5, $0x0;
	s5 =	sld [smem:$0x3FA6]  }
0x2b: {  	s6 =	sld [smem:$0x3FA7]  }
0x2c: {  	s7 =	sld [smem:$0x3FA8]  }
0x2d: {  	s3 =	simm.s32 $0x108;
	s8 =	sld [smem:$0x3FA9]  }
0x2e: {  	s3 =	simm.s32 @!p0 $0x1082;
	s9 =	sld [smem:$0x3FAA]  }
0x2f: {  	lr =	sadd.s32 s0, s3;
	s0 =	sld [smem:$0x3FA1]  }
0x30: {  	s3 =	sld [smem:$0x3FA4]  }
0x31: {  	[smem:$0x3FAD] =	sst s10  }
0x32: {  	s10 =	sld [smem:$0x3FAB];
	_ =	sdelay $0x3  }
0x33: {  	p0 =	seq.s32 s10, $0x1;
	s10 =	sld [smem:$0x3FAD];
	_ =	sdelay $0x3  }
0x34: {  	[smem:$0x3FAD] =	sst s10  }
0x35: {  	s10 =	sld [smem:$0x3FAC];
	_ =	sdelay $0x3  }
0x36: {  	p1 =	seq.s32 s10, $0x1;
	s10 =	sld [smem:$0x3FAD];
	_ =	sdelay $0x3  }
0x37: {  	[smem:$0x3FAD] =	sst s10  }
0x38: {  	s10 =	sld [smem:$0x3FAE]  }
0x39: {  	_ = 	snop;
	(pc) =	sbr.ind lr, $3  }
0x3a: {  	_ = 	snop  }
0x3b: {  	_ = 	snop  }
0x3c: {  	p2 =	seq.s32 s10, $0x1;
	s10 =	sld [smem:$0x3FAD]  }
0x3d: {  	_ =	shalt  }
0x3e: {  	_ =	shalt  }
0x3f: {  	_ =	shalt  }
0x40: {  	_ =	shalt  }
0x41: {  	_ =	shalt  }
0x42: {  	_ =	shalt  }
0x43: {  	_ =	shalt  }
0x44: {  	_ =	shalt  }
0x45: {  	_ =	shalt  }
0x46: {  	_ =	shalt  }
0x47: {  	_ =	shalt  }
0x48: {  	_ =	shalt  }
0x49: {  	_ =	shalt  }
0x4a: {  	_ =	shalt  }
0x4b: {  	_ =	shalt  }
0x4c: {  	_ =	shalt  }
0x4d: {  	_ =	shalt  }
0x4e: {  	_ =	shalt  }
0x4f: {  	_ =	shalt  }
0x50: {  	_ =	shalt  }
0x51: {  	_ =	shalt  }
0x52: {  	_ =	shalt  }
0x53: {  	_ =	shalt  }
0x54: {  	_ =	shalt  }
0x55: {  	_ =	shalt  }
0x56: {  	_ =	shalt  }
0x57: {  	_ =	shalt  }
0x58: {  	_ =	shalt  }
0x59: {  	_ =	shalt  }
0x5a: {  	_ =	shalt  }
0x5b: {  	_ =	shalt  }
0x5c: {  	_ =	shalt  }
0x5d: {  	_ =	shalt  }
0x5e: {  	_ =	shalt  }
0x5f: {  	_ =	shalt  }
0x60: {  	_ =	shalt  }
0x61: {  	_ =	shalt  }
0x62: {  	_ =	shalt  }
0x63: {  	_ =	shalt  }
0x64: {  	_ =	shalt  }
0x65: {  	_ =	shalt  }
0x66: {  	_ =	shalt  }
0x67: {  	_ =	shalt  }
0x68: {  	_ =	shalt  }
0x69: {  	_ =	shalt  }
0x6a: {  	_ =	shalt  }
0x6b: {  	_ =	shalt  }
0x6c: {  	_ =	shalt  }
0x6d: {  	_ =	shalt  }
0x6e: {  	_ =	shalt  }
0x6f: {  	_ =	shalt  }
0x70: {  	_ =	shalt  }
0x71: {  	_ =	shalt  }
0x72: {  	_ =	shalt  }
0x73: {  	_ =	shalt  }
0x74: {  	_ =	shalt  }
0x75: {  	_ =	shalt  }
0x76: {  	_ =	shalt  }
0x77: {  	_ =	shalt  }
0x78: {  	_ =	shalt  }
0x79: {  	_ =	shalt  }
0x7a: {  	_ =	shalt  }
0x7b: {  	_ =	shalt  }
0x7c: {  	_ =	shalt  }
0x7d: {  	_ =	shalt  }
0x7e: {  	_ =	shalt  }
0x7f: {  	_ =	shalt  }
0x80: {  	_ =	shalt  }
0x81: {  	_ =	shalt  }
0x82: {  	_ =	shalt  }
0x83: {  	_ =	shalt  }
0x84: {  	_ =	shalt  }
0x85: {  	_ =	shalt  }
0x86: {  	_ =	shalt  }
0x87: {  	_ =	shalt  }
.Lfunc_end0:
.L_simem_size_0:
called_computation.1_lowered:
.L_overlay_start_0:
0x88: {  	s2 =	sld [smem:$0x3FD9]  }
0x89: {  	s3 =	sld [smem:$0x3FFE];
	_ =	sdelay $0x1  }
0x8a: {  	s1 =	srdreg.scid  }
0x8b: {  	s0 =	sand.u32 $0x1, s1  }
0x8c: {  	s16 =	sshll.u32 s0, $0xA;
	s2 =	sadd.s32 s3, s2  }
0x8d: {  	s2 =	sadd.s32 s2, s16  }
0x8e: {  	[smem:$0x3FB9] =	sst s2  }
0x8f: {  	_ = 	snop  }
0x90: {  	(tm) =	ssettm $0x1  }
0x91: {  	s17 =	sld [smem:$0x3FFB];
	_ =	sdelay $0x3  }
0x92: {  	_ =	strace s17  }
0x93: {  	s2 =	sld [smem:$0x3FFC];
	_ =	sdelay $0x3  }
0x94: {  	_ =	strace s2  }
0x95: {  	s2 =	sld [smem:$0x3FFD];
	_ =	sdelay $0x3  }
0x96: {  	_ =	strace s2  }
0x97: {  	_ =	strace $0x8FFFFFFF  }
0x98: {  	s18 =	sld [smem:$0x3FDB];
	_ =	sdelay $0x1  }
0x99: {  	s19 =	simm.s32 $_scs_section_size  }
0x9a: {  	s4 =	simm.s32 $_size__tile_overlayer_lowered;
	s5 =	simm.s32 $_tile_overlayer_lowered  }
0x9b: {  	s22 =	simm.s32 $0x1BFF;
	s21 =	sshll.u32 s5, $0x1;
	s2 =	sadd.s32 s19, s18  }
0x9c: {  	s6 =	simm.s32 $0x0;
	s20 =	sshll.u32 s4, $0x1;
	s4 =	sadd.s32 s21, s2  }
0x9d: {  	[timem:s6], [sflag:s22] =	dma.local [hbm:s4], s20  }
0x9e: {  	_ =	swait.ge [sflag:s22], s20  }
0x9f: {  	s3 =	ssub.s32 $0x0, s20;
	[sflag:s22] =	ssyncset.done $0x0  }
0xa0: {  	[sflag:s22] =	ssyncadd.s32 s3;
	_ =	sdelay $0x1  }
0xa1: {  	s23 =	simm.s32 $0x1B8B  }
0xa2: {  	_ =	swait.ge [sflag:s23], $0x1  }
0xa3: {  	[sflag:s23] =	ssyncset.done $0x0  }
0xa4: {  	s25 =	simm.s32 $0x1B8E;
	s24 =	sld [smem:$0x3FFE];
	[sflag:s23] =	ssyncadd.s32 $0xFFFFFFFF  }
0xa5: {  	s26 =	simm.s32 $execute0_lowered;
	[smem:$0x3FD2] =	sst s25  }
0xa6: {  	s4 =	sshll.u32 s26, $0x1;
	_ =	strace $0x80000049;
	[dreg:$0x1] =	wrdreg $0xFFFFFFFF  }
0xa7: {  	s28 =	simm.s32 $_size_execute0_lowered;
	s2 =	sadd.s32 s2, s4;
	[dreg:$0x0] =	wrdreg $0x0  }
0xa8: {  	s4 =	sshll.u32 s28, $0x1;
	[dreg:$0x2] =	wrdreg s2  }
0xa9: {  	[dreg:$0x3] =	wrdreg s4  }
0xaa: {  	[dreg:$0x4] =	wrdreg $0xC0  }
0xab: {  	_ =	task [dreg:s6], $0x5FFFF  }
0xac: {  	[dreg:$0x1] =	wrdreg $0xFFFFFFFF  }
0xad: {  	[dreg:$0x0] =	wrdreg $0x60  }
0xae: {  	[dreg:$0x2] =	wrdreg s24  }
0xaf: {  	[dreg:$0x3] =	wrdreg $0x9  }
0xb0: {  	_ =	task.clear_ibuf [dreg:s6], $0x4FFFF;
	_ =	strace $0x90000049  }
0xb1: {  	s29 =	simm.s32 $0x9;
	_ =	strace $0x8000004B  }
0xb2: {  	_ =	swait.ge [sflag:s29], $0x1  }
0xb3: {  	[sflag:s29] =	ssyncadd.s32 $0xFFFFFFFF  }
0xb4: {  	_ =	strace $0x9000004B  }
0xb5: {  	_ =	sfence  }
0xb6: {  	s30 =	sld [smem:$0x0];
	_ =	sdelay $0x2  }
0xb7: {  	s31 =	sshll.u32 s1, $0xD;
	s1 =	sshrl.u32 s1, $0x2  }
0xb8: {  	s3 =	sand.u32 $0x4000, s31;
	s1 =	sadd.s32 s1, s30  }
0xb9: {  	s0 =	sor.u32 s3, s0;
	s1 =	sshll.u32 s1, $0x11  }
0xba: {  	s0 =	sor.u32 s1, s0  }
0xbb: {  	s0 =	sadd.s32 $0x8F2B, s0  }
0xbc: {  	[sflag:s0] =	ssyncadd.remote.s32 $0x1  }
0xbd: {  	_ =	sfence.sel $0xFFFF  }
0xbe: {  	[dreg:$0x0] =	wrdreg $0xFFFFFFFF;
	(pc) =	sbr.abs _section_cstart, $3  }
0xbf: {  	[dreg:$0x1] =	wrdreg $0xFFFFFFFF  }
0xc0: {  	_ =	task.clear_ibuf [dreg:s6], $0x2FFFF;
	_ =	strace $0x9FFFFFFF  }
0xc1: {  	(tm) =	ssettm $0x7FFFFFFF  }
tec
execute0_lowered:
.L_overlay_start_1:
0x0: {  	(tag) =	ssettag $0x1  }
0x1: {  	s1 =	srdreg.scid;
	s0 =	stileid.u32  }
0x2: {  	s17 =	sand.u32 $0x1, s1;
	s25 =	sshll.u32 s0, $0x1  }
0x3: {  	s11 =	sor.u32 s17, s25  }
0x4: {  	s12 =	rddreg [dreg:$0x0];
	s15 =	smul.u32 $0x600, s11  }
0x5: {  	s2 =	simm.s32 $0x0;
	s1 =	rddreg [dreg:$0x1]  }
0x6: {  	[smem:$0x7FF] =	sst s2;
	s16 =	sadd.s32 $0x14C00, s12;
	s3 =	sshrl.u32 s15, $0x3  }
0x7: {  	_ =	strace $0x8000004A;
	s4 =	sadd.s32 s16, s3;
	s3 =	simm.s32 $0x3  }
0x8: {  	[tilespmem:s2], [sflag:$0x3] =	stream.linear.gather [hbm4b:s4+s2], $0x180, $0x38;
	[tilespmem:$0x18300] =	vst v63  }
0x9: {  	s6 =	simm.s32 $0x180;
	_ =	swait.ge [sflag:s3], $0x180  }
0xa: {  	s7 =	simm.s32 $0x300;
	s14 =	sor.u32 $0x180, s15;
	[sflag:s3] =	ssyncset.done $0x0  }
0xb: {  	s5 =	sadd.s32 $0x4C00, s12;
	s8 =	sshrl.u32 s14, $0x3;
	[sflag:s3] =	ssyncadd.s32 $0xFFFFFE80  }
0xc: {  	[tilespmem:s7], [sflag:$0x1] =	stream.indirect.gather [hbm4b:s5+s6], $0x80, s2, s6, $0xb8;
	[tilespmem:$0x18300] =	vst v63  }
0xd: {  	s8 =	sadd.s32 s16, s8  }
0xe: {  	[tilespmem:s6], [sflag:$0x3] =	stream.linear.gather [hbm4b:s8+s2], $0x180, $0x38;
	[tilespmem:$0x18300] =	vst v63  }
0xf: {  	_ =	swait.ge [sflag:s3], $0x180  }
0x10: {  	[sflag:s3] =	ssyncset.done $0x0  }
0x11: {  	s9 =	simm.s32 $0xC300;
	s10 =	simm.s32 $0x1;
	[sflag:s3] =	ssyncadd.s32 $0xFFFFFE80  }
0x12: {  	[tilespmem:s9], [sflag:$0x2] =	stream.indirect.gather [hbm4b:s5+s6], $0x80, s6, s6, $0xb8;
	[tilespmem:$0x18300] =	vst v63  }
0x13: {  	s11 =	smul.u32 $0x6000, s11;
	_ =	swait.ge [sflag:s10], $0xC000  }
0x14: {  	s18 =	sadd.s32 $0x16400, s12;
	[sflag:s10] =	ssyncset.done $0x0  }
0x15: {  	s11 =	sadd.s32 s18, s11;
	[sflag:s10] =	ssyncadd.s32 $0xFFFF4000  }
0x16: {  	[hbm4b:s11+s2] =	stream.linear.scatter [tilespmem:s7], [sflag:$0x3], $0xC000, $0x38;
	[tilespmem:$0x18300] =	vst v63  }
0x17: {  	s19 =	sadd.s32 $0x300, s15;
	_ =	swait.ge [sflag:s3], $0xC000  }
0x18: {  	s26 =	sshrl.u32 s19, $0x3;
	[sflag:s3] =	ssyncset.done $0x0  }
0x19: {  	s12 =	sadd.s32 s16, s26;
	[sflag:s3] =	ssyncadd.s32 $0xFFFF4000  }
0x1a: {  	[tilespmem:s2], [sflag:$0x3] =	stream.linear.gather [hbm4b:s12+s2], $0x180, $0x38;
	[tilespmem:$0x18300] =	vst v63  }
0x1b: {  	_ =	swait.ge [sflag:s3], $0x180  }
0x1c: {  	[sflag:s3] =	ssyncset.done $0x0  }
0x1d: {  	s13 =	simm.s32 $0x2;
	[sflag:s3] =	ssyncadd.s32 $0xFFFFFE80  }
0x1e: {  	[tilespmem:s7], [sflag:$0x1] =	stream.indirect.gather [hbm4b:s5+s6], $0x80, s2, s6, $0xb8;
	[tilespmem:$0x18300] =	vst v63  }
0x1f: {  	_ =	swait.ge [sflag:s13], $0xC000  }
0x20: {  	s14 =	sshll.u32 s14, $0x4;
	[sflag:s13] =	ssyncset.done $0x0  }
0x21: {  	s14 =	sadd.s32 s18, s14;
	[sflag:s13] =	ssyncadd.s32 $0xFFFF4000  }
0x22: {  	[hbm4b:s14+s2] =	stream.linear.scatter [tilespmem:s9], [sflag:$0x3], $0xC000, $0x38;
	[tilespmem:$0x18300] =	vst v63  }
0x23: {  	s20 =	sadd.s32 $0x480, s15;
	_ =	swait.ge [sflag:s3], $0xC000  }
0x24: {  	s15 =	sshrl.u32 s20, $0x3;
	[sflag:s3] =	ssyncset.done $0x0  }
0x25: {  	s15 =	sadd.s32 s16, s15;
	[sflag:s3] =	ssyncadd.s32 $0xFFFF4000  }
0x26: {  	[tilespmem:s6], [sflag:$0x3] =	stream.linear.gather [hbm4b:s15+s2], $0x180, $0x38;
	[tilespmem:$0x18300] =	vst v63  }
0x27: {  	_ =	swait.ge [sflag:s3], $0x180  }
0x28: {  	[sflag:s3] =	ssyncset.done $0x0  }
0x29: {  	[sflag:s3] =	ssyncadd.s32 $0xFFFFFE80  }
0x2a: {  	[tilespmem:s9], [sflag:$0x2] =	stream.indirect.gather [hbm4b:s5+s6], $0x80, s6, s6, $0xb8;
	[tilespmem:$0x18300] =	vst v63  }
0x2b: {  	_ =	swait.ge [sflag:s10], $0xC000  }
0x2c: {  	s28 =	sshll.u32 s19, $0x4;
	[sflag:s10] =	ssyncset.done $0x0  }
0x2d: {  	s17 =	ssub.s32 $0x2, s17;
	s16 =	sadd.s32 s18, s28;
	[sflag:s10] =	ssyncadd.s32 $0xFFFF4000  }
0x2e: {  	[hbm4b:s16+s2] =	stream.linear.scatter [tilespmem:s7], [sflag:$0x3], $0xC000, $0x38;
	[tilespmem:$0x18300] =	vst v63  }
0x2f: {  	s29 =	sshrl.u32 s17, $0x1;
	_ =	swait.ge [sflag:s3], $0xC000  }
0x30: {  	s19 =	ssub.s32 s17, s29;
	[sflag:s3] =	ssyncset.done $0x0  }
0x31: {  	s31 =	smax.u32 s19, $0x1;
	[sflag:s3] =	ssyncadd.s32 $0xFFFF4000  }
0x32: {  	p0 =	sne.s32 s31, $0x1;
	_ =	swait.ge [sflag:s13], $0xC000  }
.Ltmp0:
0x33: {  	s30 =	sshll.u32 s20, $0x4;
	[sflag:s13] =	ssyncset.done $0x0;
	(pc) =	sbr.rel @!p0 .LBB2_2-.Ltmp0, $4  }
0x34: {  	s17 =	sadd.s32 s18, s30;
	[sflag:s13] =	ssyncadd.s32 $0xFFFF4000  }
0x35: {  	[hbm4b:s17+s2] =	stream.linear.scatter [tilespmem:s9], [sflag:$0x3], $0xC000, $0x38;
	[tilespmem:$0x18300] =	vst v63  }
0x36: {  	_ =	swait.ge [sflag:s3], $0xC000  }
0x37: {  	s18 =	sadd.s32 $0xFFFFFFFF, s31;
	[sflag:s3] =	ssyncset.done $0x0  }
.LBB2_1:
0x38: {  	p0 =	sne.s32 s18, $0x1;
	s18 =	sadd.s32 $0xFFFFFFFF, s18;
	[sflag:s3] =	ssyncadd.s32 $0xFFFF4000  }
0x39: {  	[tilespmem:s2], [sflag:$0x3] =	stream.linear.gather [hbm4b:s4+s2], $0x180, $0x38;
	[tilespmem:$0x18300] =	vst v63  }
0x3a: {  	_ =	swait.ge [sflag:s3], $0x180  }
0x3b: {  	[sflag:s3] =	ssyncset.done $0x0  }
0x3c: {  	[sflag:s3] =	ssyncadd.s32 $0xFFFFFE80  }
0x3d: {  	[tilespmem:s7], [sflag:$0x1] =	stream.indirect.gather [hbm4b:s5+s6], $0x80, s2, s6, $0xb8;
	[tilespmem:$0x18300] =	vst v63  }
0x3e: {  	_ = 	snop  }
0x3f: {  	[tilespmem:s6], [sflag:$0x3] =	stream.linear.gather [hbm4b:s8+s2], $0x180, $0x38;
	[tilespmem:$0x18300] =	vst v63  }
0x40: {  	_ =	swait.ge [sflag:s3], $0x180  }
0x41: {  	[sflag:s3] =	ssyncset.done $0x0  }
0x42: {  	[sflag:s3] =	ssyncadd.s32 $0xFFFFFE80  }
0x43: {  	[tilespmem:s9], [sflag:$0x2] =	stream.indirect.gather [hbm4b:s5+s6], $0x80, s6, s6, $0xb8;
	[tilespmem:$0x18300] =	vst v63  }
0x44: {  	_ =	swait.ge [sflag:s10], $0xC000  }
0x45: {  	[sflag:s10] =	ssyncset.done $0x0  }
0x46: {  	[sflag:s10] =	ssyncadd.s32 $0xFFFF4000  }
0x47: {  	[hbm4b:s11+s2] =	stream.linear.scatter [tilespmem:s7], [sflag:$0x3], $0xC000, $0x38;
	[tilespmem:$0x18300] =	vst v63  }
0x48: {  	_ =	swait.ge [sflag:s3], $0xC000  }
0x49: {  	[sflag:s3] =	ssyncset.done $0x0  }
0x4a: {  	[sflag:s3] =	ssyncadd.s32 $0xFFFF4000  }
0x4b: {  	[tilespmem:s2], [sflag:$0x3] =	stream.linear.gather [hbm4b:s12+s2], $0x180, $0x38;
	[tilespmem:$0x18300] =	vst v63  }
0x4c: {  	_ =	swait.ge [sflag:s3], $0x180  }
0x4d: {  	[sflag:s3] =	ssyncset.done $0x0  }
0x4e: {  	[sflag:s3] =	ssyncadd.s32 $0xFFFFFE80  }
0x4f: {  	[tilespmem:s7], [sflag:$0x1] =	stream.indirect.gather [hbm4b:s5+s6], $0x80, s2, s6, $0xb8;
	[tilespmem:$0x18300] =	vst v63  }
0x50: {  	_ =	swait.ge [sflag:s13], $0xC000  }
0x51: {  	[sflag:s13] =	ssyncset.done $0x0  }
0x52: {  	[sflag:s13] =	ssyncadd.s32 $0xFFFF4000  }
0x53: {  	[hbm4b:s14+s2] =	stream.linear.scatter [tilespmem:s9], [sflag:$0x3], $0xC000, $0x38;
	[tilespmem:$0x18300] =	vst v63  }
0x54: {  	_ =	swait.ge [sflag:s3], $0xC000  }
0x55: {  	[sflag:s3] =	ssyncset.done $0x0  }
0x56: {  	[sflag:s3] =	ssyncadd.s32 $0xFFFF4000  }
0x57: {  	[tilespmem:s6], [sflag:$0x3] =	stream.linear.gather [hbm4b:s15+s2], $0x180, $0x38;
	[tilespmem:$0x18300] =	vst v63  }
0x58: {  	_ =	swait.ge [sflag:s3], $0x180  }
0x59: {  	[sflag:s3] =	ssyncset.done $0x0  }
0x5a: {  	[sflag:s3] =	ssyncadd.s32 $0xFFFFFE80  }
0x5b: {  	[tilespmem:s9], [sflag:$0x2] =	stream.indirect.gather [hbm4b:s5+s6], $0x80, s6, s6, $0xb8;
	[tilespmem:$0x18300] =	vst v63  }
0x5c: {  	_ =	swait.ge [sflag:s10], $0xC000  }
0x5d: {  	[sflag:s10] =	ssyncset.done $0x0  }
0x5e: {  	[sflag:s10] =	ssyncadd.s32 $0xFFFF4000  }
0x5f: {  	[hbm4b:s16+s2] =	stream.linear.scatter [tilespmem:s7], [sflag:$0x3], $0xC000, $0x38;
	[tilespmem:$0x18300] =	vst v63  }
0x60: {  	_ =	swait.ge [sflag:s3], $0xC000  }
0x61: {  	[sflag:s3] =	ssyncset.done $0x0  }
0x62: {  	[sflag:s3] =	ssyncadd.s32 $0xFFFF4000  }
0x63: {  	_ =	swait.ge [sflag:s13], $0xC000  }
.Ltmp1:
0x64: {  	[sflag:s13] =	ssyncset.done $0x0;
	(pc) =	sbr.rel @p0 .LBB2_1-.Ltmp1, $4  }
0x65: {  	[sflag:s13] =	ssyncadd.s32 $0xFFFF4000  }
0x66: {  	[hbm4b:s17+s2] =	stream.linear.scatter [tilespmem:s9], [sflag:$0x3], $0xC000, $0x38;
	[tilespmem:$0x18300] =	vst v63  }
0x67: {  	_ =	swait.ge [sflag:s3], $0xC000  }
0x68: {  	[sflag:s3] =	ssyncset.done $0x0  }
.LBB2_2:
0x69: {  	[sflag:s3] =	ssyncadd.s32 $0xFFFF4000  }
0x6a: {  	_ =	sfence.sel $0x180000  }
0x6b: {  	[bflag:$0x0] =	sbarrier.arrive $0xFFFF  }
0x6c: {  	p0 =	sne.s32 s0, $0x0;
	_ =	strace $0x9000004A  }
0x6d: {  	s0 =	sadd.s32 @!p0 $0x100000, s1;
	[bflag:$0x2] =	sbarrier.arrive $0xFFFF  }
0x6e: {  	[sflag:s0] =	ssyncadd.tile.s32 @!p0 $0x1;
	_ =	shalt  }
.Lfunc_end2:
_tile_overlayer_lowered:
.L_overlay_start_2:
0x6f: {  	(tag) =	ssettag $0x2  }
0x70: {  	s0 =	rddreg [dreg:$0x0];
	s2 =	stileid.u32  }
0x71: {  	s1 =	rddreg [dreg:$0x1];
	p0 =	sne.s32 s2, $0x0  }
0x72: {  	s3 =	rddreg [dreg:$0x2];
	[bflag:$0x3] =	sbarrier.arrive $0xFFFF;
	s2 =	simm.s32 @!p0 $0x1C03  }
0x73: {  	[timem:s3], [sflag:s2] =	dma.local @!p0 [hbm:s0], s1  }
0x74: {  	s0 =	simm.s32 @!p0 $0x3  }
0x75: {  	_ =	swait.ge @!p0 [sflag:s0], s1  }
0x76: {  	s1 =	ssub.s32 @!p0 $0x0, s1;
	[sflag:s0] =	ssyncset.done @!p0 $0x0  }
0x77: {  	[sflag:s0] =	ssyncadd.s32 @!p0 s1  }
0x78: {  	[bflag:$0x3] =	sbarrier.arrive $0xFFFF  }
0x79: {  	_ =	shalt  }

// kernel: kernel.24.cloned.1.call-start
scs
__scs_entry_jumppad:
0x0: {  	(pc) =	sbr.rel $0x88, $3  }
0x1: {  	(tag) =	ssettag $0x0;
	lr =	simm.s32 $0x1  }
0x2: {  	[smem:$0x3F92] =	sst lr;
	_ =	strace $0xD0000000  }
0x3: {  	_ = 	snop  }
0x4: {  	_ = 	snop  }
0x5: {  	_ = 	snop  }
0x6: {  	_ = 	snop  }
0x7: {  	_ = 	snop  }
__scs_overlays_trampoline_lowered:
0x8: {  	[smem:$0x3FA1] =	sst s0  }
0x9: {  	[smem:$0x3FA2] =	sst s1  }
0xa: {  	[smem:$0x3FA3] =	sst s2  }
0xb: {  	[smem:$0x3FA4] =	sst s3  }
0xc: {  	[smem:$0x3FA5] =	sst s4  }
0xd: {  	[smem:$0x3FA6] =	sst s5  }
0xe: {  	[smem:$0x3FA7] =	sst s6  }
0xf: {  	[smem:$0x3FA8] =	sst s7  }
0x10: {  	[smem:$0x3FA9] =	sst s8  }
0x11: {  	[smem:$0x3FAA] =	sst s9;
	s0 =	simm.s32 @!p0 $0x0  }
0x12: {  	s1 =	sld [smem:$0x3F90];
	s0 =	simm.s32 @p0 $0x1  }
0x13: {  	[smem:$0x3FAB] =	sst s0;
	s0 =	simm.s32 @!p1 $0x0  }
0x14: {  	s2 =	sld [smem:$0x3F8F];
	s0 =	simm.s32 @p1 $0x1  }
0x15: {  	[smem:$0x3FAC] =	sst s0;
	s0 =	simm.s32 @!p2 $0x0  }
0x16: {  	s3 =	sld [smem:$0x3FDB];
	s0 =	simm.s32 @p2 $0x1  }
0x17: {  	s4 =	simm.s32 $0x1BF5;
	[smem:$0x3FAE] =	sst s0  }
0x18: {  	s0 =	sld [smem:$0x3F91];
	_ =	swait.ge [sflag:s4], $0x0  }
0x19: {  	s7 =	sld [smem:$0x3F92]  }
0x1a: {  	s8 =	sadd.s32 $0xFFFFE003, lr  }
0x1b: {  	s9 =	sadd.s32 $0xFFFFFEF7, lr;
	s5 =	simm.s32 $0xFFFFFFFF;
	p2 =	slt.u32 s8, $0xFFFFF086  }
0x1c: {  	p1 =	slt.u32 s9, $0xF7A;
	s5 =	simm.s32 @!p2 $0x0  }
0x1d: {  	s5 =	simm.s32 @p1 $0x1;
	p0 =	seq.s32 s7, s2  }
0x1e: {  	s7 =	smul.u32 @!p0 $0xF7A, s2;
	p2 =	seq.s32 @!p0 s5, $0x0  }
0x1f: {  	s9 =	smul.u32 $0xF7A, s1;
	s8 =	simm.s32 @!p0 $0x1BF5;
	p2 =	por !p2, p0  }
0x20: {  	[sflag:s8] =	ssyncset.s32 @!p0 $0xFFFFF086;
	s6 =	sadd.s32 @!p0 s3, s7;
	s7 =	simm.s32 @!p0 $0x108  }
0x21: {  	s3 =	sadd.s32 s3, s9;
	s6 =	sadd.s32 @!p0 $0x88, s6;
	s7 =	simm.s32 @p2 $0x1082  }
0x22: {  	[simem:s7], [sflag:s8] =	dma.local @!p0 [hbm:s6], $0xF7A  }
0x23: {  	s9 =	sor.u32 $0xD0000000, s2;
	s6 =	simm.s32 $0x108;
	_ =	swait.ge @!p0 [sflag:s8], $0x0  }
0x24: {  	s3 =	sadd.s32 $0x88, s3;
	s6 =	simm.s32 @!p1 $0x1082;
	[sflag:s4] =	ssyncset.s32 $0xFFFFF086  }
0x25: {  	[simem:s6], [sflag:s4] =	dma.local [hbm:s3], $0xF7A  }
0x26: {  	[smem:$0x3F92] =	sst s1;
	(tag) =	ssettag s2;
	_ =	strace s9  }
0x27: {  	s1 =	sld [smem:$0x3FA2]  }
0x28: {  	s2 =	sld [smem:$0x3FA3]  }
0x29: {  	s4 =	sld [smem:$0x3FA5]  }
0x2a: {  	p0 =	seq.s32 s5, $0x0;
	s5 =	sld [smem:$0x3FA6]  }
0x2b: {  	s6 =	sld [smem:$0x3FA7]  }
0x2c: {  	s7 =	sld [smem:$0x3FA8]  }
0x2d: {  	s3 =	simm.s32 $0x108;
	s8 =	sld [smem:$0x3FA9]  }
0x2e: {  	s3 =	simm.s32 @!p0 $0x1082;
	s9 =	sld [smem:$0x3FAA]  }
0x2f: {  	lr =	sadd.s32 s0, s3;
	s0 =	sld [smem:$0x3FA1]  }
0x30: {  	s3 =	sld [smem:$0x3FA4]  }
0x31: {  	[smem:$0x3FAD] =	sst s10  }
0x32: {  	s10 =	sld [smem:$0x3FAB];
	_ =	sdelay $0x3  }
0x33: {  	p0 =	seq.s32 s10, $0x1;
	s10 =	sld [smem:$0x3FAD];
	_ =	sdelay $0x3  }
0x34: {  	[smem:$0x3FAD] =	sst s10  }
0x35: {  	s10 =	sld [smem:$0x3FAC];
	_ =	sdelay $0x3  }
0x36: {  	p1 =	seq.s32 s10, $0x1;
	s10 =	sld [smem:$0x3FAD];
	_ =	sdelay $0x3  }
0x37: {  	[smem:$0x3FAD] =	sst s10  }
0x38: {  	s10 =	sld [smem:$0x3FAE]  }
0x39: {  	_ = 	snop;
	(pc) =	sbr.ind lr, $3  }
0x3a: {  	_ = 	snop  }
0x3b: {  	_ = 	snop  }
0x3c: {  	p2 =	seq.s32 s10, $0x1;
	s10 =	sld [smem:$0x3FAD]  }
0x3d: {  	_ =	shalt  }
0x3e: {  	_ =	shalt  }
0x3f: {  	_ =	shalt  }
0x40: {  	_ =	shalt  }
0x41: {  	_ =	shalt  }
0x42: {  	_ =	shalt  }
0x43: {  	_ =	shalt  }
0x44: {  	_ =	shalt  }
0x45: {  	_ =	shalt  }
0x46: {  	_ =	shalt  }
0x47: {  	_ =	shalt  }
0x48: {  	_ =	shalt  }
0x49: {  	_ =	shalt  }
0x4a: {  	_ =	shalt  }
0x4b: {  	_ =	shalt  }
0x4c: {  	_ =	shalt  }
0x4d: {  	_ =	shalt  }
0x4e: {  	_ =	shalt  }
0x4f: {  	_ =	shalt  }
0x50: {  	_ =	shalt  }
0x51: {  	_ =	shalt  }
0x52: {  	_ =	shalt  }
0x53: {  	_ =	shalt  }
0x54: {  	_ =	shalt  }
0x55: {  	_ =	shalt  }
0x56: {  	_ =	shalt  }
0x57: {  	_ =	shalt  }
0x58: {  	_ =	shalt  }
0x59: {  	_ =	shalt  }
0x5a: {  	_ =	shalt  }
0x5b: {  	_ =	shalt  }
0x5c: {  	_ =	shalt  }
0x5d: {  	_ =	shalt  }
0x5e: {  	_ =	shalt  }
0x5f: {  	_ =	shalt  }
0x60: {  	_ =	shalt  }
0x61: {  	_ =	shalt  }
0x62: {  	_ =	shalt  }
0x63: {  	_ =	shalt  }
0x64: {  	_ =	shalt  }
0x65: {  	_ =	shalt  }
0x66: {  	_ =	shalt  }
0x67: {  	_ =	shalt  }
0x68: {  	_ =	shalt  }
0x69: {  	_ =	shalt  }
0x6a: {  	_ =	shalt  }
0x6b: {  	_ =	shalt  }
0x6c: {  	_ =	shalt  }
0x6d: {  	_ =	shalt  }
0x6e: {  	_ =	shalt  }
0x6f: {  	_ =	shalt  }
0x70: {  	_ =	shalt  }
0x71: {  	_ =	shalt  }
0x72: {  	_ =	shalt  }
0x73: {  	_ =	shalt  }
0x74: {  	_ =	shalt  }
0x75: {  	_ =	shalt  }
0x76: {  	_ =	shalt  }
0x77: {  	_ =	shalt  }
0x78: {  	_ =	shalt  }
0x79: {  	_ =	shalt  }
0x7a: {  	_ =	shalt  }
0x7b: {  	_ =	shalt  }
0x7c: {  	_ =	shalt  }
0x7d: {  	_ =	shalt  }
0x7e: {  	_ =	shalt  }
0x7f: {  	_ =	shalt  }
0x80: {  	_ =	shalt  }
0x81: {  	_ =	shalt  }
0x82: {  	_ =	shalt  }
0x83: {  	_ =	shalt  }
0x84: {  	_ =	shalt  }
0x85: {  	_ =	shalt  }
0x86: {  	_ =	shalt  }
0x87: {  	_ =	shalt  }
.Lfunc_end0:
.L_simem_size_0:
called_computation.2_lowered:
.L_overlay_start_0:
0x88: {  	s2 =	sld [smem:$0x3FD9]  }
0x89: {  	s3 =	sld [smem:$0x3FFE];
	_ =	sdelay $0x1  }
0x8a: {  	s1 =	srdreg.scid  }
0x8b: {  	s0 =	sand.u32 $0x1, s1  }
0x8c: {  	s16 =	sshll.u32 s0, $0xA;
	s2 =	sadd.s32 s3, s2  }
0x8d: {  	s2 =	sadd.s32 s2, s16  }
0x8e: {  	[smem:$0x3FB9] =	sst s2  }
0x8f: {  	_ = 	snop  }
0x90: {  	(tm) =	ssettm $0x1  }
0x91: {  	s17 =	sld [smem:$0x3FFB];
	_ =	sdelay $0x3  }
0x92: {  	_ =	strace s17  }
0x93: {  	s2 =	sld [smem:$0x3FFC];
	_ =	sdelay $0x3  }
0x94: {  	_ =	strace s2  }
0x95: {  	s2 =	sld [smem:$0x3FFD];
	_ =	sdelay $0x3  }
0x96: {  	_ =	strace s2  }
0x97: {  	_ =	strace $0x8FFFFFFF  }
0x98: {  	s18 =	sld [smem:$0x3FDB];
	_ =	sdelay $0x1  }
0x99: {  	s19 =	simm.s32 $_scs_section_size  }
0x9a: {  	s4 =	simm.s32 $_size__tile_overlayer_lowered;
	s5 =	simm.s32 $_tile_overlayer_lowered  }
0x9b: {  	s22 =	simm.s32 $0x1BFF;
	s21 =	sshll.u32 s5, $0x1;
	s2 =	sadd.s32 s19, s18  }
0x9c: {  	s6 =	simm.s32 $0x0;
	s20 =	sshll.u32 s4, $0x1;
	s4 =	sadd.s32 s21, s2  }
0x9d: {  	[timem:s6], [sflag:s22] =	dma.local [hbm:s4], s20  }
0x9e: {  	_ =	swait.ge [sflag:s22], s20  }
0x9f: {  	s3 =	ssub.s32 $0x0, s20;
	[sflag:s22] =	ssyncset.done $0x0  }
0xa0: {  	[sflag:s22] =	ssyncadd.s32 s3;
	_ =	sdelay $0x1  }
0xa1: {  	s23 =	simm.s32 $0x1B8B  }
0xa2: {  	_ =	swait.ge [sflag:s23], $0x1  }
0xa3: {  	[sflag:s23] =	ssyncset.done $0x0  }
0xa4: {  	s25 =	simm.s32 $0x1B8E;
	s24 =	sld [smem:$0x3FFE];
	[sflag:s23] =	ssyncadd.s32 $0xFFFFFFFF  }
0xa5: {  	s26 =	simm.s32 $execute0_lowered;
	[smem:$0x3FD2] =	sst s25  }
0xa6: {  	s4 =	sshll.u32 s26, $0x1;
	_ =	strace $0x8000004C;
	[dreg:$0x1] =	wrdreg $0xFFFFFFFF  }
0xa7: {  	s28 =	simm.s32 $_size_execute0_lowered;
	s2 =	sadd.s32 s2, s4;
	[dreg:$0x0] =	wrdreg $0x0  }
0xa8: {  	s4 =	sshll.u32 s28, $0x1;
	[dreg:$0x2] =	wrdreg s2  }
0xa9: {  	[dreg:$0x3] =	wrdreg s4  }
0xaa: {  	[dreg:$0x4] =	wrdreg $0xC0  }
0xab: {  	_ =	task [dreg:s6], $0x5FFFF  }
0xac: {  	[dreg:$0x1] =	wrdreg $0xFFFFFFFF  }
0xad: {  	[dreg:$0x0] =	wrdreg $0x60  }
0xae: {  	[dreg:$0x2] =	wrdreg s24  }
0xaf: {  	[dreg:$0x3] =	wrdreg $0x9  }
0xb0: {  	_ =	task.clear_ibuf [dreg:s6], $0x4FFFF;
	_ =	strace $0x9000004C  }
0xb1: {  	s29 =	simm.s32 $0x9;
	_ =	strace $0x8000004E  }
0xb2: {  	_ =	swait.ge [sflag:s29], $0x1  }
0xb3: {  	[sflag:s29] =	ssyncadd.s32 $0xFFFFFFFF  }
0xb4: {  	_ =	strace $0x9000004E  }
0xb5: {  	_ =	sfence  }
0xb6: {  	s30 =	sld [smem:$0x0];
	_ =	sdelay $0x2  }
0xb7: {  	s31 =	sshll.u32 s1, $0xD;
	s1 =	sshrl.u32 s1, $0x2  }
0xb8: {  	s3 =	sand.u32 $0x4000, s31;
	s1 =	sadd.s32 s1, s30  }
0xb9: {  	s0 =	sor.u32 s3, s0;
	s1 =	sshll.u32 s1, $0x11  }
0xba: {  	s0 =	sor.u32 s1, s0  }
0xbb: {  	s0 =	sadd.s32 $0x8F2B, s0  }
0xbc: {  	[sflag:s0] =	ssyncadd.remote.s32 $0x1  }
0xbd: {  	_ =	sfence.sel $0xFFFF  }
0xbe: {  	[dreg:$0x0] =	wrdreg $0xFFFFFFFF;
	(pc) =	sbr.abs _section_cstart, $3  }
0xbf: {  	[dreg:$0x1] =	wrdreg $0xFFFFFFFF  }
0xc0: {  	_ =	task.clear_ibuf [dreg:s6], $0x2FFFF;
	_ =	strace $0x9FFFFFFF  }
0xc1: {  	(tm) =	ssettm $0x7FFFFFFF  }
tec
execute0_lowered:
.L_overlay_start_1:
0x0: {  	(tag) =	ssettag $0x1  }
0x1: {  	s1 =	srdreg.scid;
	s0 =	stileid.u32  }
0x2: {  	s17 =	sand.u32 $0x1, s1;
	s25 =	sshll.u32 s0, $0x1  }
0x3: {  	s11 =	sor.u32 s17, s25  }
0x4: {  	s12 =	rddreg [dreg:$0x0];
	s15 =	smul.u32 $0x600, s11  }
0x5: {  	s2 =	simm.s32 $0x0;
	s1 =	rddreg [dreg:$0x1]  }
0x6: {  	[smem:$0x7FF] =	sst s2;
	s16 =	sadd.s32 $0x14C00, s12;
	s3 =	sshrl.u32 s15, $0x3  }
0x7: {  	_ =	strace $0x8000004D;
	s4 =	sadd.s32 s16, s3;
	s3 =	simm.s32 $0x3  }
0x8: {  	[tilespmem:s2], [sflag:$0x3] =	stream.linear.gather [hbm4b:s4+s2], $0x180, $0x38;
	[tilespmem:$0x18300] =	vst v63  }
0x9: {  	s6 =	simm.s32 $0x180;
	_ =	swait.ge [sflag:s3], $0x180  }
0xa: {  	s7 =	simm.s32 $0x300;
	s14 =	sor.u32 $0x180, s15;
	[sflag:s3] =	ssyncset.done $0x0  }
0xb: {  	s5 =	sadd.s32 $0x4400, s12;
	s8 =	sshrl.u32 s14, $0x3;
	[sflag:s3] =	ssyncadd.s32 $0xFFFFFE80  }
0xc: {  	[tilespmem:s7], [sflag:$0x1] =	stream.indirect.gather [hbm4b:s5+s6], $0x80, s2, s6, $0xb8;
	[tilespmem:$0x18300] =	vst v63  }
0xd: {  	s8 =	sadd.s32 s16, s8  }
0xe: {  	[tilespmem:s6], [sflag:$0x3] =	stream.linear.gather [hbm4b:s8+s2], $0x180, $0x38;
	[tilespmem:$0x18300] =	vst v63  }
0xf: {  	_ =	swait.ge [sflag:s3], $0x180  }
0x10: {  	[sflag:s3] =	ssyncset.done $0x0  }
0x11: {  	s9 =	simm.s32 $0xC300;
	s10 =	simm.s32 $0x1;
	[sflag:s3] =	ssyncadd.s32 $0xFFFFFE80  }
0x12: {  	[tilespmem:s9], [sflag:$0x2] =	stream.indirect.gather [hbm4b:s5+s6], $0x80, s6, s6, $0xb8;
	[tilespmem:$0x18300] =	vst v63  }
0x13: {  	s11 =	smul.u32 $0x6000, s11;
	_ =	swait.ge [sflag:s10], $0xC000  }
0x14: {  	s18 =	sadd.s32 $0x16400, s12;
	[sflag:s10] =	ssyncset.done $0x0  }
0x15: {  	s11 =	sadd.s32 s18, s11;
	[sflag:s10] =	ssyncadd.s32 $0xFFFF4000  }
0x16: {  	[hbm4b:s11+s2] =	stream.linear.scatter [tilespmem:s7], [sflag:$0x3], $0xC000, $0x38;
	[tilespmem:$0x18300] =	vst v63  }
0x17: {  	s19 =	sadd.s32 $0x300, s15;
	_ =	swait.ge [sflag:s3], $0xC000  }
0x18: {  	s26 =	sshrl.u32 s19, $0x3;
	[sflag:s3] =	ssyncset.done $0x0  }
0x19: {  	s12 =	sadd.s32 s16, s26;
	[sflag:s3] =	ssyncadd.s32 $0xFFFF4000  }
0x1a: {  	[tilespmem:s2], [sflag:$0x3] =	stream.linear.gather [hbm4b:s12+s2], $0x180, $0x38;
	[tilespmem:$0x18300] =	vst v63  }
0x1b: {  	_ =	swait.ge [sflag:s3], $0x180  }
0x1c: {  	[sflag:s3] =	ssyncset.done $0x0  }
0x1d: {  	s13 =	simm.s32 $0x2;
	[sflag:s3] =	ssyncadd.s32 $0xFFFFFE80  }
0x1e: {  	[tilespmem:s7], [sflag:$0x1] =	stream.indirect.gather [hbm4b:s5+s6], $0x80, s2, s6, $0xb8;
	[tilespmem:$0x18300] =	vst v63  }
0x1f: {  	_ =	swait.ge [sflag:s13], $0xC000  }
0x20: {  	s14 =	sshll.u32 s14, $0x4;
	[sflag:s13] =	ssyncset.done $0x0  }
0x21: {  	s14 =	sadd.s32 s18, s14;
	[sflag:s13] =	ssyncadd.s32 $0xFFFF4000  }
0x22: {  	[hbm4b:s14+s2] =	stream.linear.scatter [tilespmem:s9], [sflag:$0x3], $0xC000, $0x38;
	[tilespmem:$0x18300] =	vst v63  }
0x23: {  	s20 =	sadd.s32 $0x480, s15;
	_ =	swait.ge [sflag:s3], $0xC000  }
0x24: {  	s15 =	sshrl.u32 s20, $0x3;
	[sflag:s3] =	ssyncset.done $0x0  }
0x25: {  	s15 =	sadd.s32 s16, s15;
	[sflag:s3] =	ssyncadd.s32 $0xFFFF4000  }
0x26: {  	[tilespmem:s6], [sflag:$0x3] =	stream.linear.gather [hbm4b:s15+s2], $0x180, $0x38;
	[tilespmem:$0x18300] =	vst v63  }
0x27: {  	_ =	swait.ge [sflag:s3], $0x180  }
0x28: {  	[sflag:s3] =	ssyncset.done $0x0  }
0x29: {  	[sflag:s3] =	ssyncadd.s32 $0xFFFFFE80  }
0x2a: {  	[tilespmem:s9], [sflag:$0x2] =	stream.indirect.gather [hbm4b:s5+s6], $0x80, s6, s6, $0xb8;
	[tilespmem:$0x18300] =	vst v63  }
0x2b: {  	_ =	swait.ge [sflag:s10], $0xC000  }
0x2c: {  	s28 =	sshll.u32 s19, $0x4;
	[sflag:s10] =	ssyncset.done $0x0  }
0x2d: {  	s17 =	ssub.s32 $0x2, s17;
	s16 =	sadd.s32 s18, s28;
	[sflag:s10] =	ssyncadd.s32 $0xFFFF4000  }
0x2e: {  	[hbm4b:s16+s2] =	stream.linear.scatter [tilespmem:s7], [sflag:$0x3], $0xC000, $0x38;
	[tilespmem:$0x18300] =	vst v63  }
0x2f: {  	s29 =	sshrl.u32 s17, $0x1;
	_ =	swait.ge [sflag:s3], $0xC000  }
0x30: {  	s19 =	ssub.s32 s17, s29;
	[sflag:s3] =	ssyncset.done $0x0  }
0x31: {  	s31 =	smax.u32 s19, $0x1;
	[sflag:s3] =	ssyncadd.s32 $0xFFFF4000  }
0x32: {  	p0 =	sne.s32 s31, $0x1;
	_ =	swait.ge [sflag:s13], $0xC000  }
.Ltmp0:
0x33: {  	s30 =	sshll.u32 s20, $0x4;
	[sflag:s13] =	ssyncset.done $0x0;
	(pc) =	sbr.rel @!p0 .LBB2_2-.Ltmp0, $4  }
0x34: {  	s17 =	sadd.s32 s18, s30;
	[sflag:s13] =	ssyncadd.s32 $0xFFFF4000  }
0x35: {  	[hbm4b:s17+s2] =	stream.linear.scatter [tilespmem:s9], [sflag:$0x3], $0xC000, $0x38;
	[tilespmem:$0x18300] =	vst v63  }
0x36: {  	_ =	swait.ge [sflag:s3], $0xC000  }
0x37: {  	s18 =	sadd.s32 $0xFFFFFFFF, s31;
	[sflag:s3] =	ssyncset.done $0x0  }
.LBB2_1:
0x38: {  	p0 =	sne.s32 s18, $0x1;
	s18 =	sadd.s32 $0xFFFFFFFF, s18;
	[sflag:s3] =	ssyncadd.s32 $0xFFFF4000  }
0x39: {  	[tilespmem:s2], [sflag:$0x3] =	stream.linear.gather [hbm4b:s4+s2], $0x180, $0x38;
	[tilespmem:$0x18300] =	vst v63  }
0x3a: {  	_ =	swait.ge [sflag:s3], $0x180  }
0x3b: {  	[sflag:s3] =	ssyncset.done $0x0  }
0x3c: {  	[sflag:s3] =	ssyncadd.s32 $0xFFFFFE80  }
0x3d: {  	[tilespmem:s7], [sflag:$0x1] =	stream.indirect.gather [hbm4b:s5+s6], $0x80, s2, s6, $0xb8;
	[tilespmem:$0x18300] =	vst v63  }
0x3e: {  	_ = 	snop  }
0x3f: {  	[tilespmem:s6], [sflag:$0x3] =	stream.linear.gather [hbm4b:s8+s2], $0x180, $0x38;
	[tilespmem:$0x18300] =	vst v63  }
0x40: {  	_ =	swait.ge [sflag:s3], $0x180  }
0x41: {  	[sflag:s3] =	ssyncset.done $0x0  }
0x42: {  	[sflag:s3] =	ssyncadd.s32 $0xFFFFFE80  }
0x43: {  	[tilespmem:s9], [sflag:$0x2] =	stream.indirect.gather [hbm4b:s5+s6], $0x80, s6, s6, $0xb8;
	[tilespmem:$0x18300] =	vst v63  }
0x44: {  	_ =	swait.ge [sflag:s10], $0xC000  }
0x45: {  	[sflag:s10] =	ssyncset.done $0x0  }
0x46: {  	[sflag:s10] =	ssyncadd.s32 $0xFFFF4000  }
0x47: {  	[hbm4b:s11+s2] =	stream.linear.scatter [tilespmem:s7], [sflag:$0x3], $0xC000, $0x38;
	[tilespmem:$0x18300] =	vst v63  }
0x48: {  	_ =	swait.ge [sflag:s3], $0xC000  }
0x49: {  	[sflag:s3] =	ssyncset.done $0x0  }
0x4a: {  	[sflag:s3] =	ssyncadd.s32 $0xFFFF4000  }
0x4b: {  	[tilespmem:s2], [sflag:$0x3] =	stream.linear.gather [hbm4b:s12+s2], $0x180, $0x38;
	[tilespmem:$0x18300] =	vst v63  }
0x4c: {  	_ =	swait.ge [sflag:s3], $0x180  }
0x4d: {  	[sflag:s3] =	ssyncset.done $0x0  }
0x4e: {  	[sflag:s3] =	ssyncadd.s32 $0xFFFFFE80  }
0x4f: {  	[tilespmem:s7], [sflag:$0x1] =	stream.indirect.gather [hbm4b:s5+s6], $0x80, s2, s6, $0xb8;
	[tilespmem:$0x18300] =	vst v63  }
0x50: {  	_ =	swait.ge [sflag:s13], $0xC000  }
0x51: {  	[sflag:s13] =	ssyncset.done $0x0  }
0x52: {  	[sflag:s13] =	ssyncadd.s32 $0xFFFF4000  }
0x53: {  	[hbm4b:s14+s2] =	stream.linear.scatter [tilespmem:s9], [sflag:$0x3], $0xC000, $0x38;
	[tilespmem:$0x18300] =	vst v63  }
0x54: {  	_ =	swait.ge [sflag:s3], $0xC000  }
0x55: {  	[sflag:s3] =	ssyncset.done $0x0  }
0x56: {  	[sflag:s3] =	ssyncadd.s32 $0xFFFF4000  }
0x57: {  	[tilespmem:s6], [sflag:$0x3] =	stream.linear.gather [hbm4b:s15+s2], $0x180, $0x38;
	[tilespmem:$0x18300] =	vst v63  }
0x58: {  	_ =	swait.ge [sflag:s3], $0x180  }
0x59: {  	[sflag:s3] =	ssyncset.done $0x0  }
0x5a: {  	[sflag:s3] =	ssyncadd.s32 $0xFFFFFE80  }
0x5b: {  	[tilespmem:s9], [sflag:$0x2] =	stream.indirect.gather [hbm4b:s5+s6], $0x80, s6, s6, $0xb8;
	[tilespmem:$0x18300] =	vst v63  }
0x5c: {  	_ =	swait.ge [sflag:s10], $0xC000  }
0x5d: {  	[sflag:s10] =	ssyncset.done $0x0  }
0x5e: {  	[sflag:s10] =	ssyncadd.s32 $0xFFFF4000  }
0x5f: {  	[hbm4b:s16+s2] =	stream.linear.scatter [tilespmem:s7], [sflag:$0x3], $0xC000, $0x38;
	[tilespmem:$0x18300] =	vst v63  }
0x60: {  	_ =	swait.ge [sflag:s3], $0xC000  }
0x61: {  	[sflag:s3] =	ssyncset.done $0x0  }
0x62: {  	[sflag:s3] =	ssyncadd.s32 $0xFFFF4000  }
0x63: {  	_ =	swait.ge [sflag:s13], $0xC000  }
.Ltmp1:
0x64: {  	[sflag:s13] =	ssyncset.done $0x0;
	(pc) =	sbr.rel @p0 .LBB2_1-.Ltmp1, $4  }
0x65: {  	[sflag:s13] =	ssyncadd.s32 $0xFFFF4000  }
0x66: {  	[hbm4b:s17+s2] =	stream.linear.scatter [tilespmem:s9], [sflag:$0x3], $0xC000, $0x38;
	[tilespmem:$0x18300] =	vst v63  }
0x67: {  	_ =	swait.ge [sflag:s3], $0xC000  }
0x68: {  	[sflag:s3] =	ssyncset.done $0x0  }
.LBB2_2:
0x69: {  	[sflag:s3] =	ssyncadd.s32 $0xFFFF4000  }
0x6a: {  	_ =	sfence.sel $0x180000  }
0x6b: {  	[bflag:$0x0] =	sbarrier.arrive $0xFFFF  }
0x6c: {  	p0 =	sne.s32 s0, $0x0;
	_ =	strace $0x9000004D  }
0x6d: {  	s0 =	sadd.s32 @!p0 $0x100000, s1;
	[bflag:$0x2] =	sbarrier.arrive $0xFFFF  }
0x6e: {  	[sflag:s0] =	ssyncadd.tile.s32 @!p0 $0x1;
	_ =	shalt  }
.Lfunc_end2:
_tile_overlayer_lowered:
.L_overlay_start_2:
0x6f: {  	(tag) =	ssettag $0x2  }
0x70: {  	s0 =	rddreg [dreg:$0x0];
	s2 =	stileid.u32  }
0x71: {  	s1 =	rddreg [dreg:$0x1];
	p0 =	sne.s32 s2, $0x0  }
0x72: {  	s3 =	rddreg [dreg:$0x2];
	[bflag:$0x3] =	sbarrier.arrive $0xFFFF;
	s2 =	simm.s32 @!p0 $0x1C03  }
0x73: {  	[timem:s3], [sflag:s2] =	dma.local @!p0 [hbm:s0], s1  }
0x74: {  	s0 =	simm.s32 @!p0 $0x3  }
0x75: {  	_ =	swait.ge @!p0 [sflag:s0], s1  }
0x76: {  	s1 =	ssub.s32 @!p0 $0x0, s1;
	[sflag:s0] =	ssyncset.done @!p0 $0x0  }
0x77: {  	[sflag:s0] =	ssyncadd.s32 @!p0 s1  }
0x78: {  	[bflag:$0x3] =	sbarrier.arrive $0xFFFF  }
0x79: {  	_ =	shalt  }

// kernel: kernel.27.cloned.1.call-start
scs
__scs_entry_jumppad:
0x0: {  	(pc) =	sbr.rel $0x88, $3  }
0x1: {  	(tag) =	ssettag $0x0;
	lr =	simm.s32 $0x1  }
0x2: {  	[smem:$0x3F92] =	sst lr;
	_ =	strace $0xD0000000  }
0x3: {  	_ = 	snop  }
0x4: {  	_ = 	snop  }
0x5: {  	_ = 	snop  }
0x6: {  	_ = 	snop  }
0x7: {  	_ = 	snop  }
__scs_overlays_trampoline_lowered:
0x8: {  	[smem:$0x3FA1] =	sst s0  }
0x9: {  	[smem:$0x3FA2] =	sst s1  }
0xa: {  	[smem:$0x3FA3] =	sst s2  }
0xb: {  	[smem:$0x3FA4] =	sst s3  }
0xc: {  	[smem:$0x3FA5] =	sst s4  }
0xd: {  	[smem:$0x3FA6] =	sst s5  }
0xe: {  	[smem:$0x3FA7] =	sst s6  }
0xf: {  	[smem:$0x3FA8] =	sst s7  }
0x10: {  	[smem:$0x3FA9] =	sst s8  }
0x11: {  	[smem:$0x3FAA] =	sst s9;
	s0 =	simm.s32 @!p0 $0x0  }
0x12: {  	s1 =	sld [smem:$0x3F90];
	s0 =	simm.s32 @p0 $0x1  }
0x13: {  	[smem:$0x3FAB] =	sst s0;
	s0 =	simm.s32 @!p1 $0x0  }
0x14: {  	s2 =	sld [smem:$0x3F8F];
	s0 =	simm.s32 @p1 $0x1  }
0x15: {  	[smem:$0x3FAC] =	sst s0;
	s0 =	simm.s32 @!p2 $0x0  }
0x16: {  	s3 =	sld [smem:$0x3FDB];
	s0 =	simm.s32 @p2 $0x1  }
0x17: {  	s4 =	simm.s32 $0x1BF5;
	[smem:$0x3FAE] =	sst s0  }
0x18: {  	s0 =	sld [smem:$0x3F91];
	_ =	swait.ge [sflag:s4], $0x0  }
0x19: {  	s7 =	sld [smem:$0x3F92]  }
0x1a: {  	s8 =	sadd.s32 $0xFFFFE003, lr  }
0x1b: {  	s9 =	sadd.s32 $0xFFFFFEF7, lr;
	s5 =	simm.s32 $0xFFFFFFFF;
	p2 =	slt.u32 s8, $0xFFFFF086  }
0x1c: {  	p1 =	slt.u32 s9, $0xF7A;
	s5 =	simm.s32 @!p2 $0x0  }
0x1d: {  	s5 =	simm.s32 @p1 $0x1;
	p0 =	seq.s32 s7, s2  }
0x1e: {  	s7 =	smul.u32 @!p0 $0xF7A, s2;
	p2 =	seq.s32 @!p0 s5, $0x0  }
0x1f: {  	s9 =	smul.u32 $0xF7A, s1;
	s8 =	simm.s32 @!p0 $0x1BF5;
	p2 =	por !p2, p0  }
0x20: {  	[sflag:s8] =	ssyncset.s32 @!p0 $0xFFFFF086;
	s6 =	sadd.s32 @!p0 s3, s7;
	s7 =	simm.s32 @!p0 $0x108  }
0x21: {  	s3 =	sadd.s32 s3, s9;
	s6 =	sadd.s32 @!p0 $0x88, s6;
	s7 =	simm.s32 @p2 $0x1082  }
0x22: {  	[simem:s7], [sflag:s8] =	dma.local @!p0 [hbm:s6], $0xF7A  }
0x23: {  	s9 =	sor.u32 $0xD0000000, s2;
	s6 =	simm.s32 $0x108;
	_ =	swait.ge @!p0 [sflag:s8], $0x0  }
0x24: {  	s3 =	sadd.s32 $0x88, s3;
	s6 =	simm.s32 @!p1 $0x1082;
	[sflag:s4] =	ssyncset.s32 $0xFFFFF086  }
0x25: {  	[simem:s6], [sflag:s4] =	dma.local [hbm:s3], $0xF7A  }
0x26: {  	[smem:$0x3F92] =	sst s1;
	(tag) =	ssettag s2;
	_ =	strace s9  }
0x27: {  	s1 =	sld [smem:$0x3FA2]  }
0x28: {  	s2 =	sld [smem:$0x3FA3]  }
0x29: {  	s4 =	sld [smem:$0x3FA5]  }
0x2a: {  	p0 =	seq.s32 s5, $0x0;
	s5 =	sld [smem:$0x3FA6]  }
0x2b: {  	s6 =	sld [smem:$0x3FA7]  }
0x2c: {  	s7 =	sld [smem:$0x3FA8]  }
0x2d: {  	s3 =	simm.s32 $0x108;
	s8 =	sld [smem:$0x3FA9]  }
0x2e: {  	s3 =	simm.s32 @!p0 $0x1082;
	s9 =	sld [smem:$0x3FAA]  }
0x2f: {  	lr =	sadd.s32 s0, s3;
	s0 =	sld [smem:$0x3FA1]  }
0x30: {  	s3 =	sld [smem:$0x3FA4]  }
0x31: {  	[smem:$0x3FAD] =	sst s10  }
0x32: {  	s10 =	sld [smem:$0x3FAB];
	_ =	sdelay $0x3  }
0x33: {  	p0 =	seq.s32 s10, $0x1;
	s10 =	sld [smem:$0x3FAD];
	_ =	sdelay $0x3  }
0x34: {  	[smem:$0x3FAD] =	sst s10  }
0x35: {  	s10 =	sld [smem:$0x3FAC];
	_ =	sdelay $0x3  }
0x36: {  	p1 =	seq.s32 s10, $0x1;
	s10 =	sld [smem:$0x3FAD];
	_ =	sdelay $0x3  }
0x37: {  	[smem:$0x3FAD] =	sst s10  }
0x38: {  	s10 =	sld [smem:$0x3FAE]  }
0x39: {  	_ = 	snop;
	(pc) =	sbr.ind lr, $3  }
0x3a: {  	_ = 	snop  }
0x3b: {  	_ = 	snop  }
0x3c: {  	p2 =	seq.s32 s10, $0x1;
	s10 =	sld [smem:$0x3FAD]  }
0x3d: {  	_ =	shalt  }
0x3e: {  	_ =	shalt  }
0x3f: {  	_ =	shalt  }
0x40: {  	_ =	shalt  }
0x41: {  	_ =	shalt  }
0x42: {  	_ =	shalt  }
0x43: {  	_ =	shalt  }
0x44: {  	_ =	shalt  }
0x45: {  	_ =	shalt  }
0x46: {  	_ =	shalt  }
0x47: {  	_ =	shalt  }
0x48: {  	_ =	shalt  }
0x49: {  	_ =	shalt  }
0x4a: {  	_ =	shalt  }
0x4b: {  	_ =	shalt  }
0x4c: {  	_ =	shalt  }
0x4d: {  	_ =	shalt  }
0x4e: {  	_ =	shalt  }
0x4f: {  	_ =	shalt  }
0x50: {  	_ =	shalt  }
0x51: {  	_ =	shalt  }
0x52: {  	_ =	shalt  }
0x53: {  	_ =	shalt  }
0x54: {  	_ =	shalt  }
0x55: {  	_ =	shalt  }
0x56: {  	_ =	shalt  }
0x57: {  	_ =	shalt  }
0x58: {  	_ =	shalt  }
0x59: {  	_ =	shalt  }
0x5a: {  	_ =	shalt  }
0x5b: {  	_ =	shalt  }
0x5c: {  	_ =	shalt  }
0x5d: {  	_ =	shalt  }
0x5e: {  	_ =	shalt  }
0x5f: {  	_ =	shalt  }
0x60: {  	_ =	shalt  }
0x61: {  	_ =	shalt  }
0x62: {  	_ =	shalt  }
0x63: {  	_ =	shalt  }
0x64: {  	_ =	shalt  }
0x65: {  	_ =	shalt  }
0x66: {  	_ =	shalt  }
0x67: {  	_ =	shalt  }
0x68: {  	_ =	shalt  }
0x69: {  	_ =	shalt  }
0x6a: {  	_ =	shalt  }
0x6b: {  	_ =	shalt  }
0x6c: {  	_ =	shalt  }
0x6d: {  	_ =	shalt  }
0x6e: {  	_ =	shalt  }
0x6f: {  	_ =	shalt  }
0x70: {  	_ =	shalt  }
0x71: {  	_ =	shalt  }
0x72: {  	_ =	shalt  }
0x73: {  	_ =	shalt  }
0x74: {  	_ =	shalt  }
0x75: {  	_ =	shalt  }
0x76: {  	_ =	shalt  }
0x77: {  	_ =	shalt  }
0x78: {  	_ =	shalt  }
0x79: {  	_ =	shalt  }
0x7a: {  	_ =	shalt  }
0x7b: {  	_ =	shalt  }
0x7c: {  	_ =	shalt  }
0x7d: {  	_ =	shalt  }
0x7e: {  	_ =	shalt  }
0x7f: {  	_ =	shalt  }
0x80: {  	_ =	shalt  }
0x81: {  	_ =	shalt  }
0x82: {  	_ =	shalt  }
0x83: {  	_ =	shalt  }
0x84: {  	_ =	shalt  }
0x85: {  	_ =	shalt  }
0x86: {  	_ =	shalt  }
0x87: {  	_ =	shalt  }
.Lfunc_end0:
.L_simem_size_0:
called_computation.3_lowered:
.L_overlay_start_0:
0x88: {  	s2 =	sld [smem:$0x3FD9]  }
0x89: {  	s3 =	sld [smem:$0x3FFE];
	_ =	sdelay $0x1  }
0x8a: {  	s1 =	srdreg.scid  }
0x8b: {  	s0 =	sand.u32 $0x1, s1  }
0x8c: {  	s16 =	sshll.u32 s0, $0xA;
	s2 =	sadd.s32 s3, s2  }
0x8d: {  	s2 =	sadd.s32 s2, s16  }
0x8e: {  	[smem:$0x3FB9] =	sst s2  }
0x8f: {  	_ = 	snop  }
0x90: {  	(tm) =	ssettm $0x1  }
0x91: {  	s17 =	sld [smem:$0x3FFB];
	_ =	sdelay $0x3  }
0x92: {  	_ =	strace s17  }
0x93: {  	s2 =	sld [smem:$0x3FFC];
	_ =	sdelay $0x3  }
0x94: {  	_ =	strace s2  }
0x95: {  	s2 =	sld [smem:$0x3FFD];
	_ =	sdelay $0x3  }
0x96: {  	_ =	strace s2  }
0x97: {  	_ =	strace $0x8FFFFFFF  }
0x98: {  	s18 =	sld [smem:$0x3FDB];
	_ =	sdelay $0x1  }
0x99: {  	s19 =	simm.s32 $_scs_section_size  }
0x9a: {  	s4 =	simm.s32 $_size__tile_overlayer_lowered;
	s5 =	simm.s32 $_tile_overlayer_lowered  }
0x9b: {  	s22 =	simm.s32 $0x1BFF;
	s21 =	sshll.u32 s5, $0x1;
	s2 =	sadd.s32 s19, s18  }
0x9c: {  	s6 =	simm.s32 $0x0;
	s20 =	sshll.u32 s4, $0x1;
	s4 =	sadd.s32 s21, s2  }
0x9d: {  	[timem:s6], [sflag:s22] =	dma.local [hbm:s4], s20  }
0x9e: {  	_ =	swait.ge [sflag:s22], s20  }
0x9f: {  	s3 =	ssub.s32 $0x0, s20;
	[sflag:s22] =	ssyncset.done $0x0  }
0xa0: {  	[sflag:s22] =	ssyncadd.s32 s3;
	_ =	sdelay $0x1  }
0xa1: {  	s23 =	simm.s32 $0x1B8B  }
0xa2: {  	_ =	swait.ge [sflag:s23], $0x1  }
0xa3: {  	[sflag:s23] =	ssyncset.done $0x0  }
0xa4: {  	s25 =	simm.s32 $0x1B8E;
	s24 =	sld [smem:$0x3FFE];
	[sflag:s23] =	ssyncadd.s32 $0xFFFFFFFF  }
0xa5: {  	s26 =	simm.s32 $execute0_lowered;
	[smem:$0x3FD2] =	sst s25  }
0xa6: {  	s4 =	sshll.u32 s26, $0x1;
	_ =	strace $0x8000004F;
	[dreg:$0x1] =	wrdreg $0xFFFFFFFF  }
0xa7: {  	s28 =	simm.s32 $_size_execute0_lowered;
	s2 =	sadd.s32 s2, s4;
	[dreg:$0x0] =	wrdreg $0x0  }
0xa8: {  	s4 =	sshll.u32 s28, $0x1;
	[dreg:$0x2] =	wrdreg s2  }
0xa9: {  	[dreg:$0x3] =	wrdreg s4  }
0xaa: {  	[dreg:$0x4] =	wrdreg $0xC0  }
0xab: {  	_ =	task [dreg:s6], $0x5FFFF  }
0xac: {  	[dreg:$0x1] =	wrdreg $0xFFFFFFFF  }
0xad: {  	[dreg:$0x0] =	wrdreg $0x60  }
0xae: {  	[dreg:$0x2] =	wrdreg s24  }
0xaf: {  	[dreg:$0x3] =	wrdreg $0x9  }
0xb0: {  	_ =	task.clear_ibuf [dreg:s6], $0x4FFFF;
	_ =	strace $0x9000004F  }
0xb1: {  	s29 =	simm.s32 $0x9;
	_ =	strace $0x80000051  }
0xb2: {  	_ =	swait.ge [sflag:s29], $0x1  }
0xb3: {  	[sflag:s29] =	ssyncadd.s32 $0xFFFFFFFF  }
0xb4: {  	_ =	strace $0x90000051  }
0xb5: {  	_ =	sfence  }
0xb6: {  	s30 =	sld [smem:$0x0];
	_ =	sdelay $0x2  }
0xb7: {  	s31 =	sshll.u32 s1, $0xD;
	s1 =	sshrl.u32 s1, $0x2  }
0xb8: {  	s3 =	sand.u32 $0x4000, s31;
	s1 =	sadd.s32 s1, s30  }
0xb9: {  	s0 =	sor.u32 s3, s0;
	s1 =	sshll.u32 s1, $0x11  }
0xba: {  	s0 =	sor.u32 s1, s0  }
0xbb: {  	s0 =	sadd.s32 $0x8F2B, s0  }
0xbc: {  	[sflag:s0] =	ssyncadd.remote.s32 $0x1  }
0xbd: {  	_ =	sfence.sel $0xFFFF  }
0xbe: {  	[dreg:$0x0] =	wrdreg $0xFFFFFFFF;
	(pc) =	sbr.abs _section_cstart, $3  }
0xbf: {  	[dreg:$0x1] =	wrdreg $0xFFFFFFFF  }
0xc0: {  	_ =	task.clear_ibuf [dreg:s6], $0x2FFFF;
	_ =	strace $0x9FFFFFFF  }
0xc1: {  	(tm) =	ssettm $0x7FFFFFFF  }
tec
execute0_lowered:
.L_overlay_start_1:
0x0: {  	(tag) =	ssettag $0x1  }
0x1: {  	s1 =	srdreg.scid;
	s0 =	stileid.u32  }
0x2: {  	s17 =	sand.u32 $0x1, s1;
	s25 =	sshll.u32 s0, $0x1  }
0x3: {  	s11 =	sor.u32 s17, s25  }
0x4: {  	s12 =	rddreg [dreg:$0x0];
	s15 =	smul.u32 $0x600, s11  }
0x5: {  	s2 =	simm.s32 $0x0;
	s1 =	rddreg [dreg:$0x1]  }
0x6: {  	[smem:$0x7FF] =	sst s2;
	s16 =	sadd.s32 $0x14C00, s12;
	s3 =	sshrl.u32 s15, $0x3  }
0x7: {  	_ =	strace $0x80000050;
	s4 =	sadd.s32 s16, s3;
	s3 =	simm.s32 $0x3  }
0x8: {  	[tilespmem:s2], [sflag:$0x3] =	stream.linear.gather [hbm4b:s4+s2], $0x180, $0x38;
	[tilespmem:$0x18300] =	vst v63  }
0x9: {  	s6 =	simm.s32 $0x180;
	_ =	swait.ge [sflag:s3], $0x180  }
0xa: {  	s7 =	simm.s32 $0x300;
	s14 =	sor.u32 $0x180, s15;
	[sflag:s3] =	ssyncset.done $0x0  }
0xb: {  	s5 =	sadd.s32 $0x4400, s12;
	s8 =	sshrl.u32 s14, $0x3;
	[sflag:s3] =	ssyncadd.s32 $0xFFFFFE80  }
0xc: {  	[tilespmem:s7], [sflag:$0x1] =	stream.indirect.gather [hbm4b:s5+s6], $0x80, s2, s6, $0xb8;
	[tilespmem:$0x18300] =	vst v63  }
0xd: {  	s8 =	sadd.s32 s16, s8  }
0xe: {  	[tilespmem:s6], [sflag:$0x3] =	stream.linear.gather [hbm4b:s8+s2], $0x180, $0x38;
	[tilespmem:$0x18300] =	vst v63  }
0xf: {  	_ =	swait.ge [sflag:s3], $0x180  }
0x10: {  	[sflag:s3] =	ssyncset.done $0x0  }
0x11: {  	s9 =	simm.s32 $0xC300;
	s10 =	simm.s32 $0x1;
	[sflag:s3] =	ssyncadd.s32 $0xFFFFFE80  }
0x12: {  	[tilespmem:s9], [sflag:$0x2] =	stream.indirect.gather [hbm4b:s5+s6], $0x80, s6, s6, $0xb8;
	[tilespmem:$0x18300] =	vst v63  }
0x13: {  	s11 =	smul.u32 $0x6000, s11;
	_ =	swait.ge [sflag:s10], $0xC000  }
0x14: {  	s18 =	sadd.s32 $0x16400, s12;
	[sflag:s10] =	ssyncset.done $0x0  }
0x15: {  	s11 =	sadd.s32 s18, s11;
	[sflag:s10] =	ssyncadd.s32 $0xFFFF4000  }
0x16: {  	[hbm4b:s11+s2] =	stream.linear.scatter [tilespmem:s7], [sflag:$0x3], $0xC000, $0x38;
	[tilespmem:$0x18300] =	vst v63  }
0x17: {  	s19 =	sadd.s32 $0x300, s15;
	_ =	swait.ge [sflag:s3], $0xC000  }
0x18: {  	s26 =	sshrl.u32 s19, $0x3;
	[sflag:s3] =	ssyncset.done $0x0  }
0x19: {  	s12 =	sadd.s32 s16, s26;
	[sflag:s3] =	ssyncadd.s32 $0xFFFF4000  }
0x1a: {  	[tilespmem:s2], [sflag:$0x3] =	stream.linear.gather [hbm4b:s12+s2], $0x180, $0x38;
	[tilespmem:$0x18300] =	vst v63  }
0x1b: {  	_ =	swait.ge [sflag:s3], $0x180  }
0x1c: {  	[sflag:s3] =	ssyncset.done $0x0  }
0x1d: {  	s13 =	simm.s32 $0x2;
	[sflag:s3] =	ssyncadd.s32 $0xFFFFFE80  }
0x1e: {  	[tilespmem:s7], [sflag:$0x1] =	stream.indirect.gather [hbm4b:s5+s6], $0x80, s2, s6, $0xb8;
	[tilespmem:$0x18300] =	vst v63  }
0x1f: {  	_ =	swait.ge [sflag:s13], $0xC000  }
0x20: {  	s14 =	sshll.u32 s14, $0x4;
	[sflag:s13] =	ssyncset.done $0x0  }
0x21: {  	s14 =	sadd.s32 s18, s14;
	[sflag:s13] =	ssyncadd.s32 $0xFFFF4000  }
0x22: {  	[hbm4b:s14+s2] =	stream.linear.scatter [tilespmem:s9], [sflag:$0x3], $0xC000, $0x38;
	[tilespmem:$0x18300] =	vst v63  }
0x23: {  	s20 =	sadd.s32 $0x480, s15;
	_ =	swait.ge [sflag:s3], $0xC000  }
0x24: {  	s15 =	sshrl.u32 s20, $0x3;
	[sflag:s3] =	ssyncset.done $0x0  }
0x25: {  	s15 =	sadd.s32 s16, s15;
	[sflag:s3] =	ssyncadd.s32 $0xFFFF4000  }
0x26: {  	[tilespmem:s6], [sflag:$0x3] =	stream.linear.gather [hbm4b:s15+s2], $0x180, $0x38;
	[tilespmem:$0x18300] =	vst v63  }
0x27: {  	_ =	swait.ge [sflag:s3], $0x180  }
0x28: {  	[sflag:s3] =	ssyncset.done $0x0  }
0x29: {  	[sflag:s3] =	ssyncadd.s32 $0xFFFFFE80  }
0x2a: {  	[tilespmem:s9], [sflag:$0x2] =	stream.indirect.gather [hbm4b:s5+s6], $0x80, s6, s6, $0xb8;
	[tilespmem:$0x18300] =	vst v63  }
0x2b: {  	_ =	swait.ge [sflag:s10], $0xC000  }
0x2c: {  	s28 =	sshll.u32 s19, $0x4;
	[sflag:s10] =	ssyncset.done $0x0  }
0x2d: {  	s17 =	ssub.s32 $0x2, s17;
	s16 =	sadd.s32 s18, s28;
	[sflag:s10] =	ssyncadd.s32 $0xFFFF4000  }
0x2e: {  	[hbm4b:s16+s2] =	stream.linear.scatter [tilespmem:s7], [sflag:$0x3], $0xC000, $0x38;
	[tilespmem:$0x18300] =	vst v63  }
0x2f: {  	s29 =	sshrl.u32 s17, $0x1;
	_ =	swait.ge [sflag:s3], $0xC000  }
0x30: {  	s19 =	ssub.s32 s17, s29;
	[sflag:s3] =	ssyncset.done $0x0  }
0x31: {  	s31 =	smax.u32 s19, $0x1;
	[sflag:s3] =	ssyncadd.s32 $0xFFFF4000  }
0x32: {  	p0 =	sne.s32 s31, $0x1;
	_ =	swait.ge [sflag:s13], $0xC000  }
.Ltmp0:
0x33: {  	s30 =	sshll.u32 s20, $0x4;
	[sflag:s13] =	ssyncset.done $0x0;
	(pc) =	sbr.rel @!p0 .LBB2_2-.Ltmp0, $4  }
0x34: {  	s17 =	sadd.s32 s18, s30;
	[sflag:s13] =	ssyncadd.s32 $0xFFFF4000  }
0x35: {  	[hbm4b:s17+s2] =	stream.linear.scatter [tilespmem:s9], [sflag:$0x3], $0xC000, $0x38;
	[tilespmem:$0x18300] =	vst v63  }
0x36: {  	_ =	swait.ge [sflag:s3], $0xC000  }
0x37: {  	s18 =	sadd.s32 $0xFFFFFFFF, s31;
	[sflag:s3] =	ssyncset.done $0x0  }
.LBB2_1:
0x38: {  	p0 =	sne.s32 s18, $0x1;
	s18 =	sadd.s32 $0xFFFFFFFF, s18;
	[sflag:s3] =	ssyncadd.s32 $0xFFFF4000  }
0x39: {  	[tilespmem:s2], [sflag:$0x3] =	stream.linear.gather [hbm4b:s4+s2], $0x180, $0x38;
	[tilespmem:$0x18300] =	vst v63  }
0x3a: {  	_ =	swait.ge [sflag:s3], $0x180  }
0x3b: {  	[sflag:s3] =	ssyncset.done $0x0  }
0x3c: {  	[sflag:s3] =	ssyncadd.s32 $0xFFFFFE80  }
0x3d: {  	[tilespmem:s7], [sflag:$0x1] =	stream.indirect.gather [hbm4b:s5+s6], $0x80, s2, s6, $0xb8;
	[tilespmem:$0x18300] =	vst v63  }
0x3e: {  	_ = 	snop  }
0x3f: {  	[tilespmem:s6], [sflag:$0x3] =	stream.linear.gather [hbm4b:s8+s2], $0x180, $0x38;
	[tilespmem:$0x18300] =	vst v63  }
0x40: {  	_ =	swait.ge [sflag:s3], $0x180  }
0x41: {  	[sflag:s3] =	ssyncset.done $0x0  }
0x42: {  	[sflag:s3] =	ssyncadd.s32 $0xFFFFFE80  }
0x43: {  	[tilespmem:s9], [sflag:$0x2] =	stream.indirect.gather [hbm4b:s5+s6], $0x80, s6, s6, $0xb8;
	[tilespmem:$0x18300] =	vst v63  }
0x44: {  	_ =	swait.ge [sflag:s10], $0xC000  }
0x45: {  	[sflag:s10] =	ssyncset.done $0x0  }
0x46: {  	[sflag:s10] =	ssyncadd.s32 $0xFFFF4000  }
0x47: {  	[hbm4b:s11+s2] =	stream.linear.scatter [tilespmem:s7], [sflag:$0x3], $0xC000, $0x38;
	[tilespmem:$0x18300] =	vst v63  }
0x48: {  	_ =	swait.ge [sflag:s3], $0xC000  }
0x49: {  	[sflag:s3] =	ssyncset.done $0x0  }
0x4a: {  	[sflag:s3] =	ssyncadd.s32 $0xFFFF4000  }
0x4b: {  	[tilespmem:s2], [sflag:$0x3] =	stream.linear.gather [hbm4b:s12+s2], $0x180, $0x38;
	[tilespmem:$0x18300] =	vst v63  }
0x4c: {  	_ =	swait.ge [sflag:s3], $0x180  }
0x4d: {  	[sflag:s3] =	ssyncset.done $0x0  }
0x4e: {  	[sflag:s3] =	ssyncadd.s32 $0xFFFFFE80  }
0x4f: {  	[tilespmem:s7], [sflag:$0x1] =	stream.indirect.gather [hbm4b:s5+s6], $0x80, s2, s6, $0xb8;
	[tilespmem:$0x18300] =	vst v63  }
0x50: {  	_ =	swait.ge [sflag:s13], $0xC000  }
0x51: {  	[sflag:s13] =	ssyncset.done $0x0  }
0x52: {  	[sflag:s13] =	ssyncadd.s32 $0xFFFF4000  }
0x53: {  	[hbm4b:s14+s2] =	stream.linear.scatter [tilespmem:s9], [sflag:$0x3], $0xC000, $0x38;
	[tilespmem:$0x18300] =	vst v63  }
0x54: {  	_ =	swait.ge [sflag:s3], $0xC000  }
0x55: {  	[sflag:s3] =	ssyncset.done $0x0  }
0x56: {  	[sflag:s3] =	ssyncadd.s32 $0xFFFF4000  }
0x57: {  	[tilespmem:s6], [sflag:$0x3] =	stream.linear.gather [hbm4b:s15+s2], $0x180, $0x38;
	[tilespmem:$0x18300] =	vst v63  }
0x58: {  	_ =	swait.ge [sflag:s3], $0x180  }
0x59: {  	[sflag:s3] =	ssyncset.done $0x0  }
0x5a: {  	[sflag:s3] =	ssyncadd.s32 $0xFFFFFE80  }
0x5b: {  	[tilespmem:s9], [sflag:$0x2] =	stream.indirect.gather [hbm4b:s5+s6], $0x80, s6, s6, $0xb8;
	[tilespmem:$0x18300] =	vst v63  }
0x5c: {  	_ =	swait.ge [sflag:s10], $0xC000  }
0x5d: {  	[sflag:s10] =	ssyncset.done $0x0  }
0x5e: {  	[sflag:s10] =	ssyncadd.s32 $0xFFFF4000  }
0x5f: {  	[hbm4b:s16+s2] =	stream.linear.scatter [tilespmem:s7], [sflag:$0x3], $0xC000, $0x38;
	[tilespmem:$0x18300] =	vst v63  }
0x60: {  	_ =	swait.ge [sflag:s3], $0xC000  }
0x61: {  	[sflag:s3] =	ssyncset.done $0x0  }
0x62: {  	[sflag:s3] =	ssyncadd.s32 $0xFFFF4000  }
0x63: {  	_ =	swait.ge [sflag:s13], $0xC000  }
.Ltmp1:
0x64: {  	[sflag:s13] =	ssyncset.done $0x0;
	(pc) =	sbr.rel @p0 .LBB2_1-.Ltmp1, $4  }
0x65: {  	[sflag:s13] =	ssyncadd.s32 $0xFFFF4000  }
0x66: {  	[hbm4b:s17+s2] =	stream.linear.scatter [tilespmem:s9], [sflag:$0x3], $0xC000, $0x38;
	[tilespmem:$0x18300] =	vst v63  }
0x67: {  	_ =	swait.ge [sflag:s3], $0xC000  }
0x68: {  	[sflag:s3] =	ssyncset.done $0x0  }
.LBB2_2:
0x69: {  	[sflag:s3] =	ssyncadd.s32 $0xFFFF4000  }
0x6a: {  	_ =	sfence.sel $0x180000  }
0x6b: {  	[bflag:$0x0] =	sbarrier.arrive $0xFFFF  }
0x6c: {  	p0 =	sne.s32 s0, $0x0;
	_ =	strace $0x90000050  }
0x6d: {  	s0 =	sadd.s32 @!p0 $0x100000, s1;
	[bflag:$0x2] =	sbarrier.arrive $0xFFFF  }
0x6e: {  	[sflag:s0] =	ssyncadd.tile.s32 @!p0 $0x1;
	_ =	shalt  }
.Lfunc_end2:
_tile_overlayer_lowered:
.L_overlay_start_2:
0x6f: {  	(tag) =	ssettag $0x2  }
0x70: {  	s0 =	rddreg [dreg:$0x0];
	s2 =	stileid.u32  }
0x71: {  	s1 =	rddreg [dreg:$0x1];
	p0 =	sne.s32 s2, $0x0  }
0x72: {  	s3 =	rddreg [dreg:$0x2];
	[bflag:$0x3] =	sbarrier.arrive $0xFFFF;
	s2 =	simm.s32 @!p0 $0x1C03  }
0x73: {  	[timem:s3], [sflag:s2] =	dma.local @!p0 [hbm:s0], s1  }
0x74: {  	s0 =	simm.s32 @!p0 $0x3  }
0x75: {  	_ =	swait.ge @!p0 [sflag:s0], s1  }
0x76: {  	s1 =	ssub.s32 @!p0 $0x0, s1;
	[sflag:s0] =	ssyncset.done @!p0 $0x0  }
0x77: {  	[sflag:s0] =	ssyncadd.s32 @!p0 s1  }
0x78: {  	[bflag:$0x3] =	sbarrier.arrive $0xFFFF  }
0x79: {  	_ =	shalt  }

</sc_bundles>
